<compile_context>
chip_gen: v7x
topology: tpu7x:2x2x1
jax: 0.10.2.dev20260603
libtpu: 0.0.44.dev20260713+nightly
codegen_flags: <defaults>
</compile_context>

<pallas_src>
import functools
import math

import jax
import jax.numpy as jnp
from jax import lax
from jax.experimental import pallas as pl
from jax.experimental.pallas import tpu as pltpu
from jax.experimental.pallas import tpu_sc as plsc

_SMOOTH = 0.1
_PAD = 0


def _tc_scan(x, y_col, size):
    n = x.shape[0]
    rows_per_block = 64
    cols_per_block = 32000
    nb = n // rows_per_block
    nc = size // cols_per_block

    def body(y_ref, x_ref, rs_ref, gv_ref, x0_ref):
        i = pl.program_id(0)
        j = pl.program_id(1)
        xb = x_ref[...]
        yb = y_ref[...]
        col = (lax.broadcasted_iota(jnp.int32, xb.shape, 1)
               + j * cols_per_block)
        rs = jnp.sum(xb, axis=1, keepdims=True)
        gv = jnp.sum(jnp.where(col == yb, xb, 0.0), axis=1, keepdims=True)
        row0 = pl.ds(i * rows_per_block, rows_per_block)

        @pl.when(j == 0)
        def _first():
            rs_ref[row0, :] = rs
            gv_ref[row0, :] = gv
            x0_ref[row0, :] = xb[:, _PAD:_PAD + 1]

        @pl.when(j > 0)
        def _rest():
            rs_ref[row0, :] += rs
            gv_ref[row0, :] += gv

    shape = jax.ShapeDtypeStruct((n, 1), jnp.float32)
    out_spec = pl.BlockSpec((n, 1), lambda i, j: (0, 0))
    return pl.pallas_call(
        body,
        grid=(nb, nc),
        in_specs=[
            pl.BlockSpec((rows_per_block, 1), lambda i, j: (i, 0)),
            pl.BlockSpec((rows_per_block, cols_per_block), lambda i, j: (i, j)),
        ],
        out_specs=[out_spec, out_spec, out_spec],
        out_shape=[shape, shape, shape],
        compiler_params=pltpu.CompilerParams(
            dimension_semantics=("arbitrary", "arbitrary")),
    )(y_col, x)


def _sc_combine(y, rs, gv, x0, size):
    n = y.shape[0]
    lanes = plsc.get_sparse_core_info().num_lanes
    nch = n // lanes
    conf = 1.0 - _SMOOTH
    low = _SMOOTH / (size - 2)
    c1 = conf * math.log(conf) + (size - 2) * low * math.log(low)
    mesh = plsc.VectorSubcoreMesh(core_axis_name="c", subcore_axis_name="s")

    @functools.partial(
        pl.kernel,
        mesh=mesh,
        out_type=jax.ShapeDtypeStruct((lanes,), jnp.float32),
        scratch_types=[
            pltpu.VMEM((n,), jnp.int32),
            pltpu.VMEM((n,), jnp.float32),
            pltpu.VMEM((n,), jnp.float32),
            pltpu.VMEM((n,), jnp.float32),
            pltpu.VMEM((lanes,), jnp.float32),
            pltpu.SemaphoreType.DMA,
        ],
    )
    def sc_kernel(y_hbm, rs_hbm, gv_hbm, x0_hbm, out_hbm,
                  y_v, rs_v, gv_v, x0_v, res_v, sem):
        copies = [pltpu.async_copy(src, dst, sem)
                  for src, dst in ((y_hbm, y_v), (rs_hbm, rs_v),
                                   (gv_hbm, gv_v), (x0_hbm, x0_v))]
        for c_ in copies:
            c_.wait()
        zero = jnp.zeros((lanes,), jnp.float32)
        cnt = zero
        g = zero
        s = zero
        for c in range(nch):
            sl = pl.ds(c * lanes, lanes)
            keep = y_v[sl] != _PAD
            cnt = cnt + jnp.where(keep, 1.0, 0.0)
            g = g + jnp.where(keep, gv_v[sl], 0.0)
            s = s + jnp.where(keep, rs_v[sl] - x0_v[sl], 0.0)
        tot = c1 * cnt - (conf - low) * g - low * s
        lane = lax.iota(jnp.int32, lanes)
        dnums = lax.GatherDimensionNumbers(
            offset_dims=(), collapsed_slice_dims=(0,), start_index_map=(0,))
        sh = 1
        while sh < lanes:
            idx = lax.bitwise_xor(lane, sh)
            tot = tot + lax.gather(
                tot, idx[:, None], dimension_numbers=dnums, slice_sizes=(1,),
                mode=lax.GatherScatterMode.PROMISE_IN_BOUNDS)
            sh *= 2
        res_v[...] = tot

        @pl.when((lax.axis_index("c") == 0) & (lax.axis_index("s") == 0))
        def _publish():
            pltpu.sync_copy(res_v, out_hbm)

    return sc_kernel(y, rs, gv, x0)


def kernel(x, y):
    n, size = x.shape
    rs, gv, x0 = _tc_scan(x, y.reshape(n, 1), size)
    out = _sc_combine(y, rs.reshape(-1), gv.reshape(-1), x0.reshape(-1), size)
    return out[0]

# --- scband reference (transcript-rebuilt; emitter-appended) ---
"""Pipeline reference for scband-label-smoothing-45097156608320 (READ-ONLY COPY).

The authoritative reference and input builder live on the scoring server;
editing this copy changes nothing except your own understanding.
"""

import jax, jax.numpy as jnp
import numpy as np

SIZE = 32000
PAD = 0
SMOOTH = 0.1


def setup_inputs(seed: int = 0) -> dict:
    key = jax.random.key(seed)
    k1, k2 = jax.random.split(key)
    x = jax.random.normal(k1, (2048, SIZE), dtype=jnp.float32)
    y = jax.random.randint(k2, (2048,), 0, SIZE, dtype=jnp.int32)
    return {"x": x, "y": y}


def reference(x, y):
    # x: (N, size) log-probabilities (input to KLDivLoss)
    # y: (N,) sparse int labels
    N, size = x.shape
    confidence = 1.0 - SMOOTH
    # true_dist.fill_(smooth / (size - 2))
    true_dist = jnp.full((N, size), SMOOTH / (size - 2), dtype=x.dtype)
    # true_dist.scatter_(1, y.unsqueeze(1), confidence)
    true_dist = true_dist.at[jnp.arange(N), y].set(confidence)
    # true_dist[:, paddingidx] = 0
    true_dist = true_dist.at[:, PAD].set(0.0)
    # zero out rows where y == paddingidx (index_fill_)
    true_dist = jnp.where((y == PAD)[:, None], 0.0, true_dist)
    # nn.KLDivLoss(size_average=False): sum over all elements of
    # target * (log(target) - input), with 0 * log(0) := 0 (xlogy semantics)
    elem = jnp.where(true_dist > 0, true_dist * (jnp.log(jnp.where(true_dist > 0, true_dist, 1.0)) - x), 0.0)
    return jnp.sum(elem)

if __name__ == "__main__":
    import jax
    _d = setup_inputs()
    print(jax.jit(kernel)(*tuple(_d.values())))

</pallas_src>

<mosaic_0001>
#map = affine_map<(d0, d1) -> (0)>
module attributes {stable_mosaic.version = 14 : i64} {
  func.func @sc_kernel(%arg0: i32, %arg1: i32, %arg2: memref<2048xi32, #tpu.memory_space<hbm>>, %arg3: memref<2048xf32, #tpu.memory_space<hbm>>, %arg4: memref<2048xf32, #tpu.memory_space<hbm>>, %arg5: memref<2048xf32, #tpu.memory_space<hbm>>, %arg6: memref<16xf32, #tpu.memory_space<hbm>>, %arg7: memref<2048xi32, #tpu.memory_space<vmem>>, %arg8: memref<2048xf32, #tpu.memory_space<vmem>>, %arg9: memref<2048xf32, #tpu.memory_space<vmem>>, %arg10: memref<2048xf32, #tpu.memory_space<vmem>>, %arg11: memref<16xf32, #tpu.memory_space<vmem>>, %arg12: memref<!tpu.dma_semaphore, #tpu.memory_space<semaphore_mem>>) attributes {dimension_semantics = [#tpu.dimension_semantics<core_parallel>, #tpu.dimension_semantics<subcore_parallel>], iteration_bounds = array<i64: 2, 16>, scalar_prefetch = 0 : i64, scratch_operands = 6 : i64, tpu.core_type = #tpu.core_type<sc_vector_subcore>, window_params = [{transform_indices = #map}, {transform_indices = #map}, {transform_indices = #map}, {transform_indices = #map}, {transform_indices = #map}]} {
    tpu.enqueue_dma source(%arg2 : memref<2048xi32, #tpu.memory_space<hbm>>) target(%arg7 : memref<2048xi32, #tpu.memory_space<vmem>>) target_semaphore(%arg12 : memref<!tpu.dma_semaphore, #tpu.memory_space<semaphore_mem>>)
    tpu.enqueue_dma source(%arg3 : memref<2048xf32, #tpu.memory_space<hbm>>) target(%arg8 : memref<2048xf32, #tpu.memory_space<vmem>>) target_semaphore(%arg12 : memref<!tpu.dma_semaphore, #tpu.memory_space<semaphore_mem>>)
    tpu.enqueue_dma source(%arg4 : memref<2048xf32, #tpu.memory_space<hbm>>) target(%arg9 : memref<2048xf32, #tpu.memory_space<vmem>>) target_semaphore(%arg12 : memref<!tpu.dma_semaphore, #tpu.memory_space<semaphore_mem>>)
    tpu.enqueue_dma source(%arg5 : memref<2048xf32, #tpu.memory_space<hbm>>) target(%arg10 : memref<2048xf32, #tpu.memory_space<vmem>>) target_semaphore(%arg12 : memref<!tpu.dma_semaphore, #tpu.memory_space<semaphore_mem>>)
    tpu.wait_dma2 semaphore(%arg12 : memref<!tpu.dma_semaphore, #tpu.memory_space<semaphore_mem>>) src(%arg2 : memref<2048xi32, #tpu.memory_space<hbm>>) dst(%arg7 : memref<2048xi32, #tpu.memory_space<vmem>>)
    tpu.wait_dma2 semaphore(%arg12 : memref<!tpu.dma_semaphore, #tpu.memory_space<semaphore_mem>>) src(%arg3 : memref<2048xf32, #tpu.memory_space<hbm>>) dst(%arg8 : memref<2048xf32, #tpu.memory_space<vmem>>)
    tpu.wait_dma2 semaphore(%arg12 : memref<!tpu.dma_semaphore, #tpu.memory_space<semaphore_mem>>) src(%arg4 : memref<2048xf32, #tpu.memory_space<hbm>>) dst(%arg9 : memref<2048xf32, #tpu.memory_space<vmem>>)
    tpu.wait_dma2 semaphore(%arg12 : memref<!tpu.dma_semaphore, #tpu.memory_space<semaphore_mem>>) src(%arg5 : memref<2048xf32, #tpu.memory_space<hbm>>) dst(%arg10 : memref<2048xf32, #tpu.memory_space<vmem>>)
    %broadcast_in_dim3A = arith.constant 0.000000e+00 : f32
    %broadcast_in_dim3A_0 = vector.broadcast %broadcast_in_dim3A : f32 to vector<16xf32>
    %get3A = arith.constant 0 : index
    %get3A_1 = tpu.vector_load %arg7[%get3A] {strides = array<i32>} : memref<2048xi32, #tpu.memory_space<vmem>>, vector<16xi32>,
    %get3A_2 = vector.shape_cast %get3A_1 : vector<16xi32> to vector<16xi32>
    %ne3A = arith.constant 0 : i32
    %ne3A_3 = vector.broadcast %ne3A : i32 to vector<16xi32>
    %ne3A_4 = arith.cmpi ne, %get3A_2, %ne3A_3 : vector<16xi32>
    %jit3A = arith.constant 1.000000e+00 : f32
    %jit3A_5 = arith.constant 0.000000e+00 : f32
    %broadcast_in_dim3A_6 = vector.broadcast %jit3A : f32 to vector<16xf32>
    %broadcast_in_dim3A_7 = vector.broadcast %jit3A_5 : f32 to vector<16xf32>
    %select_n3A = arith.select %ne3A_4, %broadcast_in_dim3A_6, %broadcast_in_dim3A_7 : vector<16xi1>, vector<16xf32>
    %add3A = arith.addf %broadcast_in_dim3A_0, %select_n3A : vector<16xf32>
    %get3A_8 = arith.constant 0 : index
    %get3A_9 = tpu.vector_load %arg9[%get3A_8] {strides = array<i32>} : memref<2048xf32, #tpu.memory_space<vmem>>, vector<16xf32>,
    %get3A_10 = vector.shape_cast %get3A_9 : vector<16xf32> to vector<16xf32>
    %jit3A_11 = arith.constant 0.000000e+00 : f32
    %broadcast_in_dim3A_12 = vector.broadcast %jit3A_11 : f32 to vector<16xf32>
    %select_n3A_13 = arith.select %ne3A_4, %get3A_10, %broadcast_in_dim3A_12 : vector<16xi1>, vector<16xf32>
    %add3A_14 = arith.addf %broadcast_in_dim3A_0, %select_n3A_13 : vector<16xf32>
    %get3A_15 = arith.constant 0 : index
    %get3A_16 = tpu.vector_load %arg8[%get3A_15] {strides = array<i32>} : memref<2048xf32, #tpu.memory_space<vmem>>, vector<16xf32>,
    %get3A_17 = vector.shape_cast %get3A_16 : vector<16xf32> to vector<16xf32>
    %get3A_18 = arith.constant 0 : index
    %get3A_19 = tpu.vector_load %arg10[%get3A_18] {strides = array<i32>} : memref<2048xf32, #tpu.memory_space<vmem>>, vector<16xf32>,
    %get3A_20 = vector.shape_cast %get3A_19 : vector<16xf32> to vector<16xf32>
    %sub3A = arith.subf %get3A_17, %get3A_20 : vector<16xf32>
    %jit3A_21 = arith.constant 0.000000e+00 : f32
    %broadcast_in_dim3A_22 = vector.broadcast %jit3A_21 : f32 to vector<16xf32>
    %select_n3A_23 = arith.select %ne3A_4, %sub3A, %broadcast_in_dim3A_22 : vector<16xi1>, vector<16xf32>
    %add3A_24 = arith.addf %broadcast_in_dim3A_0, %select_n3A_23 : vector<16xf32>
    %get3A_25 = arith.constant 16 : index
    %get3A_26 = tpu.vector_load %arg7[%get3A_25] {strides = array<i32>} : memref<2048xi32, #tpu.memory_space<vmem>>, vector<16xi32>,
    %get3A_27 = vector.shape_cast %get3A_26 : vector<16xi32> to vector<16xi32>
    %ne3A_28 = arith.constant 0 : i32
    %ne3A_29 = vector.broadcast %ne3A_28 : i32 to vector<16xi32>
    %ne3A_30 = arith.cmpi ne, %get3A_27, %ne3A_29 : vector<16xi32>
    %jit3A_31 = arith.constant 1.000000e+00 : f32
    %jit3A_32 = arith.constant 0.000000e+00 : f32
    %broadcast_in_dim3A_33 = vector.broadcast %jit3A_31 : f32 to vector<16xf32>
    %broadcast_in_dim3A_34 = vector.broadcast %jit3A_32 : f32 to vector<16xf32>
    %select_n3A_35 = arith.select %ne3A_30, %broadcast_in_dim3A_33, %broadcast_in_dim3A_34 : vector<16xi1>, vector<16xf32>
    %add3A_36 = arith.addf %add3A, %select_n3A_35 : vector<16xf32>
    %get3A_37 = arith.constant 16 : index
    %get3A_38 = tpu.vector_load %arg9[%get3A_37] {strides = array<i32>} : memref<2048xf32, #tpu.memory_space<vmem>>, vector<16xf32>,
    %get3A_39 = vector.shape_cast %get3A_38 : vector<16xf32> to vector<16xf32>
    %jit3A_40 = arith.constant 0.000000e+00 : f32
    %broadcast_in_dim3A_41 = vector.broadcast %jit3A_40 : f32 to vector<16xf32>
    %select_n3A_42 = arith.select %ne3A_30, %get3A_39, %broadcast_in_dim3A_41 : vector<16xi1>, vector<16xf32>
    %add3A_43 = arith.addf %add3A_14, %select_n3A_42 : vector<16xf32>
    %get3A_44 = arith.constant 16 : index
    %get3A_45 = tpu.vector_load %arg8[%get3A_44] {strides = array<i32>} : memref<2048xf32, #tpu.memory_space<vmem>>, vector<16xf32>,
    %get3A_46 = vector.shape_cast %get3A_45 : vector<16xf32> to vector<16xf32>
    %get3A_47 = arith.constant 16 : index
    %get3A_48 = tpu.vector_load %arg10[%get3A_47] {strides = array<i32>} : memref<2048xf32, #tpu.memory_space<vmem>>, vector<16xf32>,
    %get3A_49 = vector.shape_cast %get3A_48 : vector<16xf32> to vector<16xf32>
    %sub3A_50 = arith.subf %get3A_46, %get3A_49 : vector<16xf32>
    %jit3A_51 = arith.constant 0.000000e+00 : f32
    %broadcast_in_dim3A_52 = vector.broadcast %jit3A_51 : f32 to vector<16xf32>
    %select_n3A_53 = arith.select %ne3A_30, %sub3A_50, %broadcast_in_dim3A_52 : vector<16xi1>, vector<16xf32>
    %add3A_54 = arith.addf %add3A_24, %select_n3A_53 : vector<16xf32>
    %get3A_55 = arith.constant 32 : index
    %get3A_56 = tpu.vector_load %arg7[%get3A_55] {strides = array<i32>} : memref<2048xi32, #tpu.memory_space<vmem>>, vector<16xi32>,
    %get3A_57 = vector.shape_cast %get3A_56 : vector<16xi32> to vector<16xi32>
    %ne3A_58 = arith.constant 0 : i32
    %ne3A_59 = vector.broadcast %ne3A_58 : i32 to vector<16xi32>
    %ne3A_60 = arith.cmpi ne, %get3A_57, %ne3A_59 : vector<16xi32>
    %jit3A_61 = arith.constant 1.000000e+00 : f32
    %jit3A_62 = arith.constant 0.000000e+00 : f32
    %broadcast_in_dim3A_63 = vector.broadcast %jit3A_61 : f32 to vector<16xf32>
    %broadcast_in_dim3A_64 = vector.broadcast %jit3A_62 : f32 to vector<16xf32>
    %select_n3A_65 = arith.select %ne3A_60, %broadcast_in_dim3A_63, %broadcast_in_dim3A_64 : vector<16xi1>, vector<16xf32>
    %add3A_66 = arith.addf %add3A_36, %select_n3A_65 : vector<16xf32>
    %get3A_67 = arith.constant 32 : index
    %get3A_68 = tpu.vector_load %arg9[%get3A_67] {strides = array<i32>} : memref<2048xf32, #tpu.memory_space<vmem>>, vector<16xf32>,
    %get3A_69 = vector.shape_cast %get3A_68 : vector<16xf32> to vector<16xf32>
    %jit3A_70 = arith.constant 0.000000e+00 : f32
    %broadcast_in_dim3A_71 = vector.broadcast %jit3A_70 : f32 to vector<16xf32>
    %select_n3A_72 = arith.select %ne3A_60, %get3A_69, %broadcast_in_dim3A_71 : vector<16xi1>, vector<16xf32>
    %add3A_73 = arith.addf %add3A_43, %select_n3A_72 : vector<16xf32>
    %get3A_74 = arith.constant 32 : index
    %get3A_75 = tpu.vector_load %arg8[%get3A_74] {strides = array<i32>} : memref<2048xf32, #tpu.memory_space<vmem>>, vector<16xf32>,
    %get3A_76 = vector.shape_cast %get3A_75 : vector<16xf32> to vector<16xf32>
    %get3A_77 = arith.constant 32 : index
    %get3A_78 = tpu.vector_load %arg10[%get3A_77] {strides = array<i32>} : memref<2048xf32, #tpu.memory_space<vmem>>, vector<16xf32>,
    %get3A_79 = vector.shape_cast %get3A_78 : vector<16xf32> to vector<16xf32>
    %sub3A_80 = arith.subf %get3A_76, %get3A_79 : vector<16xf32>
    %jit3A_81 = arith.constant 0.000000e+00 : f32
    %broadcast_in_dim3A_82 = vector.broadcast %jit3A_81 : f32 to vector<16xf32>
    %select_n3A_83 = arith.select %ne3A_60, %sub3A_80, %broadcast_in_dim3A_82 : vector<16xi1>, vector<16xf32>
    %add3A_84 = arith.addf %add3A_54, %select_n3A_83 : vector<16xf32>
    %get3A_85 = arith.constant 48 : index
    %get3A_86 = tpu.vector_load %arg7[%get3A_85] {strides = array<i32>} : memref<2048xi32, #tpu.memory_space<vmem>>, vector<16xi32>,
    %get3A_87 = vector.shape_cast %get3A_86 : vector<16xi32> to vector<16xi32>
    %ne3A_88 = arith.constant 0 : i32
    %ne3A_89 = vector.broadcast %ne3A_88 : i32 to vector<16xi32>
    %ne3A_90 = arith.cmpi ne, %get3A_87, %ne3A_89 : vector<16xi32>
    %jit3A_91 = arith.constant 1.000000e+00 : f32
    %jit3A_92 = arith.constant 0.000000e+00 : f32
    %broadcast_in_dim3A_93 = vector.broadcast %jit3A_91 : f32 to vector<16xf32>
    %broadcast_in_dim3A_94 = vector.broadcast %jit3A_92 : f32 to vector<16xf32>
    %select_n3A_95 = arith.select %ne3A_90, %broadcast_in_dim3A_93, %broadcast_in_dim3A_94 : vector<16xi1>, vector<16xf32>
    %add3A_96 = arith.addf %add3A_66, %select_n3A_95 : vector<16xf32>
    %get3A_97 = arith.constant 48 : index
    %get3A_98 = tpu.vector_load %arg9[%get3A_97] {strides = array<i32>} : memref<2048xf32, #tpu.memory_space<vmem>>, vector<16xf32>,
    %get3A_99 = vector.shape_cast %get3A_98 : vector<16xf32> to vector<16xf32>
    %jit3A_100 = arith.constant 0.000000e+00 : f32
    %broadcast_in_dim3A_101 = vector.broadcast %jit3A_100 : f32 to vector<16xf32>
    %select_n3A_102 = arith.select %ne3A_90, %get3A_99, %broadcast_in_dim3A_101 : vector<16xi1>, vector<16xf32>
    %add3A_103 = arith.addf %add3A_73, %select_n3A_102 : vector<16xf32>
    %get3A_104 = arith.constant 48 : index
    %get3A_105 = tpu.vector_load %arg8[%get3A_104] {strides = array<i32>} : memref<2048xf32, #tpu.memory_space<vmem>>, vector<16xf32>,
    %get3A_106 = vector.shape_cast %get3A_105 : vector<16xf32> to vector<16xf32>
    %get3A_107 = arith.constant 48 : index
    %get3A_108 = tpu.vector_load %arg10[%get3A_107] {strides = array<i32>} : memref<2048xf32, #tpu.memory_space<vmem>>, vector<16xf32>,
    %get3A_109 = vector.shape_cast %get3A_108 : vector<16xf32> to vector<16xf32>
    %sub3A_110 = arith.subf %get3A_106, %get3A_109 : vector<16xf32>
    %jit3A_111 = arith.constant 0.000000e+00 : f32
    %broadcast_in_dim3A_112 = vector.broadcast %jit3A_111 : f32 to vector<16xf32>
    %select_n3A_113 = arith.select %ne3A_90, %sub3A_110, %broadcast_in_dim3A_112 : vector<16xi1>, vector<16xf32>
    %add3A_114 = arith.addf %add3A_84, %select_n3A_113 : vector<16xf32>
    %get3A_115 = arith.constant 64 : index
    %get3A_116 = tpu.vector_load %arg7[%get3A_115] {strides = array<i32>} : memref<2048xi32, #tpu.memory_space<vmem>>, vector<16xi32>,
    %get3A_117 = vector.shape_cast %get3A_116 : vector<16xi32> to vector<16xi32>
    %ne3A_118 = arith.constant 0 : i32
    %ne3A_119 = vector.broadcast %ne3A_118 : i32 to vector<16xi32>
    %ne3A_120 = arith.cmpi ne, %get3A_117, %ne3A_119 : vector<16xi32>
    %jit3A_121 = arith.constant 1.000000e+00 : f32
    %jit3A_122 = arith.constant 0.000000e+00 : f32
    %broadcast_in_dim3A_123 = vector.broadcast %jit3A_121 : f32 to vector<16xf32>
    %broadcast_in_dim3A_124 = vector.broadcast %jit3A_122 : f32 to vector<16xf32>
    %select_n3A_125 = arith.select %ne3A_120, %broadcast_in_dim3A_123, %broadcast_in_dim3A_124 : vector<16xi1>, vector<16xf32>
    %add3A_126 = arith.addf %add3A_96, %select_n3A_125 : vector<16xf32>
    %get3A_127 = arith.constant 64 : index
    %get3A_128 = tpu.vector_load %arg9[%get3A_127] {strides = array<i32>} : memref<2048xf32, #tpu.memory_space<vmem>>, vector<16xf32>,
    %get3A_129 = vector.shape_cast %get3A_128 : vector<16xf32> to vector<16xf32>
    %jit3A_130 = arith.constant 0.000000e+00 : f32
    %broadcast_in_dim3A_131 = vector.broadcast %jit3A_130 : f32 to vector<16xf32>
    %select_n3A_132 = arith.select %ne3A_120, %get3A_129, %broadcast_in_dim3A_131 : vector<16xi1>, vector<16xf32>
    %add3A_133 = arith.addf %add3A_103, %select_n3A_132 : vector<16xf32>
    %get3A_134 = arith.constant 64 : index
    %get3A_135 = tpu.vector_load %arg8[%get3A_134] {strides = array<i32>} : memref<2048xf32, #tpu.memory_space<vmem>>, vector<16xf32>,
    %get3A_136 = vector.shape_cast %get3A_135 : vector<16xf32> to vector<16xf32>
    %get3A_137 = arith.constant 64 : index
    %get3A_138 = tpu.vector_load %arg10[%get3A_137] {strides = array<i32>} : memref<2048xf32, #tpu.memory_space<vmem>>, vector<16xf32>,
    %get3A_139 = vector.shape_cast %get3A_138 : vector<16xf32> to vector<16xf32>
    %sub3A_140 = arith.subf %get3A_136, %get3A_139 : vector<16xf32>
    %jit3A_141 = arith.constant 0.000000e+00 : f32
    %broadcast_in_dim3A_142 = vector.broadcast %jit3A_141 : f32 to vector<16xf32>
    %select_n3A_143 = arith.select %ne3A_120, %sub3A_140, %broadcast_in_dim3A_142 : vector<16xi1>, vector<16xf32>
    %add3A_144 = arith.addf %add3A_114, %select_n3A_143 : vector<16xf32>
    %get3A_145 = arith.constant 80 : index
    %get3A_146 = tpu.vector_load %arg7[%get3A_145] {strides = array<i32>} : memref<2048xi32, #tpu.memory_space<vmem>>, vector<16xi32>,
    %get3A_147 = vector.shape_cast %get3A_146 : vector<16xi32> to vector<16xi32>
    %ne3A_148 = arith.constant 0 : i32
    %ne3A_149 = vector.broadcast %ne3A_148 : i32 to vector<16xi32>
    %ne3A_150 = arith.cmpi ne, %get3A_147, %ne3A_149 : vector<16xi32>
    %jit3A_151 = arith.constant 1.000000e+00 : f32
    %jit3A_152 = arith.constant 0.000000e+00 : f32
    %broadcast_in_dim3A_153 = vector.broadcast %jit3A_151 : f32 to vector<16xf32>
    %broadcast_in_dim3A_154 = vector.broadcast %jit3A_152 : f32 to vector<16xf32>
    %select_n3A_155 = arith.select %ne3A_150, %broadcast_in_dim3A_153, %broadcast_in_dim3A_154 : vector<16xi1>, vector<16xf32>
    %add3A_156 = arith.addf %add3A_126, %select_n3A_155 : vector<16xf32>
    %get3A_157 = arith.constant 80 : index
    %get3A_158 = tpu.vector_load %arg9[%get3A_157] {strides = array<i32>} : memref<2048xf32, #tpu.memory_space<vmem>>, vector<16xf32>,
    %get3A_159 = vector.shape_cast %get3A_158 : vector<16xf32> to vector<16xf32>
    %jit3A_160 = arith.constant 0.000000e+00 : f32
    %broadcast_in_dim3A_161 = vector.broadcast %jit3A_160 : f32 to vector<16xf32>
    %select_n3A_162 = arith.select %ne3A_150, %get3A_159, %broadcast_in_dim3A_161 : vector<16xi1>, vector<16xf32>
    %add3A_163 = arith.addf %add3A_133, %select_n3A_162 : vector<16xf32>
    %get3A_164 = arith.constant 80 : index
    %get3A_165 = tpu.vector_load %arg8[%get3A_164] {strides = array<i32>} : memref<2048xf32, #tpu.memory_space<vmem>>, vector<16xf32>,
    %get3A_166 = vector.shape_cast %get3A_165 : vector<16xf32> to vector<16xf32>
    %get3A_167 = arith.constant 80 : index
    %get3A_168 = tpu.vector_load %arg10[%get3A_167] {strides = array<i32>} : memref<2048xf32, #tpu.memory_space<vmem>>, vector<16xf32>,
    %get3A_169 = vector.shape_cast %get3A_168 : vector<16xf32> to vector<16xf32>
    %sub3A_170 = arith.subf %get3A_166, %get3A_169 : vector<16xf32>
    %jit3A_171 = arith.constant 0.000000e+00 : f32
    %broadcast_in_dim3A_172 = vector.broadcast %jit3A_171 : f32 to vector<16xf32>
    %select_n3A_173 = arith.select %ne3A_150, %sub3A_170, %broadcast_in_dim3A_172 : vector<16xi1>, vector<16xf32>
    %add3A_174 = arith.addf %add3A_144, %select_n3A_173 : vector<16xf32>
    %get3A_175 = arith.constant 96 : index
    %get3A_176 = tpu.vector_load %arg7[%get3A_175] {strides = array<i32>} : memref<2048xi32, #tpu.memory_space<vmem>>, vector<16xi32>,
    %get3A_177 = vector.shape_cast %get3A_176 : vector<16xi32> to vector<16xi32>
    %ne3A_178 = arith.constant 0 : i32
    %ne3A_179 = vector.broadcast %ne3A_178 : i32 to vector<16xi32>
    %ne3A_180 = arith.cmpi ne, %get3A_177, %ne3A_179 : vector<16xi32>
    %jit3A_181 = arith.constant 1.000000e+00 : f32
    %jit3A_182 = arith.constant 0.000000e+00 : f32
    %broadcast_in_dim3A_183 = vector.broadcast %jit3A_181 : f32 to vector<16xf32>
    %broadcast_in_dim3A_184 = vector.broadcast %jit3A_182 : f32 to vector<16xf32>
    %select_n3A_185 = arith.select %ne3A_180, %broadcast_in_dim3A_183, %broadcast_in_dim3A_184 : vector<16xi1>, vector<16xf32>
    %add3A_186 = arith.addf %add3A_156, %select_n3A_185 : vector<16xf32>
    %get3A_187 = arith.constant 96 : index
    %get3A_188 = tpu.vector_load %arg9[%get3A_187] {strides = array<i32>} : memref<2048xf32, #tpu.memory_space<vmem>>, vector<16xf32>,
    %get3A_189 = vector.shape_cast %get3A_188 : vector<16xf32> to vector<16xf32>
    %jit3A_190 = arith.constant 0.000000e+00 : f32
    %broadcast_in_dim3A_191 = vector.broadcast %jit3A_190 : f32 to vector<16xf32>
    %select_n3A_192 = arith.select %ne3A_180, %get3A_189, %broadcast_in_dim3A_191 : vector<16xi1>, vector<16xf32>
    %add3A_193 = arith.addf %add3A_163, %select_n3A_192 : vector<16xf32>
    %get3A_194 = arith.constant 96 : index
    %get3A_195 = tpu.vector_load %arg8[%get3A_194] {strides = array<i32>} : memref<2048xf32, #tpu.memory_space<vmem>>, vector<16xf32>,
    %get3A_196 = vector.shape_cast %get3A_195 : vector<16xf32> to vector<16xf32>
    %get3A_197 = arith.constant 96 : index
    %get3A_198 = tpu.vector_load %arg10[%get3A_197] {strides = array<i32>} : memref<2048xf32, #tpu.memory_space<vmem>>, vector<16xf32>,
    %get3A_199 = vector.shape_cast %get3A_198 : vector<16xf32> to vector<16xf32>
    %sub3A_200 = arith.subf %get3A_196, %get3A_199 : vector<16xf32>
    %jit3A_201 = arith.constant 0.000000e+00 : f32
    %broadcast_in_dim3A_202 = vector.broadcast %jit3A_201 : f32 to vector<16xf32>
    %select_n3A_203 = arith.select %ne3A_180, %sub3A_200, %broadcast_in_dim3A_202 : vector<16xi1>, vector<16xf32>
    %add3A_204 = arith.addf %add3A_174, %select_n3A_203 : vector<16xf32>
    %get3A_205 = arith.constant 112 : index
    %get3A_206 = tpu.vector_load %arg7[%get3A_205] {strides = array<i32>} : memref<2048xi32, #tpu.memory_space<vmem>>, vector<16xi32>,
    %get3A_207 = vector.shape_cast %get3A_206 : vector<16xi32> to vector<16xi32>
    %ne3A_208 = arith.constant 0 : i32
    %ne3A_209 = vector.broadcast %ne3A_208 : i32 to vector<16xi32>
    %ne3A_210 = arith.cmpi ne, %get3A_207, %ne3A_209 : vector<16xi32>
    %jit3A_211 = arith.constant 1.000000e+00 : f32
    %jit3A_212 = arith.constant 0.000000e+00 : f32
    %broadcast_in_dim3A_213 = vector.broadcast %jit3A_211 : f32 to vector<16xf32>
    %broadcast_in_dim3A_214 = vector.broadcast %jit3A_212 : f32 to vector<16xf32>
    %select_n3A_215 = arith.select %ne3A_210, %broadcast_in_dim3A_213, %broadcast_in_dim3A_214 : vector<16xi1>, vector<16xf32>
    %add3A_216 = arith.addf %add3A_186, %select_n3A_215 : vector<16xf32>
    %get3A_217 = arith.constant 112 : index
    %get3A_218 = tpu.vector_load %arg9[%get3A_217] {strides = array<i32>} : memref<2048xf32, #tpu.memory_space<vmem>>, vector<16xf32>,
    %get3A_219 = vector.shape_cast %get3A_218 : vector<16xf32> to vector<16xf32>
    %jit3A_220 = arith.constant 0.000000e+00 : f32
    %broadcast_in_dim3A_221 = vector.broadcast %jit3A_220 : f32 to vector<16xf32>
    %select_n3A_222 = arith.select %ne3A_210, %get3A_219, %broadcast_in_dim3A_221 : vector<16xi1>, vector<16xf32>
    %add3A_223 = arith.addf %add3A_193, %select_n3A_222 : vector<16xf32>
    %get3A_224 = arith.constant 112 : index
    %get3A_225 = tpu.vector_load %arg8[%get3A_224] {strides = array<i32>} : memref<2048xf32, #tpu.memory_space<vmem>>, vector<16xf32>,
    %get3A_226 = vector.shape_cast %get3A_225 : vector<16xf32> to vector<16xf32>
    %get3A_227 = arith.constant 112 : index
    %get3A_228 = tpu.vector_load %arg10[%get3A_227] {strides = array<i32>} : memref<2048xf32, #tpu.memory_space<vmem>>, vector<16xf32>,
    %get3A_229 = vector.shape_cast %get3A_228 : vector<16xf32> to vector<16xf32>
    %sub3A_230 = arith.subf %get3A_226, %get3A_229 : vector<16xf32>
    %jit3A_231 = arith.constant 0.000000e+00 : f32
    %broadcast_in_dim3A_232 = vector.broadcast %jit3A_231 : f32 to vector<16xf32>
    %select_n3A_233 = arith.select %ne3A_210, %sub3A_230, %broadcast_in_dim3A_232 : vector<16xi1>, vector<16xf32>
    %add3A_234 = arith.addf %add3A_204, %select_n3A_233 : vector<16xf32>
    %get3A_235 = arith.constant 128 : index
    %get3A_236 = tpu.vector_load %arg7[%get3A_235] {strides = array<i32>} : memref<2048xi32, #tpu.memory_space<vmem>>, vector<16xi32>,
    %get3A_237 = vector.shape_cast %get3A_236 : vector<16xi32> to vector<16xi32>
    %ne3A_238 = arith.constant 0 : i32
    %ne3A_239 = vector.broadcast %ne3A_238 : i32 to vector<16xi32>
    %ne3A_240 = arith.cmpi ne, %get3A_237, %ne3A_239 : vector<16xi32>
    %jit3A_241 = arith.constant 1.000000e+00 : f32
    %jit3A_242 = arith.constant 0.000000e+00 : f32
    %broadcast_in_dim3A_243 = vector.broadcast %jit3A_241 : f32 to vector<16xf32>
    %broadcast_in_dim3A_244 = vector.broadcast %jit3A_242 : f32 to vector<16xf32>
    %select_n3A_245 = arith.select %ne3A_240, %broadcast_in_dim3A_243, %broadcast_in_dim3A_244 : vector<16xi1>, vector<16xf32>
    %add3A_246 = arith.addf %add3A_216, %select_n3A_245 : vector<16xf32>
    %get3A_247 = arith.constant 128 : index
    %get3A_248 = tpu.vector_load %arg9[%get3A_247] {strides = array<i32>} : memref<2048xf32, #tpu.memory_space<vmem>>, vector<16xf32>,
    %get3A_249 = vector.shape_cast %get3A_248 : vector<16xf32> to vector<16xf32>
    %jit3A_250 = arith.constant 0.000000e+00 : f32
    %broadcast_in_dim3A_251 = vector.broadcast %jit3A_250 : f32 to vector<16xf32>
    %select_n3A_252 = arith.select %ne3A_240, %get3A_249, %broadcast_in_dim3A_251 : vector<16xi1>, vector<16xf32>
    %add3A_253 = arith.addf %add3A_223, %select_n3A_252 : vector<16xf32>
    %get3A_254 = arith.constant 128 : index
    %get3A_255 = tpu.vector_load %arg8[%get3A_254] {strides = array<i32>} : memref<2048xf32, #tpu.memory_space<vmem>>, vector<16xf32>,
    %get3A_256 = vector.shape_cast %get3A_255 : vector<16xf32> to vector<16xf32>
    %get3A_257 = arith.constant 128 : index
    %get3A_258 = tpu.vector_load %arg10[%get3A_257] {strides = array<i32>} : memref<2048xf32, #tpu.memory_space<vmem>>, vector<16xf32>,
    %get3A_259 = vector.shape_cast %get3A_258 : vector<16xf32> to vector<16xf32>
    %sub3A_260 = arith.subf %get3A_256, %get3A_259 : vector<16xf32>
    %jit3A_261 = arith.constant 0.000000e+00 : f32
    %broadcast_in_dim3A_262 = vector.broadcast %jit3A_261 : f32 to vector<16xf32>
    %select_n3A_263 = arith.select %ne3A_240, %sub3A_260, %broadcast_in_dim3A_262 : vector<16xi1>, vector<16xf32>
    %add3A_264 = arith.addf %add3A_234, %select_n3A_263 : vector<16xf32>
    %get3A_265 = arith.constant 144 : index
    %get3A_266 = tpu.vector_load %arg7[%get3A_265] {strides = array<i32>} : memref<2048xi32, #tpu.memory_space<vmem>>, vector<16xi32>,
    %get3A_267 = vector.shape_cast %get3A_266 : vector<16xi32> to vector<16xi32>
    %ne3A_268 = arith.constant 0 : i32
    %ne3A_269 = vector.broadcast %ne3A_268 : i32 to vector<16xi32>
    %ne3A_270 = arith.cmpi ne, %get3A_267, %ne3A_269 : vector<16xi32>
    %jit3A_271 = arith.constant 1.000000e+00 : f32
    %jit3A_272 = arith.constant 0.000000e+00 : f32
    %broadcast_in_dim3A_273 = vector.broadcast %jit3A_271 : f32 to vector<16xf32>
    %broadcast_in_dim3A_274 = vector.broadcast %jit3A_272 : f32 to vector<16xf32>
    %select_n3A_275 = arith.select %ne3A_270, %broadcast_in_dim3A_273, %broadcast_in_dim3A_274 : vector<16xi1>, vector<16xf32>
    %add3A_276 = arith.addf %add3A_246, %select_n3A_275 : vector<16xf32>
    %get3A_277 = arith.constant 144 : index
    %get3A_278 = tpu.vector_load %arg9[%get3A_277] {strides = array<i32>} : memref<2048xf32, #tpu.memory_space<vmem>>, vector<16xf32>,
    %get3A_279 = vector.shape_cast %get3A_278 : vector<16xf32> to vector<16xf32>
    %jit3A_280 = arith.constant 0.000000e+00 : f32
    %broadcast_in_dim3A_281 = vector.broadcast %jit3A_280 : f32 to vector<16xf32>
    %select_n3A_282 = arith.select %ne3A_270, %get3A_279, %broadcast_in_dim3A_281 : vector<16xi1>, vector<16xf32>
    %add3A_283 = arith.addf %add3A_253, %select_n3A_282 : vector<16xf32>
    %get3A_284 = arith.constant 144 : index
    %get3A_285 = tpu.vector_load %arg8[%get3A_284] {strides = array<i32>} : memref<2048xf32, #tpu.memory_space<vmem>>, vector<16xf32>,
    %get3A_286 = vector.shape_cast %get3A_285 : vector<16xf32> to vector<16xf32>
    %get3A_287 = arith.constant 144 : index
    %get3A_288 = tpu.vector_load %arg10[%get3A_287] {strides = array<i32>} : memref<2048xf32, #tpu.memory_space<vmem>>, vector<16xf32>,
    %get3A_289 = vector.shape_cast %get3A_288 : vector<16xf32> to vector<16xf32>
    %sub3A_290 = arith.subf %get3A_286, %get3A_289 : vector<16xf32>
    %jit3A_291 = arith.constant 0.000000e+00 : f32
    %broadcast_in_dim3A_292 = vector.broadcast %jit3A_291 : f32 to vector<16xf32>
    %select_n3A_293 = arith.select %ne3A_270, %sub3A_290, %broadcast_in_dim3A_292 : vector<16xi1>, vector<16xf32>
    %add3A_294 = arith.addf %add3A_264, %select_n3A_293 : vector<16xf32>
    %get3A_295 = arith.constant 160 : index
    %get3A_296 = tpu.vector_load %arg7[%get3A_295] {strides = array<i32>} : memref<2048xi32, #tpu.memory_space<vmem>>, vector<16xi32>,
    %get3A_297 = vector.shape_cast %get3A_296 : vector<16xi32> to vector<16xi32>
    %ne3A_298 = arith.constant 0 : i32
    %ne3A_299 = vector.broadcast %ne3A_298 : i32 to vector<16xi32>
    %ne3A_300 = arith.cmpi ne, %get3A_297, %ne3A_299 : vector<16xi32>
    %jit3A_301 = arith.constant 1.000000e+00 : f32
    %jit3A_302 = arith.constant 0.000000e+00 : f32
    %broadcast_in_dim3A_303 = vector.broadcast %jit3A_301 : f32 to vector<16xf32>
    %broadcast_in_dim3A_304 = vector.broadcast %jit3A_302 : f32 to vector<16xf32>
    %select_n3A_305 = arith.select %ne3A_300, %broadcast_in_dim3A_303, %broadcast_in_dim3A_304 : vector<16xi1>, vector<16xf32>
    %add3A_306 = arith.addf %add3A_276, %select_n3A_305 : vector<16xf32>
    %get3A_307 = arith.constant 160 : index
    %get3A_308 = tpu.vector_load %arg9[%get3A_307] {strides = array<i32>} : memref<2048xf32, #tpu.memory_space<vmem>>, vector<16xf32>,
    %get3A_309 = vector.shape_cast %get3A_308 : vector<16xf32> to vector<16xf32>
    %jit3A_310 = arith.constant 0.000000e+00 : f32
    %broadcast_in_dim3A_311 = vector.broadcast %jit3A_310 : f32 to vector<16xf32>
    %select_n3A_312 = arith.select %ne3A_300, %get3A_309, %broadcast_in_dim3A_311 : vector<16xi1>, vector<16xf32>
    %add3A_313 = arith.addf %add3A_283, %select_n3A_312 : vector<16xf32>
    %get3A_314 = arith.constant 160 : index
    %get3A_315 = tpu.vector_load %arg8[%get3A_314] {strides = array<i32>} : memref<2048xf32, #tpu.memory_space<vmem>>, vector<16xf32>,
    %get3A_316 = vector.shape_cast %get3A_315 : vector<16xf32> to vector<16xf32>
    %get3A_317 = arith.constant 160 : index
    %get3A_318 = tpu.vector_load %arg10[%get3A_317] {strides = array<i32>} : memref<2048xf32, #tpu.memory_space<vmem>>, vector<16xf32>,
    %get3A_319 = vector.shape_cast %get3A_318 : vector<16xf32> to vector<16xf32>
    %sub3A_320 = arith.subf %get3A_316, %get3A_319 : vector<16xf32>
    %jit3A_321 = arith.constant 0.000000e+00 : f32
    %broadcast_in_dim3A_322 = vector.broadcast %jit3A_321 : f32 to vector<16xf32>
    %select_n3A_323 = arith.select %ne3A_300, %sub3A_320, %broadcast_in_dim3A_322 : vector<16xi1>, vector<16xf32>
    %add3A_324 = arith.addf %add3A_294, %select_n3A_323 : vector<16xf32>
    %get3A_325 = arith.constant 176 : index
    %get3A_326 = tpu.vector_load %arg7[%get3A_325] {strides = array<i32>} : memref<2048xi32, #tpu.memory_space<vmem>>, vector<16xi32>,
    %get3A_327 = vector.shape_cast %get3A_326 : vector<16xi32> to vector<16xi32>
    %ne3A_328 = arith.constant 0 : i32
    %ne3A_329 = vector.broadcast %ne3A_328 : i32 to vector<16xi32>
    %ne3A_330 = arith.cmpi ne, %get3A_327, %ne3A_329 : vector<16xi32>
    %jit3A_331 = arith.constant 1.000000e+00 : f32
    %jit3A_332 = arith.constant 0.000000e+00 : f32
    %broadcast_in_dim3A_333 = vector.broadcast %jit3A_331 : f32 to vector<16xf32>
    %broadcast_in_dim3A_334 = vector.broadcast %jit3A_332 : f32 to vector<16xf32>
    %select_n3A_335 = arith.select %ne3A_330, %broadcast_in_dim3A_333, %broadcast_in_dim3A_334 : vector<16xi1>, vector<16xf32>
    %add3A_336 = arith.addf %add3A_306, %select_n3A_335 : vector<16xf32>
    %get3A_337 = arith.constant 176 : index
    %get3A_338 = tpu.vector_load %arg9[%get3A_337] {strides = array<i32>} : memref<2048xf32, #tpu.memory_space<vmem>>, vector<16xf32>,
    %get3A_339 = vector.shape_cast %get3A_338 : vector<16xf32> to vector<16xf32>
    %jit3A_340 = arith.constant 0.000000e+00 : f32
    %broadcast_in_dim3A_341 = vector.broadcast %jit3A_340 : f32 to vector<16xf32>
    %select_n3A_342 = arith.select %ne3A_330, %get3A_339, %broadcast_in_dim3A_341 : vector<16xi1>, vector<16xf32>
    %add3A_343 = arith.addf %add3A_313, %select_n3A_342 : vector<16xf32>
    %get3A_344 = arith.constant 176 : index
    %get3A_345 = tpu.vector_load %arg8[%get3A_344] {strides = array<i32>} : memref<2048xf32, #tpu.memory_space<vmem>>, vector<16xf32>,
    %get3A_346 = vector.shape_cast %get3A_345 : vector<16xf32> to vector<16xf32>
    %get3A_347 = arith.constant 176 : index
    %get3A_348 = tpu.vector_load %arg10[%get3A_347] {strides = array<i32>} : memref<2048xf32, #tpu.memory_space<vmem>>, vector<16xf32>,
    %get3A_349 = vector.shape_cast %get3A_348 : vector<16xf32> to vector<16xf32>
    %sub3A_350 = arith.subf %get3A_346, %get3A_349 : vector<16xf32>
    %jit3A_351 = arith.constant 0.000000e+00 : f32
    %broadcast_in_dim3A_352 = vector.broadcast %jit3A_351 : f32 to vector<16xf32>
    %select_n3A_353 = arith.select %ne3A_330, %sub3A_350, %broadcast_in_dim3A_352 : vector<16xi1>, vector<16xf32>
    %add3A_354 = arith.addf %add3A_324, %select_n3A_353 : vector<16xf32>
    %get3A_355 = arith.constant 192 : index
    %get3A_356 = tpu.vector_load %arg7[%get3A_355] {strides = array<i32>} : memref<2048xi32, #tpu.memory_space<vmem>>, vector<16xi32>,
    %get3A_357 = vector.shape_cast %get3A_356 : vector<16xi32> to vector<16xi32>
    %ne3A_358 = arith.constant 0 : i32
    %ne3A_359 = vector.broadcast %ne3A_358 : i32 to vector<16xi32>
    %ne3A_360 = arith.cmpi ne, %get3A_357, %ne3A_359 : vector<16xi32>
    %jit3A_361 = arith.constant 1.000000e+00 : f32
    %jit3A_362 = arith.constant 0.000000e+00 : f32
    %broadcast_in_dim3A_363 = vector.broadcast %jit3A_361 : f32 to vector<16xf32>
    %broadcast_in_dim3A_364 = vector.broadcast %jit3A_362 : f32 to vector<16xf32>
    %select_n3A_365 = arith.select %ne3A_360, %broadcast_in_dim3A_363, %broadcast_in_dim3A_364 : vector<16xi1>, vector<16xf32>
    %add3A_366 = arith.addf %add3A_336, %select_n3A_365 : vector<16xf32>
    %get3A_367 = arith.constant 192 : index
    %get3A_368 = tpu.vector_load %arg9[%get3A_367] {strides = array<i32>} : memref<2048xf32, #tpu.memory_space<vmem>>, vector<16xf32>,
    %get3A_369 = vector.shape_cast %get3A_368 : vector<16xf32> to vector<16xf32>
    %jit3A_370 = arith.constant 0.000000e+00 : f32
    %broadcast_in_dim3A_371 = vector.broadcast %jit3A_370 : f32 to vector<16xf32>
    %select_n3A_372 = arith.select %ne3A_360, %get3A_369, %broadcast_in_dim3A_371 : vector<16xi1>, vector<16xf32>
    %add3A_373 = arith.addf %add3A_343, %select_n3A_372 : vector<16xf32>
    %get3A_374 = arith.constant 192 : index
    %get3A_375 = tpu.vector_load %arg8[%get3A_374] {strides = array<i32>} : memref<2048xf32, #tpu.memory_space<vmem>>, vector<16xf32>,
    %get3A_376 = vector.shape_cast %get3A_375 : vector<16xf32> to vector<16xf32>
    %get3A_377 = arith.constant 192 : index
    %get3A_378 = tpu.vector_load %arg10[%get3A_377] {strides = array<i32>} : memref<2048xf32, #tpu.memory_space<vmem>>, vector<16xf32>,
    %get3A_379 = vector.shape_cast %get3A_378 : vector<16xf32> to vector<16xf32>
    %sub3A_380 = arith.subf %get3A_376, %get3A_379 : vector<16xf32>
    %jit3A_381 = arith.constant 0.000000e+00 : f32
    %broadcast_in_dim3A_382 = vector.broadcast %jit3A_381 : f32 to vector<16xf32>
    %select_n3A_383 = arith.select %ne3A_360, %sub3A_380, %broadcast_in_dim3A_382 : vector<16xi1>, vector<16xf32>
    %add3A_384 = arith.addf %add3A_354, %select_n3A_383 : vector<16xf32>
    %get3A_385 = arith.constant 208 : index
    %get3A_386 = tpu.vector_load %arg7[%get3A_385] {strides = array<i32>} : memref<2048xi32, #tpu.memory_space<vmem>>, vector<16xi32>,
    %get3A_387 = vector.shape_cast %get3A_386 : vector<16xi32> to vector<16xi32>
    %ne3A_388 = arith.constant 0 : i32
    %ne3A_389 = vector.broadcast %ne3A_388 : i32 to vector<16xi32>
    %ne3A_390 = arith.cmpi ne, %get3A_387, %ne3A_389 : vector<16xi32>
    %jit3A_391 = arith.constant 1.000000e+00 : f32
    %jit3A_392 = arith.constant 0.000000e+00 : f32
    %broadcast_in_dim3A_393 = vector.broadcast %jit3A_391 : f32 to vector<16xf32>
    %broadcast_in_dim3A_394 = vector.broadcast %jit3A_392 : f32 to vector<16xf32>
    %select_n3A_395 = arith.select %ne3A_390, %broadcast_in_dim3A_393, %broadcast_in_dim3A_394 : vector<16xi1>, vector<16xf32>
    %add3A_396 = arith.addf %add3A_366, %select_n3A_395 : vector<16xf32>
    %get3A_397 = arith.constant 208 : index
    %get3A_398 = tpu.vector_load %arg9[%get3A_397] {strides = array<i32>} : memref<2048xf32, #tpu.memory_space<vmem>>, vector<16xf32>,
    %get3A_399 = vector.shape_cast %get3A_398 : vector<16xf32> to vector<16xf32>
    %jit3A_400 = arith.constant 0.000000e+00 : f32
    %broadcast_in_dim3A_401 = vector.broadcast %jit3A_400 : f32 to vector<16xf32>
    %select_n3A_402 = arith.select %ne3A_390, %get3A_399, %broadcast_in_dim3A_401 : vector<16xi1>, vector<16xf32>
    %add3A_403 = arith.addf %add3A_373, %select_n3A_402 : vector<16xf32>
    %get3A_404 = arith.constant 208 : index
    %get3A_405 = tpu.vector_load %arg8[%get3A_404] {strides = array<i32>} : memref<2048xf32, #tpu.memory_space<vmem>>, vector<16xf32>,
    %get3A_406 = vector.shape_cast %get3A_405 : vector<16xf32> to vector<16xf32>
    %get3A_407 = arith.constant 208 : index
    %get3A_408 = tpu.vector_load %arg10[%get3A_407] {strides = array<i32>} : memref<2048xf32, #tpu.memory_space<vmem>>, vector<16xf32>,
    %get3A_409 = vector.shape_cast %get3A_408 : vector<16xf32> to vector<16xf32>
    %sub3A_410 = arith.subf %get3A_406, %get3A_409 : vector<16xf32>
    %jit3A_411 = arith.constant 0.000000e+00 : f32
    %broadcast_in_dim3A_412 = vector.broadcast %jit3A_411 : f32 to vector<16xf32>
    %select_n3A_413 = arith.select %ne3A_390, %sub3A_410, %broadcast_in_dim3A_412 : vector<16xi1>, vector<16xf32>
    %add3A_414 = arith.addf %add3A_384, %select_n3A_413 : vector<16xf32>
    %get3A_415 = arith.constant 224 : index
    %get3A_416 = tpu.vector_load %arg7[%get3A_415] {strides = array<i32>} : memref<2048xi32, #tpu.memory_space<vmem>>, vector<16xi32>,
    %get3A_417 = vector.shape_cast %get3A_416 : vector<16xi32> to vector<16xi32>
    %ne3A_418 = arith.constant 0 : i32
    %ne3A_419 = vector.broadcast %ne3A_418 : i32 to vector<16xi32>
    %ne3A_420 = arith.cmpi ne, %get3A_417, %ne3A_419 : vector<16xi32>
    %jit3A_421 = arith.constant 1.000000e+00 : f32
    %jit3A_422 = arith.constant 0.000000e+00 : f32
    %broadcast_in_dim3A_423 = vector.broadcast %jit3A_421 : f32 to vector<16xf32>
    %broadcast_in_dim3A_424 = vector.broadcast %jit3A_422 : f32 to vector<16xf32>
    %select_n3A_425 = arith.select %ne3A_420, %broadcast_in_dim3A_423, %broadcast_in_dim3A_424 : vector<16xi1>, vector<16xf32>
    %add3A_426 = arith.addf %add3A_396, %select_n3A_425 : vector<16xf32>
    %get3A_427 = arith.constant 224 : index
    %get3A_428 = tpu.vector_load %arg9[%get3A_427] {strides = array<i32>} : memref<2048xf32, #tpu.memory_space<vmem>>, vector<16xf32>,
    %get3A_429 = vector.shape_cast %get3A_428 : vector<16xf32> to vector<16xf32>
    %jit3A_430 = arith.constant 0.000000e+00 : f32
    %broadcast_in_dim3A_431 = vector.broadcast %jit3A_430 : f32 to vector<16xf32>
    %select_n3A_432 = arith.select %ne3A_420, %get3A_429, %broadcast_in_dim3A_431 : vector<16xi1>, vector<16xf32>
    %add3A_433 = arith.addf %add3A_403, %select_n3A_432 : vector<16xf32>
    %get3A_434 = arith.constant 224 : index
    %get3A_435 = tpu.vector_load %arg8[%get3A_434] {strides = array<i32>} : memref<2048xf32, #tpu.memory_space<vmem>>, vector<16xf32>,
    %get3A_436 = vector.shape_cast %get3A_435 : vector<16xf32> to vector<16xf32>
    %get3A_437 = arith.constant 224 : index
    %get3A_438 = tpu.vector_load %arg10[%get3A_437] {strides = array<i32>} : memref<2048xf32, #tpu.memory_space<vmem>>, vector<16xf32>,
    %get3A_439 = vector.shape_cast %get3A_438 : vector<16xf32> to vector<16xf32>
    %sub3A_440 = arith.subf %get3A_436, %get3A_439 : vector<16xf32>
    %jit3A_441 = arith.constant 0.000000e+00 : f32
    %broadcast_in_dim3A_442 = vector.broadcast %jit3A_441 : f32 to vector<16xf32>
    %select_n3A_443 = arith.select %ne3A_420, %sub3A_440, %broadcast_in_dim3A_442 : vector<16xi1>, vector<16xf32>
    %add3A_444 = arith.addf %add3A_414, %select_n3A_443 : vector<16xf32>
    %get3A_445 = arith.constant 240 : index
    %get3A_446 = tpu.vector_load %arg7[%get3A_445] {strides = array<i32>} : memref<2048xi32, #tpu.memory_space<vmem>>, vector<16xi32>,
    %get3A_447 = vector.shape_cast %get3A_446 : vector<16xi32> to vector<16xi32>
    %ne3A_448 = arith.constant 0 : i32
    %ne3A_449 = vector.broadcast %ne3A_448 : i32 to vector<16xi32>
    %ne3A_450 = arith.cmpi ne, %get3A_447, %ne3A_449 : vector<16xi32>
    %jit3A_451 = arith.constant 1.000000e+00 : f32
    %jit3A_452 = arith.constant 0.000000e+00 : f32
    %broadcast_in_dim3A_453 = vector.broadcast %jit3A_451 : f32 to vector<16xf32>
    %broadcast_in_dim3A_454 = vector.broadcast %jit3A_452 : f32 to vector<16xf32>
    %select_n3A_455 = arith.select %ne3A_450, %broadcast_in_dim3A_453, %broadcast_in_dim3A_454 : vector<16xi1>, vector<16xf32>
    %add3A_456 = arith.addf %add3A_426, %select_n3A_455 : vector<16xf32>
    %get3A_457 = arith.constant 240 : index
    %get3A_458 = tpu.vector_load %arg9[%get3A_457] {strides = array<i32>} : memref<2048xf32, #tpu.memory_space<vmem>>, vector<16xf32>,
    %get3A_459 = vector.shape_cast %get3A_458 : vector<16xf32> to vector<16xf32>
    %jit3A_460 = arith.constant 0.000000e+00 : f32
    %broadcast_in_dim3A_461 = vector.broadcast %jit3A_460 : f32 to vector<16xf32>
    %select_n3A_462 = arith.select %ne3A_450, %get3A_459, %broadcast_in_dim3A_461 : vector<16xi1>, vector<16xf32>
    %add3A_463 = arith.addf %add3A_433, %select_n3A_462 : vector<16xf32>
    %get3A_464 = arith.constant 240 : index
    %get3A_465 = tpu.vector_load %arg8[%get3A_464] {strides = array<i32>} : memref<2048xf32, #tpu.memory_space<vmem>>, vector<16xf32>,
    %get3A_466 = vector.shape_cast %get3A_465 : vector<16xf32> to vector<16xf32>
    %get3A_467 = arith.constant 240 : index
    %get3A_468 = tpu.vector_load %arg10[%get3A_467] {strides = array<i32>} : memref<2048xf32, #tpu.memory_space<vmem>>, vector<16xf32>,
    %get3A_469 = vector.shape_cast %get3A_468 : vector<16xf32> to vector<16xf32>
    %sub3A_470 = arith.subf %get3A_466, %get3A_469 : vector<16xf32>
    %jit3A_471 = arith.constant 0.000000e+00 : f32
    %broadcast_in_dim3A_472 = vector.broadcast %jit3A_471 : f32 to vector<16xf32>
    %select_n3A_473 = arith.select %ne3A_450, %sub3A_470, %broadcast_in_dim3A_472 : vector<16xi1>, vector<16xf32>
    %add3A_474 = arith.addf %add3A_444, %select_n3A_473 : vector<16xf32>
    %get3A_475 = arith.constant 256 : index
    %get3A_476 = tpu.vector_load %arg7[%get3A_475] {strides = array<i32>} : memref<2048xi32, #tpu.memory_space<vmem>>, vector<16xi32>,
    %get3A_477 = vector.shape_cast %get3A_476 : vector<16xi32> to vector<16xi32>
    %ne3A_478 = arith.constant 0 : i32
    %ne3A_479 = vector.broadcast %ne3A_478 : i32 to vector<16xi32>
    %ne3A_480 = arith.cmpi ne, %get3A_477, %ne3A_479 : vector<16xi32>
    %jit3A_481 = arith.constant 1.000000e+00 : f32
    %jit3A_482 = arith.constant 0.000000e+00 : f32
    %broadcast_in_dim3A_483 = vector.broadcast %jit3A_481 : f32 to vector<16xf32>
    %broadcast_in_dim3A_484 = vector.broadcast %jit3A_482 : f32 to vector<16xf32>
    %select_n3A_485 = arith.select %ne3A_480, %broadcast_in_dim3A_483, %broadcast_in_dim3A_484 : vector<16xi1>, vector<16xf32>
    %add3A_486 = arith.addf %add3A_456, %select_n3A_485 : vector<16xf32>
    %get3A_487 = arith.constant 256 : index
    %get3A_488 = tpu.vector_load %arg9[%get3A_487] {strides = array<i32>} : memref<2048xf32, #tpu.memory_space<vmem>>, vector<16xf32>,
    %get3A_489 = vector.shape_cast %get3A_488 : vector<16xf32> to vector<16xf32>
    %jit3A_490 = arith.constant 0.000000e+00 : f32
    %broadcast_in_dim3A_491 = vector.broadcast %jit3A_490 : f32 to vector<16xf32>
    %select_n3A_492 = arith.select %ne3A_480, %get3A_489, %broadcast_in_dim3A_491 : vector<16xi1>, vector<16xf32>
    %add3A_493 = arith.addf %add3A_463, %select_n3A_492 : vector<16xf32>
    %get3A_494 = arith.constant 256 : index
    %get3A_495 = tpu.vector_load %arg8[%get3A_494] {strides = array<i32>} : memref<2048xf32, #tpu.memory_space<vmem>>, vector<16xf32>,
    %get3A_496 = vector.shape_cast %get3A_495 : vector<16xf32> to vector<16xf32>
    %get3A_497 = arith.constant 256 : index
    %get3A_498 = tpu.vector_load %arg10[%get3A_497] {strides = array<i32>} : memref<2048xf32, #tpu.memory_space<vmem>>, vector<16xf32>,
    %get3A_499 = vector.shape_cast %get3A_498 : vector<16xf32> to vector<16xf32>
    %sub3A_500 = arith.subf %get3A_496, %get3A_499 : vector<16xf32>
    %jit3A_501 = arith.constant 0.000000e+00 : f32
    %broadcast_in_dim3A_502 = vector.broadcast %jit3A_501 : f32 to vector<16xf32>
    %select_n3A_503 = arith.select %ne3A_480, %sub3A_500, %broadcast_in_dim3A_502 : vector<16xi1>, vector<16xf32>
    %add3A_504 = arith.addf %add3A_474, %select_n3A_503 : vector<16xf32>
    %get3A_505 = arith.constant 272 : index
    %get3A_506 = tpu.vector_load %arg7[%get3A_505] {strides = array<i32>} : memref<2048xi32, #tpu.memory_space<vmem>>, vector<16xi32>,
    %get3A_507 = vector.shape_cast %get3A_506 : vector<16xi32> to vector<16xi32>
    %ne3A_508 = arith.constant 0 : i32
    %ne3A_509 = vector.broadcast %ne3A_508 : i32 to vector<16xi32>
    %ne3A_510 = arith.cmpi ne, %get3A_507, %ne3A_509 : vector<16xi32>
    %jit3A_511 = arith.constant 1.000000e+00 : f32
    %jit3A_512 = arith.constant 0.000000e+00 : f32
    %broadcast_in_dim3A_513 = vector.broadcast %jit3A_511 : f32 to vector<16xf32>
    %broadcast_in_dim3A_514 = vector.broadcast %jit3A_512 : f32 to vector<16xf32>
    %select_n3A_515 = arith.select %ne3A_510, %broadcast_in_dim3A_513, %broadcast_in_dim3A_514 : vector<16xi1>, vector<16xf32>
    %add3A_516 = arith.addf %add3A_486, %select_n3A_515 : vector<16xf32>
    %get3A_517 = arith.constant 272 : index
    %get3A_518 = tpu.vector_load %arg9[%get3A_517] {strides = array<i32>} : memref<2048xf32, #tpu.memory_space<vmem>>, vector<16xf32>,
    %get3A_519 = vector.shape_cast %get3A_518 : vector<16xf32> to vector<16xf32>
    %jit3A_520 = arith.constant 0.000000e+00 : f32
    %broadcast_in_dim3A_521 = vector.broadcast %jit3A_520 : f32 to vector<16xf32>
    %select_n3A_522 = arith.select %ne3A_510, %get3A_519, %broadcast_in_dim3A_521 : vector<16xi1>, vector<16xf32>
    %add3A_523 = arith.addf %add3A_493, %select_n3A_522 : vector<16xf32>
    %get3A_524 = arith.constant 272 : index
    %get3A_525 = tpu.vector_load %arg8[%get3A_524] {strides = array<i32>} : memref<2048xf32, #tpu.memory_space<vmem>>, vector<16xf32>,
    %get3A_526 = vector.shape_cast %get3A_525 : vector<16xf32> to vector<16xf32>
    %get3A_527 = arith.constant 272 : index
    %get3A_528 = tpu.vector_load %arg10[%get3A_527] {strides = array<i32>} : memref<2048xf32, #tpu.memory_space<vmem>>, vector<16xf32>,
    %get3A_529 = vector.shape_cast %get3A_528 : vector<16xf32> to vector<16xf32>
    %sub3A_530 = arith.subf %get3A_526, %get3A_529 : vector<16xf32>
    %jit3A_531 = arith.constant 0.000000e+00 : f32
    %broadcast_in_dim3A_532 = vector.broadcast %jit3A_531 : f32 to vector<16xf32>
    %select_n3A_533 = arith.select %ne3A_510, %sub3A_530, %broadcast_in_dim3A_532 : vector<16xi1>, vector<16xf32>
    %add3A_534 = arith.addf %add3A_504, %select_n3A_533 : vector<16xf32>
    %get3A_535 = arith.constant 288 : index
    %get3A_536 = tpu.vector_load %arg7[%get3A_535] {strides = array<i32>} : memref<2048xi32, #tpu.memory_space<vmem>>, vector<16xi32>,
    %get3A_537 = vector.shape_cast %get3A_536 : vector<16xi32> to vector<16xi32>
    %ne3A_538 = arith.constant 0 : i32
    %ne3A_539 = vector.broadcast %ne3A_538 : i32 to vector<16xi32>
    %ne3A_540 = arith.cmpi ne, %get3A_537, %ne3A_539 : vector<16xi32>
    %jit3A_541 = arith.constant 1.000000e+00 : f32
    %jit3A_542 = arith.constant 0.000000e+00 : f32
    %broadcast_in_dim3A_543 = vector.broadcast %jit3A_541 : f32 to vector<16xf32>
    %broadcast_in_dim3A_544 = vector.broadcast %jit3A_542 : f32 to vector<16xf32>
    %select_n3A_545 = arith.select %ne3A_540, %broadcast_in_dim3A_543, %broadcast_in_dim3A_544 : vector<16xi1>, vector<16xf32>
    %add3A_546 = arith.addf %add3A_516, %select_n3A_545 : vector<16xf32>
    %get3A_547 = arith.constant 288 : index
    %get3A_548 = tpu.vector_load %arg9[%get3A_547] {strides = array<i32>} : memref<2048xf32, #tpu.memory_space<vmem>>, vector<16xf32>,
    %get3A_549 = vector.shape_cast %get3A_548 : vector<16xf32> to vector<16xf32>
    %jit3A_550 = arith.constant 0.000000e+00 : f32
    %broadcast_in_dim3A_551 = vector.broadcast %jit3A_550 : f32 to vector<16xf32>
    %select_n3A_552 = arith.select %ne3A_540, %get3A_549, %broadcast_in_dim3A_551 : vector<16xi1>, vector<16xf32>
    %add3A_553 = arith.addf %add3A_523, %select_n3A_552 : vector<16xf32>
    %get3A_554 = arith.constant 288 : index
    %get3A_555 = tpu.vector_load %arg8[%get3A_554] {strides = array<i32>} : memref<2048xf32, #tpu.memory_space<vmem>>, vector<16xf32>,
    %get3A_556 = vector.shape_cast %get3A_555 : vector<16xf32> to vector<16xf32>
    %get3A_557 = arith.constant 288 : index
    %get3A_558 = tpu.vector_load %arg10[%get3A_557] {strides = array<i32>} : memref<2048xf32, #tpu.memory_space<vmem>>, vector<16xf32>,
    %get3A_559 = vector.shape_cast %get3A_558 : vector<16xf32> to vector<16xf32>
    %sub3A_560 = arith.subf %get3A_556, %get3A_559 : vector<16xf32>
    %jit3A_561 = arith.constant 0.000000e+00 : f32
    %broadcast_in_dim3A_562 = vector.broadcast %jit3A_561 : f32 to vector<16xf32>
    %select_n3A_563 = arith.select %ne3A_540, %sub3A_560, %broadcast_in_dim3A_562 : vector<16xi1>, vector<16xf32>
    %add3A_564 = arith.addf %add3A_534, %select_n3A_563 : vector<16xf32>
    %get3A_565 = arith.constant 304 : index
    %get3A_566 = tpu.vector_load %arg7[%get3A_565] {strides = array<i32>} : memref<2048xi32, #tpu.memory_space<vmem>>, vector<16xi32>,
    %get3A_567 = vector.shape_cast %get3A_566 : vector<16xi32> to vector<16xi32>
    %ne3A_568 = arith.constant 0 : i32
    %ne3A_569 = vector.broadcast %ne3A_568 : i32 to vector<16xi32>
    %ne3A_570 = arith.cmpi ne, %get3A_567, %ne3A_569 : vector<16xi32>
    %jit3A_571 = arith.constant 1.000000e+00 : f32
    %jit3A_572 = arith.constant 0.000000e+00 : f32
    %broadcast_in_dim3A_573 = vector.broadcast %jit3A_571 : f32 to vector<16xf32>
    %broadcast_in_dim3A_574 = vector.broadcast %jit3A_572 : f32 to vector<16xf32>
    %select_n3A_575 = arith.select %ne3A_570, %broadcast_in_dim3A_573, %broadcast_in_dim3A_574 : vector<16xi1>, vector<16xf32>
    %add3A_576 = arith.addf %add3A_546, %select_n3A_575 : vector<16xf32>
    %get3A_577 = arith.constant 304 : index
    %get3A_578 = tpu.vector_load %arg9[%get3A_577] {strides = array<i32>} : memref<2048xf32, #tpu.memory_space<vmem>>, vector<16xf32>,
    %get3A_579 = vector.shape_cast %get3A_578 : vector<16xf32> to vector<16xf32>
    %jit3A_580 = arith.constant 0.000000e+00 : f32
    %broadcast_in_dim3A_581 = vector.broadcast %jit3A_580 : f32 to vector<16xf32>
    %select_n3A_582 = arith.select %ne3A_570, %get3A_579, %broadcast_in_dim3A_581 : vector<16xi1>, vector<16xf32>
    %add3A_583 = arith.addf %add3A_553, %select_n3A_582 : vector<16xf32>
    %get3A_584 = arith.constant 304 : index
    %get3A_585 = tpu.vector_load %arg8[%get3A_584] {strides = array<i32>} : memref<2048xf32, #tpu.memory_space<vmem>>, vector<16xf32>,
    %get3A_586 = vector.shape_cast %get3A_585 : vector<16xf32> to vector<16xf32>
    %get3A_587 = arith.constant 304 : index
    %get3A_588 = tpu.vector_load %arg10[%get3A_587] {strides = array<i32>} : memref<2048xf32, #tpu.memory_space<vmem>>, vector<16xf32>,
    %get3A_589 = vector.shape_cast %get3A_588 : vector<16xf32> to vector<16xf32>
    %sub3A_590 = arith.subf %get3A_586, %get3A_589 : vector<16xf32>
    %jit3A_591 = arith.constant 0.000000e+00 : f32
    %broadcast_in_dim3A_592 = vector.broadcast %jit3A_591 : f32 to vector<16xf32>
    %select_n3A_593 = arith.select %ne3A_570, %sub3A_590, %broadcast_in_dim3A_592 : vector<16xi1>, vector<16xf32>
    %add3A_594 = arith.addf %add3A_564, %select_n3A_593 : vector<16xf32>
    %get3A_595 = arith.constant 320 : index
    %get3A_596 = tpu.vector_load %arg7[%get3A_595] {strides = array<i32>} : memref<2048xi32, #tpu.memory_space<vmem>>, vector<16xi32>,
    %get3A_597 = vector.shape_cast %get3A_596 : vector<16xi32> to vector<16xi32>
    %ne3A_598 = arith.constant 0 : i32
    %ne3A_599 = vector.broadcast %ne3A_598 : i32 to vector<16xi32>
    %ne3A_600 = arith.cmpi ne, %get3A_597, %ne3A_599 : vector<16xi32>
    %jit3A_601 = arith.constant 1.000000e+00 : f32
    %jit3A_602 = arith.constant 0.000000e+00 : f32
    %broadcast_in_dim3A_603 = vector.broadcast %jit3A_601 : f32 to vector<16xf32>
    %broadcast_in_dim3A_604 = vector.broadcast %jit3A_602 : f32 to vector<16xf32>
    %select_n3A_605 = arith.select %ne3A_600, %broadcast_in_dim3A_603, %broadcast_in_dim3A_604 : vector<16xi1>, vector<16xf32>
    %add3A_606 = arith.addf %add3A_576, %select_n3A_605 : vector<16xf32>
    %get3A_607 = arith.constant 320 : index
    %get3A_608 = tpu.vector_load %arg9[%get3A_607] {strides = array<i32>} : memref<2048xf32, #tpu.memory_space<vmem>>, vector<16xf32>,
    %get3A_609 = vector.shape_cast %get3A_608 : vector<16xf32> to vector<16xf32>
    %jit3A_610 = arith.constant 0.000000e+00 : f32
    %broadcast_in_dim3A_611 = vector.broadcast %jit3A_610 : f32 to vector<16xf32>
    %select_n3A_612 = arith.select %ne3A_600, %get3A_609, %broadcast_in_dim3A_611 : vector<16xi1>, vector<16xf32>
    %add3A_613 = arith.addf %add3A_583, %select_n3A_612 : vector<16xf32>
    %get3A_614 = arith.constant 320 : index
    %get3A_615 = tpu.vector_load %arg8[%get3A_614] {strides = array<i32>} : memref<2048xf32, #tpu.memory_space<vmem>>, vector<16xf32>,
    %get3A_616 = vector.shape_cast %get3A_615 : vector<16xf32> to vector<16xf32>
    %get3A_617 = arith.constant 320 : index
    %get3A_618 = tpu.vector_load %arg10[%get3A_617] {strides = array<i32>} : memref<2048xf32, #tpu.memory_space<vmem>>, vector<16xf32>,
    %get3A_619 = vector.shape_cast %get3A_618 : vector<16xf32> to vector<16xf32>
    %sub3A_620 = arith.subf %get3A_616, %get3A_619 : vector<16xf32>
    %jit3A_621 = arith.constant 0.000000e+00 : f32
    %broadcast_in_dim3A_622 = vector.broadcast %jit3A_621 : f32 to vector<16xf32>
    %select_n3A_623 = arith.select %ne3A_600, %sub3A_620, %broadcast_in_dim3A_622 : vector<16xi1>, vector<16xf32>
    %add3A_624 = arith.addf %add3A_594, %select_n3A_623 : vector<16xf32>
    %get3A_625 = arith.constant 336 : index
    %get3A_626 = tpu.vector_load %arg7[%get3A_625] {strides = array<i32>} : memref<2048xi32, #tpu.memory_space<vmem>>, vector<16xi32>,
    %get3A_627 = vector.shape_cast %get3A_626 : vector<16xi32> to vector<16xi32>
    %ne3A_628 = arith.constant 0 : i32
    %ne3A_629 = vector.broadcast %ne3A_628 : i32 to vector<16xi32>
    %ne3A_630 = arith.cmpi ne, %get3A_627, %ne3A_629 : vector<16xi32>
    %jit3A_631 = arith.constant 1.000000e+00 : f32
    %jit3A_632 = arith.constant 0.000000e+00 : f32
    %broadcast_in_dim3A_633 = vector.broadcast %jit3A_631 : f32 to vector<16xf32>
    %broadcast_in_dim3A_634 = vector.broadcast %jit3A_632 : f32 to vector<16xf32>
    %select_n3A_635 = arith.select %ne3A_630, %broadcast_in_dim3A_633, %broadcast_in_dim3A_634 : vector<16xi1>, vector<16xf32>
    %add3A_636 = arith.addf %add3A_606, %select_n3A_635 : vector<16xf32>
    %get3A_637 = arith.constant 336 : index
    %get3A_638 = tpu.vector_load %arg9[%get3A_637] {strides = array<i32>} : memref<2048xf32, #tpu.memory_space<vmem>>, vector<16xf32>,
    %get3A_639 = vector.shape_cast %get3A_638 : vector<16xf32> to vector<16xf32>
    %jit3A_640 = arith.constant 0.000000e+00 : f32
    %broadcast_in_dim3A_641 = vector.broadcast %jit3A_640 : f32 to vector<16xf32>
    %select_n3A_642 = arith.select %ne3A_630, %get3A_639, %broadcast_in_dim3A_641 : vector<16xi1>, vector<16xf32>
    %add3A_643 = arith.addf %add3A_613, %select_n3A_642 : vector<16xf32>
    %get3A_644 = arith.constant 336 : index
    %get3A_645 = tpu.vector_load %arg8[%get3A_644] {strides = array<i32>} : memref<2048xf32, #tpu.memory_space<vmem>>, vector<16xf32>,
    %get3A_646 = vector.shape_cast %get3A_645 : vector<16xf32> to vector<16xf32>
    %get3A_647 = arith.constant 336 : index
    %get3A_648 = tpu.vector_load %arg10[%get3A_647] {strides = array<i32>} : memref<2048xf32, #tpu.memory_space<vmem>>, vector<16xf32>,
    %get3A_649 = vector.shape_cast %get3A_648 : vector<16xf32> to vector<16xf32>
    %sub3A_650 = arith.subf %get3A_646, %get3A_649 : vector<16xf32>
    %jit3A_651 = arith.constant 0.000000e+00 : f32
    %broadcast_in_dim3A_652 = vector.broadcast %jit3A_651 : f32 to vector<16xf32>
    %select_n3A_653 = arith.select %ne3A_630, %sub3A_650, %broadcast_in_dim3A_652 : vector<16xi1>, vector<16xf32>
    %add3A_654 = arith.addf %add3A_624, %select_n3A_653 : vector<16xf32>
    %get3A_655 = arith.constant 352 : index
    %get3A_656 = tpu.vector_load %arg7[%get3A_655] {strides = array<i32>} : memref<2048xi32, #tpu.memory_space<vmem>>, vector<16xi32>,
    %get3A_657 = vector.shape_cast %get3A_656 : vector<16xi32> to vector<16xi32>
    %ne3A_658 = arith.constant 0 : i32
    %ne3A_659 = vector.broadcast %ne3A_658 : i32 to vector<16xi32>
    %ne3A_660 = arith.cmpi ne, %get3A_657, %ne3A_659 : vector<16xi32>
    %jit3A_661 = arith.constant 1.000000e+00 : f32
    %jit3A_662 = arith.constant 0.000000e+00 : f32
    %broadcast_in_dim3A_663 = vector.broadcast %jit3A_661 : f32 to vector<16xf32>
    %broadcast_in_dim3A_664 = vector.broadcast %jit3A_662 : f32 to vector<16xf32>
    %select_n3A_665 = arith.select %ne3A_660, %broadcast_in_dim3A_663, %broadcast_in_dim3A_664 : vector<16xi1>, vector<16xf32>
    %add3A_666 = arith.addf %add3A_636, %select_n3A_665 : vector<16xf32>
    %get3A_667 = arith.constant 352 : index
    %get3A_668 = tpu.vector_load %arg9[%get3A_667] {strides = array<i32>} : memref<2048xf32, #tpu.memory_space<vmem>>, vector<16xf32>,
    %get3A_669 = vector.shape_cast %get3A_668 : vector<16xf32> to vector<16xf32>
    %jit3A_670 = arith.constant 0.000000e+00 : f32
    %broadcast_in_dim3A_671 = vector.broadcast %jit3A_670 : f32 to vector<16xf32>
    %select_n3A_672 = arith.select %ne3A_660, %get3A_669, %broadcast_in_dim3A_671 : vector<16xi1>, vector<16xf32>
    %add3A_673 = arith.addf %add3A_643, %select_n3A_672 : vector<16xf32>
    %get3A_674 = arith.constant 352 : index
    %get3A_675 = tpu.vector_load %arg8[%get3A_674] {strides = array<i32>} : memref<2048xf32, #tpu.memory_space<vmem>>, vector<16xf32>,
    %get3A_676 = vector.shape_cast %get3A_675 : vector<16xf32> to vector<16xf32>
    %get3A_677 = arith.constant 352 : index
    %get3A_678 = tpu.vector_load %arg10[%get3A_677] {strides = array<i32>} : memref<2048xf32, #tpu.memory_space<vmem>>, vector<16xf32>,
    %get3A_679 = vector.shape_cast %get3A_678 : vector<16xf32> to vector<16xf32>
    %sub3A_680 = arith.subf %get3A_676, %get3A_679 : vector<16xf32>
    %jit3A_681 = arith.constant 0.000000e+00 : f32
    %broadcast_in_dim3A_682 = vector.broadcast %jit3A_681 : f32 to vector<16xf32>
    %select_n3A_683 = arith.select %ne3A_660, %sub3A_680, %broadcast_in_dim3A_682 : vector<16xi1>, vector<16xf32>
    %add3A_684 = arith.addf %add3A_654, %select_n3A_683 : vector<16xf32>
    %get3A_685 = arith.constant 368 : index
    %get3A_686 = tpu.vector_load %arg7[%get3A_685] {strides = array<i32>} : memref<2048xi32, #tpu.memory_space<vmem>>, vector<16xi32>,
    %get3A_687 = vector.shape_cast %get3A_686 : vector<16xi32> to vector<16xi32>
    %ne3A_688 = arith.constant 0 : i32
    %ne3A_689 = vector.broadcast %ne3A_688 : i32 to vector<16xi32>
    %ne3A_690 = arith.cmpi ne, %get3A_687, %ne3A_689 : vector<16xi32>
    %jit3A_691 = arith.constant 1.000000e+00 : f32
    %jit3A_692 = arith.constant 0.000000e+00 : f32
    %broadcast_in_dim3A_693 = vector.broadcast %jit3A_691 : f32 to vector<16xf32>
    %broadcast_in_dim3A_694 = vector.broadcast %jit3A_692 : f32 to vector<16xf32>
    %select_n3A_695 = arith.select %ne3A_690, %broadcast_in_dim3A_693, %broadcast_in_dim3A_694 : vector<16xi1>, vector<16xf32>
    %add3A_696 = arith.addf %add3A_666, %select_n3A_695 : vector<16xf32>
    %get3A_697 = arith.constant 368 : index
    %get3A_698 = tpu.vector_load %arg9[%get3A_697] {strides = array<i32>} : memref<2048xf32, #tpu.memory_space<vmem>>, vector<16xf32>,
    %get3A_699 = vector.shape_cast %get3A_698 : vector<16xf32> to vector<16xf32>
    %jit3A_700 = arith.constant 0.000000e+00 : f32
    %broadcast_in_dim3A_701 = vector.broadcast %jit3A_700 : f32 to vector<16xf32>
    %select_n3A_702 = arith.select %ne3A_690, %get3A_699, %broadcast_in_dim3A_701 : vector<16xi1>, vector<16xf32>
    %add3A_703 = arith.addf %add3A_673, %select_n3A_702 : vector<16xf32>
    %get3A_704 = arith.constant 368 : index
    %get3A_705 = tpu.vector_load %arg8[%get3A_704] {strides = array<i32>} : memref<2048xf32, #tpu.memory_space<vmem>>, vector<16xf32>,
    %get3A_706 = vector.shape_cast %get3A_705 : vector<16xf32> to vector<16xf32>
    %get3A_707 = arith.constant 368 : index
    %get3A_708 = tpu.vector_load %arg10[%get3A_707] {strides = array<i32>} : memref<2048xf32, #tpu.memory_space<vmem>>, vector<16xf32>,
    %get3A_709 = vector.shape_cast %get3A_708 : vector<16xf32> to vector<16xf32>
    %sub3A_710 = arith.subf %get3A_706, %get3A_709 : vector<16xf32>
    %jit3A_711 = arith.constant 0.000000e+00 : f32
    %broadcast_in_dim3A_712 = vector.broadcast %jit3A_711 : f32 to vector<16xf32>
    %select_n3A_713 = arith.select %ne3A_690, %sub3A_710, %broadcast_in_dim3A_712 : vector<16xi1>, vector<16xf32>
    %add3A_714 = arith.addf %add3A_684, %select_n3A_713 : vector<16xf32>
    %get3A_715 = arith.constant 384 : index
    %get3A_716 = tpu.vector_load %arg7[%get3A_715] {strides = array<i32>} : memref<2048xi32, #tpu.memory_space<vmem>>, vector<16xi32>,
    %get3A_717 = vector.shape_cast %get3A_716 : vector<16xi32> to vector<16xi32>
    %ne3A_718 = arith.constant 0 : i32
    %ne3A_719 = vector.broadcast %ne3A_718 : i32 to vector<16xi32>
    %ne3A_720 = arith.cmpi ne, %get3A_717, %ne3A_719 : vector<16xi32>
    %jit3A_721 = arith.constant 1.000000e+00 : f32
    %jit3A_722 = arith.constant 0.000000e+00 : f32
    %broadcast_in_dim3A_723 = vector.broadcast %jit3A_721 : f32 to vector<16xf32>
    %broadcast_in_dim3A_724 = vector.broadcast %jit3A_722 : f32 to vector<16xf32>
    %select_n3A_725 = arith.select %ne3A_720, %broadcast_in_dim3A_723, %broadcast_in_dim3A_724 : vector<16xi1>, vector<16xf32>
    %add3A_726 = arith.addf %add3A_696, %select_n3A_725 : vector<16xf32>
    %get3A_727 = arith.constant 384 : index
    %get3A_728 = tpu.vector_load %arg9[%get3A_727] {strides = array<i32>} : memref<2048xf32, #tpu.memory_space<vmem>>, vector<16xf32>,
    %get3A_729 = vector.shape_cast %get3A_728 : vector<16xf32> to vector<16xf32>
    %jit3A_730 = arith.constant 0.000000e+00 : f32
    %broadcast_in_dim3A_731 = vector.broadcast %jit3A_730 : f32 to vector<16xf32>
    %select_n3A_732 = arith.select %ne3A_720, %get3A_729, %broadcast_in_dim3A_731 : vector<16xi1>, vector<16xf32>
    %add3A_733 = arith.addf %add3A_703, %select_n3A_732 : vector<16xf32>
    %get3A_734 = arith.constant 384 : index
    %get3A_735 = tpu.vector_load %arg8[%get3A_734] {strides = array<i32>} : memref<2048xf32, #tpu.memory_space<vmem>>, vector<16xf32>,
    %get3A_736 = vector.shape_cast %get3A_735 : vector<16xf32> to vector<16xf32>
    %get3A_737 = arith.constant 384 : index
    %get3A_738 = tpu.vector_load %arg10[%get3A_737] {strides = array<i32>} : memref<2048xf32, #tpu.memory_space<vmem>>, vector<16xf32>,
    %get3A_739 = vector.shape_cast %get3A_738 : vector<16xf32> to vector<16xf32>
    %sub3A_740 = arith.subf %get3A_736, %get3A_739 : vector<16xf32>
    %jit3A_741 = arith.constant 0.000000e+00 : f32
    %broadcast_in_dim3A_742 = vector.broadcast %jit3A_741 : f32 to vector<16xf32>
    %select_n3A_743 = arith.select %ne3A_720, %sub3A_740, %broadcast_in_dim3A_742 : vector<16xi1>, vector<16xf32>
    %add3A_744 = arith.addf %add3A_714, %select_n3A_743 : vector<16xf32>
    %get3A_745 = arith.constant 400 : index
    %get3A_746 = tpu.vector_load %arg7[%get3A_745] {strides = array<i32>} : memref<2048xi32, #tpu.memory_space<vmem>>, vector<16xi32>,
    %get3A_747 = vector.shape_cast %get3A_746 : vector<16xi32> to vector<16xi32>
    %ne3A_748 = arith.constant 0 : i32
    %ne3A_749 = vector.broadcast %ne3A_748 : i32 to vector<16xi32>
    %ne3A_750 = arith.cmpi ne, %get3A_747, %ne3A_749 : vector<16xi32>
    %jit3A_751 = arith.constant 1.000000e+00 : f32
    %jit3A_752 = arith.constant 0.000000e+00 : f32
    %broadcast_in_dim3A_753 = vector.broadcast %jit3A_751 : f32 to vector<16xf32>
    %broadcast_in_dim3A_754 = vector.broadcast %jit3A_752 : f32 to vector<16xf32>
    %select_n3A_755 = arith.select %ne3A_750, %broadcast_in_dim3A_753, %broadcast_in_dim3A_754 : vector<16xi1>, vector<16xf32>
    %add3A_756 = arith.addf %add3A_726, %select_n3A_755 : vector<16xf32>
    %get3A_757 = arith.constant 400 : index
    %get3A_758 = tpu.vector_load %arg9[%get3A_757] {strides = array<i32>} : memref<2048xf32, #tpu.memory_space<vmem>>, vector<16xf32>,
    %get3A_759 = vector.shape_cast %get3A_758 : vector<16xf32> to vector<16xf32>
    %jit3A_760 = arith.constant 0.000000e+00 : f32
    %broadcast_in_dim3A_761 = vector.broadcast %jit3A_760 : f32 to vector<16xf32>
    %select_n3A_762 = arith.select %ne3A_750, %get3A_759, %broadcast_in_dim3A_761 : vector<16xi1>, vector<16xf32>
    %add3A_763 = arith.addf %add3A_733, %select_n3A_762 : vector<16xf32>
    %get3A_764 = arith.constant 400 : index
    %get3A_765 = tpu.vector_load %arg8[%get3A_764] {strides = array<i32>} : memref<2048xf32, #tpu.memory_space<vmem>>, vector<16xf32>,
    %get3A_766 = vector.shape_cast %get3A_765 : vector<16xf32> to vector<16xf32>
    %get3A_767 = arith.constant 400 : index
    %get3A_768 = tpu.vector_load %arg10[%get3A_767] {strides = array<i32>} : memref<2048xf32, #tpu.memory_space<vmem>>, vector<16xf32>,
    %get3A_769 = vector.shape_cast %get3A_768 : vector<16xf32> to vector<16xf32>
    %sub3A_770 = arith.subf %get3A_766, %get3A_769 : vector<16xf32>
    %jit3A_771 = arith.constant 0.000000e+00 : f32
    %broadcast_in_dim3A_772 = vector.broadcast %jit3A_771 : f32 to vector<16xf32>
    %select_n3A_773 = arith.select %ne3A_750, %sub3A_770, %broadcast_in_dim3A_772 : vector<16xi1>, vector<16xf32>
    %add3A_774 = arith.addf %add3A_744, %select_n3A_773 : vector<16xf32>
    %get3A_775 = arith.constant 416 : index
    %get3A_776 = tpu.vector_load %arg7[%get3A_775] {strides = array<i32>} : memref<2048xi32, #tpu.memory_space<vmem>>, vector<16xi32>,
    %get3A_777 = vector.shape_cast %get3A_776 : vector<16xi32> to vector<16xi32>
    %ne3A_778 = arith.constant 0 : i32
    %ne3A_779 = vector.broadcast %ne3A_778 : i32 to vector<16xi32>
    %ne3A_780 = arith.cmpi ne, %get3A_777, %ne3A_779 : vector<16xi32>
    %jit3A_781 = arith.constant 1.000000e+00 : f32
    %jit3A_782 = arith.constant 0.000000e+00 : f32
    %broadcast_in_dim3A_783 = vector.broadcast %jit3A_781 : f32 to vector<16xf32>
    %broadcast_in_dim3A_784 = vector.broadcast %jit3A_782 : f32 to vector<16xf32>
    %select_n3A_785 = arith.select %ne3A_780, %broadcast_in_dim3A_783, %broadcast_in_dim3A_784 : vector<16xi1>, vector<16xf32>
    %add3A_786 = arith.addf %add3A_756, %select_n3A_785 : vector<16xf32>
    %get3A_787 = arith.constant 416 : index
    %get3A_788 = tpu.vector_load %arg9[%get3A_787] {strides = array<i32>} : memref<2048xf32, #tpu.memory_space<vmem>>, vector<16xf32>,
    %get3A_789 = vector.shape_cast %get3A_788 : vector<16xf32> to vector<16xf32>
    %jit3A_790 = arith.constant 0.000000e+00 : f32
    %broadcast_in_dim3A_791 = vector.broadcast %jit3A_790 : f32 to vector<16xf32>
    %select_n3A_792 = arith.select %ne3A_780, %get3A_789, %broadcast_in_dim3A_791 : vector<16xi1>, vector<16xf32>
    %add3A_793 = arith.addf %add3A_763, %select_n3A_792 : vector<16xf32>
    %get3A_794 = arith.constant 416 : index
    %get3A_795 = tpu.vector_load %arg8[%get3A_794] {strides = array<i32>} : memref<2048xf32, #tpu.memory_space<vmem>>, vector<16xf32>,
    %get3A_796 = vector.shape_cast %get3A_795 : vector<16xf32> to vector<16xf32>
    %get3A_797 = arith.constant 416 : index
    %get3A_798 = tpu.vector_load %arg10[%get3A_797] {strides = array<i32>} : memref<2048xf32, #tpu.memory_space<vmem>>, vector<16xf32>,
    %get3A_799 = vector.shape_cast %get3A_798 : vector<16xf32> to vector<16xf32>
    %sub3A_800 = arith.subf %get3A_796, %get3A_799 : vector<16xf32>
    %jit3A_801 = arith.constant 0.000000e+00 : f32
    %broadcast_in_dim3A_802 = vector.broadcast %jit3A_801 : f32 to vector<16xf32>
    %select_n3A_803 = arith.select %ne3A_780, %sub3A_800, %broadcast_in_dim3A_802 : vector<16xi1>, vector<16xf32>
    %add3A_804 = arith.addf %add3A_774, %select_n3A_803 : vector<16xf32>
    %get3A_805 = arith.constant 432 : index
    %get3A_806 = tpu.vector_load %arg7[%get3A_805] {strides = array<i32>} : memref<2048xi32, #tpu.memory_space<vmem>>, vector<16xi32>,
    %get3A_807 = vector.shape_cast %get3A_806 : vector<16xi32> to vector<16xi32>
    %ne3A_808 = arith.constant 0 : i32
    %ne3A_809 = vector.broadcast %ne3A_808 : i32 to vector<16xi32>
    %ne3A_810 = arith.cmpi ne, %get3A_807, %ne3A_809 : vector<16xi32>
    %jit3A_811 = arith.constant 1.000000e+00 : f32
    %jit3A_812 = arith.constant 0.000000e+00 : f32
    %broadcast_in_dim3A_813 = vector.broadcast %jit3A_811 : f32 to vector<16xf32>
    %broadcast_in_dim3A_814 = vector.broadcast %jit3A_812 : f32 to vector<16xf32>
    %select_n3A_815 = arith.select %ne3A_810, %broadcast_in_dim3A_813, %broadcast_in_dim3A_814 : vector<16xi1>, vector<16xf32>
    %add3A_816 = arith.addf %add3A_786, %select_n3A_815 : vector<16xf32>
    %get3A_817 = arith.constant 432 : index
    %get3A_818 = tpu.vector_load %arg9[%get3A_817] {strides = array<i32>} : memref<2048xf32, #tpu.memory_space<vmem>>, vector<16xf32>,
    %get3A_819 = vector.shape_cast %get3A_818 : vector<16xf32> to vector<16xf32>
    %jit3A_820 = arith.constant 0.000000e+00 : f32
    %broadcast_in_dim3A_821 = vector.broadcast %jit3A_820 : f32 to vector<16xf32>
    %select_n3A_822 = arith.select %ne3A_810, %get3A_819, %broadcast_in_dim3A_821 : vector<16xi1>, vector<16xf32>
    %add3A_823 = arith.addf %add3A_793, %select_n3A_822 : vector<16xf32>
    %get3A_824 = arith.constant 432 : index
    %get3A_825 = tpu.vector_load %arg8[%get3A_824] {strides = array<i32>} : memref<2048xf32, #tpu.memory_space<vmem>>, vector<16xf32>,
    %get3A_826 = vector.shape_cast %get3A_825 : vector<16xf32> to vector<16xf32>
    %get3A_827 = arith.constant 432 : index
    %get3A_828 = tpu.vector_load %arg10[%get3A_827] {strides = array<i32>} : memref<2048xf32, #tpu.memory_space<vmem>>, vector<16xf32>,
    %get3A_829 = vector.shape_cast %get3A_828 : vector<16xf32> to vector<16xf32>
    %sub3A_830 = arith.subf %get3A_826, %get3A_829 : vector<16xf32>
    %jit3A_831 = arith.constant 0.000000e+00 : f32
    %broadcast_in_dim3A_832 = vector.broadcast %jit3A_831 : f32 to vector<16xf32>
    %select_n3A_833 = arith.select %ne3A_810, %sub3A_830, %broadcast_in_dim3A_832 : vector<16xi1>, vector<16xf32>
    %add3A_834 = arith.addf %add3A_804, %select_n3A_833 : vector<16xf32>
    %get3A_835 = arith.constant 448 : index
    %get3A_836 = tpu.vector_load %arg7[%get3A_835] {strides = array<i32>} : memref<2048xi32, #tpu.memory_space<vmem>>, vector<16xi32>,
    %get3A_837 = vector.shape_cast %get3A_836 : vector<16xi32> to vector<16xi32>
    %ne3A_838 = arith.constant 0 : i32
    %ne3A_839 = vector.broadcast %ne3A_838 : i32 to vector<16xi32>
    %ne3A_840 = arith.cmpi ne, %get3A_837, %ne3A_839 : vector<16xi32>
    %jit3A_841 = arith.constant 1.000000e+00 : f32
    %jit3A_842 = arith.constant 0.000000e+00 : f32
    %broadcast_in_dim3A_843 = vector.broadcast %jit3A_841 : f32 to vector<16xf32>
    %broadcast_in_dim3A_844 = vector.broadcast %jit3A_842 : f32 to vector<16xf32>
    %select_n3A_845 = arith.select %ne3A_840, %broadcast_in_dim3A_843, %broadcast_in_dim3A_844 : vector<16xi1>, vector<16xf32>
    %add3A_846 = arith.addf %add3A_816, %select_n3A_845 : vector<16xf32>
    %get3A_847 = arith.constant 448 : index
    %get3A_848 = tpu.vector_load %arg9[%get3A_847] {strides = array<i32>} : memref<2048xf32, #tpu.memory_space<vmem>>, vector<16xf32>,
    %get3A_849 = vector.shape_cast %get3A_848 : vector<16xf32> to vector<16xf32>
    %jit3A_850 = arith.constant 0.000000e+00 : f32
    %broadcast_in_dim3A_851 = vector.broadcast %jit3A_850 : f32 to vector<16xf32>
    %select_n3A_852 = arith.select %ne3A_840, %get3A_849, %broadcast_in_dim3A_851 : vector<16xi1>, vector<16xf32>
    %add3A_853 = arith.addf %add3A_823, %select_n3A_852 : vector<16xf32>
    %get3A_854 = arith.constant 448 : index
    %get3A_855 = tpu.vector_load %arg8[%get3A_854] {strides = array<i32>} : memref<2048xf32, #tpu.memory_space<vmem>>, vector<16xf32>,
    %get3A_856 = vector.shape_cast %get3A_855 : vector<16xf32> to vector<16xf32>
    %get3A_857 = arith.constant 448 : index
    %get3A_858 = tpu.vector_load %arg10[%get3A_857] {strides = array<i32>} : memref<2048xf32, #tpu.memory_space<vmem>>, vector<16xf32>,
    %get3A_859 = vector.shape_cast %get3A_858 : vector<16xf32> to vector<16xf32>
    %sub3A_860 = arith.subf %get3A_856, %get3A_859 : vector<16xf32>
    %jit3A_861 = arith.constant 0.000000e+00 : f32
    %broadcast_in_dim3A_862 = vector.broadcast %jit3A_861 : f32 to vector<16xf32>
    %select_n3A_863 = arith.select %ne3A_840, %sub3A_860, %broadcast_in_dim3A_862 : vector<16xi1>, vector<16xf32>
    %add3A_864 = arith.addf %add3A_834, %select_n3A_863 : vector<16xf32>
    %get3A_865 = arith.constant 464 : index
    %get3A_866 = tpu.vector_load %arg7[%get3A_865] {strides = array<i32>} : memref<2048xi32, #tpu.memory_space<vmem>>, vector<16xi32>,
    %get3A_867 = vector.shape_cast %get3A_866 : vector<16xi32> to vector<16xi32>
    %ne3A_868 = arith.constant 0 : i32
    %ne3A_869 = vector.broadcast %ne3A_868 : i32 to vector<16xi32>
    %ne3A_870 = arith.cmpi ne, %get3A_867, %ne3A_869 : vector<16xi32>
    %jit3A_871 = arith.constant 1.000000e+00 : f32
    %jit3A_872 = arith.constant 0.000000e+00 : f32
    %broadcast_in_dim3A_873 = vector.broadcast %jit3A_871 : f32 to vector<16xf32>
    %broadcast_in_dim3A_874 = vector.broadcast %jit3A_872 : f32 to vector<16xf32>
    %select_n3A_875 = arith.select %ne3A_870, %broadcast_in_dim3A_873, %broadcast_in_dim3A_874 : vector<16xi1>, vector<16xf32>
    %add3A_876 = arith.addf %add3A_846, %select_n3A_875 : vector<16xf32>
    %get3A_877 = arith.constant 464 : index
    %get3A_878 = tpu.vector_load %arg9[%get3A_877] {strides = array<i32>} : memref<2048xf32, #tpu.memory_space<vmem>>, vector<16xf32>,
    %get3A_879 = vector.shape_cast %get3A_878 : vector<16xf32> to vector<16xf32>
    %jit3A_880 = arith.constant 0.000000e+00 : f32
    %broadcast_in_dim3A_881 = vector.broadcast %jit3A_880 : f32 to vector<16xf32>
    %select_n3A_882 = arith.select %ne3A_870, %get3A_879, %broadcast_in_dim3A_881 : vector<16xi1>, vector<16xf32>
    %add3A_883 = arith.addf %add3A_853, %select_n3A_882 : vector<16xf32>
    %get3A_884 = arith.constant 464 : index
    %get3A_885 = tpu.vector_load %arg8[%get3A_884] {strides = array<i32>} : memref<2048xf32, #tpu.memory_space<vmem>>, vector<16xf32>,
    %get3A_886 = vector.shape_cast %get3A_885 : vector<16xf32> to vector<16xf32>
    %get3A_887 = arith.constant 464 : index
    %get3A_888 = tpu.vector_load %arg10[%get3A_887] {strides = array<i32>} : memref<2048xf32, #tpu.memory_space<vmem>>, vector<16xf32>,
    %get3A_889 = vector.shape_cast %get3A_888 : vector<16xf32> to vector<16xf32>
    %sub3A_890 = arith.subf %get3A_886, %get3A_889 : vector<16xf32>
    %jit3A_891 = arith.constant 0.000000e+00 : f32
    %broadcast_in_dim3A_892 = vector.broadcast %jit3A_891 : f32 to vector<16xf32>
    %select_n3A_893 = arith.select %ne3A_870, %sub3A_890, %broadcast_in_dim3A_892 : vector<16xi1>, vector<16xf32>
    %add3A_894 = arith.addf %add3A_864, %select_n3A_893 : vector<16xf32>
    %get3A_895 = arith.constant 480 : index
    %get3A_896 = tpu.vector_load %arg7[%get3A_895] {strides = array<i32>} : memref<2048xi32, #tpu.memory_space<vmem>>, vector<16xi32>,
    %get3A_897 = vector.shape_cast %get3A_896 : vector<16xi32> to vector<16xi32>
    %ne3A_898 = arith.constant 0 : i32
    %ne3A_899 = vector.broadcast %ne3A_898 : i32 to vector<16xi32>
    %ne3A_900 = arith.cmpi ne, %get3A_897, %ne3A_899 : vector<16xi32>
    %jit3A_901 = arith.constant 1.000000e+00 : f32
    %jit3A_902 = arith.constant 0.000000e+00 : f32
    %broadcast_in_dim3A_903 = vector.broadcast %jit3A_901 : f32 to vector<16xf32>
    %broadcast_in_dim3A_904 = vector.broadcast %jit3A_902 : f32 to vector<16xf32>
    %select_n3A_905 = arith.select %ne3A_900, %broadcast_in_dim3A_903, %broadcast_in_dim3A_904 : vector<16xi1>, vector<16xf32>
    %add3A_906 = arith.addf %add3A_876, %select_n3A_905 : vector<16xf32>
    %get3A_907 = arith.constant 480 : index
    %get3A_908 = tpu.vector_load %arg9[%get3A_907] {strides = array<i32>} : memref<2048xf32, #tpu.memory_space<vmem>>, vector<16xf32>,
    %get3A_909 = vector.shape_cast %get3A_908 : vector<16xf32> to vector<16xf32>
    %jit3A_910 = arith.constant 0.000000e+00 : f32
    %broadcast_in_dim3A_911 = vector.broadcast %jit3A_910 : f32 to vector<16xf32>
    %select_n3A_912 = arith.select %ne3A_900, %get3A_909, %broadcast_in_dim3A_911 : vector<16xi1>, vector<16xf32>
    %add3A_913 = arith.addf %add3A_883, %select_n3A_912 : vector<16xf32>
    %get3A_914 = arith.constant 480 : index
    %get3A_915 = tpu.vector_load %arg8[%get3A_914] {strides = array<i32>} : memref<2048xf32, #tpu.memory_space<vmem>>, vector<16xf32>,
    %get3A_916 = vector.shape_cast %get3A_915 : vector<16xf32> to vector<16xf32>
    %get3A_917 = arith.constant 480 : index
    %get3A_918 = tpu.vector_load %arg10[%get3A_917] {strides = array<i32>} : memref<2048xf32, #tpu.memory_space<vmem>>, vector<16xf32>,
    %get3A_919 = vector.shape_cast %get3A_918 : vector<16xf32> to vector<16xf32>
    %sub3A_920 = arith.subf %get3A_916, %get3A_919 : vector<16xf32>
    %jit3A_921 = arith.constant 0.000000e+00 : f32
    %broadcast_in_dim3A_922 = vector.broadcast %jit3A_921 : f32 to vector<16xf32>
    %select_n3A_923 = arith.select %ne3A_900, %sub3A_920, %broadcast_in_dim3A_922 : vector<16xi1>, vector<16xf32>
    %add3A_924 = arith.addf %add3A_894, %select_n3A_923 : vector<16xf32>
    %get3A_925 = arith.constant 496 : index
    %get3A_926 = tpu.vector_load %arg7[%get3A_925] {strides = array<i32>} : memref<2048xi32, #tpu.memory_space<vmem>>, vector<16xi32>,
    %get3A_927 = vector.shape_cast %get3A_926 : vector<16xi32> to vector<16xi32>
    %ne3A_928 = arith.constant 0 : i32
    %ne3A_929 = vector.broadcast %ne3A_928 : i32 to vector<16xi32>
    %ne3A_930 = arith.cmpi ne, %get3A_927, %ne3A_929 : vector<16xi32>
    %jit3A_931 = arith.constant 1.000000e+00 : f32
    %jit3A_932 = arith.constant 0.000000e+00 : f32
    %broadcast_in_dim3A_933 = vector.broadcast %jit3A_931 : f32 to vector<16xf32>
    %broadcast_in_dim3A_934 = vector.broadcast %jit3A_932 : f32 to vector<16xf32>
    %select_n3A_935 = arith.select %ne3A_930, %broadcast_in_dim3A_933, %broadcast_in_dim3A_934 : vector<16xi1>, vector<16xf32>
    %add3A_936 = arith.addf %add3A_906, %select_n3A_935 : vector<16xf32>
    %get3A_937 = arith.constant 496 : index
    %get3A_938 = tpu.vector_load %arg9[%get3A_937] {strides = array<i32>} : memref<2048xf32, #tpu.memory_space<vmem>>, vector<16xf32>,
    %get3A_939 = vector.shape_cast %get3A_938 : vector<16xf32> to vector<16xf32>
    %jit3A_940 = arith.constant 0.000000e+00 : f32
    %broadcast_in_dim3A_941 = vector.broadcast %jit3A_940 : f32 to vector<16xf32>
    %select_n3A_942 = arith.select %ne3A_930, %get3A_939, %broadcast_in_dim3A_941 : vector<16xi1>, vector<16xf32>
    %add3A_943 = arith.addf %add3A_913, %select_n3A_942 : vector<16xf32>
    %get3A_944 = arith.constant 496 : index
    %get3A_945 = tpu.vector_load %arg8[%get3A_944] {strides = array<i32>} : memref<2048xf32, #tpu.memory_space<vmem>>, vector<16xf32>,
    %get3A_946 = vector.shape_cast %get3A_945 : vector<16xf32> to vector<16xf32>
    %get3A_947 = arith.constant 496 : index
    %get3A_948 = tpu.vector_load %arg10[%get3A_947] {strides = array<i32>} : memref<2048xf32, #tpu.memory_space<vmem>>, vector<16xf32>,
    %get3A_949 = vector.shape_cast %get3A_948 : vector<16xf32> to vector<16xf32>
    %sub3A_950 = arith.subf %get3A_946, %get3A_949 : vector<16xf32>
    %jit3A_951 = arith.constant 0.000000e+00 : f32
    %broadcast_in_dim3A_952 = vector.broadcast %jit3A_951 : f32 to vector<16xf32>
    %select_n3A_953 = arith.select %ne3A_930, %sub3A_950, %broadcast_in_dim3A_952 : vector<16xi1>, vector<16xf32>
    %add3A_954 = arith.addf %add3A_924, %select_n3A_953 : vector<16xf32>
    %get3A_955 = arith.constant 512 : index
    %get3A_956 = tpu.vector_load %arg7[%get3A_955] {strides = array<i32>} : memref<2048xi32, #tpu.memory_space<vmem>>, vector<16xi32>,
    %get3A_957 = vector.shape_cast %get3A_956 : vector<16xi32> to vector<16xi32>
    %ne3A_958 = arith.constant 0 : i32
    %ne3A_959 = vector.broadcast %ne3A_958 : i32 to vector<16xi32>
    %ne3A_960 = arith.cmpi ne, %get3A_957, %ne3A_959 : vector<16xi32>
    %jit3A_961 = arith.constant 1.000000e+00 : f32
    %jit3A_962 = arith.constant 0.000000e+00 : f32
    %broadcast_in_dim3A_963 = vector.broadcast %jit3A_961 : f32 to vector<16xf32>
    %broadcast_in_dim3A_964 = vector.broadcast %jit3A_962 : f32 to vector<16xf32>
    %select_n3A_965 = arith.select %ne3A_960, %broadcast_in_dim3A_963, %broadcast_in_dim3A_964 : vector<16xi1>, vector<16xf32>
    %add3A_966 = arith.addf %add3A_936, %select_n3A_965 : vector<16xf32>
    %get3A_967 = arith.constant 512 : index
    %get3A_968 = tpu.vector_load %arg9[%get3A_967] {strides = array<i32>} : memref<2048xf32, #tpu.memory_space<vmem>>, vector<16xf32>,
    %get3A_969 = vector.shape_cast %get3A_968 : vector<16xf32> to vector<16xf32>
    %jit3A_970 = arith.constant 0.000000e+00 : f32
    %broadcast_in_dim3A_971 = vector.broadcast %jit3A_970 : f32 to vector<16xf32>
    %select_n3A_972 = arith.select %ne3A_960, %get3A_969, %broadcast_in_dim3A_971 : vector<16xi1>, vector<16xf32>
    %add3A_973 = arith.addf %add3A_943, %select_n3A_972 : vector<16xf32>
    %get3A_974 = arith.constant 512 : index
    %get3A_975 = tpu.vector_load %arg8[%get3A_974] {strides = array<i32>} : memref<2048xf32, #tpu.memory_space<vmem>>, vector<16xf32>,
    %get3A_976 = vector.shape_cast %get3A_975 : vector<16xf32> to vector<16xf32>
    %get3A_977 = arith.constant 512 : index
    %get3A_978 = tpu.vector_load %arg10[%get3A_977] {strides = array<i32>} : memref<2048xf32, #tpu.memory_space<vmem>>, vector<16xf32>,
    %get3A_979 = vector.shape_cast %get3A_978 : vector<16xf32> to vector<16xf32>
    %sub3A_980 = arith.subf %get3A_976, %get3A_979 : vector<16xf32>
    %jit3A_981 = arith.constant 0.000000e+00 : f32
    %broadcast_in_dim3A_982 = vector.broadcast %jit3A_981 : f32 to vector<16xf32>
    %select_n3A_983 = arith.select %ne3A_960, %sub3A_980, %broadcast_in_dim3A_982 : vector<16xi1>, vector<16xf32>
    %add3A_984 = arith.addf %add3A_954, %select_n3A_983 : vector<16xf32>
    %get3A_985 = arith.constant 528 : index
    %get3A_986 = tpu.vector_load %arg7[%get3A_985] {strides = array<i32>} : memref<2048xi32, #tpu.memory_space<vmem>>, vector<16xi32>,
    %get3A_987 = vector.shape_cast %get3A_986 : vector<16xi32> to vector<16xi32>
    %ne3A_988 = arith.constant 0 : i32
    %ne3A_989 = vector.broadcast %ne3A_988 : i32 to vector<16xi32>
    %ne3A_990 = arith.cmpi ne, %get3A_987, %ne3A_989 : vector<16xi32>
    %jit3A_991 = arith.constant 1.000000e+00 : f32
    %jit3A_992 = arith.constant 0.000000e+00 : f32
    %broadcast_in_dim3A_993 = vector.broadcast %jit3A_991 : f32 to vector<16xf32>
    %broadcast_in_dim3A_994 = vector.broadcast %jit3A_992 : f32 to vector<16xf32>
    %select_n3A_995 = arith.select %ne3A_990, %broadcast_in_dim3A_993, %broadcast_in_dim3A_994 : vector<16xi1>, vector<16xf32>
    %add3A_996 = arith.addf %add3A_966, %select_n3A_995 : vector<16xf32>
    %get3A_997 = arith.constant 528 : index
    %get3A_998 = tpu.vector_load %arg9[%get3A_997] {strides = array<i32>} : memref<2048xf32, #tpu.memory_space<vmem>>, vector<16xf32>,
    %get3A_999 = vector.shape_cast %get3A_998 : vector<16xf32> to vector<16xf32>
    %jit3A_1000 = arith.constant 0.000000e+00 : f32
    %broadcast_in_dim3A_1001 = vector.broadcast %jit3A_1000 : f32 to vector<16xf32>
    %select_n3A_1002 = arith.select %ne3A_990, %get3A_999, %broadcast_in_dim3A_1001 : vector<16xi1>, vector<16xf32>
    %add3A_1003 = arith.addf %add3A_973, %select_n3A_1002 : vector<16xf32>
    %get3A_1004 = arith.constant 528 : index
    %get3A_1005 = tpu.vector_load %arg8[%get3A_1004] {strides = array<i32>} : memref<2048xf32, #tpu.memory_space<vmem>>, vector<16xf32>,
    %get3A_1006 = vector.shape_cast %get3A_1005 : vector<16xf32> to vector<16xf32>
    %get3A_1007 = arith.constant 528 : index
    %get3A_1008 = tpu.vector_load %arg10[%get3A_1007] {strides = array<i32>} : memref<2048xf32, #tpu.memory_space<vmem>>, vector<16xf32>,
    %get3A_1009 = vector.shape_cast %get3A_1008 : vector<16xf32> to vector<16xf32>
    %sub3A_1010 = arith.subf %get3A_1006, %get3A_1009 : vector<16xf32>
    %jit3A_1011 = arith.constant 0.000000e+00 : f32
    %broadcast_in_dim3A_1012 = vector.broadcast %jit3A_1011 : f32 to vector<16xf32>
    %select_n3A_1013 = arith.select %ne3A_990, %sub3A_1010, %broadcast_in_dim3A_1012 : vector<16xi1>, vector<16xf32>
    %add3A_1014 = arith.addf %add3A_984, %select_n3A_1013 : vector<16xf32>
    %get3A_1015 = arith.constant 544 : index
    %get3A_1016 = tpu.vector_load %arg7[%get3A_1015] {strides = array<i32>} : memref<2048xi32, #tpu.memory_space<vmem>>, vector<16xi32>,
    %get3A_1017 = vector.shape_cast %get3A_1016 : vector<16xi32> to vector<16xi32>
    %ne3A_1018 = arith.constant 0 : i32
    %ne3A_1019 = vector.broadcast %ne3A_1018 : i32 to vector<16xi32>
    %ne3A_1020 = arith.cmpi ne, %get3A_1017, %ne3A_1019 : vector<16xi32>
    %jit3A_1021 = arith.constant 1.000000e+00 : f32
    %jit3A_1022 = arith.constant 0.000000e+00 : f32
    %broadcast_in_dim3A_1023 = vector.broadcast %jit3A_1021 : f32 to vector<16xf32>
    %broadcast_in_dim3A_1024 = vector.broadcast %jit3A_1022 : f32 to vector<16xf32>
    %select_n3A_1025 = arith.select %ne3A_1020, %broadcast_in_dim3A_1023, %broadcast_in_dim3A_1024 : vector<16xi1>, vector<16xf32>
    %add3A_1026 = arith.addf %add3A_996, %select_n3A_1025 : vector<16xf32>
    %get3A_1027 = arith.constant 544 : index
    %get3A_1028 = tpu.vector_load %arg9[%get3A_1027] {strides = array<i32>} : memref<2048xf32, #tpu.memory_space<vmem>>, vector<16xf32>,
    %get3A_1029 = vector.shape_cast %get3A_1028 : vector<16xf32> to vector<16xf32>
    %jit3A_1030 = arith.constant 0.000000e+00 : f32
    %broadcast_in_dim3A_1031 = vector.broadcast %jit3A_1030 : f32 to vector<16xf32>
    %select_n3A_1032 = arith.select %ne3A_1020, %get3A_1029, %broadcast_in_dim3A_1031 : vector<16xi1>, vector<16xf32>
    %add3A_1033 = arith.addf %add3A_1003, %select_n3A_1032 : vector<16xf32>
    %get3A_1034 = arith.constant 544 : index
    %get3A_1035 = tpu.vector_load %arg8[%get3A_1034] {strides = array<i32>} : memref<2048xf32, #tpu.memory_space<vmem>>, vector<16xf32>,
    %get3A_1036 = vector.shape_cast %get3A_1035 : vector<16xf32> to vector<16xf32>
    %get3A_1037 = arith.constant 544 : index
    %get3A_1038 = tpu.vector_load %arg10[%get3A_1037] {strides = array<i32>} : memref<2048xf32, #tpu.memory_space<vmem>>, vector<16xf32>,
    %get3A_1039 = vector.shape_cast %get3A_1038 : vector<16xf32> to vector<16xf32>
    %sub3A_1040 = arith.subf %get3A_1036, %get3A_1039 : vector<16xf32>
    %jit3A_1041 = arith.constant 0.000000e+00 : f32
    %broadcast_in_dim3A_1042 = vector.broadcast %jit3A_1041 : f32 to vector<16xf32>
    %select_n3A_1043 = arith.select %ne3A_1020, %sub3A_1040, %broadcast_in_dim3A_1042 : vector<16xi1>, vector<16xf32>
    %add3A_1044 = arith.addf %add3A_1014, %select_n3A_1043 : vector<16xf32>
    %get3A_1045 = arith.constant 560 : index
    %get3A_1046 = tpu.vector_load %arg7[%get3A_1045] {strides = array<i32>} : memref<2048xi32, #tpu.memory_space<vmem>>, vector<16xi32>,
    %get3A_1047 = vector.shape_cast %get3A_1046 : vector<16xi32> to vector<16xi32>
    %ne3A_1048 = arith.constant 0 : i32
    %ne3A_1049 = vector.broadcast %ne3A_1048 : i32 to vector<16xi32>
    %ne3A_1050 = arith.cmpi ne, %get3A_1047, %ne3A_1049 : vector<16xi32>
    %jit3A_1051 = arith.constant 1.000000e+00 : f32
    %jit3A_1052 = arith.constant 0.000000e+00 : f32
    %broadcast_in_dim3A_1053 = vector.broadcast %jit3A_1051 : f32 to vector<16xf32>
    %broadcast_in_dim3A_1054 = vector.broadcast %jit3A_1052 : f32 to vector<16xf32>
    %select_n3A_1055 = arith.select %ne3A_1050, %broadcast_in_dim3A_1053, %broadcast_in_dim3A_1054 : vector<16xi1>, vector<16xf32>
    %add3A_1056 = arith.addf %add3A_1026, %select_n3A_1055 : vector<16xf32>
    %get3A_1057 = arith.constant 560 : index
    %get3A_1058 = tpu.vector_load %arg9[%get3A_1057] {strides = array<i32>} : memref<2048xf32, #tpu.memory_space<vmem>>, vector<16xf32>,
    %get3A_1059 = vector.shape_cast %get3A_1058 : vector<16xf32> to vector<16xf32>
    %jit3A_1060 = arith.constant 0.000000e+00 : f32
    %broadcast_in_dim3A_1061 = vector.broadcast %jit3A_1060 : f32 to vector<16xf32>
    %select_n3A_1062 = arith.select %ne3A_1050, %get3A_1059, %broadcast_in_dim3A_1061 : vector<16xi1>, vector<16xf32>
    %add3A_1063 = arith.addf %add3A_1033, %select_n3A_1062 : vector<16xf32>
    %get3A_1064 = arith.constant 560 : index
    %get3A_1065 = tpu.vector_load %arg8[%get3A_1064] {strides = array<i32>} : memref<2048xf32, #tpu.memory_space<vmem>>, vector<16xf32>,
    %get3A_1066 = vector.shape_cast %get3A_1065 : vector<16xf32> to vector<16xf32>
    %get3A_1067 = arith.constant 560 : index
    %get3A_1068 = tpu.vector_load %arg10[%get3A_1067] {strides = array<i32>} : memref<2048xf32, #tpu.memory_space<vmem>>, vector<16xf32>,
    %get3A_1069 = vector.shape_cast %get3A_1068 : vector<16xf32> to vector<16xf32>
    %sub3A_1070 = arith.subf %get3A_1066, %get3A_1069 : vector<16xf32>
    %jit3A_1071 = arith.constant 0.000000e+00 : f32
    %broadcast_in_dim3A_1072 = vector.broadcast %jit3A_1071 : f32 to vector<16xf32>
    %select_n3A_1073 = arith.select %ne3A_1050, %sub3A_1070, %broadcast_in_dim3A_1072 : vector<16xi1>, vector<16xf32>
    %add3A_1074 = arith.addf %add3A_1044, %select_n3A_1073 : vector<16xf32>
    %get3A_1075 = arith.constant 576 : index
    %get3A_1076 = tpu.vector_load %arg7[%get3A_1075] {strides = array<i32>} : memref<2048xi32, #tpu.memory_space<vmem>>, vector<16xi32>,
    %get3A_1077 = vector.shape_cast %get3A_1076 : vector<16xi32> to vector<16xi32>
    %ne3A_1078 = arith.constant 0 : i32
    %ne3A_1079 = vector.broadcast %ne3A_1078 : i32 to vector<16xi32>
    %ne3A_1080 = arith.cmpi ne, %get3A_1077, %ne3A_1079 : vector<16xi32>
    %jit3A_1081 = arith.constant 1.000000e+00 : f32
    %jit3A_1082 = arith.constant 0.000000e+00 : f32
    %broadcast_in_dim3A_1083 = vector.broadcast %jit3A_1081 : f32 to vector<16xf32>
    %broadcast_in_dim3A_1084 = vector.broadcast %jit3A_1082 : f32 to vector<16xf32>
    %select_n3A_1085 = arith.select %ne3A_1080, %broadcast_in_dim3A_1083, %broadcast_in_dim3A_1084 : vector<16xi1>, vector<16xf32>
    %add3A_1086 = arith.addf %add3A_1056, %select_n3A_1085 : vector<16xf32>
    %get3A_1087 = arith.constant 576 : index
    %get3A_1088 = tpu.vector_load %arg9[%get3A_1087] {strides = array<i32>} : memref<2048xf32, #tpu.memory_space<vmem>>, vector<16xf32>,
    %get3A_1089 = vector.shape_cast %get3A_1088 : vector<16xf32> to vector<16xf32>
    %jit3A_1090 = arith.constant 0.000000e+00 : f32
    %broadcast_in_dim3A_1091 = vector.broadcast %jit3A_1090 : f32 to vector<16xf32>
    %select_n3A_1092 = arith.select %ne3A_1080, %get3A_1089, %broadcast_in_dim3A_1091 : vector<16xi1>, vector<16xf32>
    %add3A_1093 = arith.addf %add3A_1063, %select_n3A_1092 : vector<16xf32>
    %get3A_1094 = arith.constant 576 : index
    %get3A_1095 = tpu.vector_load %arg8[%get3A_1094] {strides = array<i32>} : memref<2048xf32, #tpu.memory_space<vmem>>, vector<16xf32>,
    %get3A_1096 = vector.shape_cast %get3A_1095 : vector<16xf32> to vector<16xf32>
    %get3A_1097 = arith.constant 576 : index
    %get3A_1098 = tpu.vector_load %arg10[%get3A_1097] {strides = array<i32>} : memref<2048xf32, #tpu.memory_space<vmem>>, vector<16xf32>,
    %get3A_1099 = vector.shape_cast %get3A_1098 : vector<16xf32> to vector<16xf32>
    %sub3A_1100 = arith.subf %get3A_1096, %get3A_1099 : vector<16xf32>
    %jit3A_1101 = arith.constant 0.000000e+00 : f32
    %broadcast_in_dim3A_1102 = vector.broadcast %jit3A_1101 : f32 to vector<16xf32>
    %select_n3A_1103 = arith.select %ne3A_1080, %sub3A_1100, %broadcast_in_dim3A_1102 : vector<16xi1>, vector<16xf32>
    %add3A_1104 = arith.addf %add3A_1074, %select_n3A_1103 : vector<16xf32>
    %get3A_1105 = arith.constant 592 : index
    %get3A_1106 = tpu.vector_load %arg7[%get3A_1105] {strides = array<i32>} : memref<2048xi32, #tpu.memory_space<vmem>>, vector<16xi32>,
    %get3A_1107 = vector.shape_cast %get3A_1106 : vector<16xi32> to vector<16xi32>
    %ne3A_1108 = arith.constant 0 : i32
    %ne3A_1109 = vector.broadcast %ne3A_1108 : i32 to vector<16xi32>
    %ne3A_1110 = arith.cmpi ne, %get3A_1107, %ne3A_1109 : vector<16xi32>
    %jit3A_1111 = arith.constant 1.000000e+00 : f32
    %jit3A_1112 = arith.constant 0.000000e+00 : f32
    %broadcast_in_dim3A_1113 = vector.broadcast %jit3A_1111 : f32 to vector<16xf32>
    %broadcast_in_dim3A_1114 = vector.broadcast %jit3A_1112 : f32 to vector<16xf32>
    %select_n3A_1115 = arith.select %ne3A_1110, %broadcast_in_dim3A_1113, %broadcast_in_dim3A_1114 : vector<16xi1>, vector<16xf32>
    %add3A_1116 = arith.addf %add3A_1086, %select_n3A_1115 : vector<16xf32>
    %get3A_1117 = arith.constant 592 : index
    %get3A_1118 = tpu.vector_load %arg9[%get3A_1117] {strides = array<i32>} : memref<2048xf32, #tpu.memory_space<vmem>>, vector<16xf32>,
    %get3A_1119 = vector.shape_cast %get3A_1118 : vector<16xf32> to vector<16xf32>
    %jit3A_1120 = arith.constant 0.000000e+00 : f32
    %broadcast_in_dim3A_1121 = vector.broadcast %jit3A_1120 : f32 to vector<16xf32>
    %select_n3A_1122 = arith.select %ne3A_1110, %get3A_1119, %broadcast_in_dim3A_1121 : vector<16xi1>, vector<16xf32>
    %add3A_1123 = arith.addf %add3A_1093, %select_n3A_1122 : vector<16xf32>
    %get3A_1124 = arith.constant 592 : index
    %get3A_1125 = tpu.vector_load %arg8[%get3A_1124] {strides = array<i32>} : memref<2048xf32, #tpu.memory_space<vmem>>, vector<16xf32>,
    %get3A_1126 = vector.shape_cast %get3A_1125 : vector<16xf32> to vector<16xf32>
    %get3A_1127 = arith.constant 592 : index
    %get3A_1128 = tpu.vector_load %arg10[%get3A_1127] {strides = array<i32>} : memref<2048xf32, #tpu.memory_space<vmem>>, vector<16xf32>,
    %get3A_1129 = vector.shape_cast %get3A_1128 : vector<16xf32> to vector<16xf32>
    %sub3A_1130 = arith.subf %get3A_1126, %get3A_1129 : vector<16xf32>
    %jit3A_1131 = arith.constant 0.000000e+00 : f32
    %broadcast_in_dim3A_1132 = vector.broadcast %jit3A_1131 : f32 to vector<16xf32>
    %select_n3A_1133 = arith.select %ne3A_1110, %sub3A_1130, %broadcast_in_dim3A_1132 : vector<16xi1>, vector<16xf32>
    %add3A_1134 = arith.addf %add3A_1104, %select_n3A_1133 : vector<16xf32>
    %get3A_1135 = arith.constant 608 : index
    %get3A_1136 = tpu.vector_load %arg7[%get3A_1135] {strides = array<i32>} : memref<2048xi32, #tpu.memory_space<vmem>>, vector<16xi32>,
    %get3A_1137 = vector.shape_cast %get3A_1136 : vector<16xi32> to vector<16xi32>
    %ne3A_1138 = arith.constant 0 : i32
    %ne3A_1139 = vector.broadcast %ne3A_1138 : i32 to vector<16xi32>
    %ne3A_1140 = arith.cmpi ne, %get3A_1137, %ne3A_1139 : vector<16xi32>
    %jit3A_1141 = arith.constant 1.000000e+00 : f32
    %jit3A_1142 = arith.constant 0.000000e+00 : f32
    %broadcast_in_dim3A_1143 = vector.broadcast %jit3A_1141 : f32 to vector<16xf32>
    %broadcast_in_dim3A_1144 = vector.broadcast %jit3A_1142 : f32 to vector<16xf32>
    %select_n3A_1145 = arith.select %ne3A_1140, %broadcast_in_dim3A_1143, %broadcast_in_dim3A_1144 : vector<16xi1>, vector<16xf32>
    %add3A_1146 = arith.addf %add3A_1116, %select_n3A_1145 : vector<16xf32>
    %get3A_1147 = arith.constant 608 : index
    %get3A_1148 = tpu.vector_load %arg9[%get3A_1147] {strides = array<i32>} : memref<2048xf32, #tpu.memory_space<vmem>>, vector<16xf32>,
    %get3A_1149 = vector.shape_cast %get3A_1148 : vector<16xf32> to vector<16xf32>
    %jit3A_1150 = arith.constant 0.000000e+00 : f32
    %broadcast_in_dim3A_1151 = vector.broadcast %jit3A_1150 : f32 to vector<16xf32>
    %select_n3A_1152 = arith.select %ne3A_1140, %get3A_1149, %broadcast_in_dim3A_1151 : vector<16xi1>, vector<16xf32>
    %add3A_1153 = arith.addf %add3A_1123, %select_n3A_1152 : vector<16xf32>
    %get3A_1154 = arith.constant 608 : index
    %get3A_1155 = tpu.vector_load %arg8[%get3A_1154] {strides = array<i32>} : memref<2048xf32, #tpu.memory_space<vmem>>, vector<16xf32>,
    %get3A_1156 = vector.shape_cast %get3A_1155 : vector<16xf32> to vector<16xf32>
    %get3A_1157 = arith.constant 608 : index
    %get3A_1158 = tpu.vector_load %arg10[%get3A_1157] {strides = array<i32>} : memref<2048xf32, #tpu.memory_space<vmem>>, vector<16xf32>,
    %get3A_1159 = vector.shape_cast %get3A_1158 : vector<16xf32> to vector<16xf32>
    %sub3A_1160 = arith.subf %get3A_1156, %get3A_1159 : vector<16xf32>
    %jit3A_1161 = arith.constant 0.000000e+00 : f32
    %broadcast_in_dim3A_1162 = vector.broadcast %jit3A_1161 : f32 to vector<16xf32>
    %select_n3A_1163 = arith.select %ne3A_1140, %sub3A_1160, %broadcast_in_dim3A_1162 : vector<16xi1>, vector<16xf32>
    %add3A_1164 = arith.addf %add3A_1134, %select_n3A_1163 : vector<16xf32>
    %get3A_1165 = arith.constant 624 : index
    %get3A_1166 = tpu.vector_load %arg7[%get3A_1165] {strides = array<i32>} : memref<2048xi32, #tpu.memory_space<vmem>>, vector<16xi32>,
    %get3A_1167 = vector.shape_cast %get3A_1166 : vector<16xi32> to vector<16xi32>
    %ne3A_1168 = arith.constant 0 : i32
    %ne3A_1169 = vector.broadcast %ne3A_1168 : i32 to vector<16xi32>
    %ne3A_1170 = arith.cmpi ne, %get3A_1167, %ne3A_1169 : vector<16xi32>
    %jit3A_1171 = arith.constant 1.000000e+00 : f32
    %jit3A_1172 = arith.constant 0.000000e+00 : f32
    %broadcast_in_dim3A_1173 = vector.broadcast %jit3A_1171 : f32 to vector<16xf32>
    %broadcast_in_dim3A_1174 = vector.broadcast %jit3A_1172 : f32 to vector<16xf32>
    %select_n3A_1175 = arith.select %ne3A_1170, %broadcast_in_dim3A_1173, %broadcast_in_dim3A_1174 : vector<16xi1>, vector<16xf32>
    %add3A_1176 = arith.addf %add3A_1146, %select_n3A_1175 : vector<16xf32>
    %get3A_1177 = arith.constant 624 : index
    %get3A_1178 = tpu.vector_load %arg9[%get3A_1177] {strides = array<i32>} : memref<2048xf32, #tpu.memory_space<vmem>>, vector<16xf32>,
    %get3A_1179 = vector.shape_cast %get3A_1178 : vector<16xf32> to vector<16xf32>
    %jit3A_1180 = arith.constant 0.000000e+00 : f32
    %broadcast_in_dim3A_1181 = vector.broadcast %jit3A_1180 : f32 to vector<16xf32>
    %select_n3A_1182 = arith.select %ne3A_1170, %get3A_1179, %broadcast_in_dim3A_1181 : vector<16xi1>, vector<16xf32>
    %add3A_1183 = arith.addf %add3A_1153, %select_n3A_1182 : vector<16xf32>
    %get3A_1184 = arith.constant 624 : index
    %get3A_1185 = tpu.vector_load %arg8[%get3A_1184] {strides = array<i32>} : memref<2048xf32, #tpu.memory_space<vmem>>, vector<16xf32>,
    %get3A_1186 = vector.shape_cast %get3A_1185 : vector<16xf32> to vector<16xf32>
    %get3A_1187 = arith.constant 624 : index
    %get3A_1188 = tpu.vector_load %arg10[%get3A_1187] {strides = array<i32>} : memref<2048xf32, #tpu.memory_space<vmem>>, vector<16xf32>,
    %get3A_1189 = vector.shape_cast %get3A_1188 : vector<16xf32> to vector<16xf32>
    %sub3A_1190 = arith.subf %get3A_1186, %get3A_1189 : vector<16xf32>
    %jit3A_1191 = arith.constant 0.000000e+00 : f32
    %broadcast_in_dim3A_1192 = vector.broadcast %jit3A_1191 : f32 to vector<16xf32>
    %select_n3A_1193 = arith.select %ne3A_1170, %sub3A_1190, %broadcast_in_dim3A_1192 : vector<16xi1>, vector<16xf32>
    %add3A_1194 = arith.addf %add3A_1164, %select_n3A_1193 : vector<16xf32>
    %get3A_1195 = arith.constant 640 : index
    %get3A_1196 = tpu.vector_load %arg7[%get3A_1195] {strides = array<i32>} : memref<2048xi32, #tpu.memory_space<vmem>>, vector<16xi32>,
    %get3A_1197 = vector.shape_cast %get3A_1196 : vector<16xi32> to vector<16xi32>
    %ne3A_1198 = arith.constant 0 : i32
    %ne3A_1199 = vector.broadcast %ne3A_1198 : i32 to vector<16xi32>
    %ne3A_1200 = arith.cmpi ne, %get3A_1197, %ne3A_1199 : vector<16xi32>
    %jit3A_1201 = arith.constant 1.000000e+00 : f32
    %jit3A_1202 = arith.constant 0.000000e+00 : f32
    %broadcast_in_dim3A_1203 = vector.broadcast %jit3A_1201 : f32 to vector<16xf32>
    %broadcast_in_dim3A_1204 = vector.broadcast %jit3A_1202 : f32 to vector<16xf32>
    %select_n3A_1205 = arith.select %ne3A_1200, %broadcast_in_dim3A_1203, %broadcast_in_dim3A_1204 : vector<16xi1>, vector<16xf32>
    %add3A_1206 = arith.addf %add3A_1176, %select_n3A_1205 : vector<16xf32>
    %get3A_1207 = arith.constant 640 : index
    %get3A_1208 = tpu.vector_load %arg9[%get3A_1207] {strides = array<i32>} : memref<2048xf32, #tpu.memory_space<vmem>>, vector<16xf32>,
    %get3A_1209 = vector.shape_cast %get3A_1208 : vector<16xf32> to vector<16xf32>
    %jit3A_1210 = arith.constant 0.000000e+00 : f32
    %broadcast_in_dim3A_1211 = vector.broadcast %jit3A_1210 : f32 to vector<16xf32>
    %select_n3A_1212 = arith.select %ne3A_1200, %get3A_1209, %broadcast_in_dim3A_1211 : vector<16xi1>, vector<16xf32>
    %add3A_1213 = arith.addf %add3A_1183, %select_n3A_1212 : vector<16xf32>
    %get3A_1214 = arith.constant 640 : index
    %get3A_1215 = tpu.vector_load %arg8[%get3A_1214] {strides = array<i32>} : memref<2048xf32, #tpu.memory_space<vmem>>, vector<16xf32>,
    %get3A_1216 = vector.shape_cast %get3A_1215 : vector<16xf32> to vector<16xf32>
    %get3A_1217 = arith.constant 640 : index
    %get3A_1218 = tpu.vector_load %arg10[%get3A_1217] {strides = array<i32>} : memref<2048xf32, #tpu.memory_space<vmem>>, vector<16xf32>,
    %get3A_1219 = vector.shape_cast %get3A_1218 : vector<16xf32> to vector<16xf32>
    %sub3A_1220 = arith.subf %get3A_1216, %get3A_1219 : vector<16xf32>
    %jit3A_1221 = arith.constant 0.000000e+00 : f32
    %broadcast_in_dim3A_1222 = vector.broadcast %jit3A_1221 : f32 to vector<16xf32>
    %select_n3A_1223 = arith.select %ne3A_1200, %sub3A_1220, %broadcast_in_dim3A_1222 : vector<16xi1>, vector<16xf32>
    %add3A_1224 = arith.addf %add3A_1194, %select_n3A_1223 : vector<16xf32>
    %get3A_1225 = arith.constant 656 : index
    %get3A_1226 = tpu.vector_load %arg7[%get3A_1225] {strides = array<i32>} : memref<2048xi32, #tpu.memory_space<vmem>>, vector<16xi32>,
    %get3A_1227 = vector.shape_cast %get3A_1226 : vector<16xi32> to vector<16xi32>
    %ne3A_1228 = arith.constant 0 : i32
    %ne3A_1229 = vector.broadcast %ne3A_1228 : i32 to vector<16xi32>
    %ne3A_1230 = arith.cmpi ne, %get3A_1227, %ne3A_1229 : vector<16xi32>
    %jit3A_1231 = arith.constant 1.000000e+00 : f32
    %jit3A_1232 = arith.constant 0.000000e+00 : f32
    %broadcast_in_dim3A_1233 = vector.broadcast %jit3A_1231 : f32 to vector<16xf32>
    %broadcast_in_dim3A_1234 = vector.broadcast %jit3A_1232 : f32 to vector<16xf32>
    %select_n3A_1235 = arith.select %ne3A_1230, %broadcast_in_dim3A_1233, %broadcast_in_dim3A_1234 : vector<16xi1>, vector<16xf32>
    %add3A_1236 = arith.addf %add3A_1206, %select_n3A_1235 : vector<16xf32>
    %get3A_1237 = arith.constant 656 : index
    %get3A_1238 = tpu.vector_load %arg9[%get3A_1237] {strides = array<i32>} : memref<2048xf32, #tpu.memory_space<vmem>>, vector<16xf32>,
    %get3A_1239 = vector.shape_cast %get3A_1238 : vector<16xf32> to vector<16xf32>
    %jit3A_1240 = arith.constant 0.000000e+00 : f32
    %broadcast_in_dim3A_1241 = vector.broadcast %jit3A_1240 : f32 to vector<16xf32>
    %select_n3A_1242 = arith.select %ne3A_1230, %get3A_1239, %broadcast_in_dim3A_1241 : vector<16xi1>, vector<16xf32>
    %add3A_1243 = arith.addf %add3A_1213, %select_n3A_1242 : vector<16xf32>
    %get3A_1244 = arith.constant 656 : index
    %get3A_1245 = tpu.vector_load %arg8[%get3A_1244] {strides = array<i32>} : memref<2048xf32, #tpu.memory_space<vmem>>, vector<16xf32>,
    %get3A_1246 = vector.shape_cast %get3A_1245 : vector<16xf32> to vector<16xf32>
    %get3A_1247 = arith.constant 656 : index
    %get3A_1248 = tpu.vector_load %arg10[%get3A_1247] {strides = array<i32>} : memref<2048xf32, #tpu.memory_space<vmem>>, vector<16xf32>,
    %get3A_1249 = vector.shape_cast %get3A_1248 : vector<16xf32> to vector<16xf32>
    %sub3A_1250 = arith.subf %get3A_1246, %get3A_1249 : vector<16xf32>
    %jit3A_1251 = arith.constant 0.000000e+00 : f32
    %broadcast_in_dim3A_1252 = vector.broadcast %jit3A_1251 : f32 to vector<16xf32>
    %select_n3A_1253 = arith.select %ne3A_1230, %sub3A_1250, %broadcast_in_dim3A_1252 : vector<16xi1>, vector<16xf32>
    %add3A_1254 = arith.addf %add3A_1224, %select_n3A_1253 : vector<16xf32>
    %get3A_1255 = arith.constant 672 : index
    %get3A_1256 = tpu.vector_load %arg7[%get3A_1255] {strides = array<i32>} : memref<2048xi32, #tpu.memory_space<vmem>>, vector<16xi32>,
    %get3A_1257 = vector.shape_cast %get3A_1256 : vector<16xi32> to vector<16xi32>
    %ne3A_1258 = arith.constant 0 : i32
    %ne3A_1259 = vector.broadcast %ne3A_1258 : i32 to vector<16xi32>
    %ne3A_1260 = arith.cmpi ne, %get3A_1257, %ne3A_1259 : vector<16xi32>
    %jit3A_1261 = arith.constant 1.000000e+00 : f32
    %jit3A_1262 = arith.constant 0.000000e+00 : f32
    %broadcast_in_dim3A_1263 = vector.broadcast %jit3A_1261 : f32 to vector<16xf32>
    %broadcast_in_dim3A_1264 = vector.broadcast %jit3A_1262 : f32 to vector<16xf32>
    %select_n3A_1265 = arith.select %ne3A_1260, %broadcast_in_dim3A_1263, %broadcast_in_dim3A_1264 : vector<16xi1>, vector<16xf32>
    %add3A_1266 = arith.addf %add3A_1236, %select_n3A_1265 : vector<16xf32>
    %get3A_1267 = arith.constant 672 : index
    %get3A_1268 = tpu.vector_load %arg9[%get3A_1267] {strides = array<i32>} : memref<2048xf32, #tpu.memory_space<vmem>>, vector<16xf32>,
    %get3A_1269 = vector.shape_cast %get3A_1268 : vector<16xf32> to vector<16xf32>
    %jit3A_1270 = arith.constant 0.000000e+00 : f32
    %broadcast_in_dim3A_1271 = vector.broadcast %jit3A_1270 : f32 to vector<16xf32>
    %select_n3A_1272 = arith.select %ne3A_1260, %get3A_1269, %broadcast_in_dim3A_1271 : vector<16xi1>, vector<16xf32>
    %add3A_1273 = arith.addf %add3A_1243, %select_n3A_1272 : vector<16xf32>
    %get3A_1274 = arith.constant 672 : index
    %get3A_1275 = tpu.vector_load %arg8[%get3A_1274] {strides = array<i32>} : memref<2048xf32, #tpu.memory_space<vmem>>, vector<16xf32>,
    %get3A_1276 = vector.shape_cast %get3A_1275 : vector<16xf32> to vector<16xf32>
    %get3A_1277 = arith.constant 672 : index
    %get3A_1278 = tpu.vector_load %arg10[%get3A_1277] {strides = array<i32>} : memref<2048xf32, #tpu.memory_space<vmem>>, vector<16xf32>,
    %get3A_1279 = vector.shape_cast %get3A_1278 : vector<16xf32> to vector<16xf32>
    %sub3A_1280 = arith.subf %get3A_1276, %get3A_1279 : vector<16xf32>
    %jit3A_1281 = arith.constant 0.000000e+00 : f32
    %broadcast_in_dim3A_1282 = vector.broadcast %jit3A_1281 : f32 to vector<16xf32>
    %select_n3A_1283 = arith.select %ne3A_1260, %sub3A_1280, %broadcast_in_dim3A_1282 : vector<16xi1>, vector<16xf32>
    %add3A_1284 = arith.addf %add3A_1254, %select_n3A_1283 : vector<16xf32>
    %get3A_1285 = arith.constant 688 : index
    %get3A_1286 = tpu.vector_load %arg7[%get3A_1285] {strides = array<i32>} : memref<2048xi32, #tpu.memory_space<vmem>>, vector<16xi32>,
    %get3A_1287 = vector.shape_cast %get3A_1286 : vector<16xi32> to vector<16xi32>
    %ne3A_1288 = arith.constant 0 : i32
    %ne3A_1289 = vector.broadcast %ne3A_1288 : i32 to vector<16xi32>
    %ne3A_1290 = arith.cmpi ne, %get3A_1287, %ne3A_1289 : vector<16xi32>
    %jit3A_1291 = arith.constant 1.000000e+00 : f32
    %jit3A_1292 = arith.constant 0.000000e+00 : f32
    %broadcast_in_dim3A_1293 = vector.broadcast %jit3A_1291 : f32 to vector<16xf32>
    %broadcast_in_dim3A_1294 = vector.broadcast %jit3A_1292 : f32 to vector<16xf32>
    %select_n3A_1295 = arith.select %ne3A_1290, %broadcast_in_dim3A_1293, %broadcast_in_dim3A_1294 : vector<16xi1>, vector<16xf32>
    %add3A_1296 = arith.addf %add3A_1266, %select_n3A_1295 : vector<16xf32>
    %get3A_1297 = arith.constant 688 : index
    %get3A_1298 = tpu.vector_load %arg9[%get3A_1297] {strides = array<i32>} : memref<2048xf32, #tpu.memory_space<vmem>>, vector<16xf32>,
    %get3A_1299 = vector.shape_cast %get3A_1298 : vector<16xf32> to vector<16xf32>
    %jit3A_1300 = arith.constant 0.000000e+00 : f32
    %broadcast_in_dim3A_1301 = vector.broadcast %jit3A_1300 : f32 to vector<16xf32>
    %select_n3A_1302 = arith.select %ne3A_1290, %get3A_1299, %broadcast_in_dim3A_1301 : vector<16xi1>, vector<16xf32>
    %add3A_1303 = arith.addf %add3A_1273, %select_n3A_1302 : vector<16xf32>
    %get3A_1304 = arith.constant 688 : index
    %get3A_1305 = tpu.vector_load %arg8[%get3A_1304] {strides = array<i32>} : memref<2048xf32, #tpu.memory_space<vmem>>, vector<16xf32>,
    %get3A_1306 = vector.shape_cast %get3A_1305 : vector<16xf32> to vector<16xf32>
    %get3A_1307 = arith.constant 688 : index
    %get3A_1308 = tpu.vector_load %arg10[%get3A_1307] {strides = array<i32>} : memref<2048xf32, #tpu.memory_space<vmem>>, vector<16xf32>,
    %get3A_1309 = vector.shape_cast %get3A_1308 : vector<16xf32> to vector<16xf32>
    %sub3A_1310 = arith.subf %get3A_1306, %get3A_1309 : vector<16xf32>
    %jit3A_1311 = arith.constant 0.000000e+00 : f32
    %broadcast_in_dim3A_1312 = vector.broadcast %jit3A_1311 : f32 to vector<16xf32>
    %select_n3A_1313 = arith.select %ne3A_1290, %sub3A_1310, %broadcast_in_dim3A_1312 : vector<16xi1>, vector<16xf32>
    %add3A_1314 = arith.addf %add3A_1284, %select_n3A_1313 : vector<16xf32>
    %get3A_1315 = arith.constant 704 : index
    %get3A_1316 = tpu.vector_load %arg7[%get3A_1315] {strides = array<i32>} : memref<2048xi32, #tpu.memory_space<vmem>>, vector<16xi32>,
    %get3A_1317 = vector.shape_cast %get3A_1316 : vector<16xi32> to vector<16xi32>
    %ne3A_1318 = arith.constant 0 : i32
    %ne3A_1319 = vector.broadcast %ne3A_1318 : i32 to vector<16xi32>
    %ne3A_1320 = arith.cmpi ne, %get3A_1317, %ne3A_1319 : vector<16xi32>
    %jit3A_1321 = arith.constant 1.000000e+00 : f32
    %jit3A_1322 = arith.constant 0.000000e+00 : f32
    %broadcast_in_dim3A_1323 = vector.broadcast %jit3A_1321 : f32 to vector<16xf32>
    %broadcast_in_dim3A_1324 = vector.broadcast %jit3A_1322 : f32 to vector<16xf32>
    %select_n3A_1325 = arith.select %ne3A_1320, %broadcast_in_dim3A_1323, %broadcast_in_dim3A_1324 : vector<16xi1>, vector<16xf32>
    %add3A_1326 = arith.addf %add3A_1296, %select_n3A_1325 : vector<16xf32>
    %get3A_1327 = arith.constant 704 : index
    %get3A_1328 = tpu.vector_load %arg9[%get3A_1327] {strides = array<i32>} : memref<2048xf32, #tpu.memory_space<vmem>>, vector<16xf32>,
    %get3A_1329 = vector.shape_cast %get3A_1328 : vector<16xf32> to vector<16xf32>
    %jit3A_1330 = arith.constant 0.000000e+00 : f32
    %broadcast_in_dim3A_1331 = vector.broadcast %jit3A_1330 : f32 to vector<16xf32>
    %select_n3A_1332 = arith.select %ne3A_1320, %get3A_1329, %broadcast_in_dim3A_1331 : vector<16xi1>, vector<16xf32>
    %add3A_1333 = arith.addf %add3A_1303, %select_n3A_1332 : vector<16xf32>
    %get3A_1334 = arith.constant 704 : index
    %get3A_1335 = tpu.vector_load %arg8[%get3A_1334] {strides = array<i32>} : memref<2048xf32, #tpu.memory_space<vmem>>, vector<16xf32>,
    %get3A_1336 = vector.shape_cast %get3A_1335 : vector<16xf32> to vector<16xf32>
    %get3A_1337 = arith.constant 704 : index
    %get3A_1338 = tpu.vector_load %arg10[%get3A_1337] {strides = array<i32>} : memref<2048xf32, #tpu.memory_space<vmem>>, vector<16xf32>,
    %get3A_1339 = vector.shape_cast %get3A_1338 : vector<16xf32> to vector<16xf32>
    %sub3A_1340 = arith.subf %get3A_1336, %get3A_1339 : vector<16xf32>
    %jit3A_1341 = arith.constant 0.000000e+00 : f32
    %broadcast_in_dim3A_1342 = vector.broadcast %jit3A_1341 : f32 to vector<16xf32>
    %select_n3A_1343 = arith.select %ne3A_1320, %sub3A_1340, %broadcast_in_dim3A_1342 : vector<16xi1>, vector<16xf32>
    %add3A_1344 = arith.addf %add3A_1314, %select_n3A_1343 : vector<16xf32>
    %get3A_1345 = arith.constant 720 : index
    %get3A_1346 = tpu.vector_load %arg7[%get3A_1345] {strides = array<i32>} : memref<2048xi32, #tpu.memory_space<vmem>>, vector<16xi32>,
    %get3A_1347 = vector.shape_cast %get3A_1346 : vector<16xi32> to vector<16xi32>
    %ne3A_1348 = arith.constant 0 : i32
    %ne3A_1349 = vector.broadcast %ne3A_1348 : i32 to vector<16xi32>
    %ne3A_1350 = arith.cmpi ne, %get3A_1347, %ne3A_1349 : vector<16xi32>
    %jit3A_1351 = arith.constant 1.000000e+00 : f32
    %jit3A_1352 = arith.constant 0.000000e+00 : f32
    %broadcast_in_dim3A_1353 = vector.broadcast %jit3A_1351 : f32 to vector<16xf32>
    %broadcast_in_dim3A_1354 = vector.broadcast %jit3A_1352 : f32 to vector<16xf32>
    %select_n3A_1355 = arith.select %ne3A_1350, %broadcast_in_dim3A_1353, %broadcast_in_dim3A_1354 : vector<16xi1>, vector<16xf32>
    %add3A_1356 = arith.addf %add3A_1326, %select_n3A_1355 : vector<16xf32>
    %get3A_1357 = arith.constant 720 : index
    %get3A_1358 = tpu.vector_load %arg9[%get3A_1357] {strides = array<i32>} : memref<2048xf32, #tpu.memory_space<vmem>>, vector<16xf32>,
    %get3A_1359 = vector.shape_cast %get3A_1358 : vector<16xf32> to vector<16xf32>
    %jit3A_1360 = arith.constant 0.000000e+00 : f32
    %broadcast_in_dim3A_1361 = vector.broadcast %jit3A_1360 : f32 to vector<16xf32>
    %select_n3A_1362 = arith.select %ne3A_1350, %get3A_1359, %broadcast_in_dim3A_1361 : vector<16xi1>, vector<16xf32>
    %add3A_1363 = arith.addf %add3A_1333, %select_n3A_1362 : vector<16xf32>
    %get3A_1364 = arith.constant 720 : index
    %get3A_1365 = tpu.vector_load %arg8[%get3A_1364] {strides = array<i32>} : memref<2048xf32, #tpu.memory_space<vmem>>, vector<16xf32>,
    %get3A_1366 = vector.shape_cast %get3A_1365 : vector<16xf32> to vector<16xf32>
    %get3A_1367 = arith.constant 720 : index
    %get3A_1368 = tpu.vector_load %arg10[%get3A_1367] {strides = array<i32>} : memref<2048xf32, #tpu.memory_space<vmem>>, vector<16xf32>,
    %get3A_1369 = vector.shape_cast %get3A_1368 : vector<16xf32> to vector<16xf32>
    %sub3A_1370 = arith.subf %get3A_1366, %get3A_1369 : vector<16xf32>
    %jit3A_1371 = arith.constant 0.000000e+00 : f32
    %broadcast_in_dim3A_1372 = vector.broadcast %jit3A_1371 : f32 to vector<16xf32>
    %select_n3A_1373 = arith.select %ne3A_1350, %sub3A_1370, %broadcast_in_dim3A_1372 : vector<16xi1>, vector<16xf32>
    %add3A_1374 = arith.addf %add3A_1344, %select_n3A_1373 : vector<16xf32>
    %get3A_1375 = arith.constant 736 : index
    %get3A_1376 = tpu.vector_load %arg7[%get3A_1375] {strides = array<i32>} : memref<2048xi32, #tpu.memory_space<vmem>>, vector<16xi32>,
    %get3A_1377 = vector.shape_cast %get3A_1376 : vector<16xi32> to vector<16xi32>
    %ne3A_1378 = arith.constant 0 : i32
    %ne3A_1379 = vector.broadcast %ne3A_1378 : i32 to vector<16xi32>
    %ne3A_1380 = arith.cmpi ne, %get3A_1377, %ne3A_1379 : vector<16xi32>
    %jit3A_1381 = arith.constant 1.000000e+00 : f32
    %jit3A_1382 = arith.constant 0.000000e+00 : f32
    %broadcast_in_dim3A_1383 = vector.broadcast %jit3A_1381 : f32 to vector<16xf32>
    %broadcast_in_dim3A_1384 = vector.broadcast %jit3A_1382 : f32 to vector<16xf32>
    %select_n3A_1385 = arith.select %ne3A_1380, %broadcast_in_dim3A_1383, %broadcast_in_dim3A_1384 : vector<16xi1>, vector<16xf32>
    %add3A_1386 = arith.addf %add3A_1356, %select_n3A_1385 : vector<16xf32>
    %get3A_1387 = arith.constant 736 : index
    %get3A_1388 = tpu.vector_load %arg9[%get3A_1387] {strides = array<i32>} : memref<2048xf32, #tpu.memory_space<vmem>>, vector<16xf32>,
    %get3A_1389 = vector.shape_cast %get3A_1388 : vector<16xf32> to vector<16xf32>
    %jit3A_1390 = arith.constant 0.000000e+00 : f32
    %broadcast_in_dim3A_1391 = vector.broadcast %jit3A_1390 : f32 to vector<16xf32>
    %select_n3A_1392 = arith.select %ne3A_1380, %get3A_1389, %broadcast_in_dim3A_1391 : vector<16xi1>, vector<16xf32>
    %add3A_1393 = arith.addf %add3A_1363, %select_n3A_1392 : vector<16xf32>
    %get3A_1394 = arith.constant 736 : index
    %get3A_1395 = tpu.vector_load %arg8[%get3A_1394] {strides = array<i32>} : memref<2048xf32, #tpu.memory_space<vmem>>, vector<16xf32>,
    %get3A_1396 = vector.shape_cast %get3A_1395 : vector<16xf32> to vector<16xf32>
    %get3A_1397 = arith.constant 736 : index
    %get3A_1398 = tpu.vector_load %arg10[%get3A_1397] {strides = array<i32>} : memref<2048xf32, #tpu.memory_space<vmem>>, vector<16xf32>,
    %get3A_1399 = vector.shape_cast %get3A_1398 : vector<16xf32> to vector<16xf32>
    %sub3A_1400 = arith.subf %get3A_1396, %get3A_1399 : vector<16xf32>
    %jit3A_1401 = arith.constant 0.000000e+00 : f32
    %broadcast_in_dim3A_1402 = vector.broadcast %jit3A_1401 : f32 to vector<16xf32>
    %select_n3A_1403 = arith.select %ne3A_1380, %sub3A_1400, %broadcast_in_dim3A_1402 : vector<16xi1>, vector<16xf32>
    %add3A_1404 = arith.addf %add3A_1374, %select_n3A_1403 : vector<16xf32>
    %get3A_1405 = arith.constant 752 : index
    %get3A_1406 = tpu.vector_load %arg7[%get3A_1405] {strides = array<i32>} : memref<2048xi32, #tpu.memory_space<vmem>>, vector<16xi32>,
    %get3A_1407 = vector.shape_cast %get3A_1406 : vector<16xi32> to vector<16xi32>
    %ne3A_1408 = arith.constant 0 : i32
    %ne3A_1409 = vector.broadcast %ne3A_1408 : i32 to vector<16xi32>
    %ne3A_1410 = arith.cmpi ne, %get3A_1407, %ne3A_1409 : vector<16xi32>
    %jit3A_1411 = arith.constant 1.000000e+00 : f32
    %jit3A_1412 = arith.constant 0.000000e+00 : f32
    %broadcast_in_dim3A_1413 = vector.broadcast %jit3A_1411 : f32 to vector<16xf32>
    %broadcast_in_dim3A_1414 = vector.broadcast %jit3A_1412 : f32 to vector<16xf32>
    %select_n3A_1415 = arith.select %ne3A_1410, %broadcast_in_dim3A_1413, %broadcast_in_dim3A_1414 : vector<16xi1>, vector<16xf32>
    %add3A_1416 = arith.addf %add3A_1386, %select_n3A_1415 : vector<16xf32>
    %get3A_1417 = arith.constant 752 : index
    %get3A_1418 = tpu.vector_load %arg9[%get3A_1417] {strides = array<i32>} : memref<2048xf32, #tpu.memory_space<vmem>>, vector<16xf32>,
    %get3A_1419 = vector.shape_cast %get3A_1418 : vector<16xf32> to vector<16xf32>
    %jit3A_1420 = arith.constant 0.000000e+00 : f32
    %broadcast_in_dim3A_1421 = vector.broadcast %jit3A_1420 : f32 to vector<16xf32>
    %select_n3A_1422 = arith.select %ne3A_1410, %get3A_1419, %broadcast_in_dim3A_1421 : vector<16xi1>, vector<16xf32>
    %add3A_1423 = arith.addf %add3A_1393, %select_n3A_1422 : vector<16xf32>
    %get3A_1424 = arith.constant 752 : index
    %get3A_1425 = tpu.vector_load %arg8[%get3A_1424] {strides = array<i32>} : memref<2048xf32, #tpu.memory_space<vmem>>, vector<16xf32>,
    %get3A_1426 = vector.shape_cast %get3A_1425 : vector<16xf32> to vector<16xf32>
    %get3A_1427 = arith.constant 752 : index
    %get3A_1428 = tpu.vector_load %arg10[%get3A_1427] {strides = array<i32>} : memref<2048xf32, #tpu.memory_space<vmem>>, vector<16xf32>,
    %get3A_1429 = vector.shape_cast %get3A_1428 : vector<16xf32> to vector<16xf32>
    %sub3A_1430 = arith.subf %get3A_1426, %get3A_1429 : vector<16xf32>
    %jit3A_1431 = arith.constant 0.000000e+00 : f32
    %broadcast_in_dim3A_1432 = vector.broadcast %jit3A_1431 : f32 to vector<16xf32>
    %select_n3A_1433 = arith.select %ne3A_1410, %sub3A_1430, %broadcast_in_dim3A_1432 : vector<16xi1>, vector<16xf32>
    %add3A_1434 = arith.addf %add3A_1404, %select_n3A_1433 : vector<16xf32>
    %get3A_1435 = arith.constant 768 : index
    %get3A_1436 = tpu.vector_load %arg7[%get3A_1435] {strides = array<i32>} : memref<2048xi32, #tpu.memory_space<vmem>>, vector<16xi32>,
    %get3A_1437 = vector.shape_cast %get3A_1436 : vector<16xi32> to vector<16xi32>
    %ne3A_1438 = arith.constant 0 : i32
    %ne3A_1439 = vector.broadcast %ne3A_1438 : i32 to vector<16xi32>
    %ne3A_1440 = arith.cmpi ne, %get3A_1437, %ne3A_1439 : vector<16xi32>
    %jit3A_1441 = arith.constant 1.000000e+00 : f32
    %jit3A_1442 = arith.constant 0.000000e+00 : f32
    %broadcast_in_dim3A_1443 = vector.broadcast %jit3A_1441 : f32 to vector<16xf32>
    %broadcast_in_dim3A_1444 = vector.broadcast %jit3A_1442 : f32 to vector<16xf32>
    %select_n3A_1445 = arith.select %ne3A_1440, %broadcast_in_dim3A_1443, %broadcast_in_dim3A_1444 : vector<16xi1>, vector<16xf32>
    %add3A_1446 = arith.addf %add3A_1416, %select_n3A_1445 : vector<16xf32>
    %get3A_1447 = arith.constant 768 : index
    %get3A_1448 = tpu.vector_load %arg9[%get3A_1447] {strides = array<i32>} : memref<2048xf32, #tpu.memory_space<vmem>>, vector<16xf32>,
    %get3A_1449 = vector.shape_cast %get3A_1448 : vector<16xf32> to vector<16xf32>
    %jit3A_1450 = arith.constant 0.000000e+00 : f32
    %broadcast_in_dim3A_1451 = vector.broadcast %jit3A_1450 : f32 to vector<16xf32>
    %select_n3A_1452 = arith.select %ne3A_1440, %get3A_1449, %broadcast_in_dim3A_1451 : vector<16xi1>, vector<16xf32>
    %add3A_1453 = arith.addf %add3A_1423, %select_n3A_1452 : vector<16xf32>
    %get3A_1454 = arith.constant 768 : index
    %get3A_1455 = tpu.vector_load %arg8[%get3A_1454] {strides = array<i32>} : memref<2048xf32, #tpu.memory_space<vmem>>, vector<16xf32>,
    %get3A_1456 = vector.shape_cast %get3A_1455 : vector<16xf32> to vector<16xf32>
    %get3A_1457 = arith.constant 768 : index
    %get3A_1458 = tpu.vector_load %arg10[%get3A_1457] {strides = array<i32>} : memref<2048xf32, #tpu.memory_space<vmem>>, vector<16xf32>,
    %get3A_1459 = vector.shape_cast %get3A_1458 : vector<16xf32> to vector<16xf32>
    %sub3A_1460 = arith.subf %get3A_1456, %get3A_1459 : vector<16xf32>
    %jit3A_1461 = arith.constant 0.000000e+00 : f32
    %broadcast_in_dim3A_1462 = vector.broadcast %jit3A_1461 : f32 to vector<16xf32>
    %select_n3A_1463 = arith.select %ne3A_1440, %sub3A_1460, %broadcast_in_dim3A_1462 : vector<16xi1>, vector<16xf32>
    %add3A_1464 = arith.addf %add3A_1434, %select_n3A_1463 : vector<16xf32>
    %get3A_1465 = arith.constant 784 : index
    %get3A_1466 = tpu.vector_load %arg7[%get3A_1465] {strides = array<i32>} : memref<2048xi32, #tpu.memory_space<vmem>>, vector<16xi32>,
    %get3A_1467 = vector.shape_cast %get3A_1466 : vector<16xi32> to vector<16xi32>
    %ne3A_1468 = arith.constant 0 : i32
    %ne3A_1469 = vector.broadcast %ne3A_1468 : i32 to vector<16xi32>
    %ne3A_1470 = arith.cmpi ne, %get3A_1467, %ne3A_1469 : vector<16xi32>
    %jit3A_1471 = arith.constant 1.000000e+00 : f32
    %jit3A_1472 = arith.constant 0.000000e+00 : f32
    %broadcast_in_dim3A_1473 = vector.broadcast %jit3A_1471 : f32 to vector<16xf32>
    %broadcast_in_dim3A_1474 = vector.broadcast %jit3A_1472 : f32 to vector<16xf32>
    %select_n3A_1475 = arith.select %ne3A_1470, %broadcast_in_dim3A_1473, %broadcast_in_dim3A_1474 : vector<16xi1>, vector<16xf32>
    %add3A_1476 = arith.addf %add3A_1446, %select_n3A_1475 : vector<16xf32>
    %get3A_1477 = arith.constant 784 : index
    %get3A_1478 = tpu.vector_load %arg9[%get3A_1477] {strides = array<i32>} : memref<2048xf32, #tpu.memory_space<vmem>>, vector<16xf32>,
    %get3A_1479 = vector.shape_cast %get3A_1478 : vector<16xf32> to vector<16xf32>
    %jit3A_1480 = arith.constant 0.000000e+00 : f32
    %broadcast_in_dim3A_1481 = vector.broadcast %jit3A_1480 : f32 to vector<16xf32>
    %select_n3A_1482 = arith.select %ne3A_1470, %get3A_1479, %broadcast_in_dim3A_1481 : vector<16xi1>, vector<16xf32>
    %add3A_1483 = arith.addf %add3A_1453, %select_n3A_1482 : vector<16xf32>
    %get3A_1484 = arith.constant 784 : index
    %get3A_1485 = tpu.vector_load %arg8[%get3A_1484] {strides = array<i32>} : memref<2048xf32, #tpu.memory_space<vmem>>, vector<16xf32>,
    %get3A_1486 = vector.shape_cast %get3A_1485 : vector<16xf32> to vector<16xf32>
    %get3A_1487 = arith.constant 784 : index
    %get3A_1488 = tpu.vector_load %arg10[%get3A_1487] {strides = array<i32>} : memref<2048xf32, #tpu.memory_space<vmem>>, vector<16xf32>,
    %get3A_1489 = vector.shape_cast %get3A_1488 : vector<16xf32> to vector<16xf32>
    %sub3A_1490 = arith.subf %get3A_1486, %get3A_1489 : vector<16xf32>
    %jit3A_1491 = arith.constant 0.000000e+00 : f32
    %broadcast_in_dim3A_1492 = vector.broadcast %jit3A_1491 : f32 to vector<16xf32>
    %select_n3A_1493 = arith.select %ne3A_1470, %sub3A_1490, %broadcast_in_dim3A_1492 : vector<16xi1>, vector<16xf32>
    %add3A_1494 = arith.addf %add3A_1464, %select_n3A_1493 : vector<16xf32>
    %get3A_1495 = arith.constant 800 : index
    %get3A_1496 = tpu.vector_load %arg7[%get3A_1495] {strides = array<i32>} : memref<2048xi32, #tpu.memory_space<vmem>>, vector<16xi32>,
    %get3A_1497 = vector.shape_cast %get3A_1496 : vector<16xi32> to vector<16xi32>
    %ne3A_1498 = arith.constant 0 : i32
    %ne3A_1499 = vector.broadcast %ne3A_1498 : i32 to vector<16xi32>
    %ne3A_1500 = arith.cmpi ne, %get3A_1497, %ne3A_1499 : vector<16xi32>
    %jit3A_1501 = arith.constant 1.000000e+00 : f32
    %jit3A_1502 = arith.constant 0.000000e+00 : f32
    %broadcast_in_dim3A_1503 = vector.broadcast %jit3A_1501 : f32 to vector<16xf32>
    %broadcast_in_dim3A_1504 = vector.broadcast %jit3A_1502 : f32 to vector<16xf32>
    %select_n3A_1505 = arith.select %ne3A_1500, %broadcast_in_dim3A_1503, %broadcast_in_dim3A_1504 : vector<16xi1>, vector<16xf32>
    %add3A_1506 = arith.addf %add3A_1476, %select_n3A_1505 : vector<16xf32>
    %get3A_1507 = arith.constant 800 : index
    %get3A_1508 = tpu.vector_load %arg9[%get3A_1507] {strides = array<i32>} : memref<2048xf32, #tpu.memory_space<vmem>>, vector<16xf32>,
    %get3A_1509 = vector.shape_cast %get3A_1508 : vector<16xf32> to vector<16xf32>
    %jit3A_1510 = arith.constant 0.000000e+00 : f32
    %broadcast_in_dim3A_1511 = vector.broadcast %jit3A_1510 : f32 to vector<16xf32>
    %select_n3A_1512 = arith.select %ne3A_1500, %get3A_1509, %broadcast_in_dim3A_1511 : vector<16xi1>, vector<16xf32>
    %add3A_1513 = arith.addf %add3A_1483, %select_n3A_1512 : vector<16xf32>
    %get3A_1514 = arith.constant 800 : index
    %get3A_1515 = tpu.vector_load %arg8[%get3A_1514] {strides = array<i32>} : memref<2048xf32, #tpu.memory_space<vmem>>, vector<16xf32>,
    %get3A_1516 = vector.shape_cast %get3A_1515 : vector<16xf32> to vector<16xf32>
    %get3A_1517 = arith.constant 800 : index
    %get3A_1518 = tpu.vector_load %arg10[%get3A_1517] {strides = array<i32>} : memref<2048xf32, #tpu.memory_space<vmem>>, vector<16xf32>,
    %get3A_1519 = vector.shape_cast %get3A_1518 : vector<16xf32> to vector<16xf32>
    %sub3A_1520 = arith.subf %get3A_1516, %get3A_1519 : vector<16xf32>
    %jit3A_1521 = arith.constant 0.000000e+00 : f32
    %broadcast_in_dim3A_1522 = vector.broadcast %jit3A_1521 : f32 to vector<16xf32>
    %select_n3A_1523 = arith.select %ne3A_1500, %sub3A_1520, %broadcast_in_dim3A_1522 : vector<16xi1>, vector<16xf32>
    %add3A_1524 = arith.addf %add3A_1494, %select_n3A_1523 : vector<16xf32>
    %get3A_1525 = arith.constant 816 : index
    %get3A_1526 = tpu.vector_load %arg7[%get3A_1525] {strides = array<i32>} : memref<2048xi32, #tpu.memory_space<vmem>>, vector<16xi32>,
    %get3A_1527 = vector.shape_cast %get3A_1526 : vector<16xi32> to vector<16xi32>
    %ne3A_1528 = arith.constant 0 : i32
    %ne3A_1529 = vector.broadcast %ne3A_1528 : i32 to vector<16xi32>
    %ne3A_1530 = arith.cmpi ne, %get3A_1527, %ne3A_1529 : vector<16xi32>
    %jit3A_1531 = arith.constant 1.000000e+00 : f32
    %jit3A_1532 = arith.constant 0.000000e+00 : f32
    %broadcast_in_dim3A_1533 = vector.broadcast %jit3A_1531 : f32 to vector<16xf32>
    %broadcast_in_dim3A_1534 = vector.broadcast %jit3A_1532 : f32 to vector<16xf32>
    %select_n3A_1535 = arith.select %ne3A_1530, %broadcast_in_dim3A_1533, %broadcast_in_dim3A_1534 : vector<16xi1>, vector<16xf32>
    %add3A_1536 = arith.addf %add3A_1506, %select_n3A_1535 : vector<16xf32>
    %get3A_1537 = arith.constant 816 : index
    %get3A_1538 = tpu.vector_load %arg9[%get3A_1537] {strides = array<i32>} : memref<2048xf32, #tpu.memory_space<vmem>>, vector<16xf32>,
    %get3A_1539 = vector.shape_cast %get3A_1538 : vector<16xf32> to vector<16xf32>
    %jit3A_1540 = arith.constant 0.000000e+00 : f32
    %broadcast_in_dim3A_1541 = vector.broadcast %jit3A_1540 : f32 to vector<16xf32>
    %select_n3A_1542 = arith.select %ne3A_1530, %get3A_1539, %broadcast_in_dim3A_1541 : vector<16xi1>, vector<16xf32>
    %add3A_1543 = arith.addf %add3A_1513, %select_n3A_1542 : vector<16xf32>
    %get3A_1544 = arith.constant 816 : index
    %get3A_1545 = tpu.vector_load %arg8[%get3A_1544] {strides = array<i32>} : memref<2048xf32, #tpu.memory_space<vmem>>, vector<16xf32>,
    %get3A_1546 = vector.shape_cast %get3A_1545 : vector<16xf32> to vector<16xf32>
    %get3A_1547 = arith.constant 816 : index
    %get3A_1548 = tpu.vector_load %arg10[%get3A_1547] {strides = array<i32>} : memref<2048xf32, #tpu.memory_space<vmem>>, vector<16xf32>,
    %get3A_1549 = vector.shape_cast %get3A_1548 : vector<16xf32> to vector<16xf32>
    %sub3A_1550 = arith.subf %get3A_1546, %get3A_1549 : vector<16xf32>
    %jit3A_1551 = arith.constant 0.000000e+00 : f32
    %broadcast_in_dim3A_1552 = vector.broadcast %jit3A_1551 : f32 to vector<16xf32>
    %select_n3A_1553 = arith.select %ne3A_1530, %sub3A_1550, %broadcast_in_dim3A_1552 : vector<16xi1>, vector<16xf32>
    %add3A_1554 = arith.addf %add3A_1524, %select_n3A_1553 : vector<16xf32>
    %get3A_1555 = arith.constant 832 : index
    %get3A_1556 = tpu.vector_load %arg7[%get3A_1555] {strides = array<i32>} : memref<2048xi32, #tpu.memory_space<vmem>>, vector<16xi32>,
    %get3A_1557 = vector.shape_cast %get3A_1556 : vector<16xi32> to vector<16xi32>
    %ne3A_1558 = arith.constant 0 : i32
    %ne3A_1559 = vector.broadcast %ne3A_1558 : i32 to vector<16xi32>
    %ne3A_1560 = arith.cmpi ne, %get3A_1557, %ne3A_1559 : vector<16xi32>
    %jit3A_1561 = arith.constant 1.000000e+00 : f32
    %jit3A_1562 = arith.constant 0.000000e+00 : f32
    %broadcast_in_dim3A_1563 = vector.broadcast %jit3A_1561 : f32 to vector<16xf32>
    %broadcast_in_dim3A_1564 = vector.broadcast %jit3A_1562 : f32 to vector<16xf32>
    %select_n3A_1565 = arith.select %ne3A_1560, %broadcast_in_dim3A_1563, %broadcast_in_dim3A_1564 : vector<16xi1>, vector<16xf32>
    %add3A_1566 = arith.addf %add3A_1536, %select_n3A_1565 : vector<16xf32>
    %get3A_1567 = arith.constant 832 : index
    %get3A_1568 = tpu.vector_load %arg9[%get3A_1567] {strides = array<i32>} : memref<2048xf32, #tpu.memory_space<vmem>>, vector<16xf32>,
    %get3A_1569 = vector.shape_cast %get3A_1568 : vector<16xf32> to vector<16xf32>
    %jit3A_1570 = arith.constant 0.000000e+00 : f32
    %broadcast_in_dim3A_1571 = vector.broadcast %jit3A_1570 : f32 to vector<16xf32>
    %select_n3A_1572 = arith.select %ne3A_1560, %get3A_1569, %broadcast_in_dim3A_1571 : vector<16xi1>, vector<16xf32>
    %add3A_1573 = arith.addf %add3A_1543, %select_n3A_1572 : vector<16xf32>
    %get3A_1574 = arith.constant 832 : index
    %get3A_1575 = tpu.vector_load %arg8[%get3A_1574] {strides = array<i32>} : memref<2048xf32, #tpu.memory_space<vmem>>, vector<16xf32>,
    %get3A_1576 = vector.shape_cast %get3A_1575 : vector<16xf32> to vector<16xf32>
    %get3A_1577 = arith.constant 832 : index
    %get3A_1578 = tpu.vector_load %arg10[%get3A_1577] {strides = array<i32>} : memref<2048xf32, #tpu.memory_space<vmem>>, vector<16xf32>,
    %get3A_1579 = vector.shape_cast %get3A_1578 : vector<16xf32> to vector<16xf32>
    %sub3A_1580 = arith.subf %get3A_1576, %get3A_1579 : vector<16xf32>
    %jit3A_1581 = arith.constant 0.000000e+00 : f32
    %broadcast_in_dim3A_1582 = vector.broadcast %jit3A_1581 : f32 to vector<16xf32>
    %select_n3A_1583 = arith.select %ne3A_1560, %sub3A_1580, %broadcast_in_dim3A_1582 : vector<16xi1>, vector<16xf32>
    %add3A_1584 = arith.addf %add3A_1554, %select_n3A_1583 : vector<16xf32>
    %get3A_1585 = arith.constant 848 : index
    %get3A_1586 = tpu.vector_load %arg7[%get3A_1585] {strides = array<i32>} : memref<2048xi32, #tpu.memory_space<vmem>>, vector<16xi32>,
    %get3A_1587 = vector.shape_cast %get3A_1586 : vector<16xi32> to vector<16xi32>
    %ne3A_1588 = arith.constant 0 : i32
    %ne3A_1589 = vector.broadcast %ne3A_1588 : i32 to vector<16xi32>
    %ne3A_1590 = arith.cmpi ne, %get3A_1587, %ne3A_1589 : vector<16xi32>
    %jit3A_1591 = arith.constant 1.000000e+00 : f32
    %jit3A_1592 = arith.constant 0.000000e+00 : f32
    %broadcast_in_dim3A_1593 = vector.broadcast %jit3A_1591 : f32 to vector<16xf32>
    %broadcast_in_dim3A_1594 = vector.broadcast %jit3A_1592 : f32 to vector<16xf32>
    %select_n3A_1595 = arith.select %ne3A_1590, %broadcast_in_dim3A_1593, %broadcast_in_dim3A_1594 : vector<16xi1>, vector<16xf32>
    %add3A_1596 = arith.addf %add3A_1566, %select_n3A_1595 : vector<16xf32>
    %get3A_1597 = arith.constant 848 : index
    %get3A_1598 = tpu.vector_load %arg9[%get3A_1597] {strides = array<i32>} : memref<2048xf32, #tpu.memory_space<vmem>>, vector<16xf32>,
    %get3A_1599 = vector.shape_cast %get3A_1598 : vector<16xf32> to vector<16xf32>
    %jit3A_1600 = arith.constant 0.000000e+00 : f32
    %broadcast_in_dim3A_1601 = vector.broadcast %jit3A_1600 : f32 to vector<16xf32>
    %select_n3A_1602 = arith.select %ne3A_1590, %get3A_1599, %broadcast_in_dim3A_1601 : vector<16xi1>, vector<16xf32>
    %add3A_1603 = arith.addf %add3A_1573, %select_n3A_1602 : vector<16xf32>
    %get3A_1604 = arith.constant 848 : index
    %get3A_1605 = tpu.vector_load %arg8[%get3A_1604] {strides = array<i32>} : memref<2048xf32, #tpu.memory_space<vmem>>, vector<16xf32>,
    %get3A_1606 = vector.shape_cast %get3A_1605 : vector<16xf32> to vector<16xf32>
    %get3A_1607 = arith.constant 848 : index
    %get3A_1608 = tpu.vector_load %arg10[%get3A_1607] {strides = array<i32>} : memref<2048xf32, #tpu.memory_space<vmem>>, vector<16xf32>,
    %get3A_1609 = vector.shape_cast %get3A_1608 : vector<16xf32> to vector<16xf32>
    %sub3A_1610 = arith.subf %get3A_1606, %get3A_1609 : vector<16xf32>
    %jit3A_1611 = arith.constant 0.000000e+00 : f32
    %broadcast_in_dim3A_1612 = vector.broadcast %jit3A_1611 : f32 to vector<16xf32>
    %select_n3A_1613 = arith.select %ne3A_1590, %sub3A_1610, %broadcast_in_dim3A_1612 : vector<16xi1>, vector<16xf32>
    %add3A_1614 = arith.addf %add3A_1584, %select_n3A_1613 : vector<16xf32>
    %get3A_1615 = arith.constant 864 : index
    %get3A_1616 = tpu.vector_load %arg7[%get3A_1615] {strides = array<i32>} : memref<2048xi32, #tpu.memory_space<vmem>>, vector<16xi32>,
    %get3A_1617 = vector.shape_cast %get3A_1616 : vector<16xi32> to vector<16xi32>
    %ne3A_1618 = arith.constant 0 : i32
    %ne3A_1619 = vector.broadcast %ne3A_1618 : i32 to vector<16xi32>
    %ne3A_1620 = arith.cmpi ne, %get3A_1617, %ne3A_1619 : vector<16xi32>
    %jit3A_1621 = arith.constant 1.000000e+00 : f32
    %jit3A_1622 = arith.constant 0.000000e+00 : f32
    %broadcast_in_dim3A_1623 = vector.broadcast %jit3A_1621 : f32 to vector<16xf32>
    %broadcast_in_dim3A_1624 = vector.broadcast %jit3A_1622 : f32 to vector<16xf32>
    %select_n3A_1625 = arith.select %ne3A_1620, %broadcast_in_dim3A_1623, %broadcast_in_dim3A_1624 : vector<16xi1>, vector<16xf32>
    %add3A_1626 = arith.addf %add3A_1596, %select_n3A_1625 : vector<16xf32>
    %get3A_1627 = arith.constant 864 : index
    %get3A_1628 = tpu.vector_load %arg9[%get3A_1627] {strides = array<i32>} : memref<2048xf32, #tpu.memory_space<vmem>>, vector<16xf32>,
    %get3A_1629 = vector.shape_cast %get3A_1628 : vector<16xf32> to vector<16xf32>
    %jit3A_1630 = arith.constant 0.000000e+00 : f32
    %broadcast_in_dim3A_1631 = vector.broadcast %jit3A_1630 : f32 to vector<16xf32>
    %select_n3A_1632 = arith.select %ne3A_1620, %get3A_1629, %broadcast_in_dim3A_1631 : vector<16xi1>, vector<16xf32>
    %add3A_1633 = arith.addf %add3A_1603, %select_n3A_1632 : vector<16xf32>
    %get3A_1634 = arith.constant 864 : index
    %get3A_1635 = tpu.vector_load %arg8[%get3A_1634] {strides = array<i32>} : memref<2048xf32, #tpu.memory_space<vmem>>, vector<16xf32>,
    %get3A_1636 = vector.shape_cast %get3A_1635 : vector<16xf32> to vector<16xf32>
    %get3A_1637 = arith.constant 864 : index
    %get3A_1638 = tpu.vector_load %arg10[%get3A_1637] {strides = array<i32>} : memref<2048xf32, #tpu.memory_space<vmem>>, vector<16xf32>,
    %get3A_1639 = vector.shape_cast %get3A_1638 : vector<16xf32> to vector<16xf32>
    %sub3A_1640 = arith.subf %get3A_1636, %get3A_1639 : vector<16xf32>
    %jit3A_1641 = arith.constant 0.000000e+00 : f32
    %broadcast_in_dim3A_1642 = vector.broadcast %jit3A_1641 : f32 to vector<16xf32>
    %select_n3A_1643 = arith.select %ne3A_1620, %sub3A_1640, %broadcast_in_dim3A_1642 : vector<16xi1>, vector<16xf32>
    %add3A_1644 = arith.addf %add3A_1614, %select_n3A_1643 : vector<16xf32>
    %get3A_1645 = arith.constant 880 : index
    %get3A_1646 = tpu.vector_load %arg7[%get3A_1645] {strides = array<i32>} : memref<2048xi32, #tpu.memory_space<vmem>>, vector<16xi32>,
    %get3A_1647 = vector.shape_cast %get3A_1646 : vector<16xi32> to vector<16xi32>
    %ne3A_1648 = arith.constant 0 : i32
    %ne3A_1649 = vector.broadcast %ne3A_1648 : i32 to vector<16xi32>
    %ne3A_1650 = arith.cmpi ne, %get3A_1647, %ne3A_1649 : vector<16xi32>
    %jit3A_1651 = arith.constant 1.000000e+00 : f32
    %jit3A_1652 = arith.constant 0.000000e+00 : f32
    %broadcast_in_dim3A_1653 = vector.broadcast %jit3A_1651 : f32 to vector<16xf32>
    %broadcast_in_dim3A_1654 = vector.broadcast %jit3A_1652 : f32 to vector<16xf32>
    %select_n3A_1655 = arith.select %ne3A_1650, %broadcast_in_dim3A_1653, %broadcast_in_dim3A_1654 : vector<16xi1>, vector<16xf32>
    %add3A_1656 = arith.addf %add3A_1626, %select_n3A_1655 : vector<16xf32>
    %get3A_1657 = arith.constant 880 : index
    %get3A_1658 = tpu.vector_load %arg9[%get3A_1657] {strides = array<i32>} : memref<2048xf32, #tpu.memory_space<vmem>>, vector<16xf32>,
    %get3A_1659 = vector.shape_cast %get3A_1658 : vector<16xf32> to vector<16xf32>
    %jit3A_1660 = arith.constant 0.000000e+00 : f32
    %broadcast_in_dim3A_1661 = vector.broadcast %jit3A_1660 : f32 to vector<16xf32>
    %select_n3A_1662 = arith.select %ne3A_1650, %get3A_1659, %broadcast_in_dim3A_1661 : vector<16xi1>, vector<16xf32>
    %add3A_1663 = arith.addf %add3A_1633, %select_n3A_1662 : vector<16xf32>
    %get3A_1664 = arith.constant 880 : index
    %get3A_1665 = tpu.vector_load %arg8[%get3A_1664] {strides = array<i32>} : memref<2048xf32, #tpu.memory_space<vmem>>, vector<16xf32>,
    %get3A_1666 = vector.shape_cast %get3A_1665 : vector<16xf32> to vector<16xf32>
    %get3A_1667 = arith.constant 880 : index
    %get3A_1668 = tpu.vector_load %arg10[%get3A_1667] {strides = array<i32>} : memref<2048xf32, #tpu.memory_space<vmem>>, vector<16xf32>,
    %get3A_1669 = vector.shape_cast %get3A_1668 : vector<16xf32> to vector<16xf32>
    %sub3A_1670 = arith.subf %get3A_1666, %get3A_1669 : vector<16xf32>
    %jit3A_1671 = arith.constant 0.000000e+00 : f32
    %broadcast_in_dim3A_1672 = vector.broadcast %jit3A_1671 : f32 to vector<16xf32>
    %select_n3A_1673 = arith.select %ne3A_1650, %sub3A_1670, %broadcast_in_dim3A_1672 : vector<16xi1>, vector<16xf32>
    %add3A_1674 = arith.addf %add3A_1644, %select_n3A_1673 : vector<16xf32>
    %get3A_1675 = arith.constant 896 : index
    %get3A_1676 = tpu.vector_load %arg7[%get3A_1675] {strides = array<i32>} : memref<2048xi32, #tpu.memory_space<vmem>>, vector<16xi32>,
    %get3A_1677 = vector.shape_cast %get3A_1676 : vector<16xi32> to vector<16xi32>
    %ne3A_1678 = arith.constant 0 : i32
    %ne3A_1679 = vector.broadcast %ne3A_1678 : i32 to vector<16xi32>
    %ne3A_1680 = arith.cmpi ne, %get3A_1677, %ne3A_1679 : vector<16xi32>
    %jit3A_1681 = arith.constant 1.000000e+00 : f32
    %jit3A_1682 = arith.constant 0.000000e+00 : f32
    %broadcast_in_dim3A_1683 = vector.broadcast %jit3A_1681 : f32 to vector<16xf32>
    %broadcast_in_dim3A_1684 = vector.broadcast %jit3A_1682 : f32 to vector<16xf32>
    %select_n3A_1685 = arith.select %ne3A_1680, %broadcast_in_dim3A_1683, %broadcast_in_dim3A_1684 : vector<16xi1>, vector<16xf32>
    %add3A_1686 = arith.addf %add3A_1656, %select_n3A_1685 : vector<16xf32>
    %get3A_1687 = arith.constant 896 : index
    %get3A_1688 = tpu.vector_load %arg9[%get3A_1687] {strides = array<i32>} : memref<2048xf32, #tpu.memory_space<vmem>>, vector<16xf32>,
    %get3A_1689 = vector.shape_cast %get3A_1688 : vector<16xf32> to vector<16xf32>
    %jit3A_1690 = arith.constant 0.000000e+00 : f32
    %broadcast_in_dim3A_1691 = vector.broadcast %jit3A_1690 : f32 to vector<16xf32>
    %select_n3A_1692 = arith.select %ne3A_1680, %get3A_1689, %broadcast_in_dim3A_1691 : vector<16xi1>, vector<16xf32>
    %add3A_1693 = arith.addf %add3A_1663, %select_n3A_1692 : vector<16xf32>
    %get3A_1694 = arith.constant 896 : index
    %get3A_1695 = tpu.vector_load %arg8[%get3A_1694] {strides = array<i32>} : memref<2048xf32, #tpu.memory_space<vmem>>, vector<16xf32>,
    %get3A_1696 = vector.shape_cast %get3A_1695 : vector<16xf32> to vector<16xf32>
    %get3A_1697 = arith.constant 896 : index
    %get3A_1698 = tpu.vector_load %arg10[%get3A_1697] {strides = array<i32>} : memref<2048xf32, #tpu.memory_space<vmem>>, vector<16xf32>,
    %get3A_1699 = vector.shape_cast %get3A_1698 : vector<16xf32> to vector<16xf32>
    %sub3A_1700 = arith.subf %get3A_1696, %get3A_1699 : vector<16xf32>
    %jit3A_1701 = arith.constant 0.000000e+00 : f32
    %broadcast_in_dim3A_1702 = vector.broadcast %jit3A_1701 : f32 to vector<16xf32>
    %select_n3A_1703 = arith.select %ne3A_1680, %sub3A_1700, %broadcast_in_dim3A_1702 : vector<16xi1>, vector<16xf32>
    %add3A_1704 = arith.addf %add3A_1674, %select_n3A_1703 : vector<16xf32>
    %get3A_1705 = arith.constant 912 : index
    %get3A_1706 = tpu.vector_load %arg7[%get3A_1705] {strides = array<i32>} : memref<2048xi32, #tpu.memory_space<vmem>>, vector<16xi32>,
    %get3A_1707 = vector.shape_cast %get3A_1706 : vector<16xi32> to vector<16xi32>
    %ne3A_1708 = arith.constant 0 : i32
    %ne3A_1709 = vector.broadcast %ne3A_1708 : i32 to vector<16xi32>
    %ne3A_1710 = arith.cmpi ne, %get3A_1707, %ne3A_1709 : vector<16xi32>
    %jit3A_1711 = arith.constant 1.000000e+00 : f32
    %jit3A_1712 = arith.constant 0.000000e+00 : f32
    %broadcast_in_dim3A_1713 = vector.broadcast %jit3A_1711 : f32 to vector<16xf32>
    %broadcast_in_dim3A_1714 = vector.broadcast %jit3A_1712 : f32 to vector<16xf32>
    %select_n3A_1715 = arith.select %ne3A_1710, %broadcast_in_dim3A_1713, %broadcast_in_dim3A_1714 : vector<16xi1>, vector<16xf32>
    %add3A_1716 = arith.addf %add3A_1686, %select_n3A_1715 : vector<16xf32>
    %get3A_1717 = arith.constant 912 : index
    %get3A_1718 = tpu.vector_load %arg9[%get3A_1717] {strides = array<i32>} : memref<2048xf32, #tpu.memory_space<vmem>>, vector<16xf32>,
    %get3A_1719 = vector.shape_cast %get3A_1718 : vector<16xf32> to vector<16xf32>
    %jit3A_1720 = arith.constant 0.000000e+00 : f32
    %broadcast_in_dim3A_1721 = vector.broadcast %jit3A_1720 : f32 to vector<16xf32>
    %select_n3A_1722 = arith.select %ne3A_1710, %get3A_1719, %broadcast_in_dim3A_1721 : vector<16xi1>, vector<16xf32>
    %add3A_1723 = arith.addf %add3A_1693, %select_n3A_1722 : vector<16xf32>
    %get3A_1724 = arith.constant 912 : index
    %get3A_1725 = tpu.vector_load %arg8[%get3A_1724] {strides = array<i32>} : memref<2048xf32, #tpu.memory_space<vmem>>, vector<16xf32>,
    %get3A_1726 = vector.shape_cast %get3A_1725 : vector<16xf32> to vector<16xf32>
    %get3A_1727 = arith.constant 912 : index
    %get3A_1728 = tpu.vector_load %arg10[%get3A_1727] {strides = array<i32>} : memref<2048xf32, #tpu.memory_space<vmem>>, vector<16xf32>,
    %get3A_1729 = vector.shape_cast %get3A_1728 : vector<16xf32> to vector<16xf32>
    %sub3A_1730 = arith.subf %get3A_1726, %get3A_1729 : vector<16xf32>
    %jit3A_1731 = arith.constant 0.000000e+00 : f32
    %broadcast_in_dim3A_1732 = vector.broadcast %jit3A_1731 : f32 to vector<16xf32>
    %select_n3A_1733 = arith.select %ne3A_1710, %sub3A_1730, %broadcast_in_dim3A_1732 : vector<16xi1>, vector<16xf32>
    %add3A_1734 = arith.addf %add3A_1704, %select_n3A_1733 : vector<16xf32>
    %get3A_1735 = arith.constant 928 : index
    %get3A_1736 = tpu.vector_load %arg7[%get3A_1735] {strides = array<i32>} : memref<2048xi32, #tpu.memory_space<vmem>>, vector<16xi32>,
    %get3A_1737 = vector.shape_cast %get3A_1736 : vector<16xi32> to vector<16xi32>
    %ne3A_1738 = arith.constant 0 : i32
    %ne3A_1739 = vector.broadcast %ne3A_1738 : i32 to vector<16xi32>
    %ne3A_1740 = arith.cmpi ne, %get3A_1737, %ne3A_1739 : vector<16xi32>
    %jit3A_1741 = arith.constant 1.000000e+00 : f32
    %jit3A_1742 = arith.constant 0.000000e+00 : f32
    %broadcast_in_dim3A_1743 = vector.broadcast %jit3A_1741 : f32 to vector<16xf32>
    %broadcast_in_dim3A_1744 = vector.broadcast %jit3A_1742 : f32 to vector<16xf32>
    %select_n3A_1745 = arith.select %ne3A_1740, %broadcast_in_dim3A_1743, %broadcast_in_dim3A_1744 : vector<16xi1>, vector<16xf32>
    %add3A_1746 = arith.addf %add3A_1716, %select_n3A_1745 : vector<16xf32>
    %get3A_1747 = arith.constant 928 : index
    %get3A_1748 = tpu.vector_load %arg9[%get3A_1747] {strides = array<i32>} : memref<2048xf32, #tpu.memory_space<vmem>>, vector<16xf32>,
    %get3A_1749 = vector.shape_cast %get3A_1748 : vector<16xf32> to vector<16xf32>
    %jit3A_1750 = arith.constant 0.000000e+00 : f32
    %broadcast_in_dim3A_1751 = vector.broadcast %jit3A_1750 : f32 to vector<16xf32>
    %select_n3A_1752 = arith.select %ne3A_1740, %get3A_1749, %broadcast_in_dim3A_1751 : vector<16xi1>, vector<16xf32>
    %add3A_1753 = arith.addf %add3A_1723, %select_n3A_1752 : vector<16xf32>
    %get3A_1754 = arith.constant 928 : index
    %get3A_1755 = tpu.vector_load %arg8[%get3A_1754] {strides = array<i32>} : memref<2048xf32, #tpu.memory_space<vmem>>, vector<16xf32>,
    %get3A_1756 = vector.shape_cast %get3A_1755 : vector<16xf32> to vector<16xf32>
    %get3A_1757 = arith.constant 928 : index
    %get3A_1758 = tpu.vector_load %arg10[%get3A_1757] {strides = array<i32>} : memref<2048xf32, #tpu.memory_space<vmem>>, vector<16xf32>,
    %get3A_1759 = vector.shape_cast %get3A_1758 : vector<16xf32> to vector<16xf32>
    %sub3A_1760 = arith.subf %get3A_1756, %get3A_1759 : vector<16xf32>
    %jit3A_1761 = arith.constant 0.000000e+00 : f32
    %broadcast_in_dim3A_1762 = vector.broadcast %jit3A_1761 : f32 to vector<16xf32>
    %select_n3A_1763 = arith.select %ne3A_1740, %sub3A_1760, %broadcast_in_dim3A_1762 : vector<16xi1>, vector<16xf32>
    %add3A_1764 = arith.addf %add3A_1734, %select_n3A_1763 : vector<16xf32>
    %get3A_1765 = arith.constant 944 : index
    %get3A_1766 = tpu.vector_load %arg7[%get3A_1765] {strides = array<i32>} : memref<2048xi32, #tpu.memory_space<vmem>>, vector<16xi32>,
    %get3A_1767 = vector.shape_cast %get3A_1766 : vector<16xi32> to vector<16xi32>
    %ne3A_1768 = arith.constant 0 : i32
    %ne3A_1769 = vector.broadcast %ne3A_1768 : i32 to vector<16xi32>
    %ne3A_1770 = arith.cmpi ne, %get3A_1767, %ne3A_1769 : vector<16xi32>
    %jit3A_1771 = arith.constant 1.000000e+00 : f32
    %jit3A_1772 = arith.constant 0.000000e+00 : f32
    %broadcast_in_dim3A_1773 = vector.broadcast %jit3A_1771 : f32 to vector<16xf32>
    %broadcast_in_dim3A_1774 = vector.broadcast %jit3A_1772 : f32 to vector<16xf32>
    %select_n3A_1775 = arith.select %ne3A_1770, %broadcast_in_dim3A_1773, %broadcast_in_dim3A_1774 : vector<16xi1>, vector<16xf32>
    %add3A_1776 = arith.addf %add3A_1746, %select_n3A_1775 : vector<16xf32>
    %get3A_1777 = arith.constant 944 : index
    %get3A_1778 = tpu.vector_load %arg9[%get3A_1777] {strides = array<i32>} : memref<2048xf32, #tpu.memory_space<vmem>>, vector<16xf32>,
    %get3A_1779 = vector.shape_cast %get3A_1778 : vector<16xf32> to vector<16xf32>
    %jit3A_1780 = arith.constant 0.000000e+00 : f32
    %broadcast_in_dim3A_1781 = vector.broadcast %jit3A_1780 : f32 to vector<16xf32>
    %select_n3A_1782 = arith.select %ne3A_1770, %get3A_1779, %broadcast_in_dim3A_1781 : vector<16xi1>, vector<16xf32>
    %add3A_1783 = arith.addf %add3A_1753, %select_n3A_1782 : vector<16xf32>
    %get3A_1784 = arith.constant 944 : index
    %get3A_1785 = tpu.vector_load %arg8[%get3A_1784] {strides = array<i32>} : memref<2048xf32, #tpu.memory_space<vmem>>, vector<16xf32>,
    %get3A_1786 = vector.shape_cast %get3A_1785 : vector<16xf32> to vector<16xf32>
    %get3A_1787 = arith.constant 944 : index
    %get3A_1788 = tpu.vector_load %arg10[%get3A_1787] {strides = array<i32>} : memref<2048xf32, #tpu.memory_space<vmem>>, vector<16xf32>,
    %get3A_1789 = vector.shape_cast %get3A_1788 : vector<16xf32> to vector<16xf32>
    %sub3A_1790 = arith.subf %get3A_1786, %get3A_1789 : vector<16xf32>
    %jit3A_1791 = arith.constant 0.000000e+00 : f32
    %broadcast_in_dim3A_1792 = vector.broadcast %jit3A_1791 : f32 to vector<16xf32>
    %select_n3A_1793 = arith.select %ne3A_1770, %sub3A_1790, %broadcast_in_dim3A_1792 : vector<16xi1>, vector<16xf32>
    %add3A_1794 = arith.addf %add3A_1764, %select_n3A_1793 : vector<16xf32>
    %get3A_1795 = arith.constant 960 : index
    %get3A_1796 = tpu.vector_load %arg7[%get3A_1795] {strides = array<i32>} : memref<2048xi32, #tpu.memory_space<vmem>>, vector<16xi32>,
    %get3A_1797 = vector.shape_cast %get3A_1796 : vector<16xi32> to vector<16xi32>
    %ne3A_1798 = arith.constant 0 : i32
    %ne3A_1799 = vector.broadcast %ne3A_1798 : i32 to vector<16xi32>
    %ne3A_1800 = arith.cmpi ne, %get3A_1797, %ne3A_1799 : vector<16xi32>
    %jit3A_1801 = arith.constant 1.000000e+00 : f32
    %jit3A_1802 = arith.constant 0.000000e+00 : f32
    %broadcast_in_dim3A_1803 = vector.broadcast %jit3A_1801 : f32 to vector<16xf32>
    %broadcast_in_dim3A_1804 = vector.broadcast %jit3A_1802 : f32 to vector<16xf32>
    %select_n3A_1805 = arith.select %ne3A_1800, %broadcast_in_dim3A_1803, %broadcast_in_dim3A_1804 : vector<16xi1>, vector<16xf32>
    %add3A_1806 = arith.addf %add3A_1776, %select_n3A_1805 : vector<16xf32>
    %get3A_1807 = arith.constant 960 : index
    %get3A_1808 = tpu.vector_load %arg9[%get3A_1807] {strides = array<i32>} : memref<2048xf32, #tpu.memory_space<vmem>>, vector<16xf32>,
    %get3A_1809 = vector.shape_cast %get3A_1808 : vector<16xf32> to vector<16xf32>
    %jit3A_1810 = arith.constant 0.000000e+00 : f32
    %broadcast_in_dim3A_1811 = vector.broadcast %jit3A_1810 : f32 to vector<16xf32>
    %select_n3A_1812 = arith.select %ne3A_1800, %get3A_1809, %broadcast_in_dim3A_1811 : vector<16xi1>, vector<16xf32>
    %add3A_1813 = arith.addf %add3A_1783, %select_n3A_1812 : vector<16xf32>
    %get3A_1814 = arith.constant 960 : index
    %get3A_1815 = tpu.vector_load %arg8[%get3A_1814] {strides = array<i32>} : memref<2048xf32, #tpu.memory_space<vmem>>, vector<16xf32>,
    %get3A_1816 = vector.shape_cast %get3A_1815 : vector<16xf32> to vector<16xf32>
    %get3A_1817 = arith.constant 960 : index
    %get3A_1818 = tpu.vector_load %arg10[%get3A_1817] {strides = array<i32>} : memref<2048xf32, #tpu.memory_space<vmem>>, vector<16xf32>,
    %get3A_1819 = vector.shape_cast %get3A_1818 : vector<16xf32> to vector<16xf32>
    %sub3A_1820 = arith.subf %get3A_1816, %get3A_1819 : vector<16xf32>
    %jit3A_1821 = arith.constant 0.000000e+00 : f32
    %broadcast_in_dim3A_1822 = vector.broadcast %jit3A_1821 : f32 to vector<16xf32>
    %select_n3A_1823 = arith.select %ne3A_1800, %sub3A_1820, %broadcast_in_dim3A_1822 : vector<16xi1>, vector<16xf32>
    %add3A_1824 = arith.addf %add3A_1794, %select_n3A_1823 : vector<16xf32>
    %get3A_1825 = arith.constant 976 : index
    %get3A_1826 = tpu.vector_load %arg7[%get3A_1825] {strides = array<i32>} : memref<2048xi32, #tpu.memory_space<vmem>>, vector<16xi32>,
    %get3A_1827 = vector.shape_cast %get3A_1826 : vector<16xi32> to vector<16xi32>
    %ne3A_1828 = arith.constant 0 : i32
    %ne3A_1829 = vector.broadcast %ne3A_1828 : i32 to vector<16xi32>
    %ne3A_1830 = arith.cmpi ne, %get3A_1827, %ne3A_1829 : vector<16xi32>
    %jit3A_1831 = arith.constant 1.000000e+00 : f32
    %jit3A_1832 = arith.constant 0.000000e+00 : f32
    %broadcast_in_dim3A_1833 = vector.broadcast %jit3A_1831 : f32 to vector<16xf32>
    %broadcast_in_dim3A_1834 = vector.broadcast %jit3A_1832 : f32 to vector<16xf32>
    %select_n3A_1835 = arith.select %ne3A_1830, %broadcast_in_dim3A_1833, %broadcast_in_dim3A_1834 : vector<16xi1>, vector<16xf32>
    %add3A_1836 = arith.addf %add3A_1806, %select_n3A_1835 : vector<16xf32>
    %get3A_1837 = arith.constant 976 : index
    %get3A_1838 = tpu.vector_load %arg9[%get3A_1837] {strides = array<i32>} : memref<2048xf32, #tpu.memory_space<vmem>>, vector<16xf32>,
    %get3A_1839 = vector.shape_cast %get3A_1838 : vector<16xf32> to vector<16xf32>
    %jit3A_1840 = arith.constant 0.000000e+00 : f32
    %broadcast_in_dim3A_1841 = vector.broadcast %jit3A_1840 : f32 to vector<16xf32>
    %select_n3A_1842 = arith.select %ne3A_1830, %get3A_1839, %broadcast_in_dim3A_1841 : vector<16xi1>, vector<16xf32>
    %add3A_1843 = arith.addf %add3A_1813, %select_n3A_1842 : vector<16xf32>
    %get3A_1844 = arith.constant 976 : index
    %get3A_1845 = tpu.vector_load %arg8[%get3A_1844] {strides = array<i32>} : memref<2048xf32, #tpu.memory_space<vmem>>, vector<16xf32>,
    %get3A_1846 = vector.shape_cast %get3A_1845 : vector<16xf32> to vector<16xf32>
    %get3A_1847 = arith.constant 976 : index
    %get3A_1848 = tpu.vector_load %arg10[%get3A_1847] {strides = array<i32>} : memref<2048xf32, #tpu.memory_space<vmem>>, vector<16xf32>,
    %get3A_1849 = vector.shape_cast %get3A_1848 : vector<16xf32> to vector<16xf32>
    %sub3A_1850 = arith.subf %get3A_1846, %get3A_1849 : vector<16xf32>
    %jit3A_1851 = arith.constant 0.000000e+00 : f32
    %broadcast_in_dim3A_1852 = vector.broadcast %jit3A_1851 : f32 to vector<16xf32>
    %select_n3A_1853 = arith.select %ne3A_1830, %sub3A_1850, %broadcast_in_dim3A_1852 : vector<16xi1>, vector<16xf32>
    %add3A_1854 = arith.addf %add3A_1824, %select_n3A_1853 : vector<16xf32>
    %get3A_1855 = arith.constant 992 : index
    %get3A_1856 = tpu.vector_load %arg7[%get3A_1855] {strides = array<i32>} : memref<2048xi32, #tpu.memory_space<vmem>>, vector<16xi32>,
    %get3A_1857 = vector.shape_cast %get3A_1856 : vector<16xi32> to vector<16xi32>
    %ne3A_1858 = arith.constant 0 : i32
    %ne3A_1859 = vector.broadcast %ne3A_1858 : i32 to vector<16xi32>
    %ne3A_1860 = arith.cmpi ne, %get3A_1857, %ne3A_1859 : vector<16xi32>
    %jit3A_1861 = arith.constant 1.000000e+00 : f32
    %jit3A_1862 = arith.constant 0.000000e+00 : f32
    %broadcast_in_dim3A_1863 = vector.broadcast %jit3A_1861 : f32 to vector<16xf32>
    %broadcast_in_dim3A_1864 = vector.broadcast %jit3A_1862 : f32 to vector<16xf32>
    %select_n3A_1865 = arith.select %ne3A_1860, %broadcast_in_dim3A_1863, %broadcast_in_dim3A_1864 : vector<16xi1>, vector<16xf32>
    %add3A_1866 = arith.addf %add3A_1836, %select_n3A_1865 : vector<16xf32>
    %get3A_1867 = arith.constant 992 : index
    %get3A_1868 = tpu.vector_load %arg9[%get3A_1867] {strides = array<i32>} : memref<2048xf32, #tpu.memory_space<vmem>>, vector<16xf32>,
    %get3A_1869 = vector.shape_cast %get3A_1868 : vector<16xf32> to vector<16xf32>
    %jit3A_1870 = arith.constant 0.000000e+00 : f32
    %broadcast_in_dim3A_1871 = vector.broadcast %jit3A_1870 : f32 to vector<16xf32>
    %select_n3A_1872 = arith.select %ne3A_1860, %get3A_1869, %broadcast_in_dim3A_1871 : vector<16xi1>, vector<16xf32>
    %add3A_1873 = arith.addf %add3A_1843, %select_n3A_1872 : vector<16xf32>
    %get3A_1874 = arith.constant 992 : index
    %get3A_1875 = tpu.vector_load %arg8[%get3A_1874] {strides = array<i32>} : memref<2048xf32, #tpu.memory_space<vmem>>, vector<16xf32>,
    %get3A_1876 = vector.shape_cast %get3A_1875 : vector<16xf32> to vector<16xf32>
    %get3A_1877 = arith.constant 992 : index
    %get3A_1878 = tpu.vector_load %arg10[%get3A_1877] {strides = array<i32>} : memref<2048xf32, #tpu.memory_space<vmem>>, vector<16xf32>,
    %get3A_1879 = vector.shape_cast %get3A_1878 : vector<16xf32> to vector<16xf32>
    %sub3A_1880 = arith.subf %get3A_1876, %get3A_1879 : vector<16xf32>
    %jit3A_1881 = arith.constant 0.000000e+00 : f32
    %broadcast_in_dim3A_1882 = vector.broadcast %jit3A_1881 : f32 to vector<16xf32>
    %select_n3A_1883 = arith.select %ne3A_1860, %sub3A_1880, %broadcast_in_dim3A_1882 : vector<16xi1>, vector<16xf32>
    %add3A_1884 = arith.addf %add3A_1854, %select_n3A_1883 : vector<16xf32>
    %get3A_1885 = arith.constant 1008 : index
    %get3A_1886 = tpu.vector_load %arg7[%get3A_1885] {strides = array<i32>} : memref<2048xi32, #tpu.memory_space<vmem>>, vector<16xi32>,
    %get3A_1887 = vector.shape_cast %get3A_1886 : vector<16xi32> to vector<16xi32>
    %ne3A_1888 = arith.constant 0 : i32
    %ne3A_1889 = vector.broadcast %ne3A_1888 : i32 to vector<16xi32>
    %ne3A_1890 = arith.cmpi ne, %get3A_1887, %ne3A_1889 : vector<16xi32>
    %jit3A_1891 = arith.constant 1.000000e+00 : f32
    %jit3A_1892 = arith.constant 0.000000e+00 : f32
    %broadcast_in_dim3A_1893 = vector.broadcast %jit3A_1891 : f32 to vector<16xf32>
    %broadcast_in_dim3A_1894 = vector.broadcast %jit3A_1892 : f32 to vector<16xf32>
    %select_n3A_1895 = arith.select %ne3A_1890, %broadcast_in_dim3A_1893, %broadcast_in_dim3A_1894 : vector<16xi1>, vector<16xf32>
    %add3A_1896 = arith.addf %add3A_1866, %select_n3A_1895 : vector<16xf32>
    %get3A_1897 = arith.constant 1008 : index
    %get3A_1898 = tpu.vector_load %arg9[%get3A_1897] {strides = array<i32>} : memref<2048xf32, #tpu.memory_space<vmem>>, vector<16xf32>,
    %get3A_1899 = vector.shape_cast %get3A_1898 : vector<16xf32> to vector<16xf32>
    %jit3A_1900 = arith.constant 0.000000e+00 : f32
    %broadcast_in_dim3A_1901 = vector.broadcast %jit3A_1900 : f32 to vector<16xf32>
    %select_n3A_1902 = arith.select %ne3A_1890, %get3A_1899, %broadcast_in_dim3A_1901 : vector<16xi1>, vector<16xf32>
    %add3A_1903 = arith.addf %add3A_1873, %select_n3A_1902 : vector<16xf32>
    %get3A_1904 = arith.constant 1008 : index
    %get3A_1905 = tpu.vector_load %arg8[%get3A_1904] {strides = array<i32>} : memref<2048xf32, #tpu.memory_space<vmem>>, vector<16xf32>,
    %get3A_1906 = vector.shape_cast %get3A_1905 : vector<16xf32> to vector<16xf32>
    %get3A_1907 = arith.constant 1008 : index
    %get3A_1908 = tpu.vector_load %arg10[%get3A_1907] {strides = array<i32>} : memref<2048xf32, #tpu.memory_space<vmem>>, vector<16xf32>,
    %get3A_1909 = vector.shape_cast %get3A_1908 : vector<16xf32> to vector<16xf32>
    %sub3A_1910 = arith.subf %get3A_1906, %get3A_1909 : vector<16xf32>
    %jit3A_1911 = arith.constant 0.000000e+00 : f32
    %broadcast_in_dim3A_1912 = vector.broadcast %jit3A_1911 : f32 to vector<16xf32>
    %select_n3A_1913 = arith.select %ne3A_1890, %sub3A_1910, %broadcast_in_dim3A_1912 : vector<16xi1>, vector<16xf32>
    %add3A_1914 = arith.addf %add3A_1884, %select_n3A_1913 : vector<16xf32>
    %get3A_1915 = arith.constant 1024 : index
    %get3A_1916 = tpu.vector_load %arg7[%get3A_1915] {strides = array<i32>} : memref<2048xi32, #tpu.memory_space<vmem>>, vector<16xi32>,
    %get3A_1917 = vector.shape_cast %get3A_1916 : vector<16xi32> to vector<16xi32>
    %ne3A_1918 = arith.constant 0 : i32
    %ne3A_1919 = vector.broadcast %ne3A_1918 : i32 to vector<16xi32>
    %ne3A_1920 = arith.cmpi ne, %get3A_1917, %ne3A_1919 : vector<16xi32>
    %jit3A_1921 = arith.constant 1.000000e+00 : f32
    %jit3A_1922 = arith.constant 0.000000e+00 : f32
    %broadcast_in_dim3A_1923 = vector.broadcast %jit3A_1921 : f32 to vector<16xf32>
    %broadcast_in_dim3A_1924 = vector.broadcast %jit3A_1922 : f32 to vector<16xf32>
    %select_n3A_1925 = arith.select %ne3A_1920, %broadcast_in_dim3A_1923, %broadcast_in_dim3A_1924 : vector<16xi1>, vector<16xf32>
    %add3A_1926 = arith.addf %add3A_1896, %select_n3A_1925 : vector<16xf32>
    %get3A_1927 = arith.constant 1024 : index
    %get3A_1928 = tpu.vector_load %arg9[%get3A_1927] {strides = array<i32>} : memref<2048xf32, #tpu.memory_space<vmem>>, vector<16xf32>,
    %get3A_1929 = vector.shape_cast %get3A_1928 : vector<16xf32> to vector<16xf32>
    %jit3A_1930 = arith.constant 0.000000e+00 : f32
    %broadcast_in_dim3A_1931 = vector.broadcast %jit3A_1930 : f32 to vector<16xf32>
    %select_n3A_1932 = arith.select %ne3A_1920, %get3A_1929, %broadcast_in_dim3A_1931 : vector<16xi1>, vector<16xf32>
    %add3A_1933 = arith.addf %add3A_1903, %select_n3A_1932 : vector<16xf32>
    %get3A_1934 = arith.constant 1024 : index
    %get3A_1935 = tpu.vector_load %arg8[%get3A_1934] {strides = array<i32>} : memref<2048xf32, #tpu.memory_space<vmem>>, vector<16xf32>,
    %get3A_1936 = vector.shape_cast %get3A_1935 : vector<16xf32> to vector<16xf32>
    %get3A_1937 = arith.constant 1024 : index
    %get3A_1938 = tpu.vector_load %arg10[%get3A_1937] {strides = array<i32>} : memref<2048xf32, #tpu.memory_space<vmem>>, vector<16xf32>,
    %get3A_1939 = vector.shape_cast %get3A_1938 : vector<16xf32> to vector<16xf32>
    %sub3A_1940 = arith.subf %get3A_1936, %get3A_1939 : vector<16xf32>
    %jit3A_1941 = arith.constant 0.000000e+00 : f32
    %broadcast_in_dim3A_1942 = vector.broadcast %jit3A_1941 : f32 to vector<16xf32>
    %select_n3A_1943 = arith.select %ne3A_1920, %sub3A_1940, %broadcast_in_dim3A_1942 : vector<16xi1>, vector<16xf32>
    %add3A_1944 = arith.addf %add3A_1914, %select_n3A_1943 : vector<16xf32>
    %get3A_1945 = arith.constant 1040 : index
    %get3A_1946 = tpu.vector_load %arg7[%get3A_1945] {strides = array<i32>} : memref<2048xi32, #tpu.memory_space<vmem>>, vector<16xi32>,
    %get3A_1947 = vector.shape_cast %get3A_1946 : vector<16xi32> to vector<16xi32>
    %ne3A_1948 = arith.constant 0 : i32
    %ne3A_1949 = vector.broadcast %ne3A_1948 : i32 to vector<16xi32>
    %ne3A_1950 = arith.cmpi ne, %get3A_1947, %ne3A_1949 : vector<16xi32>
    %jit3A_1951 = arith.constant 1.000000e+00 : f32
    %jit3A_1952 = arith.constant 0.000000e+00 : f32
    %broadcast_in_dim3A_1953 = vector.broadcast %jit3A_1951 : f32 to vector<16xf32>
    %broadcast_in_dim3A_1954 = vector.broadcast %jit3A_1952 : f32 to vector<16xf32>
    %select_n3A_1955 = arith.select %ne3A_1950, %broadcast_in_dim3A_1953, %broadcast_in_dim3A_1954 : vector<16xi1>, vector<16xf32>
    %add3A_1956 = arith.addf %add3A_1926, %select_n3A_1955 : vector<16xf32>
    %get3A_1957 = arith.constant 1040 : index
    %get3A_1958 = tpu.vector_load %arg9[%get3A_1957] {strides = array<i32>} : memref<2048xf32, #tpu.memory_space<vmem>>, vector<16xf32>,
    %get3A_1959 = vector.shape_cast %get3A_1958 : vector<16xf32> to vector<16xf32>
    %jit3A_1960 = arith.constant 0.000000e+00 : f32
    %broadcast_in_dim3A_1961 = vector.broadcast %jit3A_1960 : f32 to vector<16xf32>
    %select_n3A_1962 = arith.select %ne3A_1950, %get3A_1959, %broadcast_in_dim3A_1961 : vector<16xi1>, vector<16xf32>
    %add3A_1963 = arith.addf %add3A_1933, %select_n3A_1962 : vector<16xf32>
    %get3A_1964 = arith.constant 1040 : index
    %get3A_1965 = tpu.vector_load %arg8[%get3A_1964] {strides = array<i32>} : memref<2048xf32, #tpu.memory_space<vmem>>, vector<16xf32>,
    %get3A_1966 = vector.shape_cast %get3A_1965 : vector<16xf32> to vector<16xf32>
    %get3A_1967 = arith.constant 1040 : index
    %get3A_1968 = tpu.vector_load %arg10[%get3A_1967] {strides = array<i32>} : memref<2048xf32, #tpu.memory_space<vmem>>, vector<16xf32>,
    %get3A_1969 = vector.shape_cast %get3A_1968 : vector<16xf32> to vector<16xf32>
    %sub3A_1970 = arith.subf %get3A_1966, %get3A_1969 : vector<16xf32>
    %jit3A_1971 = arith.constant 0.000000e+00 : f32
    %broadcast_in_dim3A_1972 = vector.broadcast %jit3A_1971 : f32 to vector<16xf32>
    %select_n3A_1973 = arith.select %ne3A_1950, %sub3A_1970, %broadcast_in_dim3A_1972 : vector<16xi1>, vector<16xf32>
    %add3A_1974 = arith.addf %add3A_1944, %select_n3A_1973 : vector<16xf32>
    %get3A_1975 = arith.constant 1056 : index
    %get3A_1976 = tpu.vector_load %arg7[%get3A_1975] {strides = array<i32>} : memref<2048xi32, #tpu.memory_space<vmem>>, vector<16xi32>,
    %get3A_1977 = vector.shape_cast %get3A_1976 : vector<16xi32> to vector<16xi32>
    %ne3A_1978 = arith.constant 0 : i32
    %ne3A_1979 = vector.broadcast %ne3A_1978 : i32 to vector<16xi32>
    %ne3A_1980 = arith.cmpi ne, %get3A_1977, %ne3A_1979 : vector<16xi32>
    %jit3A_1981 = arith.constant 1.000000e+00 : f32
    %jit3A_1982 = arith.constant 0.000000e+00 : f32
    %broadcast_in_dim3A_1983 = vector.broadcast %jit3A_1981 : f32 to vector<16xf32>
    %broadcast_in_dim3A_1984 = vector.broadcast %jit3A_1982 : f32 to vector<16xf32>
    %select_n3A_1985 = arith.select %ne3A_1980, %broadcast_in_dim3A_1983, %broadcast_in_dim3A_1984 : vector<16xi1>, vector<16xf32>
    %add3A_1986 = arith.addf %add3A_1956, %select_n3A_1985 : vector<16xf32>
    %get3A_1987 = arith.constant 1056 : index
    %get3A_1988 = tpu.vector_load %arg9[%get3A_1987] {strides = array<i32>} : memref<2048xf32, #tpu.memory_space<vmem>>, vector<16xf32>,
    %get3A_1989 = vector.shape_cast %get3A_1988 : vector<16xf32> to vector<16xf32>
    %jit3A_1990 = arith.constant 0.000000e+00 : f32
    %broadcast_in_dim3A_1991 = vector.broadcast %jit3A_1990 : f32 to vector<16xf32>
    %select_n3A_1992 = arith.select %ne3A_1980, %get3A_1989, %broadcast_in_dim3A_1991 : vector<16xi1>, vector<16xf32>
    %add3A_1993 = arith.addf %add3A_1963, %select_n3A_1992 : vector<16xf32>
    %get3A_1994 = arith.constant 1056 : index
    %get3A_1995 = tpu.vector_load %arg8[%get3A_1994] {strides = array<i32>} : memref<2048xf32, #tpu.memory_space<vmem>>, vector<16xf32>,
    %get3A_1996 = vector.shape_cast %get3A_1995 : vector<16xf32> to vector<16xf32>
    %get3A_1997 = arith.constant 1056 : index
    %get3A_1998 = tpu.vector_load %arg10[%get3A_1997] {strides = array<i32>} : memref<2048xf32, #tpu.memory_space<vmem>>, vector<16xf32>,
    %get3A_1999 = vector.shape_cast %get3A_1998 : vector<16xf32> to vector<16xf32>
    %sub3A_2000 = arith.subf %get3A_1996, %get3A_1999 : vector<16xf32>
    %jit3A_2001 = arith.constant 0.000000e+00 : f32
    %broadcast_in_dim3A_2002 = vector.broadcast %jit3A_2001 : f32 to vector<16xf32>
    %select_n3A_2003 = arith.select %ne3A_1980, %sub3A_2000, %broadcast_in_dim3A_2002 : vector<16xi1>, vector<16xf32>
    %add3A_2004 = arith.addf %add3A_1974, %select_n3A_2003 : vector<16xf32>
    %get3A_2005 = arith.constant 1072 : index
    %get3A_2006 = tpu.vector_load %arg7[%get3A_2005] {strides = array<i32>} : memref<2048xi32, #tpu.memory_space<vmem>>, vector<16xi32>,
    %get3A_2007 = vector.shape_cast %get3A_2006 : vector<16xi32> to vector<16xi32>
    %ne3A_2008 = arith.constant 0 : i32
    %ne3A_2009 = vector.broadcast %ne3A_2008 : i32 to vector<16xi32>
    %ne3A_2010 = arith.cmpi ne, %get3A_2007, %ne3A_2009 : vector<16xi32>
    %jit3A_2011 = arith.constant 1.000000e+00 : f32
    %jit3A_2012 = arith.constant 0.000000e+00 : f32
    %broadcast_in_dim3A_2013 = vector.broadcast %jit3A_2011 : f32 to vector<16xf32>
    %broadcast_in_dim3A_2014 = vector.broadcast %jit3A_2012 : f32 to vector<16xf32>
    %select_n3A_2015 = arith.select %ne3A_2010, %broadcast_in_dim3A_2013, %broadcast_in_dim3A_2014 : vector<16xi1>, vector<16xf32>
    %add3A_2016 = arith.addf %add3A_1986, %select_n3A_2015 : vector<16xf32>
    %get3A_2017 = arith.constant 1072 : index
    %get3A_2018 = tpu.vector_load %arg9[%get3A_2017] {strides = array<i32>} : memref<2048xf32, #tpu.memory_space<vmem>>, vector<16xf32>,
    %get3A_2019 = vector.shape_cast %get3A_2018 : vector<16xf32> to vector<16xf32>
    %jit3A_2020 = arith.constant 0.000000e+00 : f32
    %broadcast_in_dim3A_2021 = vector.broadcast %jit3A_2020 : f32 to vector<16xf32>
    %select_n3A_2022 = arith.select %ne3A_2010, %get3A_2019, %broadcast_in_dim3A_2021 : vector<16xi1>, vector<16xf32>
    %add3A_2023 = arith.addf %add3A_1993, %select_n3A_2022 : vector<16xf32>
    %get3A_2024 = arith.constant 1072 : index
    %get3A_2025 = tpu.vector_load %arg8[%get3A_2024] {strides = array<i32>} : memref<2048xf32, #tpu.memory_space<vmem>>, vector<16xf32>,
    %get3A_2026 = vector.shape_cast %get3A_2025 : vector<16xf32> to vector<16xf32>
    %get3A_2027 = arith.constant 1072 : index
    %get3A_2028 = tpu.vector_load %arg10[%get3A_2027] {strides = array<i32>} : memref<2048xf32, #tpu.memory_space<vmem>>, vector<16xf32>,
    %get3A_2029 = vector.shape_cast %get3A_2028 : vector<16xf32> to vector<16xf32>
    %sub3A_2030 = arith.subf %get3A_2026, %get3A_2029 : vector<16xf32>
    %jit3A_2031 = arith.constant 0.000000e+00 : f32
    %broadcast_in_dim3A_2032 = vector.broadcast %jit3A_2031 : f32 to vector<16xf32>
    %select_n3A_2033 = arith.select %ne3A_2010, %sub3A_2030, %broadcast_in_dim3A_2032 : vector<16xi1>, vector<16xf32>
    %add3A_2034 = arith.addf %add3A_2004, %select_n3A_2033 : vector<16xf32>
    %get3A_2035 = arith.constant 1088 : index
    %get3A_2036 = tpu.vector_load %arg7[%get3A_2035] {strides = array<i32>} : memref<2048xi32, #tpu.memory_space<vmem>>, vector<16xi32>,
    %get3A_2037 = vector.shape_cast %get3A_2036 : vector<16xi32> to vector<16xi32>
    %ne3A_2038 = arith.constant 0 : i32
    %ne3A_2039 = vector.broadcast %ne3A_2038 : i32 to vector<16xi32>
    %ne3A_2040 = arith.cmpi ne, %get3A_2037, %ne3A_2039 : vector<16xi32>
    %jit3A_2041 = arith.constant 1.000000e+00 : f32
    %jit3A_2042 = arith.constant 0.000000e+00 : f32
    %broadcast_in_dim3A_2043 = vector.broadcast %jit3A_2041 : f32 to vector<16xf32>
    %broadcast_in_dim3A_2044 = vector.broadcast %jit3A_2042 : f32 to vector<16xf32>
    %select_n3A_2045 = arith.select %ne3A_2040, %broadcast_in_dim3A_2043, %broadcast_in_dim3A_2044 : vector<16xi1>, vector<16xf32>
    %add3A_2046 = arith.addf %add3A_2016, %select_n3A_2045 : vector<16xf32>
    %get3A_2047 = arith.constant 1088 : index
    %get3A_2048 = tpu.vector_load %arg9[%get3A_2047] {strides = array<i32>} : memref<2048xf32, #tpu.memory_space<vmem>>, vector<16xf32>,
    %get3A_2049 = vector.shape_cast %get3A_2048 : vector<16xf32> to vector<16xf32>
    %jit3A_2050 = arith.constant 0.000000e+00 : f32
    %broadcast_in_dim3A_2051 = vector.broadcast %jit3A_2050 : f32 to vector<16xf32>
    %select_n3A_2052 = arith.select %ne3A_2040, %get3A_2049, %broadcast_in_dim3A_2051 : vector<16xi1>, vector<16xf32>
    %add3A_2053 = arith.addf %add3A_2023, %select_n3A_2052 : vector<16xf32>
    %get3A_2054 = arith.constant 1088 : index
    %get3A_2055 = tpu.vector_load %arg8[%get3A_2054] {strides = array<i32>} : memref<2048xf32, #tpu.memory_space<vmem>>, vector<16xf32>,
    %get3A_2056 = vector.shape_cast %get3A_2055 : vector<16xf32> to vector<16xf32>
    %get3A_2057 = arith.constant 1088 : index
    %get3A_2058 = tpu.vector_load %arg10[%get3A_2057] {strides = array<i32>} : memref<2048xf32, #tpu.memory_space<vmem>>, vector<16xf32>,
    %get3A_2059 = vector.shape_cast %get3A_2058 : vector<16xf32> to vector<16xf32>
    %sub3A_2060 = arith.subf %get3A_2056, %get3A_2059 : vector<16xf32>
    %jit3A_2061 = arith.constant 0.000000e+00 : f32
    %broadcast_in_dim3A_2062 = vector.broadcast %jit3A_2061 : f32 to vector<16xf32>
    %select_n3A_2063 = arith.select %ne3A_2040, %sub3A_2060, %broadcast_in_dim3A_2062 : vector<16xi1>, vector<16xf32>
    %add3A_2064 = arith.addf %add3A_2034, %select_n3A_2063 : vector<16xf32>
    %get3A_2065 = arith.constant 1104 : index
    %get3A_2066 = tpu.vector_load %arg7[%get3A_2065] {strides = array<i32>} : memref<2048xi32, #tpu.memory_space<vmem>>, vector<16xi32>,
    %get3A_2067 = vector.shape_cast %get3A_2066 : vector<16xi32> to vector<16xi32>
    %ne3A_2068 = arith.constant 0 : i32
    %ne3A_2069 = vector.broadcast %ne3A_2068 : i32 to vector<16xi32>
    %ne3A_2070 = arith.cmpi ne, %get3A_2067, %ne3A_2069 : vector<16xi32>
    %jit3A_2071 = arith.constant 1.000000e+00 : f32
    %jit3A_2072 = arith.constant 0.000000e+00 : f32
    %broadcast_in_dim3A_2073 = vector.broadcast %jit3A_2071 : f32 to vector<16xf32>
    %broadcast_in_dim3A_2074 = vector.broadcast %jit3A_2072 : f32 to vector<16xf32>
    %select_n3A_2075 = arith.select %ne3A_2070, %broadcast_in_dim3A_2073, %broadcast_in_dim3A_2074 : vector<16xi1>, vector<16xf32>
    %add3A_2076 = arith.addf %add3A_2046, %select_n3A_2075 : vector<16xf32>
    %get3A_2077 = arith.constant 1104 : index
    %get3A_2078 = tpu.vector_load %arg9[%get3A_2077] {strides = array<i32>} : memref<2048xf32, #tpu.memory_space<vmem>>, vector<16xf32>,
    %get3A_2079 = vector.shape_cast %get3A_2078 : vector<16xf32> to vector<16xf32>
    %jit3A_2080 = arith.constant 0.000000e+00 : f32
    %broadcast_in_dim3A_2081 = vector.broadcast %jit3A_2080 : f32 to vector<16xf32>
    %select_n3A_2082 = arith.select %ne3A_2070, %get3A_2079, %broadcast_in_dim3A_2081 : vector<16xi1>, vector<16xf32>
    %add3A_2083 = arith.addf %add3A_2053, %select_n3A_2082 : vector<16xf32>
    %get3A_2084 = arith.constant 1104 : index
    %get3A_2085 = tpu.vector_load %arg8[%get3A_2084] {strides = array<i32>} : memref<2048xf32, #tpu.memory_space<vmem>>, vector<16xf32>,
    %get3A_2086 = vector.shape_cast %get3A_2085 : vector<16xf32> to vector<16xf32>
    %get3A_2087 = arith.constant 1104 : index
    %get3A_2088 = tpu.vector_load %arg10[%get3A_2087] {strides = array<i32>} : memref<2048xf32, #tpu.memory_space<vmem>>, vector<16xf32>,
    %get3A_2089 = vector.shape_cast %get3A_2088 : vector<16xf32> to vector<16xf32>
    %sub3A_2090 = arith.subf %get3A_2086, %get3A_2089 : vector<16xf32>
    %jit3A_2091 = arith.constant 0.000000e+00 : f32
    %broadcast_in_dim3A_2092 = vector.broadcast %jit3A_2091 : f32 to vector<16xf32>
    %select_n3A_2093 = arith.select %ne3A_2070, %sub3A_2090, %broadcast_in_dim3A_2092 : vector<16xi1>, vector<16xf32>
    %add3A_2094 = arith.addf %add3A_2064, %select_n3A_2093 : vector<16xf32>
    %get3A_2095 = arith.constant 1120 : index
    %get3A_2096 = tpu.vector_load %arg7[%get3A_2095] {strides = array<i32>} : memref<2048xi32, #tpu.memory_space<vmem>>, vector<16xi32>,
    %get3A_2097 = vector.shape_cast %get3A_2096 : vector<16xi32> to vector<16xi32>
    %ne3A_2098 = arith.constant 0 : i32
    %ne3A_2099 = vector.broadcast %ne3A_2098 : i32 to vector<16xi32>
    %ne3A_2100 = arith.cmpi ne, %get3A_2097, %ne3A_2099 : vector<16xi32>
    %jit3A_2101 = arith.constant 1.000000e+00 : f32
    %jit3A_2102 = arith.constant 0.000000e+00 : f32
    %broadcast_in_dim3A_2103 = vector.broadcast %jit3A_2101 : f32 to vector<16xf32>
    %broadcast_in_dim3A_2104 = vector.broadcast %jit3A_2102 : f32 to vector<16xf32>
    %select_n3A_2105 = arith.select %ne3A_2100, %broadcast_in_dim3A_2103, %broadcast_in_dim3A_2104 : vector<16xi1>, vector<16xf32>
    %add3A_2106 = arith.addf %add3A_2076, %select_n3A_2105 : vector<16xf32>
    %get3A_2107 = arith.constant 1120 : index
    %get3A_2108 = tpu.vector_load %arg9[%get3A_2107] {strides = array<i32>} : memref<2048xf32, #tpu.memory_space<vmem>>, vector<16xf32>,
    %get3A_2109 = vector.shape_cast %get3A_2108 : vector<16xf32> to vector<16xf32>
    %jit3A_2110 = arith.constant 0.000000e+00 : f32
    %broadcast_in_dim3A_2111 = vector.broadcast %jit3A_2110 : f32 to vector<16xf32>
    %select_n3A_2112 = arith.select %ne3A_2100, %get3A_2109, %broadcast_in_dim3A_2111 : vector<16xi1>, vector<16xf32>
    %add3A_2113 = arith.addf %add3A_2083, %select_n3A_2112 : vector<16xf32>
    %get3A_2114 = arith.constant 1120 : index
    %get3A_2115 = tpu.vector_load %arg8[%get3A_2114] {strides = array<i32>} : memref<2048xf32, #tpu.memory_space<vmem>>, vector<16xf32>,
    %get3A_2116 = vector.shape_cast %get3A_2115 : vector<16xf32> to vector<16xf32>
    %get3A_2117 = arith.constant 1120 : index
    %get3A_2118 = tpu.vector_load %arg10[%get3A_2117] {strides = array<i32>} : memref<2048xf32, #tpu.memory_space<vmem>>, vector<16xf32>,
    %get3A_2119 = vector.shape_cast %get3A_2118 : vector<16xf32> to vector<16xf32>
    %sub3A_2120 = arith.subf %get3A_2116, %get3A_2119 : vector<16xf32>
    %jit3A_2121 = arith.constant 0.000000e+00 : f32
    %broadcast_in_dim3A_2122 = vector.broadcast %jit3A_2121 : f32 to vector<16xf32>
    %select_n3A_2123 = arith.select %ne3A_2100, %sub3A_2120, %broadcast_in_dim3A_2122 : vector<16xi1>, vector<16xf32>
    %add3A_2124 = arith.addf %add3A_2094, %select_n3A_2123 : vector<16xf32>
    %get3A_2125 = arith.constant 1136 : index
    %get3A_2126 = tpu.vector_load %arg7[%get3A_2125] {strides = array<i32>} : memref<2048xi32, #tpu.memory_space<vmem>>, vector<16xi32>,
    %get3A_2127 = vector.shape_cast %get3A_2126 : vector<16xi32> to vector<16xi32>
    %ne3A_2128 = arith.constant 0 : i32
    %ne3A_2129 = vector.broadcast %ne3A_2128 : i32 to vector<16xi32>
    %ne3A_2130 = arith.cmpi ne, %get3A_2127, %ne3A_2129 : vector<16xi32>
    %jit3A_2131 = arith.constant 1.000000e+00 : f32
    %jit3A_2132 = arith.constant 0.000000e+00 : f32
    %broadcast_in_dim3A_2133 = vector.broadcast %jit3A_2131 : f32 to vector<16xf32>
    %broadcast_in_dim3A_2134 = vector.broadcast %jit3A_2132 : f32 to vector<16xf32>
    %select_n3A_2135 = arith.select %ne3A_2130, %broadcast_in_dim3A_2133, %broadcast_in_dim3A_2134 : vector<16xi1>, vector<16xf32>
    %add3A_2136 = arith.addf %add3A_2106, %select_n3A_2135 : vector<16xf32>
    %get3A_2137 = arith.constant 1136 : index
    %get3A_2138 = tpu.vector_load %arg9[%get3A_2137] {strides = array<i32>} : memref<2048xf32, #tpu.memory_space<vmem>>, vector<16xf32>,
    %get3A_2139 = vector.shape_cast %get3A_2138 : vector<16xf32> to vector<16xf32>
    %jit3A_2140 = arith.constant 0.000000e+00 : f32
    %broadcast_in_dim3A_2141 = vector.broadcast %jit3A_2140 : f32 to vector<16xf32>
    %select_n3A_2142 = arith.select %ne3A_2130, %get3A_2139, %broadcast_in_dim3A_2141 : vector<16xi1>, vector<16xf32>
    %add3A_2143 = arith.addf %add3A_2113, %select_n3A_2142 : vector<16xf32>
    %get3A_2144 = arith.constant 1136 : index
    %get3A_2145 = tpu.vector_load %arg8[%get3A_2144] {strides = array<i32>} : memref<2048xf32, #tpu.memory_space<vmem>>, vector<16xf32>,
    %get3A_2146 = vector.shape_cast %get3A_2145 : vector<16xf32> to vector<16xf32>
    %get3A_2147 = arith.constant 1136 : index
    %get3A_2148 = tpu.vector_load %arg10[%get3A_2147] {strides = array<i32>} : memref<2048xf32, #tpu.memory_space<vmem>>, vector<16xf32>,
    %get3A_2149 = vector.shape_cast %get3A_2148 : vector<16xf32> to vector<16xf32>
    %sub3A_2150 = arith.subf %get3A_2146, %get3A_2149 : vector<16xf32>
    %jit3A_2151 = arith.constant 0.000000e+00 : f32
    %broadcast_in_dim3A_2152 = vector.broadcast %jit3A_2151 : f32 to vector<16xf32>
    %select_n3A_2153 = arith.select %ne3A_2130, %sub3A_2150, %broadcast_in_dim3A_2152 : vector<16xi1>, vector<16xf32>
    %add3A_2154 = arith.addf %add3A_2124, %select_n3A_2153 : vector<16xf32>
    %get3A_2155 = arith.constant 1152 : index
    %get3A_2156 = tpu.vector_load %arg7[%get3A_2155] {strides = array<i32>} : memref<2048xi32, #tpu.memory_space<vmem>>, vector<16xi32>,
    %get3A_2157 = vector.shape_cast %get3A_2156 : vector<16xi32> to vector<16xi32>
    %ne3A_2158 = arith.constant 0 : i32
    %ne3A_2159 = vector.broadcast %ne3A_2158 : i32 to vector<16xi32>
    %ne3A_2160 = arith.cmpi ne, %get3A_2157, %ne3A_2159 : vector<16xi32>
    %jit3A_2161 = arith.constant 1.000000e+00 : f32
    %jit3A_2162 = arith.constant 0.000000e+00 : f32
    %broadcast_in_dim3A_2163 = vector.broadcast %jit3A_2161 : f32 to vector<16xf32>
    %broadcast_in_dim3A_2164 = vector.broadcast %jit3A_2162 : f32 to vector<16xf32>
    %select_n3A_2165 = arith.select %ne3A_2160, %broadcast_in_dim3A_2163, %broadcast_in_dim3A_2164 : vector<16xi1>, vector<16xf32>
    %add3A_2166 = arith.addf %add3A_2136, %select_n3A_2165 : vector<16xf32>
    %get3A_2167 = arith.constant 1152 : index
    %get3A_2168 = tpu.vector_load %arg9[%get3A_2167] {strides = array<i32>} : memref<2048xf32, #tpu.memory_space<vmem>>, vector<16xf32>,
    %get3A_2169 = vector.shape_cast %get3A_2168 : vector<16xf32> to vector<16xf32>
    %jit3A_2170 = arith.constant 0.000000e+00 : f32
    %broadcast_in_dim3A_2171 = vector.broadcast %jit3A_2170 : f32 to vector<16xf32>
    %select_n3A_2172 = arith.select %ne3A_2160, %get3A_2169, %broadcast_in_dim3A_2171 : vector<16xi1>, vector<16xf32>
    %add3A_2173 = arith.addf %add3A_2143, %select_n3A_2172 : vector<16xf32>
    %get3A_2174 = arith.constant 1152 : index
    %get3A_2175 = tpu.vector_load %arg8[%get3A_2174] {strides = array<i32>} : memref<2048xf32, #tpu.memory_space<vmem>>, vector<16xf32>,
    %get3A_2176 = vector.shape_cast %get3A_2175 : vector<16xf32> to vector<16xf32>
    %get3A_2177 = arith.constant 1152 : index
    %get3A_2178 = tpu.vector_load %arg10[%get3A_2177] {strides = array<i32>} : memref<2048xf32, #tpu.memory_space<vmem>>, vector<16xf32>,
    %get3A_2179 = vector.shape_cast %get3A_2178 : vector<16xf32> to vector<16xf32>
    %sub3A_2180 = arith.subf %get3A_2176, %get3A_2179 : vector<16xf32>
    %jit3A_2181 = arith.constant 0.000000e+00 : f32
    %broadcast_in_dim3A_2182 = vector.broadcast %jit3A_2181 : f32 to vector<16xf32>
    %select_n3A_2183 = arith.select %ne3A_2160, %sub3A_2180, %broadcast_in_dim3A_2182 : vector<16xi1>, vector<16xf32>
    %add3A_2184 = arith.addf %add3A_2154, %select_n3A_2183 : vector<16xf32>
    %get3A_2185 = arith.constant 1168 : index
    %get3A_2186 = tpu.vector_load %arg7[%get3A_2185] {strides = array<i32>} : memref<2048xi32, #tpu.memory_space<vmem>>, vector<16xi32>,
    %get3A_2187 = vector.shape_cast %get3A_2186 : vector<16xi32> to vector<16xi32>
    %ne3A_2188 = arith.constant 0 : i32
    %ne3A_2189 = vector.broadcast %ne3A_2188 : i32 to vector<16xi32>
    %ne3A_2190 = arith.cmpi ne, %get3A_2187, %ne3A_2189 : vector<16xi32>
    %jit3A_2191 = arith.constant 1.000000e+00 : f32
    %jit3A_2192 = arith.constant 0.000000e+00 : f32
    %broadcast_in_dim3A_2193 = vector.broadcast %jit3A_2191 : f32 to vector<16xf32>
    %broadcast_in_dim3A_2194 = vector.broadcast %jit3A_2192 : f32 to vector<16xf32>
    %select_n3A_2195 = arith.select %ne3A_2190, %broadcast_in_dim3A_2193, %broadcast_in_dim3A_2194 : vector<16xi1>, vector<16xf32>
    %add3A_2196 = arith.addf %add3A_2166, %select_n3A_2195 : vector<16xf32>
    %get3A_2197 = arith.constant 1168 : index
    %get3A_2198 = tpu.vector_load %arg9[%get3A_2197] {strides = array<i32>} : memref<2048xf32, #tpu.memory_space<vmem>>, vector<16xf32>,
    %get3A_2199 = vector.shape_cast %get3A_2198 : vector<16xf32> to vector<16xf32>
    %jit3A_2200 = arith.constant 0.000000e+00 : f32
    %broadcast_in_dim3A_2201 = vector.broadcast %jit3A_2200 : f32 to vector<16xf32>
    %select_n3A_2202 = arith.select %ne3A_2190, %get3A_2199, %broadcast_in_dim3A_2201 : vector<16xi1>, vector<16xf32>
    %add3A_2203 = arith.addf %add3A_2173, %select_n3A_2202 : vector<16xf32>
    %get3A_2204 = arith.constant 1168 : index
    %get3A_2205 = tpu.vector_load %arg8[%get3A_2204] {strides = array<i32>} : memref<2048xf32, #tpu.memory_space<vmem>>, vector<16xf32>,
    %get3A_2206 = vector.shape_cast %get3A_2205 : vector<16xf32> to vector<16xf32>
    %get3A_2207 = arith.constant 1168 : index
    %get3A_2208 = tpu.vector_load %arg10[%get3A_2207] {strides = array<i32>} : memref<2048xf32, #tpu.memory_space<vmem>>, vector<16xf32>,
    %get3A_2209 = vector.shape_cast %get3A_2208 : vector<16xf32> to vector<16xf32>
    %sub3A_2210 = arith.subf %get3A_2206, %get3A_2209 : vector<16xf32>
    %jit3A_2211 = arith.constant 0.000000e+00 : f32
    %broadcast_in_dim3A_2212 = vector.broadcast %jit3A_2211 : f32 to vector<16xf32>
    %select_n3A_2213 = arith.select %ne3A_2190, %sub3A_2210, %broadcast_in_dim3A_2212 : vector<16xi1>, vector<16xf32>
    %add3A_2214 = arith.addf %add3A_2184, %select_n3A_2213 : vector<16xf32>
    %get3A_2215 = arith.constant 1184 : index
    %get3A_2216 = tpu.vector_load %arg7[%get3A_2215] {strides = array<i32>} : memref<2048xi32, #tpu.memory_space<vmem>>, vector<16xi32>,
    %get3A_2217 = vector.shape_cast %get3A_2216 : vector<16xi32> to vector<16xi32>
    %ne3A_2218 = arith.constant 0 : i32
    %ne3A_2219 = vector.broadcast %ne3A_2218 : i32 to vector<16xi32>
    %ne3A_2220 = arith.cmpi ne, %get3A_2217, %ne3A_2219 : vector<16xi32>
    %jit3A_2221 = arith.constant 1.000000e+00 : f32
    %jit3A_2222 = arith.constant 0.000000e+00 : f32
    %broadcast_in_dim3A_2223 = vector.broadcast %jit3A_2221 : f32 to vector<16xf32>
    %broadcast_in_dim3A_2224 = vector.broadcast %jit3A_2222 : f32 to vector<16xf32>
    %select_n3A_2225 = arith.select %ne3A_2220, %broadcast_in_dim3A_2223, %broadcast_in_dim3A_2224 : vector<16xi1>, vector<16xf32>
    %add3A_2226 = arith.addf %add3A_2196, %select_n3A_2225 : vector<16xf32>
    %get3A_2227 = arith.constant 1184 : index
    %get3A_2228 = tpu.vector_load %arg9[%get3A_2227] {strides = array<i32>} : memref<2048xf32, #tpu.memory_space<vmem>>, vector<16xf32>,
    %get3A_2229 = vector.shape_cast %get3A_2228 : vector<16xf32> to vector<16xf32>
    %jit3A_2230 = arith.constant 0.000000e+00 : f32
    %broadcast_in_dim3A_2231 = vector.broadcast %jit3A_2230 : f32 to vector<16xf32>
    %select_n3A_2232 = arith.select %ne3A_2220, %get3A_2229, %broadcast_in_dim3A_2231 : vector<16xi1>, vector<16xf32>
    %add3A_2233 = arith.addf %add3A_2203, %select_n3A_2232 : vector<16xf32>
    %get3A_2234 = arith.constant 1184 : index
    %get3A_2235 = tpu.vector_load %arg8[%get3A_2234] {strides = array<i32>} : memref<2048xf32, #tpu.memory_space<vmem>>, vector<16xf32>,
    %get3A_2236 = vector.shape_cast %get3A_2235 : vector<16xf32> to vector<16xf32>
    %get3A_2237 = arith.constant 1184 : index
    %get3A_2238 = tpu.vector_load %arg10[%get3A_2237] {strides = array<i32>} : memref<2048xf32, #tpu.memory_space<vmem>>, vector<16xf32>,
    %get3A_2239 = vector.shape_cast %get3A_2238 : vector<16xf32> to vector<16xf32>
    %sub3A_2240 = arith.subf %get3A_2236, %get3A_2239 : vector<16xf32>
    %jit3A_2241 = arith.constant 0.000000e+00 : f32
    %broadcast_in_dim3A_2242 = vector.broadcast %jit3A_2241 : f32 to vector<16xf32>
    %select_n3A_2243 = arith.select %ne3A_2220, %sub3A_2240, %broadcast_in_dim3A_2242 : vector<16xi1>, vector<16xf32>
    %add3A_2244 = arith.addf %add3A_2214, %select_n3A_2243 : vector<16xf32>
    %get3A_2245 = arith.constant 1200 : index
    %get3A_2246 = tpu.vector_load %arg7[%get3A_2245] {strides = array<i32>} : memref<2048xi32, #tpu.memory_space<vmem>>, vector<16xi32>,
    %get3A_2247 = vector.shape_cast %get3A_2246 : vector<16xi32> to vector<16xi32>
    %ne3A_2248 = arith.constant 0 : i32
    %ne3A_2249 = vector.broadcast %ne3A_2248 : i32 to vector<16xi32>
    %ne3A_2250 = arith.cmpi ne, %get3A_2247, %ne3A_2249 : vector<16xi32>
    %jit3A_2251 = arith.constant 1.000000e+00 : f32
    %jit3A_2252 = arith.constant 0.000000e+00 : f32
    %broadcast_in_dim3A_2253 = vector.broadcast %jit3A_2251 : f32 to vector<16xf32>
    %broadcast_in_dim3A_2254 = vector.broadcast %jit3A_2252 : f32 to vector<16xf32>
    %select_n3A_2255 = arith.select %ne3A_2250, %broadcast_in_dim3A_2253, %broadcast_in_dim3A_2254 : vector<16xi1>, vector<16xf32>
    %add3A_2256 = arith.addf %add3A_2226, %select_n3A_2255 : vector<16xf32>
    %get3A_2257 = arith.constant 1200 : index
    %get3A_2258 = tpu.vector_load %arg9[%get3A_2257] {strides = array<i32>} : memref<2048xf32, #tpu.memory_space<vmem>>, vector<16xf32>,
    %get3A_2259 = vector.shape_cast %get3A_2258 : vector<16xf32> to vector<16xf32>
    %jit3A_2260 = arith.constant 0.000000e+00 : f32
    %broadcast_in_dim3A_2261 = vector.broadcast %jit3A_2260 : f32 to vector<16xf32>
    %select_n3A_2262 = arith.select %ne3A_2250, %get3A_2259, %broadcast_in_dim3A_2261 : vector<16xi1>, vector<16xf32>
    %add3A_2263 = arith.addf %add3A_2233, %select_n3A_2262 : vector<16xf32>
    %get3A_2264 = arith.constant 1200 : index
    %get3A_2265 = tpu.vector_load %arg8[%get3A_2264] {strides = array<i32>} : memref<2048xf32, #tpu.memory_space<vmem>>, vector<16xf32>,
    %get3A_2266 = vector.shape_cast %get3A_2265 : vector<16xf32> to vector<16xf32>
    %get3A_2267 = arith.constant 1200 : index
    %get3A_2268 = tpu.vector_load %arg10[%get3A_2267] {strides = array<i32>} : memref<2048xf32, #tpu.memory_space<vmem>>, vector<16xf32>,
    %get3A_2269 = vector.shape_cast %get3A_2268 : vector<16xf32> to vector<16xf32>
    %sub3A_2270 = arith.subf %get3A_2266, %get3A_2269 : vector<16xf32>
    %jit3A_2271 = arith.constant 0.000000e+00 : f32
    %broadcast_in_dim3A_2272 = vector.broadcast %jit3A_2271 : f32 to vector<16xf32>
    %select_n3A_2273 = arith.select %ne3A_2250, %sub3A_2270, %broadcast_in_dim3A_2272 : vector<16xi1>, vector<16xf32>
    %add3A_2274 = arith.addf %add3A_2244, %select_n3A_2273 : vector<16xf32>
    %get3A_2275 = arith.constant 1216 : index
    %get3A_2276 = tpu.vector_load %arg7[%get3A_2275] {strides = array<i32>} : memref<2048xi32, #tpu.memory_space<vmem>>, vector<16xi32>,
    %get3A_2277 = vector.shape_cast %get3A_2276 : vector<16xi32> to vector<16xi32>
    %ne3A_2278 = arith.constant 0 : i32
    %ne3A_2279 = vector.broadcast %ne3A_2278 : i32 to vector<16xi32>
    %ne3A_2280 = arith.cmpi ne, %get3A_2277, %ne3A_2279 : vector<16xi32>
    %jit3A_2281 = arith.constant 1.000000e+00 : f32
    %jit3A_2282 = arith.constant 0.000000e+00 : f32
    %broadcast_in_dim3A_2283 = vector.broadcast %jit3A_2281 : f32 to vector<16xf32>
    %broadcast_in_dim3A_2284 = vector.broadcast %jit3A_2282 : f32 to vector<16xf32>
    %select_n3A_2285 = arith.select %ne3A_2280, %broadcast_in_dim3A_2283, %broadcast_in_dim3A_2284 : vector<16xi1>, vector<16xf32>
    %add3A_2286 = arith.addf %add3A_2256, %select_n3A_2285 : vector<16xf32>
    %get3A_2287 = arith.constant 1216 : index
    %get3A_2288 = tpu.vector_load %arg9[%get3A_2287] {strides = array<i32>} : memref<2048xf32, #tpu.memory_space<vmem>>, vector<16xf32>,
    %get3A_2289 = vector.shape_cast %get3A_2288 : vector<16xf32> to vector<16xf32>
    %jit3A_2290 = arith.constant 0.000000e+00 : f32
    %broadcast_in_dim3A_2291 = vector.broadcast %jit3A_2290 : f32 to vector<16xf32>
    %select_n3A_2292 = arith.select %ne3A_2280, %get3A_2289, %broadcast_in_dim3A_2291 : vector<16xi1>, vector<16xf32>
    %add3A_2293 = arith.addf %add3A_2263, %select_n3A_2292 : vector<16xf32>
    %get3A_2294 = arith.constant 1216 : index
    %get3A_2295 = tpu.vector_load %arg8[%get3A_2294] {strides = array<i32>} : memref<2048xf32, #tpu.memory_space<vmem>>, vector<16xf32>,
    %get3A_2296 = vector.shape_cast %get3A_2295 : vector<16xf32> to vector<16xf32>
    %get3A_2297 = arith.constant 1216 : index
    %get3A_2298 = tpu.vector_load %arg10[%get3A_2297] {strides = array<i32>} : memref<2048xf32, #tpu.memory_space<vmem>>, vector<16xf32>,
    %get3A_2299 = vector.shape_cast %get3A_2298 : vector<16xf32> to vector<16xf32>
    %sub3A_2300 = arith.subf %get3A_2296, %get3A_2299 : vector<16xf32>
    %jit3A_2301 = arith.constant 0.000000e+00 : f32
    %broadcast_in_dim3A_2302 = vector.broadcast %jit3A_2301 : f32 to vector<16xf32>
    %select_n3A_2303 = arith.select %ne3A_2280, %sub3A_2300, %broadcast_in_dim3A_2302 : vector<16xi1>, vector<16xf32>
    %add3A_2304 = arith.addf %add3A_2274, %select_n3A_2303 : vector<16xf32>
    %get3A_2305 = arith.constant 1232 : index
    %get3A_2306 = tpu.vector_load %arg7[%get3A_2305] {strides = array<i32>} : memref<2048xi32, #tpu.memory_space<vmem>>, vector<16xi32>,
    %get3A_2307 = vector.shape_cast %get3A_2306 : vector<16xi32> to vector<16xi32>
    %ne3A_2308 = arith.constant 0 : i32
    %ne3A_2309 = vector.broadcast %ne3A_2308 : i32 to vector<16xi32>
    %ne3A_2310 = arith.cmpi ne, %get3A_2307, %ne3A_2309 : vector<16xi32>
    %jit3A_2311 = arith.constant 1.000000e+00 : f32
    %jit3A_2312 = arith.constant 0.000000e+00 : f32
    %broadcast_in_dim3A_2313 = vector.broadcast %jit3A_2311 : f32 to vector<16xf32>
    %broadcast_in_dim3A_2314 = vector.broadcast %jit3A_2312 : f32 to vector<16xf32>
    %select_n3A_2315 = arith.select %ne3A_2310, %broadcast_in_dim3A_2313, %broadcast_in_dim3A_2314 : vector<16xi1>, vector<16xf32>
    %add3A_2316 = arith.addf %add3A_2286, %select_n3A_2315 : vector<16xf32>
    %get3A_2317 = arith.constant 1232 : index
    %get3A_2318 = tpu.vector_load %arg9[%get3A_2317] {strides = array<i32>} : memref<2048xf32, #tpu.memory_space<vmem>>, vector<16xf32>,
    %get3A_2319 = vector.shape_cast %get3A_2318 : vector<16xf32> to vector<16xf32>
    %jit3A_2320 = arith.constant 0.000000e+00 : f32
    %broadcast_in_dim3A_2321 = vector.broadcast %jit3A_2320 : f32 to vector<16xf32>
    %select_n3A_2322 = arith.select %ne3A_2310, %get3A_2319, %broadcast_in_dim3A_2321 : vector<16xi1>, vector<16xf32>
    %add3A_2323 = arith.addf %add3A_2293, %select_n3A_2322 : vector<16xf32>
    %get3A_2324 = arith.constant 1232 : index
    %get3A_2325 = tpu.vector_load %arg8[%get3A_2324] {strides = array<i32>} : memref<2048xf32, #tpu.memory_space<vmem>>, vector<16xf32>,
    %get3A_2326 = vector.shape_cast %get3A_2325 : vector<16xf32> to vector<16xf32>
    %get3A_2327 = arith.constant 1232 : index
    %get3A_2328 = tpu.vector_load %arg10[%get3A_2327] {strides = array<i32>} : memref<2048xf32, #tpu.memory_space<vmem>>, vector<16xf32>,
    %get3A_2329 = vector.shape_cast %get3A_2328 : vector<16xf32> to vector<16xf32>
    %sub3A_2330 = arith.subf %get3A_2326, %get3A_2329 : vector<16xf32>
    %jit3A_2331 = arith.constant 0.000000e+00 : f32
    %broadcast_in_dim3A_2332 = vector.broadcast %jit3A_2331 : f32 to vector<16xf32>
    %select_n3A_2333 = arith.select %ne3A_2310, %sub3A_2330, %broadcast_in_dim3A_2332 : vector<16xi1>, vector<16xf32>
    %add3A_2334 = arith.addf %add3A_2304, %select_n3A_2333 : vector<16xf32>
    %get3A_2335 = arith.constant 1248 : index
    %get3A_2336 = tpu.vector_load %arg7[%get3A_2335] {strides = array<i32>} : memref<2048xi32, #tpu.memory_space<vmem>>, vector<16xi32>,
    %get3A_2337 = vector.shape_cast %get3A_2336 : vector<16xi32> to vector<16xi32>
    %ne3A_2338 = arith.constant 0 : i32
    %ne3A_2339 = vector.broadcast %ne3A_2338 : i32 to vector<16xi32>
    %ne3A_2340 = arith.cmpi ne, %get3A_2337, %ne3A_2339 : vector<16xi32>
    %jit3A_2341 = arith.constant 1.000000e+00 : f32
    %jit3A_2342 = arith.constant 0.000000e+00 : f32
    %broadcast_in_dim3A_2343 = vector.broadcast %jit3A_2341 : f32 to vector<16xf32>
    %broadcast_in_dim3A_2344 = vector.broadcast %jit3A_2342 : f32 to vector<16xf32>
    %select_n3A_2345 = arith.select %ne3A_2340, %broadcast_in_dim3A_2343, %broadcast_in_dim3A_2344 : vector<16xi1>, vector<16xf32>
    %add3A_2346 = arith.addf %add3A_2316, %select_n3A_2345 : vector<16xf32>
    %get3A_2347 = arith.constant 1248 : index
    %get3A_2348 = tpu.vector_load %arg9[%get3A_2347] {strides = array<i32>} : memref<2048xf32, #tpu.memory_space<vmem>>, vector<16xf32>,
    %get3A_2349 = vector.shape_cast %get3A_2348 : vector<16xf32> to vector<16xf32>
    %jit3A_2350 = arith.constant 0.000000e+00 : f32
    %broadcast_in_dim3A_2351 = vector.broadcast %jit3A_2350 : f32 to vector<16xf32>
    %select_n3A_2352 = arith.select %ne3A_2340, %get3A_2349, %broadcast_in_dim3A_2351 : vector<16xi1>, vector<16xf32>
    %add3A_2353 = arith.addf %add3A_2323, %select_n3A_2352 : vector<16xf32>
    %get3A_2354 = arith.constant 1248 : index
    %get3A_2355 = tpu.vector_load %arg8[%get3A_2354] {strides = array<i32>} : memref<2048xf32, #tpu.memory_space<vmem>>, vector<16xf32>,
    %get3A_2356 = vector.shape_cast %get3A_2355 : vector<16xf32> to vector<16xf32>
    %get3A_2357 = arith.constant 1248 : index
    %get3A_2358 = tpu.vector_load %arg10[%get3A_2357] {strides = array<i32>} : memref<2048xf32, #tpu.memory_space<vmem>>, vector<16xf32>,
    %get3A_2359 = vector.shape_cast %get3A_2358 : vector<16xf32> to vector<16xf32>
    %sub3A_2360 = arith.subf %get3A_2356, %get3A_2359 : vector<16xf32>
    %jit3A_2361 = arith.constant 0.000000e+00 : f32
    %broadcast_in_dim3A_2362 = vector.broadcast %jit3A_2361 : f32 to vector<16xf32>
    %select_n3A_2363 = arith.select %ne3A_2340, %sub3A_2360, %broadcast_in_dim3A_2362 : vector<16xi1>, vector<16xf32>
    %add3A_2364 = arith.addf %add3A_2334, %select_n3A_2363 : vector<16xf32>
    %get3A_2365 = arith.constant 1264 : index
    %get3A_2366 = tpu.vector_load %arg7[%get3A_2365] {strides = array<i32>} : memref<2048xi32, #tpu.memory_space<vmem>>, vector<16xi32>,
    %get3A_2367 = vector.shape_cast %get3A_2366 : vector<16xi32> to vector<16xi32>
    %ne3A_2368 = arith.constant 0 : i32
    %ne3A_2369 = vector.broadcast %ne3A_2368 : i32 to vector<16xi32>
    %ne3A_2370 = arith.cmpi ne, %get3A_2367, %ne3A_2369 : vector<16xi32>
    %jit3A_2371 = arith.constant 1.000000e+00 : f32
    %jit3A_2372 = arith.constant 0.000000e+00 : f32
    %broadcast_in_dim3A_2373 = vector.broadcast %jit3A_2371 : f32 to vector<16xf32>
    %broadcast_in_dim3A_2374 = vector.broadcast %jit3A_2372 : f32 to vector<16xf32>
    %select_n3A_2375 = arith.select %ne3A_2370, %broadcast_in_dim3A_2373, %broadcast_in_dim3A_2374 : vector<16xi1>, vector<16xf32>
    %add3A_2376 = arith.addf %add3A_2346, %select_n3A_2375 : vector<16xf32>
    %get3A_2377 = arith.constant 1264 : index
    %get3A_2378 = tpu.vector_load %arg9[%get3A_2377] {strides = array<i32>} : memref<2048xf32, #tpu.memory_space<vmem>>, vector<16xf32>,
    %get3A_2379 = vector.shape_cast %get3A_2378 : vector<16xf32> to vector<16xf32>
    %jit3A_2380 = arith.constant 0.000000e+00 : f32
    %broadcast_in_dim3A_2381 = vector.broadcast %jit3A_2380 : f32 to vector<16xf32>
    %select_n3A_2382 = arith.select %ne3A_2370, %get3A_2379, %broadcast_in_dim3A_2381 : vector<16xi1>, vector<16xf32>
    %add3A_2383 = arith.addf %add3A_2353, %select_n3A_2382 : vector<16xf32>
    %get3A_2384 = arith.constant 1264 : index
    %get3A_2385 = tpu.vector_load %arg8[%get3A_2384] {strides = array<i32>} : memref<2048xf32, #tpu.memory_space<vmem>>, vector<16xf32>,
    %get3A_2386 = vector.shape_cast %get3A_2385 : vector<16xf32> to vector<16xf32>
    %get3A_2387 = arith.constant 1264 : index
    %get3A_2388 = tpu.vector_load %arg10[%get3A_2387] {strides = array<i32>} : memref<2048xf32, #tpu.memory_space<vmem>>, vector<16xf32>,
    %get3A_2389 = vector.shape_cast %get3A_2388 : vector<16xf32> to vector<16xf32>
    %sub3A_2390 = arith.subf %get3A_2386, %get3A_2389 : vector<16xf32>
    %jit3A_2391 = arith.constant 0.000000e+00 : f32
    %broadcast_in_dim3A_2392 = vector.broadcast %jit3A_2391 : f32 to vector<16xf32>
    %select_n3A_2393 = arith.select %ne3A_2370, %sub3A_2390, %broadcast_in_dim3A_2392 : vector<16xi1>, vector<16xf32>
    %add3A_2394 = arith.addf %add3A_2364, %select_n3A_2393 : vector<16xf32>
    %get3A_2395 = arith.constant 1280 : index
    %get3A_2396 = tpu.vector_load %arg7[%get3A_2395] {strides = array<i32>} : memref<2048xi32, #tpu.memory_space<vmem>>, vector<16xi32>,
    %get3A_2397 = vector.shape_cast %get3A_2396 : vector<16xi32> to vector<16xi32>
    %ne3A_2398 = arith.constant 0 : i32
    %ne3A_2399 = vector.broadcast %ne3A_2398 : i32 to vector<16xi32>
    %ne3A_2400 = arith.cmpi ne, %get3A_2397, %ne3A_2399 : vector<16xi32>
    %jit3A_2401 = arith.constant 1.000000e+00 : f32
    %jit3A_2402 = arith.constant 0.000000e+00 : f32
    %broadcast_in_dim3A_2403 = vector.broadcast %jit3A_2401 : f32 to vector<16xf32>
    %broadcast_in_dim3A_2404 = vector.broadcast %jit3A_2402 : f32 to vector<16xf32>
    %select_n3A_2405 = arith.select %ne3A_2400, %broadcast_in_dim3A_2403, %broadcast_in_dim3A_2404 : vector<16xi1>, vector<16xf32>
    %add3A_2406 = arith.addf %add3A_2376, %select_n3A_2405 : vector<16xf32>
    %get3A_2407 = arith.constant 1280 : index
    %get3A_2408 = tpu.vector_load %arg9[%get3A_2407] {strides = array<i32>} : memref<2048xf32, #tpu.memory_space<vmem>>, vector<16xf32>,
    %get3A_2409 = vector.shape_cast %get3A_2408 : vector<16xf32> to vector<16xf32>
    %jit3A_2410 = arith.constant 0.000000e+00 : f32
    %broadcast_in_dim3A_2411 = vector.broadcast %jit3A_2410 : f32 to vector<16xf32>
    %select_n3A_2412 = arith.select %ne3A_2400, %get3A_2409, %broadcast_in_dim3A_2411 : vector<16xi1>, vector<16xf32>
    %add3A_2413 = arith.addf %add3A_2383, %select_n3A_2412 : vector<16xf32>
    %get3A_2414 = arith.constant 1280 : index
    %get3A_2415 = tpu.vector_load %arg8[%get3A_2414] {strides = array<i32>} : memref<2048xf32, #tpu.memory_space<vmem>>, vector<16xf32>,
    %get3A_2416 = vector.shape_cast %get3A_2415 : vector<16xf32> to vector<16xf32>
    %get3A_2417 = arith.constant 1280 : index
    %get3A_2418 = tpu.vector_load %arg10[%get3A_2417] {strides = array<i32>} : memref<2048xf32, #tpu.memory_space<vmem>>, vector<16xf32>,
    %get3A_2419 = vector.shape_cast %get3A_2418 : vector<16xf32> to vector<16xf32>
    %sub3A_2420 = arith.subf %get3A_2416, %get3A_2419 : vector<16xf32>
    %jit3A_2421 = arith.constant 0.000000e+00 : f32
    %broadcast_in_dim3A_2422 = vector.broadcast %jit3A_2421 : f32 to vector<16xf32>
    %select_n3A_2423 = arith.select %ne3A_2400, %sub3A_2420, %broadcast_in_dim3A_2422 : vector<16xi1>, vector<16xf32>
    %add3A_2424 = arith.addf %add3A_2394, %select_n3A_2423 : vector<16xf32>
    %get3A_2425 = arith.constant 1296 : index
    %get3A_2426 = tpu.vector_load %arg7[%get3A_2425] {strides = array<i32>} : memref<2048xi32, #tpu.memory_space<vmem>>, vector<16xi32>,
    %get3A_2427 = vector.shape_cast %get3A_2426 : vector<16xi32> to vector<16xi32>
    %ne3A_2428 = arith.constant 0 : i32
    %ne3A_2429 = vector.broadcast %ne3A_2428 : i32 to vector<16xi32>
    %ne3A_2430 = arith.cmpi ne, %get3A_2427, %ne3A_2429 : vector<16xi32>
    %jit3A_2431 = arith.constant 1.000000e+00 : f32
    %jit3A_2432 = arith.constant 0.000000e+00 : f32
    %broadcast_in_dim3A_2433 = vector.broadcast %jit3A_2431 : f32 to vector<16xf32>
    %broadcast_in_dim3A_2434 = vector.broadcast %jit3A_2432 : f32 to vector<16xf32>
    %select_n3A_2435 = arith.select %ne3A_2430, %broadcast_in_dim3A_2433, %broadcast_in_dim3A_2434 : vector<16xi1>, vector<16xf32>
    %add3A_2436 = arith.addf %add3A_2406, %select_n3A_2435 : vector<16xf32>
    %get3A_2437 = arith.constant 1296 : index
    %get3A_2438 = tpu.vector_load %arg9[%get3A_2437] {strides = array<i32>} : memref<2048xf32, #tpu.memory_space<vmem>>, vector<16xf32>,
    %get3A_2439 = vector.shape_cast %get3A_2438 : vector<16xf32> to vector<16xf32>
    %jit3A_2440 = arith.constant 0.000000e+00 : f32
    %broadcast_in_dim3A_2441 = vector.broadcast %jit3A_2440 : f32 to vector<16xf32>
    %select_n3A_2442 = arith.select %ne3A_2430, %get3A_2439, %broadcast_in_dim3A_2441 : vector<16xi1>, vector<16xf32>
    %add3A_2443 = arith.addf %add3A_2413, %select_n3A_2442 : vector<16xf32>
    %get3A_2444 = arith.constant 1296 : index
    %get3A_2445 = tpu.vector_load %arg8[%get3A_2444] {strides = array<i32>} : memref<2048xf32, #tpu.memory_space<vmem>>, vector<16xf32>,
    %get3A_2446 = vector.shape_cast %get3A_2445 : vector<16xf32> to vector<16xf32>
    %get3A_2447 = arith.constant 1296 : index
    %get3A_2448 = tpu.vector_load %arg10[%get3A_2447] {strides = array<i32>} : memref<2048xf32, #tpu.memory_space<vmem>>, vector<16xf32>,
    %get3A_2449 = vector.shape_cast %get3A_2448 : vector<16xf32> to vector<16xf32>
    %sub3A_2450 = arith.subf %get3A_2446, %get3A_2449 : vector<16xf32>
    %jit3A_2451 = arith.constant 0.000000e+00 : f32
    %broadcast_in_dim3A_2452 = vector.broadcast %jit3A_2451 : f32 to vector<16xf32>
    %select_n3A_2453 = arith.select %ne3A_2430, %sub3A_2450, %broadcast_in_dim3A_2452 : vector<16xi1>, vector<16xf32>
    %add3A_2454 = arith.addf %add3A_2424, %select_n3A_2453 : vector<16xf32>
    %get3A_2455 = arith.constant 1312 : index
    %get3A_2456 = tpu.vector_load %arg7[%get3A_2455] {strides = array<i32>} : memref<2048xi32, #tpu.memory_space<vmem>>, vector<16xi32>,
    %get3A_2457 = vector.shape_cast %get3A_2456 : vector<16xi32> to vector<16xi32>
    %ne3A_2458 = arith.constant 0 : i32
    %ne3A_2459 = vector.broadcast %ne3A_2458 : i32 to vector<16xi32>
    %ne3A_2460 = arith.cmpi ne, %get3A_2457, %ne3A_2459 : vector<16xi32>
    %jit3A_2461 = arith.constant 1.000000e+00 : f32
    %jit3A_2462 = arith.constant 0.000000e+00 : f32
    %broadcast_in_dim3A_2463 = vector.broadcast %jit3A_2461 : f32 to vector<16xf32>
    %broadcast_in_dim3A_2464 = vector.broadcast %jit3A_2462 : f32 to vector<16xf32>
    %select_n3A_2465 = arith.select %ne3A_2460, %broadcast_in_dim3A_2463, %broadcast_in_dim3A_2464 : vector<16xi1>, vector<16xf32>
    %add3A_2466 = arith.addf %add3A_2436, %select_n3A_2465 : vector<16xf32>
    %get3A_2467 = arith.constant 1312 : index
    %get3A_2468 = tpu.vector_load %arg9[%get3A_2467] {strides = array<i32>} : memref<2048xf32, #tpu.memory_space<vmem>>, vector<16xf32>,
    %get3A_2469 = vector.shape_cast %get3A_2468 : vector<16xf32> to vector<16xf32>
    %jit3A_2470 = arith.constant 0.000000e+00 : f32
    %broadcast_in_dim3A_2471 = vector.broadcast %jit3A_2470 : f32 to vector<16xf32>
    %select_n3A_2472 = arith.select %ne3A_2460, %get3A_2469, %broadcast_in_dim3A_2471 : vector<16xi1>, vector<16xf32>
    %add3A_2473 = arith.addf %add3A_2443, %select_n3A_2472 : vector<16xf32>
    %get3A_2474 = arith.constant 1312 : index
    %get3A_2475 = tpu.vector_load %arg8[%get3A_2474] {strides = array<i32>} : memref<2048xf32, #tpu.memory_space<vmem>>, vector<16xf32>,
    %get3A_2476 = vector.shape_cast %get3A_2475 : vector<16xf32> to vector<16xf32>
    %get3A_2477 = arith.constant 1312 : index
    %get3A_2478 = tpu.vector_load %arg10[%get3A_2477] {strides = array<i32>} : memref<2048xf32, #tpu.memory_space<vmem>>, vector<16xf32>,
    %get3A_2479 = vector.shape_cast %get3A_2478 : vector<16xf32> to vector<16xf32>
    %sub3A_2480 = arith.subf %get3A_2476, %get3A_2479 : vector<16xf32>
    %jit3A_2481 = arith.constant 0.000000e+00 : f32
    %broadcast_in_dim3A_2482 = vector.broadcast %jit3A_2481 : f32 to vector<16xf32>
    %select_n3A_2483 = arith.select %ne3A_2460, %sub3A_2480, %broadcast_in_dim3A_2482 : vector<16xi1>, vector<16xf32>
    %add3A_2484 = arith.addf %add3A_2454, %select_n3A_2483 : vector<16xf32>
    %get3A_2485 = arith.constant 1328 : index
    %get3A_2486 = tpu.vector_load %arg7[%get3A_2485] {strides = array<i32>} : memref<2048xi32, #tpu.memory_space<vmem>>, vector<16xi32>,
    %get3A_2487 = vector.shape_cast %get3A_2486 : vector<16xi32> to vector<16xi32>
    %ne3A_2488 = arith.constant 0 : i32
    %ne3A_2489 = vector.broadcast %ne3A_2488 : i32 to vector<16xi32>
    %ne3A_2490 = arith.cmpi ne, %get3A_2487, %ne3A_2489 : vector<16xi32>
    %jit3A_2491 = arith.constant 1.000000e+00 : f32
    %jit3A_2492 = arith.constant 0.000000e+00 : f32
    %broadcast_in_dim3A_2493 = vector.broadcast %jit3A_2491 : f32 to vector<16xf32>
    %broadcast_in_dim3A_2494 = vector.broadcast %jit3A_2492 : f32 to vector<16xf32>
    %select_n3A_2495 = arith.select %ne3A_2490, %broadcast_in_dim3A_2493, %broadcast_in_dim3A_2494 : vector<16xi1>, vector<16xf32>
    %add3A_2496 = arith.addf %add3A_2466, %select_n3A_2495 : vector<16xf32>
    %get3A_2497 = arith.constant 1328 : index
    %get3A_2498 = tpu.vector_load %arg9[%get3A_2497] {strides = array<i32>} : memref<2048xf32, #tpu.memory_space<vmem>>, vector<16xf32>,
    %get3A_2499 = vector.shape_cast %get3A_2498 : vector<16xf32> to vector<16xf32>
    %jit3A_2500 = arith.constant 0.000000e+00 : f32
    %broadcast_in_dim3A_2501 = vector.broadcast %jit3A_2500 : f32 to vector<16xf32>
    %select_n3A_2502 = arith.select %ne3A_2490, %get3A_2499, %broadcast_in_dim3A_2501 : vector<16xi1>, vector<16xf32>
    %add3A_2503 = arith.addf %add3A_2473, %select_n3A_2502 : vector<16xf32>
    %get3A_2504 = arith.constant 1328 : index
    %get3A_2505 = tpu.vector_load %arg8[%get3A_2504] {strides = array<i32>} : memref<2048xf32, #tpu.memory_space<vmem>>, vector<16xf32>,
    %get3A_2506 = vector.shape_cast %get3A_2505 : vector<16xf32> to vector<16xf32>
    %get3A_2507 = arith.constant 1328 : index
    %get3A_2508 = tpu.vector_load %arg10[%get3A_2507] {strides = array<i32>} : memref<2048xf32, #tpu.memory_space<vmem>>, vector<16xf32>,
    %get3A_2509 = vector.shape_cast %get3A_2508 : vector<16xf32> to vector<16xf32>
    %sub3A_2510 = arith.subf %get3A_2506, %get3A_2509 : vector<16xf32>
    %jit3A_2511 = arith.constant 0.000000e+00 : f32
    %broadcast_in_dim3A_2512 = vector.broadcast %jit3A_2511 : f32 to vector<16xf32>
    %select_n3A_2513 = arith.select %ne3A_2490, %sub3A_2510, %broadcast_in_dim3A_2512 : vector<16xi1>, vector<16xf32>
    %add3A_2514 = arith.addf %add3A_2484, %select_n3A_2513 : vector<16xf32>
    %get3A_2515 = arith.constant 1344 : index
    %get3A_2516 = tpu.vector_load %arg7[%get3A_2515] {strides = array<i32>} : memref<2048xi32, #tpu.memory_space<vmem>>, vector<16xi32>,
    %get3A_2517 = vector.shape_cast %get3A_2516 : vector<16xi32> to vector<16xi32>
    %ne3A_2518 = arith.constant 0 : i32
    %ne3A_2519 = vector.broadcast %ne3A_2518 : i32 to vector<16xi32>
    %ne3A_2520 = arith.cmpi ne, %get3A_2517, %ne3A_2519 : vector<16xi32>
    %jit3A_2521 = arith.constant 1.000000e+00 : f32
    %jit3A_2522 = arith.constant 0.000000e+00 : f32
    %broadcast_in_dim3A_2523 = vector.broadcast %jit3A_2521 : f32 to vector<16xf32>
    %broadcast_in_dim3A_2524 = vector.broadcast %jit3A_2522 : f32 to vector<16xf32>
    %select_n3A_2525 = arith.select %ne3A_2520, %broadcast_in_dim3A_2523, %broadcast_in_dim3A_2524 : vector<16xi1>, vector<16xf32>
    %add3A_2526 = arith.addf %add3A_2496, %select_n3A_2525 : vector<16xf32>
    %get3A_2527 = arith.constant 1344 : index
    %get3A_2528 = tpu.vector_load %arg9[%get3A_2527] {strides = array<i32>} : memref<2048xf32, #tpu.memory_space<vmem>>, vector<16xf32>,
    %get3A_2529 = vector.shape_cast %get3A_2528 : vector<16xf32> to vector<16xf32>
    %jit3A_2530 = arith.constant 0.000000e+00 : f32
    %broadcast_in_dim3A_2531 = vector.broadcast %jit3A_2530 : f32 to vector<16xf32>
    %select_n3A_2532 = arith.select %ne3A_2520, %get3A_2529, %broadcast_in_dim3A_2531 : vector<16xi1>, vector<16xf32>
    %add3A_2533 = arith.addf %add3A_2503, %select_n3A_2532 : vector<16xf32>
    %get3A_2534 = arith.constant 1344 : index
    %get3A_2535 = tpu.vector_load %arg8[%get3A_2534] {strides = array<i32>} : memref<2048xf32, #tpu.memory_space<vmem>>, vector<16xf32>,
    %get3A_2536 = vector.shape_cast %get3A_2535 : vector<16xf32> to vector<16xf32>
    %get3A_2537 = arith.constant 1344 : index
    %get3A_2538 = tpu.vector_load %arg10[%get3A_2537] {strides = array<i32>} : memref<2048xf32, #tpu.memory_space<vmem>>, vector<16xf32>,
    %get3A_2539 = vector.shape_cast %get3A_2538 : vector<16xf32> to vector<16xf32>
    %sub3A_2540 = arith.subf %get3A_2536, %get3A_2539 : vector<16xf32>
    %jit3A_2541 = arith.constant 0.000000e+00 : f32
    %broadcast_in_dim3A_2542 = vector.broadcast %jit3A_2541 : f32 to vector<16xf32>
    %select_n3A_2543 = arith.select %ne3A_2520, %sub3A_2540, %broadcast_in_dim3A_2542 : vector<16xi1>, vector<16xf32>
    %add3A_2544 = arith.addf %add3A_2514, %select_n3A_2543 : vector<16xf32>
    %get3A_2545 = arith.constant 1360 : index
    %get3A_2546 = tpu.vector_load %arg7[%get3A_2545] {strides = array<i32>} : memref<2048xi32, #tpu.memory_space<vmem>>, vector<16xi32>,
    %get3A_2547 = vector.shape_cast %get3A_2546 : vector<16xi32> to vector<16xi32>
    %ne3A_2548 = arith.constant 0 : i32
    %ne3A_2549 = vector.broadcast %ne3A_2548 : i32 to vector<16xi32>
    %ne3A_2550 = arith.cmpi ne, %get3A_2547, %ne3A_2549 : vector<16xi32>
    %jit3A_2551 = arith.constant 1.000000e+00 : f32
    %jit3A_2552 = arith.constant 0.000000e+00 : f32
    %broadcast_in_dim3A_2553 = vector.broadcast %jit3A_2551 : f32 to vector<16xf32>
    %broadcast_in_dim3A_2554 = vector.broadcast %jit3A_2552 : f32 to vector<16xf32>
    %select_n3A_2555 = arith.select %ne3A_2550, %broadcast_in_dim3A_2553, %broadcast_in_dim3A_2554 : vector<16xi1>, vector<16xf32>
    %add3A_2556 = arith.addf %add3A_2526, %select_n3A_2555 : vector<16xf32>
    %get3A_2557 = arith.constant 1360 : index
    %get3A_2558 = tpu.vector_load %arg9[%get3A_2557] {strides = array<i32>} : memref<2048xf32, #tpu.memory_space<vmem>>, vector<16xf32>,
    %get3A_2559 = vector.shape_cast %get3A_2558 : vector<16xf32> to vector<16xf32>
    %jit3A_2560 = arith.constant 0.000000e+00 : f32
    %broadcast_in_dim3A_2561 = vector.broadcast %jit3A_2560 : f32 to vector<16xf32>
    %select_n3A_2562 = arith.select %ne3A_2550, %get3A_2559, %broadcast_in_dim3A_2561 : vector<16xi1>, vector<16xf32>
    %add3A_2563 = arith.addf %add3A_2533, %select_n3A_2562 : vector<16xf32>
    %get3A_2564 = arith.constant 1360 : index
    %get3A_2565 = tpu.vector_load %arg8[%get3A_2564] {strides = array<i32>} : memref<2048xf32, #tpu.memory_space<vmem>>, vector<16xf32>,
    %get3A_2566 = vector.shape_cast %get3A_2565 : vector<16xf32> to vector<16xf32>
    %get3A_2567 = arith.constant 1360 : index
    %get3A_2568 = tpu.vector_load %arg10[%get3A_2567] {strides = array<i32>} : memref<2048xf32, #tpu.memory_space<vmem>>, vector<16xf32>,
    %get3A_2569 = vector.shape_cast %get3A_2568 : vector<16xf32> to vector<16xf32>
    %sub3A_2570 = arith.subf %get3A_2566, %get3A_2569 : vector<16xf32>
    %jit3A_2571 = arith.constant 0.000000e+00 : f32
    %broadcast_in_dim3A_2572 = vector.broadcast %jit3A_2571 : f32 to vector<16xf32>
    %select_n3A_2573 = arith.select %ne3A_2550, %sub3A_2570, %broadcast_in_dim3A_2572 : vector<16xi1>, vector<16xf32>
    %add3A_2574 = arith.addf %add3A_2544, %select_n3A_2573 : vector<16xf32>
    %get3A_2575 = arith.constant 1376 : index
    %get3A_2576 = tpu.vector_load %arg7[%get3A_2575] {strides = array<i32>} : memref<2048xi32, #tpu.memory_space<vmem>>, vector<16xi32>,
    %get3A_2577 = vector.shape_cast %get3A_2576 : vector<16xi32> to vector<16xi32>
    %ne3A_2578 = arith.constant 0 : i32
    %ne3A_2579 = vector.broadcast %ne3A_2578 : i32 to vector<16xi32>
    %ne3A_2580 = arith.cmpi ne, %get3A_2577, %ne3A_2579 : vector<16xi32>
    %jit3A_2581 = arith.constant 1.000000e+00 : f32
    %jit3A_2582 = arith.constant 0.000000e+00 : f32
    %broadcast_in_dim3A_2583 = vector.broadcast %jit3A_2581 : f32 to vector<16xf32>
    %broadcast_in_dim3A_2584 = vector.broadcast %jit3A_2582 : f32 to vector<16xf32>
    %select_n3A_2585 = arith.select %ne3A_2580, %broadcast_in_dim3A_2583, %broadcast_in_dim3A_2584 : vector<16xi1>, vector<16xf32>
    %add3A_2586 = arith.addf %add3A_2556, %select_n3A_2585 : vector<16xf32>
    %get3A_2587 = arith.constant 1376 : index
    %get3A_2588 = tpu.vector_load %arg9[%get3A_2587] {strides = array<i32>} : memref<2048xf32, #tpu.memory_space<vmem>>, vector<16xf32>,
    %get3A_2589 = vector.shape_cast %get3A_2588 : vector<16xf32> to vector<16xf32>
    %jit3A_2590 = arith.constant 0.000000e+00 : f32
    %broadcast_in_dim3A_2591 = vector.broadcast %jit3A_2590 : f32 to vector<16xf32>
    %select_n3A_2592 = arith.select %ne3A_2580, %get3A_2589, %broadcast_in_dim3A_2591 : vector<16xi1>, vector<16xf32>
    %add3A_2593 = arith.addf %add3A_2563, %select_n3A_2592 : vector<16xf32>
    %get3A_2594 = arith.constant 1376 : index
    %get3A_2595 = tpu.vector_load %arg8[%get3A_2594] {strides = array<i32>} : memref<2048xf32, #tpu.memory_space<vmem>>, vector<16xf32>,
    %get3A_2596 = vector.shape_cast %get3A_2595 : vector<16xf32> to vector<16xf32>
    %get3A_2597 = arith.constant 1376 : index
    %get3A_2598 = tpu.vector_load %arg10[%get3A_2597] {strides = array<i32>} : memref<2048xf32, #tpu.memory_space<vmem>>, vector<16xf32>,
    %get3A_2599 = vector.shape_cast %get3A_2598 : vector<16xf32> to vector<16xf32>
    %sub3A_2600 = arith.subf %get3A_2596, %get3A_2599 : vector<16xf32>
    %jit3A_2601 = arith.constant 0.000000e+00 : f32
    %broadcast_in_dim3A_2602 = vector.broadcast %jit3A_2601 : f32 to vector<16xf32>
    %select_n3A_2603 = arith.select %ne3A_2580, %sub3A_2600, %broadcast_in_dim3A_2602 : vector<16xi1>, vector<16xf32>
    %add3A_2604 = arith.addf %add3A_2574, %select_n3A_2603 : vector<16xf32>
    %get3A_2605 = arith.constant 1392 : index
    %get3A_2606 = tpu.vector_load %arg7[%get3A_2605] {strides = array<i32>} : memref<2048xi32, #tpu.memory_space<vmem>>, vector<16xi32>,
    %get3A_2607 = vector.shape_cast %get3A_2606 : vector<16xi32> to vector<16xi32>
    %ne3A_2608 = arith.constant 0 : i32
    %ne3A_2609 = vector.broadcast %ne3A_2608 : i32 to vector<16xi32>
    %ne3A_2610 = arith.cmpi ne, %get3A_2607, %ne3A_2609 : vector<16xi32>
    %jit3A_2611 = arith.constant 1.000000e+00 : f32
    %jit3A_2612 = arith.constant 0.000000e+00 : f32
    %broadcast_in_dim3A_2613 = vector.broadcast %jit3A_2611 : f32 to vector<16xf32>
    %broadcast_in_dim3A_2614 = vector.broadcast %jit3A_2612 : f32 to vector<16xf32>
    %select_n3A_2615 = arith.select %ne3A_2610, %broadcast_in_dim3A_2613, %broadcast_in_dim3A_2614 : vector<16xi1>, vector<16xf32>
    %add3A_2616 = arith.addf %add3A_2586, %select_n3A_2615 : vector<16xf32>
    %get3A_2617 = arith.constant 1392 : index
    %get3A_2618 = tpu.vector_load %arg9[%get3A_2617] {strides = array<i32>} : memref<2048xf32, #tpu.memory_space<vmem>>, vector<16xf32>,
    %get3A_2619 = vector.shape_cast %get3A_2618 : vector<16xf32> to vector<16xf32>
    %jit3A_2620 = arith.constant 0.000000e+00 : f32
    %broadcast_in_dim3A_2621 = vector.broadcast %jit3A_2620 : f32 to vector<16xf32>
    %select_n3A_2622 = arith.select %ne3A_2610, %get3A_2619, %broadcast_in_dim3A_2621 : vector<16xi1>, vector<16xf32>
    %add3A_2623 = arith.addf %add3A_2593, %select_n3A_2622 : vector<16xf32>
    %get3A_2624 = arith.constant 1392 : index
    %get3A_2625 = tpu.vector_load %arg8[%get3A_2624] {strides = array<i32>} : memref<2048xf32, #tpu.memory_space<vmem>>, vector<16xf32>,
    %get3A_2626 = vector.shape_cast %get3A_2625 : vector<16xf32> to vector<16xf32>
    %get3A_2627 = arith.constant 1392 : index
    %get3A_2628 = tpu.vector_load %arg10[%get3A_2627] {strides = array<i32>} : memref<2048xf32, #tpu.memory_space<vmem>>, vector<16xf32>,
    %get3A_2629 = vector.shape_cast %get3A_2628 : vector<16xf32> to vector<16xf32>
    %sub3A_2630 = arith.subf %get3A_2626, %get3A_2629 : vector<16xf32>
    %jit3A_2631 = arith.constant 0.000000e+00 : f32
    %broadcast_in_dim3A_2632 = vector.broadcast %jit3A_2631 : f32 to vector<16xf32>
    %select_n3A_2633 = arith.select %ne3A_2610, %sub3A_2630, %broadcast_in_dim3A_2632 : vector<16xi1>, vector<16xf32>
    %add3A_2634 = arith.addf %add3A_2604, %select_n3A_2633 : vector<16xf32>
    %get3A_2635 = arith.constant 1408 : index
    %get3A_2636 = tpu.vector_load %arg7[%get3A_2635] {strides = array<i32>} : memref<2048xi32, #tpu.memory_space<vmem>>, vector<16xi32>,
    %get3A_2637 = vector.shape_cast %get3A_2636 : vector<16xi32> to vector<16xi32>
    %ne3A_2638 = arith.constant 0 : i32
    %ne3A_2639 = vector.broadcast %ne3A_2638 : i32 to vector<16xi32>
    %ne3A_2640 = arith.cmpi ne, %get3A_2637, %ne3A_2639 : vector<16xi32>
    %jit3A_2641 = arith.constant 1.000000e+00 : f32
    %jit3A_2642 = arith.constant 0.000000e+00 : f32
    %broadcast_in_dim3A_2643 = vector.broadcast %jit3A_2641 : f32 to vector<16xf32>
    %broadcast_in_dim3A_2644 = vector.broadcast %jit3A_2642 : f32 to vector<16xf32>
    %select_n3A_2645 = arith.select %ne3A_2640, %broadcast_in_dim3A_2643, %broadcast_in_dim3A_2644 : vector<16xi1>, vector<16xf32>
    %add3A_2646 = arith.addf %add3A_2616, %select_n3A_2645 : vector<16xf32>
    %get3A_2647 = arith.constant 1408 : index
    %get3A_2648 = tpu.vector_load %arg9[%get3A_2647] {strides = array<i32>} : memref<2048xf32, #tpu.memory_space<vmem>>, vector<16xf32>,
    %get3A_2649 = vector.shape_cast %get3A_2648 : vector<16xf32> to vector<16xf32>
    %jit3A_2650 = arith.constant 0.000000e+00 : f32
    %broadcast_in_dim3A_2651 = vector.broadcast %jit3A_2650 : f32 to vector<16xf32>
    %select_n3A_2652 = arith.select %ne3A_2640, %get3A_2649, %broadcast_in_dim3A_2651 : vector<16xi1>, vector<16xf32>
    %add3A_2653 = arith.addf %add3A_2623, %select_n3A_2652 : vector<16xf32>
    %get3A_2654 = arith.constant 1408 : index
    %get3A_2655 = tpu.vector_load %arg8[%get3A_2654] {strides = array<i32>} : memref<2048xf32, #tpu.memory_space<vmem>>, vector<16xf32>,
    %get3A_2656 = vector.shape_cast %get3A_2655 : vector<16xf32> to vector<16xf32>
    %get3A_2657 = arith.constant 1408 : index
    %get3A_2658 = tpu.vector_load %arg10[%get3A_2657] {strides = array<i32>} : memref<2048xf32, #tpu.memory_space<vmem>>, vector<16xf32>,
    %get3A_2659 = vector.shape_cast %get3A_2658 : vector<16xf32> to vector<16xf32>
    %sub3A_2660 = arith.subf %get3A_2656, %get3A_2659 : vector<16xf32>
    %jit3A_2661 = arith.constant 0.000000e+00 : f32
    %broadcast_in_dim3A_2662 = vector.broadcast %jit3A_2661 : f32 to vector<16xf32>
    %select_n3A_2663 = arith.select %ne3A_2640, %sub3A_2660, %broadcast_in_dim3A_2662 : vector<16xi1>, vector<16xf32>
    %add3A_2664 = arith.addf %add3A_2634, %select_n3A_2663 : vector<16xf32>
    %get3A_2665 = arith.constant 1424 : index
    %get3A_2666 = tpu.vector_load %arg7[%get3A_2665] {strides = array<i32>} : memref<2048xi32, #tpu.memory_space<vmem>>, vector<16xi32>,
    %get3A_2667 = vector.shape_cast %get3A_2666 : vector<16xi32> to vector<16xi32>
    %ne3A_2668 = arith.constant 0 : i32
    %ne3A_2669 = vector.broadcast %ne3A_2668 : i32 to vector<16xi32>
    %ne3A_2670 = arith.cmpi ne, %get3A_2667, %ne3A_2669 : vector<16xi32>
    %jit3A_2671 = arith.constant 1.000000e+00 : f32
    %jit3A_2672 = arith.constant 0.000000e+00 : f32
    %broadcast_in_dim3A_2673 = vector.broadcast %jit3A_2671 : f32 to vector<16xf32>
    %broadcast_in_dim3A_2674 = vector.broadcast %jit3A_2672 : f32 to vector<16xf32>
    %select_n3A_2675 = arith.select %ne3A_2670, %broadcast_in_dim3A_2673, %broadcast_in_dim3A_2674 : vector<16xi1>, vector<16xf32>
    %add3A_2676 = arith.addf %add3A_2646, %select_n3A_2675 : vector<16xf32>
    %get3A_2677 = arith.constant 1424 : index
    %get3A_2678 = tpu.vector_load %arg9[%get3A_2677] {strides = array<i32>} : memref<2048xf32, #tpu.memory_space<vmem>>, vector<16xf32>,
    %get3A_2679 = vector.shape_cast %get3A_2678 : vector<16xf32> to vector<16xf32>
    %jit3A_2680 = arith.constant 0.000000e+00 : f32
    %broadcast_in_dim3A_2681 = vector.broadcast %jit3A_2680 : f32 to vector<16xf32>
    %select_n3A_2682 = arith.select %ne3A_2670, %get3A_2679, %broadcast_in_dim3A_2681 : vector<16xi1>, vector<16xf32>
    %add3A_2683 = arith.addf %add3A_2653, %select_n3A_2682 : vector<16xf32>
    %get3A_2684 = arith.constant 1424 : index
    %get3A_2685 = tpu.vector_load %arg8[%get3A_2684] {strides = array<i32>} : memref<2048xf32, #tpu.memory_space<vmem>>, vector<16xf32>,
    %get3A_2686 = vector.shape_cast %get3A_2685 : vector<16xf32> to vector<16xf32>
    %get3A_2687 = arith.constant 1424 : index
    %get3A_2688 = tpu.vector_load %arg10[%get3A_2687] {strides = array<i32>} : memref<2048xf32, #tpu.memory_space<vmem>>, vector<16xf32>,
    %get3A_2689 = vector.shape_cast %get3A_2688 : vector<16xf32> to vector<16xf32>
    %sub3A_2690 = arith.subf %get3A_2686, %get3A_2689 : vector<16xf32>
    %jit3A_2691 = arith.constant 0.000000e+00 : f32
    %broadcast_in_dim3A_2692 = vector.broadcast %jit3A_2691 : f32 to vector<16xf32>
    %select_n3A_2693 = arith.select %ne3A_2670, %sub3A_2690, %broadcast_in_dim3A_2692 : vector<16xi1>, vector<16xf32>
    %add3A_2694 = arith.addf %add3A_2664, %select_n3A_2693 : vector<16xf32>
    %get3A_2695 = arith.constant 1440 : index
    %get3A_2696 = tpu.vector_load %arg7[%get3A_2695] {strides = array<i32>} : memref<2048xi32, #tpu.memory_space<vmem>>, vector<16xi32>,
    %get3A_2697 = vector.shape_cast %get3A_2696 : vector<16xi32> to vector<16xi32>
    %ne3A_2698 = arith.constant 0 : i32
    %ne3A_2699 = vector.broadcast %ne3A_2698 : i32 to vector<16xi32>
    %ne3A_2700 = arith.cmpi ne, %get3A_2697, %ne3A_2699 : vector<16xi32>
    %jit3A_2701 = arith.constant 1.000000e+00 : f32
    %jit3A_2702 = arith.constant 0.000000e+00 : f32
    %broadcast_in_dim3A_2703 = vector.broadcast %jit3A_2701 : f32 to vector<16xf32>
    %broadcast_in_dim3A_2704 = vector.broadcast %jit3A_2702 : f32 to vector<16xf32>
    %select_n3A_2705 = arith.select %ne3A_2700, %broadcast_in_dim3A_2703, %broadcast_in_dim3A_2704 : vector<16xi1>, vector<16xf32>
    %add3A_2706 = arith.addf %add3A_2676, %select_n3A_2705 : vector<16xf32>
    %get3A_2707 = arith.constant 1440 : index
    %get3A_2708 = tpu.vector_load %arg9[%get3A_2707] {strides = array<i32>} : memref<2048xf32, #tpu.memory_space<vmem>>, vector<16xf32>,
    %get3A_2709 = vector.shape_cast %get3A_2708 : vector<16xf32> to vector<16xf32>
    %jit3A_2710 = arith.constant 0.000000e+00 : f32
    %broadcast_in_dim3A_2711 = vector.broadcast %jit3A_2710 : f32 to vector<16xf32>
    %select_n3A_2712 = arith.select %ne3A_2700, %get3A_2709, %broadcast_in_dim3A_2711 : vector<16xi1>, vector<16xf32>
    %add3A_2713 = arith.addf %add3A_2683, %select_n3A_2712 : vector<16xf32>
    %get3A_2714 = arith.constant 1440 : index
    %get3A_2715 = tpu.vector_load %arg8[%get3A_2714] {strides = array<i32>} : memref<2048xf32, #tpu.memory_space<vmem>>, vector<16xf32>,
    %get3A_2716 = vector.shape_cast %get3A_2715 : vector<16xf32> to vector<16xf32>
    %get3A_2717 = arith.constant 1440 : index
    %get3A_2718 = tpu.vector_load %arg10[%get3A_2717] {strides = array<i32>} : memref<2048xf32, #tpu.memory_space<vmem>>, vector<16xf32>,
    %get3A_2719 = vector.shape_cast %get3A_2718 : vector<16xf32> to vector<16xf32>
    %sub3A_2720 = arith.subf %get3A_2716, %get3A_2719 : vector<16xf32>
    %jit3A_2721 = arith.constant 0.000000e+00 : f32
    %broadcast_in_dim3A_2722 = vector.broadcast %jit3A_2721 : f32 to vector<16xf32>
    %select_n3A_2723 = arith.select %ne3A_2700, %sub3A_2720, %broadcast_in_dim3A_2722 : vector<16xi1>, vector<16xf32>
    %add3A_2724 = arith.addf %add3A_2694, %select_n3A_2723 : vector<16xf32>
    %get3A_2725 = arith.constant 1456 : index
    %get3A_2726 = tpu.vector_load %arg7[%get3A_2725] {strides = array<i32>} : memref<2048xi32, #tpu.memory_space<vmem>>, vector<16xi32>,
    %get3A_2727 = vector.shape_cast %get3A_2726 : vector<16xi32> to vector<16xi32>
    %ne3A_2728 = arith.constant 0 : i32
    %ne3A_2729 = vector.broadcast %ne3A_2728 : i32 to vector<16xi32>
    %ne3A_2730 = arith.cmpi ne, %get3A_2727, %ne3A_2729 : vector<16xi32>
    %jit3A_2731 = arith.constant 1.000000e+00 : f32
    %jit3A_2732 = arith.constant 0.000000e+00 : f32
    %broadcast_in_dim3A_2733 = vector.broadcast %jit3A_2731 : f32 to vector<16xf32>
    %broadcast_in_dim3A_2734 = vector.broadcast %jit3A_2732 : f32 to vector<16xf32>
    %select_n3A_2735 = arith.select %ne3A_2730, %broadcast_in_dim3A_2733, %broadcast_in_dim3A_2734 : vector<16xi1>, vector<16xf32>
    %add3A_2736 = arith.addf %add3A_2706, %select_n3A_2735 : vector<16xf32>
    %get3A_2737 = arith.constant 1456 : index
    %get3A_2738 = tpu.vector_load %arg9[%get3A_2737] {strides = array<i32>} : memref<2048xf32, #tpu.memory_space<vmem>>, vector<16xf32>,
    %get3A_2739 = vector.shape_cast %get3A_2738 : vector<16xf32> to vector<16xf32>
    %jit3A_2740 = arith.constant 0.000000e+00 : f32
    %broadcast_in_dim3A_2741 = vector.broadcast %jit3A_2740 : f32 to vector<16xf32>
    %select_n3A_2742 = arith.select %ne3A_2730, %get3A_2739, %broadcast_in_dim3A_2741 : vector<16xi1>, vector<16xf32>
    %add3A_2743 = arith.addf %add3A_2713, %select_n3A_2742 : vector<16xf32>
    %get3A_2744 = arith.constant 1456 : index
    %get3A_2745 = tpu.vector_load %arg8[%get3A_2744] {strides = array<i32>} : memref<2048xf32, #tpu.memory_space<vmem>>, vector<16xf32>,
    %get3A_2746 = vector.shape_cast %get3A_2745 : vector<16xf32> to vector<16xf32>
    %get3A_2747 = arith.constant 1456 : index
    %get3A_2748 = tpu.vector_load %arg10[%get3A_2747] {strides = array<i32>} : memref<2048xf32, #tpu.memory_space<vmem>>, vector<16xf32>,
    %get3A_2749 = vector.shape_cast %get3A_2748 : vector<16xf32> to vector<16xf32>
    %sub3A_2750 = arith.subf %get3A_2746, %get3A_2749 : vector<16xf32>
    %jit3A_2751 = arith.constant 0.000000e+00 : f32
    %broadcast_in_dim3A_2752 = vector.broadcast %jit3A_2751 : f32 to vector<16xf32>
    %select_n3A_2753 = arith.select %ne3A_2730, %sub3A_2750, %broadcast_in_dim3A_2752 : vector<16xi1>, vector<16xf32>
    %add3A_2754 = arith.addf %add3A_2724, %select_n3A_2753 : vector<16xf32>
    %get3A_2755 = arith.constant 1472 : index
    %get3A_2756 = tpu.vector_load %arg7[%get3A_2755] {strides = array<i32>} : memref<2048xi32, #tpu.memory_space<vmem>>, vector<16xi32>,
    %get3A_2757 = vector.shape_cast %get3A_2756 : vector<16xi32> to vector<16xi32>
    %ne3A_2758 = arith.constant 0 : i32
    %ne3A_2759 = vector.broadcast %ne3A_2758 : i32 to vector<16xi32>
    %ne3A_2760 = arith.cmpi ne, %get3A_2757, %ne3A_2759 : vector<16xi32>
    %jit3A_2761 = arith.constant 1.000000e+00 : f32
    %jit3A_2762 = arith.constant 0.000000e+00 : f32
    %broadcast_in_dim3A_2763 = vector.broadcast %jit3A_2761 : f32 to vector<16xf32>
    %broadcast_in_dim3A_2764 = vector.broadcast %jit3A_2762 : f32 to vector<16xf32>
    %select_n3A_2765 = arith.select %ne3A_2760, %broadcast_in_dim3A_2763, %broadcast_in_dim3A_2764 : vector<16xi1>, vector<16xf32>
    %add3A_2766 = arith.addf %add3A_2736, %select_n3A_2765 : vector<16xf32>
    %get3A_2767 = arith.constant 1472 : index
    %get3A_2768 = tpu.vector_load %arg9[%get3A_2767] {strides = array<i32>} : memref<2048xf32, #tpu.memory_space<vmem>>, vector<16xf32>,
    %get3A_2769 = vector.shape_cast %get3A_2768 : vector<16xf32> to vector<16xf32>
    %jit3A_2770 = arith.constant 0.000000e+00 : f32
    %broadcast_in_dim3A_2771 = vector.broadcast %jit3A_2770 : f32 to vector<16xf32>
    %select_n3A_2772 = arith.select %ne3A_2760, %get3A_2769, %broadcast_in_dim3A_2771 : vector<16xi1>, vector<16xf32>
    %add3A_2773 = arith.addf %add3A_2743, %select_n3A_2772 : vector<16xf32>
    %get3A_2774 = arith.constant 1472 : index
    %get3A_2775 = tpu.vector_load %arg8[%get3A_2774] {strides = array<i32>} : memref<2048xf32, #tpu.memory_space<vmem>>, vector<16xf32>,
    %get3A_2776 = vector.shape_cast %get3A_2775 : vector<16xf32> to vector<16xf32>
    %get3A_2777 = arith.constant 1472 : index
    %get3A_2778 = tpu.vector_load %arg10[%get3A_2777] {strides = array<i32>} : memref<2048xf32, #tpu.memory_space<vmem>>, vector<16xf32>,
    %get3A_2779 = vector.shape_cast %get3A_2778 : vector<16xf32> to vector<16xf32>
    %sub3A_2780 = arith.subf %get3A_2776, %get3A_2779 : vector<16xf32>
    %jit3A_2781 = arith.constant 0.000000e+00 : f32
    %broadcast_in_dim3A_2782 = vector.broadcast %jit3A_2781 : f32 to vector<16xf32>
    %select_n3A_2783 = arith.select %ne3A_2760, %sub3A_2780, %broadcast_in_dim3A_2782 : vector<16xi1>, vector<16xf32>
    %add3A_2784 = arith.addf %add3A_2754, %select_n3A_2783 : vector<16xf32>
    %get3A_2785 = arith.constant 1488 : index
    %get3A_2786 = tpu.vector_load %arg7[%get3A_2785] {strides = array<i32>} : memref<2048xi32, #tpu.memory_space<vmem>>, vector<16xi32>,
    %get3A_2787 = vector.shape_cast %get3A_2786 : vector<16xi32> to vector<16xi32>
    %ne3A_2788 = arith.constant 0 : i32
    %ne3A_2789 = vector.broadcast %ne3A_2788 : i32 to vector<16xi32>
    %ne3A_2790 = arith.cmpi ne, %get3A_2787, %ne3A_2789 : vector<16xi32>
    %jit3A_2791 = arith.constant 1.000000e+00 : f32
    %jit3A_2792 = arith.constant 0.000000e+00 : f32
    %broadcast_in_dim3A_2793 = vector.broadcast %jit3A_2791 : f32 to vector<16xf32>
    %broadcast_in_dim3A_2794 = vector.broadcast %jit3A_2792 : f32 to vector<16xf32>
    %select_n3A_2795 = arith.select %ne3A_2790, %broadcast_in_dim3A_2793, %broadcast_in_dim3A_2794 : vector<16xi1>, vector<16xf32>
    %add3A_2796 = arith.addf %add3A_2766, %select_n3A_2795 : vector<16xf32>
    %get3A_2797 = arith.constant 1488 : index
    %get3A_2798 = tpu.vector_load %arg9[%get3A_2797] {strides = array<i32>} : memref<2048xf32, #tpu.memory_space<vmem>>, vector<16xf32>,
    %get3A_2799 = vector.shape_cast %get3A_2798 : vector<16xf32> to vector<16xf32>
    %jit3A_2800 = arith.constant 0.000000e+00 : f32
    %broadcast_in_dim3A_2801 = vector.broadcast %jit3A_2800 : f32 to vector<16xf32>
    %select_n3A_2802 = arith.select %ne3A_2790, %get3A_2799, %broadcast_in_dim3A_2801 : vector<16xi1>, vector<16xf32>
    %add3A_2803 = arith.addf %add3A_2773, %select_n3A_2802 : vector<16xf32>
    %get3A_2804 = arith.constant 1488 : index
    %get3A_2805 = tpu.vector_load %arg8[%get3A_2804] {strides = array<i32>} : memref<2048xf32, #tpu.memory_space<vmem>>, vector<16xf32>,
    %get3A_2806 = vector.shape_cast %get3A_2805 : vector<16xf32> to vector<16xf32>
    %get3A_2807 = arith.constant 1488 : index
    %get3A_2808 = tpu.vector_load %arg10[%get3A_2807] {strides = array<i32>} : memref<2048xf32, #tpu.memory_space<vmem>>, vector<16xf32>,
    %get3A_2809 = vector.shape_cast %get3A_2808 : vector<16xf32> to vector<16xf32>
    %sub3A_2810 = arith.subf %get3A_2806, %get3A_2809 : vector<16xf32>
    %jit3A_2811 = arith.constant 0.000000e+00 : f32
    %broadcast_in_dim3A_2812 = vector.broadcast %jit3A_2811 : f32 to vector<16xf32>
    %select_n3A_2813 = arith.select %ne3A_2790, %sub3A_2810, %broadcast_in_dim3A_2812 : vector<16xi1>, vector<16xf32>
    %add3A_2814 = arith.addf %add3A_2784, %select_n3A_2813 : vector<16xf32>
    %get3A_2815 = arith.constant 1504 : index
    %get3A_2816 = tpu.vector_load %arg7[%get3A_2815] {strides = array<i32>} : memref<2048xi32, #tpu.memory_space<vmem>>, vector<16xi32>,
    %get3A_2817 = vector.shape_cast %get3A_2816 : vector<16xi32> to vector<16xi32>
    %ne3A_2818 = arith.constant 0 : i32
    %ne3A_2819 = vector.broadcast %ne3A_2818 : i32 to vector<16xi32>
    %ne3A_2820 = arith.cmpi ne, %get3A_2817, %ne3A_2819 : vector<16xi32>
    %jit3A_2821 = arith.constant 1.000000e+00 : f32
    %jit3A_2822 = arith.constant 0.000000e+00 : f32
    %broadcast_in_dim3A_2823 = vector.broadcast %jit3A_2821 : f32 to vector<16xf32>
    %broadcast_in_dim3A_2824 = vector.broadcast %jit3A_2822 : f32 to vector<16xf32>
    %select_n3A_2825 = arith.select %ne3A_2820, %broadcast_in_dim3A_2823, %broadcast_in_dim3A_2824 : vector<16xi1>, vector<16xf32>
    %add3A_2826 = arith.addf %add3A_2796, %select_n3A_2825 : vector<16xf32>
    %get3A_2827 = arith.constant 1504 : index
    %get3A_2828 = tpu.vector_load %arg9[%get3A_2827] {strides = array<i32>} : memref<2048xf32, #tpu.memory_space<vmem>>, vector<16xf32>,
    %get3A_2829 = vector.shape_cast %get3A_2828 : vector<16xf32> to vector<16xf32>
    %jit3A_2830 = arith.constant 0.000000e+00 : f32
    %broadcast_in_dim3A_2831 = vector.broadcast %jit3A_2830 : f32 to vector<16xf32>
    %select_n3A_2832 = arith.select %ne3A_2820, %get3A_2829, %broadcast_in_dim3A_2831 : vector<16xi1>, vector<16xf32>
    %add3A_2833 = arith.addf %add3A_2803, %select_n3A_2832 : vector<16xf32>
    %get3A_2834 = arith.constant 1504 : index
    %get3A_2835 = tpu.vector_load %arg8[%get3A_2834] {strides = array<i32>} : memref<2048xf32, #tpu.memory_space<vmem>>, vector<16xf32>,
    %get3A_2836 = vector.shape_cast %get3A_2835 : vector<16xf32> to vector<16xf32>
    %get3A_2837 = arith.constant 1504 : index
    %get3A_2838 = tpu.vector_load %arg10[%get3A_2837] {strides = array<i32>} : memref<2048xf32, #tpu.memory_space<vmem>>, vector<16xf32>,
    %get3A_2839 = vector.shape_cast %get3A_2838 : vector<16xf32> to vector<16xf32>
    %sub3A_2840 = arith.subf %get3A_2836, %get3A_2839 : vector<16xf32>
    %jit3A_2841 = arith.constant 0.000000e+00 : f32
    %broadcast_in_dim3A_2842 = vector.broadcast %jit3A_2841 : f32 to vector<16xf32>
    %select_n3A_2843 = arith.select %ne3A_2820, %sub3A_2840, %broadcast_in_dim3A_2842 : vector<16xi1>, vector<16xf32>
    %add3A_2844 = arith.addf %add3A_2814, %select_n3A_2843 : vector<16xf32>
    %get3A_2845 = arith.constant 1520 : index
    %get3A_2846 = tpu.vector_load %arg7[%get3A_2845] {strides = array<i32>} : memref<2048xi32, #tpu.memory_space<vmem>>, vector<16xi32>,
    %get3A_2847 = vector.shape_cast %get3A_2846 : vector<16xi32> to vector<16xi32>
    %ne3A_2848 = arith.constant 0 : i32
    %ne3A_2849 = vector.broadcast %ne3A_2848 : i32 to vector<16xi32>
    %ne3A_2850 = arith.cmpi ne, %get3A_2847, %ne3A_2849 : vector<16xi32>
    %jit3A_2851 = arith.constant 1.000000e+00 : f32
    %jit3A_2852 = arith.constant 0.000000e+00 : f32
    %broadcast_in_dim3A_2853 = vector.broadcast %jit3A_2851 : f32 to vector<16xf32>
    %broadcast_in_dim3A_2854 = vector.broadcast %jit3A_2852 : f32 to vector<16xf32>
    %select_n3A_2855 = arith.select %ne3A_2850, %broadcast_in_dim3A_2853, %broadcast_in_dim3A_2854 : vector<16xi1>, vector<16xf32>
    %add3A_2856 = arith.addf %add3A_2826, %select_n3A_2855 : vector<16xf32>
    %get3A_2857 = arith.constant 1520 : index
    %get3A_2858 = tpu.vector_load %arg9[%get3A_2857] {strides = array<i32>} : memref<2048xf32, #tpu.memory_space<vmem>>, vector<16xf32>,
    %get3A_2859 = vector.shape_cast %get3A_2858 : vector<16xf32> to vector<16xf32>
    %jit3A_2860 = arith.constant 0.000000e+00 : f32
    %broadcast_in_dim3A_2861 = vector.broadcast %jit3A_2860 : f32 to vector<16xf32>
    %select_n3A_2862 = arith.select %ne3A_2850, %get3A_2859, %broadcast_in_dim3A_2861 : vector<16xi1>, vector<16xf32>
    %add3A_2863 = arith.addf %add3A_2833, %select_n3A_2862 : vector<16xf32>
    %get3A_2864 = arith.constant 1520 : index
    %get3A_2865 = tpu.vector_load %arg8[%get3A_2864] {strides = array<i32>} : memref<2048xf32, #tpu.memory_space<vmem>>, vector<16xf32>,
    %get3A_2866 = vector.shape_cast %get3A_2865 : vector<16xf32> to vector<16xf32>
    %get3A_2867 = arith.constant 1520 : index
    %get3A_2868 = tpu.vector_load %arg10[%get3A_2867] {strides = array<i32>} : memref<2048xf32, #tpu.memory_space<vmem>>, vector<16xf32>,
    %get3A_2869 = vector.shape_cast %get3A_2868 : vector<16xf32> to vector<16xf32>
    %sub3A_2870 = arith.subf %get3A_2866, %get3A_2869 : vector<16xf32>
    %jit3A_2871 = arith.constant 0.000000e+00 : f32
    %broadcast_in_dim3A_2872 = vector.broadcast %jit3A_2871 : f32 to vector<16xf32>
    %select_n3A_2873 = arith.select %ne3A_2850, %sub3A_2870, %broadcast_in_dim3A_2872 : vector<16xi1>, vector<16xf32>
    %add3A_2874 = arith.addf %add3A_2844, %select_n3A_2873 : vector<16xf32>
    %get3A_2875 = arith.constant 1536 : index
    %get3A_2876 = tpu.vector_load %arg7[%get3A_2875] {strides = array<i32>} : memref<2048xi32, #tpu.memory_space<vmem>>, vector<16xi32>,
    %get3A_2877 = vector.shape_cast %get3A_2876 : vector<16xi32> to vector<16xi32>
    %ne3A_2878 = arith.constant 0 : i32
    %ne3A_2879 = vector.broadcast %ne3A_2878 : i32 to vector<16xi32>
    %ne3A_2880 = arith.cmpi ne, %get3A_2877, %ne3A_2879 : vector<16xi32>
    %jit3A_2881 = arith.constant 1.000000e+00 : f32
    %jit3A_2882 = arith.constant 0.000000e+00 : f32
    %broadcast_in_dim3A_2883 = vector.broadcast %jit3A_2881 : f32 to vector<16xf32>
    %broadcast_in_dim3A_2884 = vector.broadcast %jit3A_2882 : f32 to vector<16xf32>
    %select_n3A_2885 = arith.select %ne3A_2880, %broadcast_in_dim3A_2883, %broadcast_in_dim3A_2884 : vector<16xi1>, vector<16xf32>
    %add3A_2886 = arith.addf %add3A_2856, %select_n3A_2885 : vector<16xf32>
    %get3A_2887 = arith.constant 1536 : index
    %get3A_2888 = tpu.vector_load %arg9[%get3A_2887] {strides = array<i32>} : memref<2048xf32, #tpu.memory_space<vmem>>, vector<16xf32>,
    %get3A_2889 = vector.shape_cast %get3A_2888 : vector<16xf32> to vector<16xf32>
    %jit3A_2890 = arith.constant 0.000000e+00 : f32
    %broadcast_in_dim3A_2891 = vector.broadcast %jit3A_2890 : f32 to vector<16xf32>
    %select_n3A_2892 = arith.select %ne3A_2880, %get3A_2889, %broadcast_in_dim3A_2891 : vector<16xi1>, vector<16xf32>
    %add3A_2893 = arith.addf %add3A_2863, %select_n3A_2892 : vector<16xf32>
    %get3A_2894 = arith.constant 1536 : index
    %get3A_2895 = tpu.vector_load %arg8[%get3A_2894] {strides = array<i32>} : memref<2048xf32, #tpu.memory_space<vmem>>, vector<16xf32>,
    %get3A_2896 = vector.shape_cast %get3A_2895 : vector<16xf32> to vector<16xf32>
    %get3A_2897 = arith.constant 1536 : index
    %get3A_2898 = tpu.vector_load %arg10[%get3A_2897] {strides = array<i32>} : memref<2048xf32, #tpu.memory_space<vmem>>, vector<16xf32>,
    %get3A_2899 = vector.shape_cast %get3A_2898 : vector<16xf32> to vector<16xf32>
    %sub3A_2900 = arith.subf %get3A_2896, %get3A_2899 : vector<16xf32>
    %jit3A_2901 = arith.constant 0.000000e+00 : f32
    %broadcast_in_dim3A_2902 = vector.broadcast %jit3A_2901 : f32 to vector<16xf32>
    %select_n3A_2903 = arith.select %ne3A_2880, %sub3A_2900, %broadcast_in_dim3A_2902 : vector<16xi1>, vector<16xf32>
    %add3A_2904 = arith.addf %add3A_2874, %select_n3A_2903 : vector<16xf32>
    %get3A_2905 = arith.constant 1552 : index
    %get3A_2906 = tpu.vector_load %arg7[%get3A_2905] {strides = array<i32>} : memref<2048xi32, #tpu.memory_space<vmem>>, vector<16xi32>,
    %get3A_2907 = vector.shape_cast %get3A_2906 : vector<16xi32> to vector<16xi32>
    %ne3A_2908 = arith.constant 0 : i32
    %ne3A_2909 = vector.broadcast %ne3A_2908 : i32 to vector<16xi32>
    %ne3A_2910 = arith.cmpi ne, %get3A_2907, %ne3A_2909 : vector<16xi32>
    %jit3A_2911 = arith.constant 1.000000e+00 : f32
    %jit3A_2912 = arith.constant 0.000000e+00 : f32
    %broadcast_in_dim3A_2913 = vector.broadcast %jit3A_2911 : f32 to vector<16xf32>
    %broadcast_in_dim3A_2914 = vector.broadcast %jit3A_2912 : f32 to vector<16xf32>
    %select_n3A_2915 = arith.select %ne3A_2910, %broadcast_in_dim3A_2913, %broadcast_in_dim3A_2914 : vector<16xi1>, vector<16xf32>
    %add3A_2916 = arith.addf %add3A_2886, %select_n3A_2915 : vector<16xf32>
    %get3A_2917 = arith.constant 1552 : index
    %get3A_2918 = tpu.vector_load %arg9[%get3A_2917] {strides = array<i32>} : memref<2048xf32, #tpu.memory_space<vmem>>, vector<16xf32>,
    %get3A_2919 = vector.shape_cast %get3A_2918 : vector<16xf32> to vector<16xf32>
    %jit3A_2920 = arith.constant 0.000000e+00 : f32
    %broadcast_in_dim3A_2921 = vector.broadcast %jit3A_2920 : f32 to vector<16xf32>
    %select_n3A_2922 = arith.select %ne3A_2910, %get3A_2919, %broadcast_in_dim3A_2921 : vector<16xi1>, vector<16xf32>
    %add3A_2923 = arith.addf %add3A_2893, %select_n3A_2922 : vector<16xf32>
    %get3A_2924 = arith.constant 1552 : index
    %get3A_2925 = tpu.vector_load %arg8[%get3A_2924] {strides = array<i32>} : memref<2048xf32, #tpu.memory_space<vmem>>, vector<16xf32>,
    %get3A_2926 = vector.shape_cast %get3A_2925 : vector<16xf32> to vector<16xf32>
    %get3A_2927 = arith.constant 1552 : index
    %get3A_2928 = tpu.vector_load %arg10[%get3A_2927] {strides = array<i32>} : memref<2048xf32, #tpu.memory_space<vmem>>, vector<16xf32>,
    %get3A_2929 = vector.shape_cast %get3A_2928 : vector<16xf32> to vector<16xf32>
    %sub3A_2930 = arith.subf %get3A_2926, %get3A_2929 : vector<16xf32>
    %jit3A_2931 = arith.constant 0.000000e+00 : f32
    %broadcast_in_dim3A_2932 = vector.broadcast %jit3A_2931 : f32 to vector<16xf32>
    %select_n3A_2933 = arith.select %ne3A_2910, %sub3A_2930, %broadcast_in_dim3A_2932 : vector<16xi1>, vector<16xf32>
    %add3A_2934 = arith.addf %add3A_2904, %select_n3A_2933 : vector<16xf32>
    %get3A_2935 = arith.constant 1568 : index
    %get3A_2936 = tpu.vector_load %arg7[%get3A_2935] {strides = array<i32>} : memref<2048xi32, #tpu.memory_space<vmem>>, vector<16xi32>,
    %get3A_2937 = vector.shape_cast %get3A_2936 : vector<16xi32> to vector<16xi32>
    %ne3A_2938 = arith.constant 0 : i32
    %ne3A_2939 = vector.broadcast %ne3A_2938 : i32 to vector<16xi32>
    %ne3A_2940 = arith.cmpi ne, %get3A_2937, %ne3A_2939 : vector<16xi32>
    %jit3A_2941 = arith.constant 1.000000e+00 : f32
    %jit3A_2942 = arith.constant 0.000000e+00 : f32
    %broadcast_in_dim3A_2943 = vector.broadcast %jit3A_2941 : f32 to vector<16xf32>
    %broadcast_in_dim3A_2944 = vector.broadcast %jit3A_2942 : f32 to vector<16xf32>
    %select_n3A_2945 = arith.select %ne3A_2940, %broadcast_in_dim3A_2943, %broadcast_in_dim3A_2944 : vector<16xi1>, vector<16xf32>
    %add3A_2946 = arith.addf %add3A_2916, %select_n3A_2945 : vector<16xf32>
    %get3A_2947 = arith.constant 1568 : index
    %get3A_2948 = tpu.vector_load %arg9[%get3A_2947] {strides = array<i32>} : memref<2048xf32, #tpu.memory_space<vmem>>, vector<16xf32>,
    %get3A_2949 = vector.shape_cast %get3A_2948 : vector<16xf32> to vector<16xf32>
    %jit3A_2950 = arith.constant 0.000000e+00 : f32
    %broadcast_in_dim3A_2951 = vector.broadcast %jit3A_2950 : f32 to vector<16xf32>
    %select_n3A_2952 = arith.select %ne3A_2940, %get3A_2949, %broadcast_in_dim3A_2951 : vector<16xi1>, vector<16xf32>
    %add3A_2953 = arith.addf %add3A_2923, %select_n3A_2952 : vector<16xf32>
    %get3A_2954 = arith.constant 1568 : index
    %get3A_2955 = tpu.vector_load %arg8[%get3A_2954] {strides = array<i32>} : memref<2048xf32, #tpu.memory_space<vmem>>, vector<16xf32>,
    %get3A_2956 = vector.shape_cast %get3A_2955 : vector<16xf32> to vector<16xf32>
    %get3A_2957 = arith.constant 1568 : index
    %get3A_2958 = tpu.vector_load %arg10[%get3A_2957] {strides = array<i32>} : memref<2048xf32, #tpu.memory_space<vmem>>, vector<16xf32>,
    %get3A_2959 = vector.shape_cast %get3A_2958 : vector<16xf32> to vector<16xf32>
    %sub3A_2960 = arith.subf %get3A_2956, %get3A_2959 : vector<16xf32>
    %jit3A_2961 = arith.constant 0.000000e+00 : f32
    %broadcast_in_dim3A_2962 = vector.broadcast %jit3A_2961 : f32 to vector<16xf32>
    %select_n3A_2963 = arith.select %ne3A_2940, %sub3A_2960, %broadcast_in_dim3A_2962 : vector<16xi1>, vector<16xf32>
    %add3A_2964 = arith.addf %add3A_2934, %select_n3A_2963 : vector<16xf32>
    %get3A_2965 = arith.constant 1584 : index
    %get3A_2966 = tpu.vector_load %arg7[%get3A_2965] {strides = array<i32>} : memref<2048xi32, #tpu.memory_space<vmem>>, vector<16xi32>,
    %get3A_2967 = vector.shape_cast %get3A_2966 : vector<16xi32> to vector<16xi32>
    %ne3A_2968 = arith.constant 0 : i32
    %ne3A_2969 = vector.broadcast %ne3A_2968 : i32 to vector<16xi32>
    %ne3A_2970 = arith.cmpi ne, %get3A_2967, %ne3A_2969 : vector<16xi32>
    %jit3A_2971 = arith.constant 1.000000e+00 : f32
    %jit3A_2972 = arith.constant 0.000000e+00 : f32
    %broadcast_in_dim3A_2973 = vector.broadcast %jit3A_2971 : f32 to vector<16xf32>
    %broadcast_in_dim3A_2974 = vector.broadcast %jit3A_2972 : f32 to vector<16xf32>
    %select_n3A_2975 = arith.select %ne3A_2970, %broadcast_in_dim3A_2973, %broadcast_in_dim3A_2974 : vector<16xi1>, vector<16xf32>
    %add3A_2976 = arith.addf %add3A_2946, %select_n3A_2975 : vector<16xf32>
    %get3A_2977 = arith.constant 1584 : index
    %get3A_2978 = tpu.vector_load %arg9[%get3A_2977] {strides = array<i32>} : memref<2048xf32, #tpu.memory_space<vmem>>, vector<16xf32>,
    %get3A_2979 = vector.shape_cast %get3A_2978 : vector<16xf32> to vector<16xf32>
    %jit3A_2980 = arith.constant 0.000000e+00 : f32
    %broadcast_in_dim3A_2981 = vector.broadcast %jit3A_2980 : f32 to vector<16xf32>
    %select_n3A_2982 = arith.select %ne3A_2970, %get3A_2979, %broadcast_in_dim3A_2981 : vector<16xi1>, vector<16xf32>
    %add3A_2983 = arith.addf %add3A_2953, %select_n3A_2982 : vector<16xf32>
    %get3A_2984 = arith.constant 1584 : index
    %get3A_2985 = tpu.vector_load %arg8[%get3A_2984] {strides = array<i32>} : memref<2048xf32, #tpu.memory_space<vmem>>, vector<16xf32>,
    %get3A_2986 = vector.shape_cast %get3A_2985 : vector<16xf32> to vector<16xf32>
    %get3A_2987 = arith.constant 1584 : index
    %get3A_2988 = tpu.vector_load %arg10[%get3A_2987] {strides = array<i32>} : memref<2048xf32, #tpu.memory_space<vmem>>, vector<16xf32>,
    %get3A_2989 = vector.shape_cast %get3A_2988 : vector<16xf32> to vector<16xf32>
    %sub3A_2990 = arith.subf %get3A_2986, %get3A_2989 : vector<16xf32>
    %jit3A_2991 = arith.constant 0.000000e+00 : f32
    %broadcast_in_dim3A_2992 = vector.broadcast %jit3A_2991 : f32 to vector<16xf32>
    %select_n3A_2993 = arith.select %ne3A_2970, %sub3A_2990, %broadcast_in_dim3A_2992 : vector<16xi1>, vector<16xf32>
    %add3A_2994 = arith.addf %add3A_2964, %select_n3A_2993 : vector<16xf32>
    %get3A_2995 = arith.constant 1600 : index
    %get3A_2996 = tpu.vector_load %arg7[%get3A_2995] {strides = array<i32>} : memref<2048xi32, #tpu.memory_space<vmem>>, vector<16xi32>,
    %get3A_2997 = vector.shape_cast %get3A_2996 : vector<16xi32> to vector<16xi32>
    %ne3A_2998 = arith.constant 0 : i32
    %ne3A_2999 = vector.broadcast %ne3A_2998 : i32 to vector<16xi32>
    %ne3A_3000 = arith.cmpi ne, %get3A_2997, %ne3A_2999 : vector<16xi32>
    %jit3A_3001 = arith.constant 1.000000e+00 : f32
    %jit3A_3002 = arith.constant 0.000000e+00 : f32
    %broadcast_in_dim3A_3003 = vector.broadcast %jit3A_3001 : f32 to vector<16xf32>
    %broadcast_in_dim3A_3004 = vector.broadcast %jit3A_3002 : f32 to vector<16xf32>
    %select_n3A_3005 = arith.select %ne3A_3000, %broadcast_in_dim3A_3003, %broadcast_in_dim3A_3004 : vector<16xi1>, vector<16xf32>
    %add3A_3006 = arith.addf %add3A_2976, %select_n3A_3005 : vector<16xf32>
    %get3A_3007 = arith.constant 1600 : index
    %get3A_3008 = tpu.vector_load %arg9[%get3A_3007] {strides = array<i32>} : memref<2048xf32, #tpu.memory_space<vmem>>, vector<16xf32>,
    %get3A_3009 = vector.shape_cast %get3A_3008 : vector<16xf32> to vector<16xf32>
    %jit3A_3010 = arith.constant 0.000000e+00 : f32
    %broadcast_in_dim3A_3011 = vector.broadcast %jit3A_3010 : f32 to vector<16xf32>
    %select_n3A_3012 = arith.select %ne3A_3000, %get3A_3009, %broadcast_in_dim3A_3011 : vector<16xi1>, vector<16xf32>
    %add3A_3013 = arith.addf %add3A_2983, %select_n3A_3012 : vector<16xf32>
    %get3A_3014 = arith.constant 1600 : index
    %get3A_3015 = tpu.vector_load %arg8[%get3A_3014] {strides = array<i32>} : memref<2048xf32, #tpu.memory_space<vmem>>, vector<16xf32>,
    %get3A_3016 = vector.shape_cast %get3A_3015 : vector<16xf32> to vector<16xf32>
    %get3A_3017 = arith.constant 1600 : index
    %get3A_3018 = tpu.vector_load %arg10[%get3A_3017] {strides = array<i32>} : memref<2048xf32, #tpu.memory_space<vmem>>, vector<16xf32>,
    %get3A_3019 = vector.shape_cast %get3A_3018 : vector<16xf32> to vector<16xf32>
    %sub3A_3020 = arith.subf %get3A_3016, %get3A_3019 : vector<16xf32>
    %jit3A_3021 = arith.constant 0.000000e+00 : f32
    %broadcast_in_dim3A_3022 = vector.broadcast %jit3A_3021 : f32 to vector<16xf32>
    %select_n3A_3023 = arith.select %ne3A_3000, %sub3A_3020, %broadcast_in_dim3A_3022 : vector<16xi1>, vector<16xf32>
    %add3A_3024 = arith.addf %add3A_2994, %select_n3A_3023 : vector<16xf32>
    %get3A_3025 = arith.constant 1616 : index
    %get3A_3026 = tpu.vector_load %arg7[%get3A_3025] {strides = array<i32>} : memref<2048xi32, #tpu.memory_space<vmem>>, vector<16xi32>,
    %get3A_3027 = vector.shape_cast %get3A_3026 : vector<16xi32> to vector<16xi32>
    %ne3A_3028 = arith.constant 0 : i32
    %ne3A_3029 = vector.broadcast %ne3A_3028 : i32 to vector<16xi32>
    %ne3A_3030 = arith.cmpi ne, %get3A_3027, %ne3A_3029 : vector<16xi32>
    %jit3A_3031 = arith.constant 1.000000e+00 : f32
    %jit3A_3032 = arith.constant 0.000000e+00 : f32
    %broadcast_in_dim3A_3033 = vector.broadcast %jit3A_3031 : f32 to vector<16xf32>
    %broadcast_in_dim3A_3034 = vector.broadcast %jit3A_3032 : f32 to vector<16xf32>
    %select_n3A_3035 = arith.select %ne3A_3030, %broadcast_in_dim3A_3033, %broadcast_in_dim3A_3034 : vector<16xi1>, vector<16xf32>
    %add3A_3036 = arith.addf %add3A_3006, %select_n3A_3035 : vector<16xf32>
    %get3A_3037 = arith.constant 1616 : index
    %get3A_3038 = tpu.vector_load %arg9[%get3A_3037] {strides = array<i32>} : memref<2048xf32, #tpu.memory_space<vmem>>, vector<16xf32>,
    %get3A_3039 = vector.shape_cast %get3A_3038 : vector<16xf32> to vector<16xf32>
    %jit3A_3040 = arith.constant 0.000000e+00 : f32
    %broadcast_in_dim3A_3041 = vector.broadcast %jit3A_3040 : f32 to vector<16xf32>
    %select_n3A_3042 = arith.select %ne3A_3030, %get3A_3039, %broadcast_in_dim3A_3041 : vector<16xi1>, vector<16xf32>
    %add3A_3043 = arith.addf %add3A_3013, %select_n3A_3042 : vector<16xf32>
    %get3A_3044 = arith.constant 1616 : index
    %get3A_3045 = tpu.vector_load %arg8[%get3A_3044] {strides = array<i32>} : memref<2048xf32, #tpu.memory_space<vmem>>, vector<16xf32>,
    %get3A_3046 = vector.shape_cast %get3A_3045 : vector<16xf32> to vector<16xf32>
    %get3A_3047 = arith.constant 1616 : index
    %get3A_3048 = tpu.vector_load %arg10[%get3A_3047] {strides = array<i32>} : memref<2048xf32, #tpu.memory_space<vmem>>, vector<16xf32>,
    %get3A_3049 = vector.shape_cast %get3A_3048 : vector<16xf32> to vector<16xf32>
    %sub3A_3050 = arith.subf %get3A_3046, %get3A_3049 : vector<16xf32>
    %jit3A_3051 = arith.constant 0.000000e+00 : f32
    %broadcast_in_dim3A_3052 = vector.broadcast %jit3A_3051 : f32 to vector<16xf32>
    %select_n3A_3053 = arith.select %ne3A_3030, %sub3A_3050, %broadcast_in_dim3A_3052 : vector<16xi1>, vector<16xf32>
    %add3A_3054 = arith.addf %add3A_3024, %select_n3A_3053 : vector<16xf32>
    %get3A_3055 = arith.constant 1632 : index
    %get3A_3056 = tpu.vector_load %arg7[%get3A_3055] {strides = array<i32>} : memref<2048xi32, #tpu.memory_space<vmem>>, vector<16xi32>,
    %get3A_3057 = vector.shape_cast %get3A_3056 : vector<16xi32> to vector<16xi32>
    %ne3A_3058 = arith.constant 0 : i32
    %ne3A_3059 = vector.broadcast %ne3A_3058 : i32 to vector<16xi32>
    %ne3A_3060 = arith.cmpi ne, %get3A_3057, %ne3A_3059 : vector<16xi32>
    %jit3A_3061 = arith.constant 1.000000e+00 : f32
    %jit3A_3062 = arith.constant 0.000000e+00 : f32
    %broadcast_in_dim3A_3063 = vector.broadcast %jit3A_3061 : f32 to vector<16xf32>
    %broadcast_in_dim3A_3064 = vector.broadcast %jit3A_3062 : f32 to vector<16xf32>
    %select_n3A_3065 = arith.select %ne3A_3060, %broadcast_in_dim3A_3063, %broadcast_in_dim3A_3064 : vector<16xi1>, vector<16xf32>
    %add3A_3066 = arith.addf %add3A_3036, %select_n3A_3065 : vector<16xf32>
    %get3A_3067 = arith.constant 1632 : index
    %get3A_3068 = tpu.vector_load %arg9[%get3A_3067] {strides = array<i32>} : memref<2048xf32, #tpu.memory_space<vmem>>, vector<16xf32>,
    %get3A_3069 = vector.shape_cast %get3A_3068 : vector<16xf32> to vector<16xf32>
    %jit3A_3070 = arith.constant 0.000000e+00 : f32
    %broadcast_in_dim3A_3071 = vector.broadcast %jit3A_3070 : f32 to vector<16xf32>
    %select_n3A_3072 = arith.select %ne3A_3060, %get3A_3069, %broadcast_in_dim3A_3071 : vector<16xi1>, vector<16xf32>
    %add3A_3073 = arith.addf %add3A_3043, %select_n3A_3072 : vector<16xf32>
    %get3A_3074 = arith.constant 1632 : index
    %get3A_3075 = tpu.vector_load %arg8[%get3A_3074] {strides = array<i32>} : memref<2048xf32, #tpu.memory_space<vmem>>, vector<16xf32>,
    %get3A_3076 = vector.shape_cast %get3A_3075 : vector<16xf32> to vector<16xf32>
    %get3A_3077 = arith.constant 1632 : index
    %get3A_3078 = tpu.vector_load %arg10[%get3A_3077] {strides = array<i32>} : memref<2048xf32, #tpu.memory_space<vmem>>, vector<16xf32>,
    %get3A_3079 = vector.shape_cast %get3A_3078 : vector<16xf32> to vector<16xf32>
    %sub3A_3080 = arith.subf %get3A_3076, %get3A_3079 : vector<16xf32>
    %jit3A_3081 = arith.constant 0.000000e+00 : f32
    %broadcast_in_dim3A_3082 = vector.broadcast %jit3A_3081 : f32 to vector<16xf32>
    %select_n3A_3083 = arith.select %ne3A_3060, %sub3A_3080, %broadcast_in_dim3A_3082 : vector<16xi1>, vector<16xf32>
    %add3A_3084 = arith.addf %add3A_3054, %select_n3A_3083 : vector<16xf32>
    %get3A_3085 = arith.constant 1648 : index
    %get3A_3086 = tpu.vector_load %arg7[%get3A_3085] {strides = array<i32>} : memref<2048xi32, #tpu.memory_space<vmem>>, vector<16xi32>,
    %get3A_3087 = vector.shape_cast %get3A_3086 : vector<16xi32> to vector<16xi32>
    %ne3A_3088 = arith.constant 0 : i32
    %ne3A_3089 = vector.broadcast %ne3A_3088 : i32 to vector<16xi32>
    %ne3A_3090 = arith.cmpi ne, %get3A_3087, %ne3A_3089 : vector<16xi32>
    %jit3A_3091 = arith.constant 1.000000e+00 : f32
    %jit3A_3092 = arith.constant 0.000000e+00 : f32
    %broadcast_in_dim3A_3093 = vector.broadcast %jit3A_3091 : f32 to vector<16xf32>
    %broadcast_in_dim3A_3094 = vector.broadcast %jit3A_3092 : f32 to vector<16xf32>
    %select_n3A_3095 = arith.select %ne3A_3090, %broadcast_in_dim3A_3093, %broadcast_in_dim3A_3094 : vector<16xi1>, vector<16xf32>
    %add3A_3096 = arith.addf %add3A_3066, %select_n3A_3095 : vector<16xf32>
    %get3A_3097 = arith.constant 1648 : index
    %get3A_3098 = tpu.vector_load %arg9[%get3A_3097] {strides = array<i32>} : memref<2048xf32, #tpu.memory_space<vmem>>, vector<16xf32>,
    %get3A_3099 = vector.shape_cast %get3A_3098 : vector<16xf32> to vector<16xf32>
    %jit3A_3100 = arith.constant 0.000000e+00 : f32
    %broadcast_in_dim3A_3101 = vector.broadcast %jit3A_3100 : f32 to vector<16xf32>
    %select_n3A_3102 = arith.select %ne3A_3090, %get3A_3099, %broadcast_in_dim3A_3101 : vector<16xi1>, vector<16xf32>
    %add3A_3103 = arith.addf %add3A_3073, %select_n3A_3102 : vector<16xf32>
    %get3A_3104 = arith.constant 1648 : index
    %get3A_3105 = tpu.vector_load %arg8[%get3A_3104] {strides = array<i32>} : memref<2048xf32, #tpu.memory_space<vmem>>, vector<16xf32>,
    %get3A_3106 = vector.shape_cast %get3A_3105 : vector<16xf32> to vector<16xf32>
    %get3A_3107 = arith.constant 1648 : index
    %get3A_3108 = tpu.vector_load %arg10[%get3A_3107] {strides = array<i32>} : memref<2048xf32, #tpu.memory_space<vmem>>, vector<16xf32>,
    %get3A_3109 = vector.shape_cast %get3A_3108 : vector<16xf32> to vector<16xf32>
    %sub3A_3110 = arith.subf %get3A_3106, %get3A_3109 : vector<16xf32>
    %jit3A_3111 = arith.constant 0.000000e+00 : f32
    %broadcast_in_dim3A_3112 = vector.broadcast %jit3A_3111 : f32 to vector<16xf32>
    %select_n3A_3113 = arith.select %ne3A_3090, %sub3A_3110, %broadcast_in_dim3A_3112 : vector<16xi1>, vector<16xf32>
    %add3A_3114 = arith.addf %add3A_3084, %select_n3A_3113 : vector<16xf32>
    %get3A_3115 = arith.constant 1664 : index
    %get3A_3116 = tpu.vector_load %arg7[%get3A_3115] {strides = array<i32>} : memref<2048xi32, #tpu.memory_space<vmem>>, vector<16xi32>,
    %get3A_3117 = vector.shape_cast %get3A_3116 : vector<16xi32> to vector<16xi32>
    %ne3A_3118 = arith.constant 0 : i32
    %ne3A_3119 = vector.broadcast %ne3A_3118 : i32 to vector<16xi32>
    %ne3A_3120 = arith.cmpi ne, %get3A_3117, %ne3A_3119 : vector<16xi32>
    %jit3A_3121 = arith.constant 1.000000e+00 : f32
    %jit3A_3122 = arith.constant 0.000000e+00 : f32
    %broadcast_in_dim3A_3123 = vector.broadcast %jit3A_3121 : f32 to vector<16xf32>
    %broadcast_in_dim3A_3124 = vector.broadcast %jit3A_3122 : f32 to vector<16xf32>
    %select_n3A_3125 = arith.select %ne3A_3120, %broadcast_in_dim3A_3123, %broadcast_in_dim3A_3124 : vector<16xi1>, vector<16xf32>
    %add3A_3126 = arith.addf %add3A_3096, %select_n3A_3125 : vector<16xf32>
    %get3A_3127 = arith.constant 1664 : index
    %get3A_3128 = tpu.vector_load %arg9[%get3A_3127] {strides = array<i32>} : memref<2048xf32, #tpu.memory_space<vmem>>, vector<16xf32>,
    %get3A_3129 = vector.shape_cast %get3A_3128 : vector<16xf32> to vector<16xf32>
    %jit3A_3130 = arith.constant 0.000000e+00 : f32
    %broadcast_in_dim3A_3131 = vector.broadcast %jit3A_3130 : f32 to vector<16xf32>
    %select_n3A_3132 = arith.select %ne3A_3120, %get3A_3129, %broadcast_in_dim3A_3131 : vector<16xi1>, vector<16xf32>
    %add3A_3133 = arith.addf %add3A_3103, %select_n3A_3132 : vector<16xf32>
    %get3A_3134 = arith.constant 1664 : index
    %get3A_3135 = tpu.vector_load %arg8[%get3A_3134] {strides = array<i32>} : memref<2048xf32, #tpu.memory_space<vmem>>, vector<16xf32>,
    %get3A_3136 = vector.shape_cast %get3A_3135 : vector<16xf32> to vector<16xf32>
    %get3A_3137 = arith.constant 1664 : index
    %get3A_3138 = tpu.vector_load %arg10[%get3A_3137] {strides = array<i32>} : memref<2048xf32, #tpu.memory_space<vmem>>, vector<16xf32>,
    %get3A_3139 = vector.shape_cast %get3A_3138 : vector<16xf32> to vector<16xf32>
    %sub3A_3140 = arith.subf %get3A_3136, %get3A_3139 : vector<16xf32>
    %jit3A_3141 = arith.constant 0.000000e+00 : f32
    %broadcast_in_dim3A_3142 = vector.broadcast %jit3A_3141 : f32 to vector<16xf32>
    %select_n3A_3143 = arith.select %ne3A_3120, %sub3A_3140, %broadcast_in_dim3A_3142 : vector<16xi1>, vector<16xf32>
    %add3A_3144 = arith.addf %add3A_3114, %select_n3A_3143 : vector<16xf32>
    %get3A_3145 = arith.constant 1680 : index
    %get3A_3146 = tpu.vector_load %arg7[%get3A_3145] {strides = array<i32>} : memref<2048xi32, #tpu.memory_space<vmem>>, vector<16xi32>,
    %get3A_3147 = vector.shape_cast %get3A_3146 : vector<16xi32> to vector<16xi32>
    %ne3A_3148 = arith.constant 0 : i32
    %ne3A_3149 = vector.broadcast %ne3A_3148 : i32 to vector<16xi32>
    %ne3A_3150 = arith.cmpi ne, %get3A_3147, %ne3A_3149 : vector<16xi32>
    %jit3A_3151 = arith.constant 1.000000e+00 : f32
    %jit3A_3152 = arith.constant 0.000000e+00 : f32
    %broadcast_in_dim3A_3153 = vector.broadcast %jit3A_3151 : f32 to vector<16xf32>
    %broadcast_in_dim3A_3154 = vector.broadcast %jit3A_3152 : f32 to vector<16xf32>
    %select_n3A_3155 = arith.select %ne3A_3150, %broadcast_in_dim3A_3153, %broadcast_in_dim3A_3154 : vector<16xi1>, vector<16xf32>
    %add3A_3156 = arith.addf %add3A_3126, %select_n3A_3155 : vector<16xf32>
    %get3A_3157 = arith.constant 1680 : index
    %get3A_3158 = tpu.vector_load %arg9[%get3A_3157] {strides = array<i32>} : memref<2048xf32, #tpu.memory_space<vmem>>, vector<16xf32>,
    %get3A_3159 = vector.shape_cast %get3A_3158 : vector<16xf32> to vector<16xf32>
    %jit3A_3160 = arith.constant 0.000000e+00 : f32
    %broadcast_in_dim3A_3161 = vector.broadcast %jit3A_3160 : f32 to vector<16xf32>
    %select_n3A_3162 = arith.select %ne3A_3150, %get3A_3159, %broadcast_in_dim3A_3161 : vector<16xi1>, vector<16xf32>
    %add3A_3163 = arith.addf %add3A_3133, %select_n3A_3162 : vector<16xf32>
    %get3A_3164 = arith.constant 1680 : index
    %get3A_3165 = tpu.vector_load %arg8[%get3A_3164] {strides = array<i32>} : memref<2048xf32, #tpu.memory_space<vmem>>, vector<16xf32>,
    %get3A_3166 = vector.shape_cast %get3A_3165 : vector<16xf32> to vector<16xf32>
    %get3A_3167 = arith.constant 1680 : index
    %get3A_3168 = tpu.vector_load %arg10[%get3A_3167] {strides = array<i32>} : memref<2048xf32, #tpu.memory_space<vmem>>, vector<16xf32>,
    %get3A_3169 = vector.shape_cast %get3A_3168 : vector<16xf32> to vector<16xf32>
    %sub3A_3170 = arith.subf %get3A_3166, %get3A_3169 : vector<16xf32>
    %jit3A_3171 = arith.constant 0.000000e+00 : f32
    %broadcast_in_dim3A_3172 = vector.broadcast %jit3A_3171 : f32 to vector<16xf32>
    %select_n3A_3173 = arith.select %ne3A_3150, %sub3A_3170, %broadcast_in_dim3A_3172 : vector<16xi1>, vector<16xf32>
    %add3A_3174 = arith.addf %add3A_3144, %select_n3A_3173 : vector<16xf32>
    %get3A_3175 = arith.constant 1696 : index
    %get3A_3176 = tpu.vector_load %arg7[%get3A_3175] {strides = array<i32>} : memref<2048xi32, #tpu.memory_space<vmem>>, vector<16xi32>,
    %get3A_3177 = vector.shape_cast %get3A_3176 : vector<16xi32> to vector<16xi32>
    %ne3A_3178 = arith.constant 0 : i32
    %ne3A_3179 = vector.broadcast %ne3A_3178 : i32 to vector<16xi32>
    %ne3A_3180 = arith.cmpi ne, %get3A_3177, %ne3A_3179 : vector<16xi32>
    %jit3A_3181 = arith.constant 1.000000e+00 : f32
    %jit3A_3182 = arith.constant 0.000000e+00 : f32
    %broadcast_in_dim3A_3183 = vector.broadcast %jit3A_3181 : f32 to vector<16xf32>
    %broadcast_in_dim3A_3184 = vector.broadcast %jit3A_3182 : f32 to vector<16xf32>
    %select_n3A_3185 = arith.select %ne3A_3180, %broadcast_in_dim3A_3183, %broadcast_in_dim3A_3184 : vector<16xi1>, vector<16xf32>
    %add3A_3186 = arith.addf %add3A_3156, %select_n3A_3185 : vector<16xf32>
    %get3A_3187 = arith.constant 1696 : index
    %get3A_3188 = tpu.vector_load %arg9[%get3A_3187] {strides = array<i32>} : memref<2048xf32, #tpu.memory_space<vmem>>, vector<16xf32>,
    %get3A_3189 = vector.shape_cast %get3A_3188 : vector<16xf32> to vector<16xf32>
    %jit3A_3190 = arith.constant 0.000000e+00 : f32
    %broadcast_in_dim3A_3191 = vector.broadcast %jit3A_3190 : f32 to vector<16xf32>
    %select_n3A_3192 = arith.select %ne3A_3180, %get3A_3189, %broadcast_in_dim3A_3191 : vector<16xi1>, vector<16xf32>
    %add3A_3193 = arith.addf %add3A_3163, %select_n3A_3192 : vector<16xf32>
    %get3A_3194 = arith.constant 1696 : index
    %get3A_3195 = tpu.vector_load %arg8[%get3A_3194] {strides = array<i32>} : memref<2048xf32, #tpu.memory_space<vmem>>, vector<16xf32>,
    %get3A_3196 = vector.shape_cast %get3A_3195 : vector<16xf32> to vector<16xf32>
    %get3A_3197 = arith.constant 1696 : index
    %get3A_3198 = tpu.vector_load %arg10[%get3A_3197] {strides = array<i32>} : memref<2048xf32, #tpu.memory_space<vmem>>, vector<16xf32>,
    %get3A_3199 = vector.shape_cast %get3A_3198 : vector<16xf32> to vector<16xf32>
    %sub3A_3200 = arith.subf %get3A_3196, %get3A_3199 : vector<16xf32>
    %jit3A_3201 = arith.constant 0.000000e+00 : f32
    %broadcast_in_dim3A_3202 = vector.broadcast %jit3A_3201 : f32 to vector<16xf32>
    %select_n3A_3203 = arith.select %ne3A_3180, %sub3A_3200, %broadcast_in_dim3A_3202 : vector<16xi1>, vector<16xf32>
    %add3A_3204 = arith.addf %add3A_3174, %select_n3A_3203 : vector<16xf32>
    %get3A_3205 = arith.constant 1712 : index
    %get3A_3206 = tpu.vector_load %arg7[%get3A_3205] {strides = array<i32>} : memref<2048xi32, #tpu.memory_space<vmem>>, vector<16xi32>,
    %get3A_3207 = vector.shape_cast %get3A_3206 : vector<16xi32> to vector<16xi32>
    %ne3A_3208 = arith.constant 0 : i32
    %ne3A_3209 = vector.broadcast %ne3A_3208 : i32 to vector<16xi32>
    %ne3A_3210 = arith.cmpi ne, %get3A_3207, %ne3A_3209 : vector<16xi32>
    %jit3A_3211 = arith.constant 1.000000e+00 : f32
    %jit3A_3212 = arith.constant 0.000000e+00 : f32
    %broadcast_in_dim3A_3213 = vector.broadcast %jit3A_3211 : f32 to vector<16xf32>
    %broadcast_in_dim3A_3214 = vector.broadcast %jit3A_3212 : f32 to vector<16xf32>
    %select_n3A_3215 = arith.select %ne3A_3210, %broadcast_in_dim3A_3213, %broadcast_in_dim3A_3214 : vector<16xi1>, vector<16xf32>
    %add3A_3216 = arith.addf %add3A_3186, %select_n3A_3215 : vector<16xf32>
    %get3A_3217 = arith.constant 1712 : index
    %get3A_3218 = tpu.vector_load %arg9[%get3A_3217] {strides = array<i32>} : memref<2048xf32, #tpu.memory_space<vmem>>, vector<16xf32>,
    %get3A_3219 = vector.shape_cast %get3A_3218 : vector<16xf32> to vector<16xf32>
    %jit3A_3220 = arith.constant 0.000000e+00 : f32
    %broadcast_in_dim3A_3221 = vector.broadcast %jit3A_3220 : f32 to vector<16xf32>
    %select_n3A_3222 = arith.select %ne3A_3210, %get3A_3219, %broadcast_in_dim3A_3221 : vector<16xi1>, vector<16xf32>
    %add3A_3223 = arith.addf %add3A_3193, %select_n3A_3222 : vector<16xf32>
    %get3A_3224 = arith.constant 1712 : index
    %get3A_3225 = tpu.vector_load %arg8[%get3A_3224] {strides = array<i32>} : memref<2048xf32, #tpu.memory_space<vmem>>, vector<16xf32>,
    %get3A_3226 = vector.shape_cast %get3A_3225 : vector<16xf32> to vector<16xf32>
    %get3A_3227 = arith.constant 1712 : index
    %get3A_3228 = tpu.vector_load %arg10[%get3A_3227] {strides = array<i32>} : memref<2048xf32, #tpu.memory_space<vmem>>, vector<16xf32>,
    %get3A_3229 = vector.shape_cast %get3A_3228 : vector<16xf32> to vector<16xf32>
    %sub3A_3230 = arith.subf %get3A_3226, %get3A_3229 : vector<16xf32>
    %jit3A_3231 = arith.constant 0.000000e+00 : f32
    %broadcast_in_dim3A_3232 = vector.broadcast %jit3A_3231 : f32 to vector<16xf32>
    %select_n3A_3233 = arith.select %ne3A_3210, %sub3A_3230, %broadcast_in_dim3A_3232 : vector<16xi1>, vector<16xf32>
    %add3A_3234 = arith.addf %add3A_3204, %select_n3A_3233 : vector<16xf32>
    %get3A_3235 = arith.constant 1728 : index
    %get3A_3236 = tpu.vector_load %arg7[%get3A_3235] {strides = array<i32>} : memref<2048xi32, #tpu.memory_space<vmem>>, vector<16xi32>,
    %get3A_3237 = vector.shape_cast %get3A_3236 : vector<16xi32> to vector<16xi32>
    %ne3A_3238 = arith.constant 0 : i32
    %ne3A_3239 = vector.broadcast %ne3A_3238 : i32 to vector<16xi32>
    %ne3A_3240 = arith.cmpi ne, %get3A_3237, %ne3A_3239 : vector<16xi32>
    %jit3A_3241 = arith.constant 1.000000e+00 : f32
    %jit3A_3242 = arith.constant 0.000000e+00 : f32
    %broadcast_in_dim3A_3243 = vector.broadcast %jit3A_3241 : f32 to vector<16xf32>
    %broadcast_in_dim3A_3244 = vector.broadcast %jit3A_3242 : f32 to vector<16xf32>
    %select_n3A_3245 = arith.select %ne3A_3240, %broadcast_in_dim3A_3243, %broadcast_in_dim3A_3244 : vector<16xi1>, vector<16xf32>
    %add3A_3246 = arith.addf %add3A_3216, %select_n3A_3245 : vector<16xf32>
    %get3A_3247 = arith.constant 1728 : index
    %get3A_3248 = tpu.vector_load %arg9[%get3A_3247] {strides = array<i32>} : memref<2048xf32, #tpu.memory_space<vmem>>, vector<16xf32>,
    %get3A_3249 = vector.shape_cast %get3A_3248 : vector<16xf32> to vector<16xf32>
    %jit3A_3250 = arith.constant 0.000000e+00 : f32
    %broadcast_in_dim3A_3251 = vector.broadcast %jit3A_3250 : f32 to vector<16xf32>
    %select_n3A_3252 = arith.select %ne3A_3240, %get3A_3249, %broadcast_in_dim3A_3251 : vector<16xi1>, vector<16xf32>
    %add3A_3253 = arith.addf %add3A_3223, %select_n3A_3252 : vector<16xf32>
    %get3A_3254 = arith.constant 1728 : index
    %get3A_3255 = tpu.vector_load %arg8[%get3A_3254] {strides = array<i32>} : memref<2048xf32, #tpu.memory_space<vmem>>, vector<16xf32>,
    %get3A_3256 = vector.shape_cast %get3A_3255 : vector<16xf32> to vector<16xf32>
    %get3A_3257 = arith.constant 1728 : index
    %get3A_3258 = tpu.vector_load %arg10[%get3A_3257] {strides = array<i32>} : memref<2048xf32, #tpu.memory_space<vmem>>, vector<16xf32>,
    %get3A_3259 = vector.shape_cast %get3A_3258 : vector<16xf32> to vector<16xf32>
    %sub3A_3260 = arith.subf %get3A_3256, %get3A_3259 : vector<16xf32>
    %jit3A_3261 = arith.constant 0.000000e+00 : f32
    %broadcast_in_dim3A_3262 = vector.broadcast %jit3A_3261 : f32 to vector<16xf32>
    %select_n3A_3263 = arith.select %ne3A_3240, %sub3A_3260, %broadcast_in_dim3A_3262 : vector<16xi1>, vector<16xf32>
    %add3A_3264 = arith.addf %add3A_3234, %select_n3A_3263 : vector<16xf32>
    %get3A_3265 = arith.constant 1744 : index
    %get3A_3266 = tpu.vector_load %arg7[%get3A_3265] {strides = array<i32>} : memref<2048xi32, #tpu.memory_space<vmem>>, vector<16xi32>,
    %get3A_3267 = vector.shape_cast %get3A_3266 : vector<16xi32> to vector<16xi32>
    %ne3A_3268 = arith.constant 0 : i32
    %ne3A_3269 = vector.broadcast %ne3A_3268 : i32 to vector<16xi32>
    %ne3A_3270 = arith.cmpi ne, %get3A_3267, %ne3A_3269 : vector<16xi32>
    %jit3A_3271 = arith.constant 1.000000e+00 : f32
    %jit3A_3272 = arith.constant 0.000000e+00 : f32
    %broadcast_in_dim3A_3273 = vector.broadcast %jit3A_3271 : f32 to vector<16xf32>
    %broadcast_in_dim3A_3274 = vector.broadcast %jit3A_3272 : f32 to vector<16xf32>
    %select_n3A_3275 = arith.select %ne3A_3270, %broadcast_in_dim3A_3273, %broadcast_in_dim3A_3274 : vector<16xi1>, vector<16xf32>
    %add3A_3276 = arith.addf %add3A_3246, %select_n3A_3275 : vector<16xf32>
    %get3A_3277 = arith.constant 1744 : index
    %get3A_3278 = tpu.vector_load %arg9[%get3A_3277] {strides = array<i32>} : memref<2048xf32, #tpu.memory_space<vmem>>, vector<16xf32>,
    %get3A_3279 = vector.shape_cast %get3A_3278 : vector<16xf32> to vector<16xf32>
    %jit3A_3280 = arith.constant 0.000000e+00 : f32
    %broadcast_in_dim3A_3281 = vector.broadcast %jit3A_3280 : f32 to vector<16xf32>
    %select_n3A_3282 = arith.select %ne3A_3270, %get3A_3279, %broadcast_in_dim3A_3281 : vector<16xi1>, vector<16xf32>
    %add3A_3283 = arith.addf %add3A_3253, %select_n3A_3282 : vector<16xf32>
    %get3A_3284 = arith.constant 1744 : index
    %get3A_3285 = tpu.vector_load %arg8[%get3A_3284] {strides = array<i32>} : memref<2048xf32, #tpu.memory_space<vmem>>, vector<16xf32>,
    %get3A_3286 = vector.shape_cast %get3A_3285 : vector<16xf32> to vector<16xf32>
    %get3A_3287 = arith.constant 1744 : index
    %get3A_3288 = tpu.vector_load %arg10[%get3A_3287] {strides = array<i32>} : memref<2048xf32, #tpu.memory_space<vmem>>, vector<16xf32>,
    %get3A_3289 = vector.shape_cast %get3A_3288 : vector<16xf32> to vector<16xf32>
    %sub3A_3290 = arith.subf %get3A_3286, %get3A_3289 : vector<16xf32>
    %jit3A_3291 = arith.constant 0.000000e+00 : f32
    %broadcast_in_dim3A_3292 = vector.broadcast %jit3A_3291 : f32 to vector<16xf32>
    %select_n3A_3293 = arith.select %ne3A_3270, %sub3A_3290, %broadcast_in_dim3A_3292 : vector<16xi1>, vector<16xf32>
    %add3A_3294 = arith.addf %add3A_3264, %select_n3A_3293 : vector<16xf32>
    %get3A_3295 = arith.constant 1760 : index
    %get3A_3296 = tpu.vector_load %arg7[%get3A_3295] {strides = array<i32>} : memref<2048xi32, #tpu.memory_space<vmem>>, vector<16xi32>,
    %get3A_3297 = vector.shape_cast %get3A_3296 : vector<16xi32> to vector<16xi32>
    %ne3A_3298 = arith.constant 0 : i32
    %ne3A_3299 = vector.broadcast %ne3A_3298 : i32 to vector<16xi32>
    %ne3A_3300 = arith.cmpi ne, %get3A_3297, %ne3A_3299 : vector<16xi32>
    %jit3A_3301 = arith.constant 1.000000e+00 : f32
    %jit3A_3302 = arith.constant 0.000000e+00 : f32
    %broadcast_in_dim3A_3303 = vector.broadcast %jit3A_3301 : f32 to vector<16xf32>
    %broadcast_in_dim3A_3304 = vector.broadcast %jit3A_3302 : f32 to vector<16xf32>
    %select_n3A_3305 = arith.select %ne3A_3300, %broadcast_in_dim3A_3303, %broadcast_in_dim3A_3304 : vector<16xi1>, vector<16xf32>
    %add3A_3306 = arith.addf %add3A_3276, %select_n3A_3305 : vector<16xf32>
    %get3A_3307 = arith.constant 1760 : index
    %get3A_3308 = tpu.vector_load %arg9[%get3A_3307] {strides = array<i32>} : memref<2048xf32, #tpu.memory_space<vmem>>, vector<16xf32>,
    %get3A_3309 = vector.shape_cast %get3A_3308 : vector<16xf32> to vector<16xf32>
    %jit3A_3310 = arith.constant 0.000000e+00 : f32
    %broadcast_in_dim3A_3311 = vector.broadcast %jit3A_3310 : f32 to vector<16xf32>
    %select_n3A_3312 = arith.select %ne3A_3300, %get3A_3309, %broadcast_in_dim3A_3311 : vector<16xi1>, vector<16xf32>
    %add3A_3313 = arith.addf %add3A_3283, %select_n3A_3312 : vector<16xf32>
    %get3A_3314 = arith.constant 1760 : index
    %get3A_3315 = tpu.vector_load %arg8[%get3A_3314] {strides = array<i32>} : memref<2048xf32, #tpu.memory_space<vmem>>, vector<16xf32>,
    %get3A_3316 = vector.shape_cast %get3A_3315 : vector<16xf32> to vector<16xf32>
    %get3A_3317 = arith.constant 1760 : index
    %get3A_3318 = tpu.vector_load %arg10[%get3A_3317] {strides = array<i32>} : memref<2048xf32, #tpu.memory_space<vmem>>, vector<16xf32>,
    %get3A_3319 = vector.shape_cast %get3A_3318 : vector<16xf32> to vector<16xf32>
    %sub3A_3320 = arith.subf %get3A_3316, %get3A_3319 : vector<16xf32>
    %jit3A_3321 = arith.constant 0.000000e+00 : f32
    %broadcast_in_dim3A_3322 = vector.broadcast %jit3A_3321 : f32 to vector<16xf32>
    %select_n3A_3323 = arith.select %ne3A_3300, %sub3A_3320, %broadcast_in_dim3A_3322 : vector<16xi1>, vector<16xf32>
    %add3A_3324 = arith.addf %add3A_3294, %select_n3A_3323 : vector<16xf32>
    %get3A_3325 = arith.constant 1776 : index
    %get3A_3326 = tpu.vector_load %arg7[%get3A_3325] {strides = array<i32>} : memref<2048xi32, #tpu.memory_space<vmem>>, vector<16xi32>,
    %get3A_3327 = vector.shape_cast %get3A_3326 : vector<16xi32> to vector<16xi32>
    %ne3A_3328 = arith.constant 0 : i32
    %ne3A_3329 = vector.broadcast %ne3A_3328 : i32 to vector<16xi32>
    %ne3A_3330 = arith.cmpi ne, %get3A_3327, %ne3A_3329 : vector<16xi32>
    %jit3A_3331 = arith.constant 1.000000e+00 : f32
    %jit3A_3332 = arith.constant 0.000000e+00 : f32
    %broadcast_in_dim3A_3333 = vector.broadcast %jit3A_3331 : f32 to vector<16xf32>
    %broadcast_in_dim3A_3334 = vector.broadcast %jit3A_3332 : f32 to vector<16xf32>
    %select_n3A_3335 = arith.select %ne3A_3330, %broadcast_in_dim3A_3333, %broadcast_in_dim3A_3334 : vector<16xi1>, vector<16xf32>
    %add3A_3336 = arith.addf %add3A_3306, %select_n3A_3335 : vector<16xf32>
    %get3A_3337 = arith.constant 1776 : index
    %get3A_3338 = tpu.vector_load %arg9[%get3A_3337] {strides = array<i32>} : memref<2048xf32, #tpu.memory_space<vmem>>, vector<16xf32>,
    %get3A_3339 = vector.shape_cast %get3A_3338 : vector<16xf32> to vector<16xf32>
    %jit3A_3340 = arith.constant 0.000000e+00 : f32
    %broadcast_in_dim3A_3341 = vector.broadcast %jit3A_3340 : f32 to vector<16xf32>
    %select_n3A_3342 = arith.select %ne3A_3330, %get3A_3339, %broadcast_in_dim3A_3341 : vector<16xi1>, vector<16xf32>
    %add3A_3343 = arith.addf %add3A_3313, %select_n3A_3342 : vector<16xf32>
    %get3A_3344 = arith.constant 1776 : index
    %get3A_3345 = tpu.vector_load %arg8[%get3A_3344] {strides = array<i32>} : memref<2048xf32, #tpu.memory_space<vmem>>, vector<16xf32>,
    %get3A_3346 = vector.shape_cast %get3A_3345 : vector<16xf32> to vector<16xf32>
    %get3A_3347 = arith.constant 1776 : index
    %get3A_3348 = tpu.vector_load %arg10[%get3A_3347] {strides = array<i32>} : memref<2048xf32, #tpu.memory_space<vmem>>, vector<16xf32>,
    %get3A_3349 = vector.shape_cast %get3A_3348 : vector<16xf32> to vector<16xf32>
    %sub3A_3350 = arith.subf %get3A_3346, %get3A_3349 : vector<16xf32>
    %jit3A_3351 = arith.constant 0.000000e+00 : f32
    %broadcast_in_dim3A_3352 = vector.broadcast %jit3A_3351 : f32 to vector<16xf32>
    %select_n3A_3353 = arith.select %ne3A_3330, %sub3A_3350, %broadcast_in_dim3A_3352 : vector<16xi1>, vector<16xf32>
    %add3A_3354 = arith.addf %add3A_3324, %select_n3A_3353 : vector<16xf32>
    %get3A_3355 = arith.constant 1792 : index
    %get3A_3356 = tpu.vector_load %arg7[%get3A_3355] {strides = array<i32>} : memref<2048xi32, #tpu.memory_space<vmem>>, vector<16xi32>,
    %get3A_3357 = vector.shape_cast %get3A_3356 : vector<16xi32> to vector<16xi32>
    %ne3A_3358 = arith.constant 0 : i32
    %ne3A_3359 = vector.broadcast %ne3A_3358 : i32 to vector<16xi32>
    %ne3A_3360 = arith.cmpi ne, %get3A_3357, %ne3A_3359 : vector<16xi32>
    %jit3A_3361 = arith.constant 1.000000e+00 : f32
    %jit3A_3362 = arith.constant 0.000000e+00 : f32
    %broadcast_in_dim3A_3363 = vector.broadcast %jit3A_3361 : f32 to vector<16xf32>
    %broadcast_in_dim3A_3364 = vector.broadcast %jit3A_3362 : f32 to vector<16xf32>
    %select_n3A_3365 = arith.select %ne3A_3360, %broadcast_in_dim3A_3363, %broadcast_in_dim3A_3364 : vector<16xi1>, vector<16xf32>
    %add3A_3366 = arith.addf %add3A_3336, %select_n3A_3365 : vector<16xf32>
    %get3A_3367 = arith.constant 1792 : index
    %get3A_3368 = tpu.vector_load %arg9[%get3A_3367] {strides = array<i32>} : memref<2048xf32, #tpu.memory_space<vmem>>, vector<16xf32>,
    %get3A_3369 = vector.shape_cast %get3A_3368 : vector<16xf32> to vector<16xf32>
    %jit3A_3370 = arith.constant 0.000000e+00 : f32
    %broadcast_in_dim3A_3371 = vector.broadcast %jit3A_3370 : f32 to vector<16xf32>
    %select_n3A_3372 = arith.select %ne3A_3360, %get3A_3369, %broadcast_in_dim3A_3371 : vector<16xi1>, vector<16xf32>
    %add3A_3373 = arith.addf %add3A_3343, %select_n3A_3372 : vector<16xf32>
    %get3A_3374 = arith.constant 1792 : index
    %get3A_3375 = tpu.vector_load %arg8[%get3A_3374] {strides = array<i32>} : memref<2048xf32, #tpu.memory_space<vmem>>, vector<16xf32>,
    %get3A_3376 = vector.shape_cast %get3A_3375 : vector<16xf32> to vector<16xf32>
    %get3A_3377 = arith.constant 1792 : index
    %get3A_3378 = tpu.vector_load %arg10[%get3A_3377] {strides = array<i32>} : memref<2048xf32, #tpu.memory_space<vmem>>, vector<16xf32>,
    %get3A_3379 = vector.shape_cast %get3A_3378 : vector<16xf32> to vector<16xf32>
    %sub3A_3380 = arith.subf %get3A_3376, %get3A_3379 : vector<16xf32>
    %jit3A_3381 = arith.constant 0.000000e+00 : f32
    %broadcast_in_dim3A_3382 = vector.broadcast %jit3A_3381 : f32 to vector<16xf32>
    %select_n3A_3383 = arith.select %ne3A_3360, %sub3A_3380, %broadcast_in_dim3A_3382 : vector<16xi1>, vector<16xf32>
    %add3A_3384 = arith.addf %add3A_3354, %select_n3A_3383 : vector<16xf32>
    %get3A_3385 = arith.constant 1808 : index
    %get3A_3386 = tpu.vector_load %arg7[%get3A_3385] {strides = array<i32>} : memref<2048xi32, #tpu.memory_space<vmem>>, vector<16xi32>,
    %get3A_3387 = vector.shape_cast %get3A_3386 : vector<16xi32> to vector<16xi32>
    %ne3A_3388 = arith.constant 0 : i32
    %ne3A_3389 = vector.broadcast %ne3A_3388 : i32 to vector<16xi32>
    %ne3A_3390 = arith.cmpi ne, %get3A_3387, %ne3A_3389 : vector<16xi32>
    %jit3A_3391 = arith.constant 1.000000e+00 : f32
    %jit3A_3392 = arith.constant 0.000000e+00 : f32
    %broadcast_in_dim3A_3393 = vector.broadcast %jit3A_3391 : f32 to vector<16xf32>
    %broadcast_in_dim3A_3394 = vector.broadcast %jit3A_3392 : f32 to vector<16xf32>
    %select_n3A_3395 = arith.select %ne3A_3390, %broadcast_in_dim3A_3393, %broadcast_in_dim3A_3394 : vector<16xi1>, vector<16xf32>
    %add3A_3396 = arith.addf %add3A_3366, %select_n3A_3395 : vector<16xf32>
    %get3A_3397 = arith.constant 1808 : index
    %get3A_3398 = tpu.vector_load %arg9[%get3A_3397] {strides = array<i32>} : memref<2048xf32, #tpu.memory_space<vmem>>, vector<16xf32>,
    %get3A_3399 = vector.shape_cast %get3A_3398 : vector<16xf32> to vector<16xf32>
    %jit3A_3400 = arith.constant 0.000000e+00 : f32
    %broadcast_in_dim3A_3401 = vector.broadcast %jit3A_3400 : f32 to vector<16xf32>
    %select_n3A_3402 = arith.select %ne3A_3390, %get3A_3399, %broadcast_in_dim3A_3401 : vector<16xi1>, vector<16xf32>
    %add3A_3403 = arith.addf %add3A_3373, %select_n3A_3402 : vector<16xf32>
    %get3A_3404 = arith.constant 1808 : index
    %get3A_3405 = tpu.vector_load %arg8[%get3A_3404] {strides = array<i32>} : memref<2048xf32, #tpu.memory_space<vmem>>, vector<16xf32>,
    %get3A_3406 = vector.shape_cast %get3A_3405 : vector<16xf32> to vector<16xf32>
    %get3A_3407 = arith.constant 1808 : index
    %get3A_3408 = tpu.vector_load %arg10[%get3A_3407] {strides = array<i32>} : memref<2048xf32, #tpu.memory_space<vmem>>, vector<16xf32>,
    %get3A_3409 = vector.shape_cast %get3A_3408 : vector<16xf32> to vector<16xf32>
    %sub3A_3410 = arith.subf %get3A_3406, %get3A_3409 : vector<16xf32>
    %jit3A_3411 = arith.constant 0.000000e+00 : f32
    %broadcast_in_dim3A_3412 = vector.broadcast %jit3A_3411 : f32 to vector<16xf32>
    %select_n3A_3413 = arith.select %ne3A_3390, %sub3A_3410, %broadcast_in_dim3A_3412 : vector<16xi1>, vector<16xf32>
    %add3A_3414 = arith.addf %add3A_3384, %select_n3A_3413 : vector<16xf32>
    %get3A_3415 = arith.constant 1824 : index
    %get3A_3416 = tpu.vector_load %arg7[%get3A_3415] {strides = array<i32>} : memref<2048xi32, #tpu.memory_space<vmem>>, vector<16xi32>,
    %get3A_3417 = vector.shape_cast %get3A_3416 : vector<16xi32> to vector<16xi32>
    %ne3A_3418 = arith.constant 0 : i32
    %ne3A_3419 = vector.broadcast %ne3A_3418 : i32 to vector<16xi32>
    %ne3A_3420 = arith.cmpi ne, %get3A_3417, %ne3A_3419 : vector<16xi32>
    %jit3A_3421 = arith.constant 1.000000e+00 : f32
    %jit3A_3422 = arith.constant 0.000000e+00 : f32
    %broadcast_in_dim3A_3423 = vector.broadcast %jit3A_3421 : f32 to vector<16xf32>
    %broadcast_in_dim3A_3424 = vector.broadcast %jit3A_3422 : f32 to vector<16xf32>
    %select_n3A_3425 = arith.select %ne3A_3420, %broadcast_in_dim3A_3423, %broadcast_in_dim3A_3424 : vector<16xi1>, vector<16xf32>
    %add3A_3426 = arith.addf %add3A_3396, %select_n3A_3425 : vector<16xf32>
    %get3A_3427 = arith.constant 1824 : index
    %get3A_3428 = tpu.vector_load %arg9[%get3A_3427] {strides = array<i32>} : memref<2048xf32, #tpu.memory_space<vmem>>, vector<16xf32>,
    %get3A_3429 = vector.shape_cast %get3A_3428 : vector<16xf32> to vector<16xf32>
    %jit3A_3430 = arith.constant 0.000000e+00 : f32
    %broadcast_in_dim3A_3431 = vector.broadcast %jit3A_3430 : f32 to vector<16xf32>
    %select_n3A_3432 = arith.select %ne3A_3420, %get3A_3429, %broadcast_in_dim3A_3431 : vector<16xi1>, vector<16xf32>
    %add3A_3433 = arith.addf %add3A_3403, %select_n3A_3432 : vector<16xf32>
    %get3A_3434 = arith.constant 1824 : index
    %get3A_3435 = tpu.vector_load %arg8[%get3A_3434] {strides = array<i32>} : memref<2048xf32, #tpu.memory_space<vmem>>, vector<16xf32>,
    %get3A_3436 = vector.shape_cast %get3A_3435 : vector<16xf32> to vector<16xf32>
    %get3A_3437 = arith.constant 1824 : index
    %get3A_3438 = tpu.vector_load %arg10[%get3A_3437] {strides = array<i32>} : memref<2048xf32, #tpu.memory_space<vmem>>, vector<16xf32>,
    %get3A_3439 = vector.shape_cast %get3A_3438 : vector<16xf32> to vector<16xf32>
    %sub3A_3440 = arith.subf %get3A_3436, %get3A_3439 : vector<16xf32>
    %jit3A_3441 = arith.constant 0.000000e+00 : f32
    %broadcast_in_dim3A_3442 = vector.broadcast %jit3A_3441 : f32 to vector<16xf32>
    %select_n3A_3443 = arith.select %ne3A_3420, %sub3A_3440, %broadcast_in_dim3A_3442 : vector<16xi1>, vector<16xf32>
    %add3A_3444 = arith.addf %add3A_3414, %select_n3A_3443 : vector<16xf32>
    %get3A_3445 = arith.constant 1840 : index
    %get3A_3446 = tpu.vector_load %arg7[%get3A_3445] {strides = array<i32>} : memref<2048xi32, #tpu.memory_space<vmem>>, vector<16xi32>,
    %get3A_3447 = vector.shape_cast %get3A_3446 : vector<16xi32> to vector<16xi32>
    %ne3A_3448 = arith.constant 0 : i32
    %ne3A_3449 = vector.broadcast %ne3A_3448 : i32 to vector<16xi32>
    %ne3A_3450 = arith.cmpi ne, %get3A_3447, %ne3A_3449 : vector<16xi32>
    %jit3A_3451 = arith.constant 1.000000e+00 : f32
    %jit3A_3452 = arith.constant 0.000000e+00 : f32
    %broadcast_in_dim3A_3453 = vector.broadcast %jit3A_3451 : f32 to vector<16xf32>
    %broadcast_in_dim3A_3454 = vector.broadcast %jit3A_3452 : f32 to vector<16xf32>
    %select_n3A_3455 = arith.select %ne3A_3450, %broadcast_in_dim3A_3453, %broadcast_in_dim3A_3454 : vector<16xi1>, vector<16xf32>
    %add3A_3456 = arith.addf %add3A_3426, %select_n3A_3455 : vector<16xf32>
    %get3A_3457 = arith.constant 1840 : index
    %get3A_3458 = tpu.vector_load %arg9[%get3A_3457] {strides = array<i32>} : memref<2048xf32, #tpu.memory_space<vmem>>, vector<16xf32>,
    %get3A_3459 = vector.shape_cast %get3A_3458 : vector<16xf32> to vector<16xf32>
    %jit3A_3460 = arith.constant 0.000000e+00 : f32
    %broadcast_in_dim3A_3461 = vector.broadcast %jit3A_3460 : f32 to vector<16xf32>
    %select_n3A_3462 = arith.select %ne3A_3450, %get3A_3459, %broadcast_in_dim3A_3461 : vector<16xi1>, vector<16xf32>
    %add3A_3463 = arith.addf %add3A_3433, %select_n3A_3462 : vector<16xf32>
    %get3A_3464 = arith.constant 1840 : index
    %get3A_3465 = tpu.vector_load %arg8[%get3A_3464] {strides = array<i32>} : memref<2048xf32, #tpu.memory_space<vmem>>, vector<16xf32>,
    %get3A_3466 = vector.shape_cast %get3A_3465 : vector<16xf32> to vector<16xf32>
    %get3A_3467 = arith.constant 1840 : index
    %get3A_3468 = tpu.vector_load %arg10[%get3A_3467] {strides = array<i32>} : memref<2048xf32, #tpu.memory_space<vmem>>, vector<16xf32>,
    %get3A_3469 = vector.shape_cast %get3A_3468 : vector<16xf32> to vector<16xf32>
    %sub3A_3470 = arith.subf %get3A_3466, %get3A_3469 : vector<16xf32>
    %jit3A_3471 = arith.constant 0.000000e+00 : f32
    %broadcast_in_dim3A_3472 = vector.broadcast %jit3A_3471 : f32 to vector<16xf32>
    %select_n3A_3473 = arith.select %ne3A_3450, %sub3A_3470, %broadcast_in_dim3A_3472 : vector<16xi1>, vector<16xf32>
    %add3A_3474 = arith.addf %add3A_3444, %select_n3A_3473 : vector<16xf32>
    %get3A_3475 = arith.constant 1856 : index
    %get3A_3476 = tpu.vector_load %arg7[%get3A_3475] {strides = array<i32>} : memref<2048xi32, #tpu.memory_space<vmem>>, vector<16xi32>,
    %get3A_3477 = vector.shape_cast %get3A_3476 : vector<16xi32> to vector<16xi32>
    %ne3A_3478 = arith.constant 0 : i32
    %ne3A_3479 = vector.broadcast %ne3A_3478 : i32 to vector<16xi32>
    %ne3A_3480 = arith.cmpi ne, %get3A_3477, %ne3A_3479 : vector<16xi32>
    %jit3A_3481 = arith.constant 1.000000e+00 : f32
    %jit3A_3482 = arith.constant 0.000000e+00 : f32
    %broadcast_in_dim3A_3483 = vector.broadcast %jit3A_3481 : f32 to vector<16xf32>
    %broadcast_in_dim3A_3484 = vector.broadcast %jit3A_3482 : f32 to vector<16xf32>
    %select_n3A_3485 = arith.select %ne3A_3480, %broadcast_in_dim3A_3483, %broadcast_in_dim3A_3484 : vector<16xi1>, vector<16xf32>
    %add3A_3486 = arith.addf %add3A_3456, %select_n3A_3485 : vector<16xf32>
    %get3A_3487 = arith.constant 1856 : index
    %get3A_3488 = tpu.vector_load %arg9[%get3A_3487] {strides = array<i32>} : memref<2048xf32, #tpu.memory_space<vmem>>, vector<16xf32>,
    %get3A_3489 = vector.shape_cast %get3A_3488 : vector<16xf32> to vector<16xf32>
    %jit3A_3490 = arith.constant 0.000000e+00 : f32
    %broadcast_in_dim3A_3491 = vector.broadcast %jit3A_3490 : f32 to vector<16xf32>
    %select_n3A_3492 = arith.select %ne3A_3480, %get3A_3489, %broadcast_in_dim3A_3491 : vector<16xi1>, vector<16xf32>
    %add3A_3493 = arith.addf %add3A_3463, %select_n3A_3492 : vector<16xf32>
    %get3A_3494 = arith.constant 1856 : index
    %get3A_3495 = tpu.vector_load %arg8[%get3A_3494] {strides = array<i32>} : memref<2048xf32, #tpu.memory_space<vmem>>, vector<16xf32>,
    %get3A_3496 = vector.shape_cast %get3A_3495 : vector<16xf32> to vector<16xf32>
    %get3A_3497 = arith.constant 1856 : index
    %get3A_3498 = tpu.vector_load %arg10[%get3A_3497] {strides = array<i32>} : memref<2048xf32, #tpu.memory_space<vmem>>, vector<16xf32>,
    %get3A_3499 = vector.shape_cast %get3A_3498 : vector<16xf32> to vector<16xf32>
    %sub3A_3500 = arith.subf %get3A_3496, %get3A_3499 : vector<16xf32>
    %jit3A_3501 = arith.constant 0.000000e+00 : f32
    %broadcast_in_dim3A_3502 = vector.broadcast %jit3A_3501 : f32 to vector<16xf32>
    %select_n3A_3503 = arith.select %ne3A_3480, %sub3A_3500, %broadcast_in_dim3A_3502 : vector<16xi1>, vector<16xf32>
    %add3A_3504 = arith.addf %add3A_3474, %select_n3A_3503 : vector<16xf32>
    %get3A_3505 = arith.constant 1872 : index
    %get3A_3506 = tpu.vector_load %arg7[%get3A_3505] {strides = array<i32>} : memref<2048xi32, #tpu.memory_space<vmem>>, vector<16xi32>,
    %get3A_3507 = vector.shape_cast %get3A_3506 : vector<16xi32> to vector<16xi32>
    %ne3A_3508 = arith.constant 0 : i32
    %ne3A_3509 = vector.broadcast %ne3A_3508 : i32 to vector<16xi32>
    %ne3A_3510 = arith.cmpi ne, %get3A_3507, %ne3A_3509 : vector<16xi32>
    %jit3A_3511 = arith.constant 1.000000e+00 : f32
    %jit3A_3512 = arith.constant 0.000000e+00 : f32
    %broadcast_in_dim3A_3513 = vector.broadcast %jit3A_3511 : f32 to vector<16xf32>
    %broadcast_in_dim3A_3514 = vector.broadcast %jit3A_3512 : f32 to vector<16xf32>
    %select_n3A_3515 = arith.select %ne3A_3510, %broadcast_in_dim3A_3513, %broadcast_in_dim3A_3514 : vector<16xi1>, vector<16xf32>
    %add3A_3516 = arith.addf %add3A_3486, %select_n3A_3515 : vector<16xf32>
    %get3A_3517 = arith.constant 1872 : index
    %get3A_3518 = tpu.vector_load %arg9[%get3A_3517] {strides = array<i32>} : memref<2048xf32, #tpu.memory_space<vmem>>, vector<16xf32>,
    %get3A_3519 = vector.shape_cast %get3A_3518 : vector<16xf32> to vector<16xf32>
    %jit3A_3520 = arith.constant 0.000000e+00 : f32
    %broadcast_in_dim3A_3521 = vector.broadcast %jit3A_3520 : f32 to vector<16xf32>
    %select_n3A_3522 = arith.select %ne3A_3510, %get3A_3519, %broadcast_in_dim3A_3521 : vector<16xi1>, vector<16xf32>
    %add3A_3523 = arith.addf %add3A_3493, %select_n3A_3522 : vector<16xf32>
    %get3A_3524 = arith.constant 1872 : index
    %get3A_3525 = tpu.vector_load %arg8[%get3A_3524] {strides = array<i32>} : memref<2048xf32, #tpu.memory_space<vmem>>, vector<16xf32>,
    %get3A_3526 = vector.shape_cast %get3A_3525 : vector<16xf32> to vector<16xf32>
    %get3A_3527 = arith.constant 1872 : index
    %get3A_3528 = tpu.vector_load %arg10[%get3A_3527] {strides = array<i32>} : memref<2048xf32, #tpu.memory_space<vmem>>, vector<16xf32>,
    %get3A_3529 = vector.shape_cast %get3A_3528 : vector<16xf32> to vector<16xf32>
    %sub3A_3530 = arith.subf %get3A_3526, %get3A_3529 : vector<16xf32>
    %jit3A_3531 = arith.constant 0.000000e+00 : f32
    %broadcast_in_dim3A_3532 = vector.broadcast %jit3A_3531 : f32 to vector<16xf32>
    %select_n3A_3533 = arith.select %ne3A_3510, %sub3A_3530, %broadcast_in_dim3A_3532 : vector<16xi1>, vector<16xf32>
    %add3A_3534 = arith.addf %add3A_3504, %select_n3A_3533 : vector<16xf32>
    %get3A_3535 = arith.constant 1888 : index
    %get3A_3536 = tpu.vector_load %arg7[%get3A_3535] {strides = array<i32>} : memref<2048xi32, #tpu.memory_space<vmem>>, vector<16xi32>,
    %get3A_3537 = vector.shape_cast %get3A_3536 : vector<16xi32> to vector<16xi32>
    %ne3A_3538 = arith.constant 0 : i32
    %ne3A_3539 = vector.broadcast %ne3A_3538 : i32 to vector<16xi32>
    %ne3A_3540 = arith.cmpi ne, %get3A_3537, %ne3A_3539 : vector<16xi32>
    %jit3A_3541 = arith.constant 1.000000e+00 : f32
    %jit3A_3542 = arith.constant 0.000000e+00 : f32
    %broadcast_in_dim3A_3543 = vector.broadcast %jit3A_3541 : f32 to vector<16xf32>
    %broadcast_in_dim3A_3544 = vector.broadcast %jit3A_3542 : f32 to vector<16xf32>
    %select_n3A_3545 = arith.select %ne3A_3540, %broadcast_in_dim3A_3543, %broadcast_in_dim3A_3544 : vector<16xi1>, vector<16xf32>
    %add3A_3546 = arith.addf %add3A_3516, %select_n3A_3545 : vector<16xf32>
    %get3A_3547 = arith.constant 1888 : index
    %get3A_3548 = tpu.vector_load %arg9[%get3A_3547] {strides = array<i32>} : memref<2048xf32, #tpu.memory_space<vmem>>, vector<16xf32>,
    %get3A_3549 = vector.shape_cast %get3A_3548 : vector<16xf32> to vector<16xf32>
    %jit3A_3550 = arith.constant 0.000000e+00 : f32
    %broadcast_in_dim3A_3551 = vector.broadcast %jit3A_3550 : f32 to vector<16xf32>
    %select_n3A_3552 = arith.select %ne3A_3540, %get3A_3549, %broadcast_in_dim3A_3551 : vector<16xi1>, vector<16xf32>
    %add3A_3553 = arith.addf %add3A_3523, %select_n3A_3552 : vector<16xf32>
    %get3A_3554 = arith.constant 1888 : index
    %get3A_3555 = tpu.vector_load %arg8[%get3A_3554] {strides = array<i32>} : memref<2048xf32, #tpu.memory_space<vmem>>, vector<16xf32>,
    %get3A_3556 = vector.shape_cast %get3A_3555 : vector<16xf32> to vector<16xf32>
    %get3A_3557 = arith.constant 1888 : index
    %get3A_3558 = tpu.vector_load %arg10[%get3A_3557] {strides = array<i32>} : memref<2048xf32, #tpu.memory_space<vmem>>, vector<16xf32>,
    %get3A_3559 = vector.shape_cast %get3A_3558 : vector<16xf32> to vector<16xf32>
    %sub3A_3560 = arith.subf %get3A_3556, %get3A_3559 : vector<16xf32>
    %jit3A_3561 = arith.constant 0.000000e+00 : f32
    %broadcast_in_dim3A_3562 = vector.broadcast %jit3A_3561 : f32 to vector<16xf32>
    %select_n3A_3563 = arith.select %ne3A_3540, %sub3A_3560, %broadcast_in_dim3A_3562 : vector<16xi1>, vector<16xf32>
    %add3A_3564 = arith.addf %add3A_3534, %select_n3A_3563 : vector<16xf32>
    %get3A_3565 = arith.constant 1904 : index
    %get3A_3566 = tpu.vector_load %arg7[%get3A_3565] {strides = array<i32>} : memref<2048xi32, #tpu.memory_space<vmem>>, vector<16xi32>,
    %get3A_3567 = vector.shape_cast %get3A_3566 : vector<16xi32> to vector<16xi32>
    %ne3A_3568 = arith.constant 0 : i32
    %ne3A_3569 = vector.broadcast %ne3A_3568 : i32 to vector<16xi32>
    %ne3A_3570 = arith.cmpi ne, %get3A_3567, %ne3A_3569 : vector<16xi32>
    %jit3A_3571 = arith.constant 1.000000e+00 : f32
    %jit3A_3572 = arith.constant 0.000000e+00 : f32
    %broadcast_in_dim3A_3573 = vector.broadcast %jit3A_3571 : f32 to vector<16xf32>
    %broadcast_in_dim3A_3574 = vector.broadcast %jit3A_3572 : f32 to vector<16xf32>
    %select_n3A_3575 = arith.select %ne3A_3570, %broadcast_in_dim3A_3573, %broadcast_in_dim3A_3574 : vector<16xi1>, vector<16xf32>
    %add3A_3576 = arith.addf %add3A_3546, %select_n3A_3575 : vector<16xf32>
    %get3A_3577 = arith.constant 1904 : index
    %get3A_3578 = tpu.vector_load %arg9[%get3A_3577] {strides = array<i32>} : memref<2048xf32, #tpu.memory_space<vmem>>, vector<16xf32>,
    %get3A_3579 = vector.shape_cast %get3A_3578 : vector<16xf32> to vector<16xf32>
    %jit3A_3580 = arith.constant 0.000000e+00 : f32
    %broadcast_in_dim3A_3581 = vector.broadcast %jit3A_3580 : f32 to vector<16xf32>
    %select_n3A_3582 = arith.select %ne3A_3570, %get3A_3579, %broadcast_in_dim3A_3581 : vector<16xi1>, vector<16xf32>
    %add3A_3583 = arith.addf %add3A_3553, %select_n3A_3582 : vector<16xf32>
    %get3A_3584 = arith.constant 1904 : index
    %get3A_3585 = tpu.vector_load %arg8[%get3A_3584] {strides = array<i32>} : memref<2048xf32, #tpu.memory_space<vmem>>, vector<16xf32>,
    %get3A_3586 = vector.shape_cast %get3A_3585 : vector<16xf32> to vector<16xf32>
    %get3A_3587 = arith.constant 1904 : index
    %get3A_3588 = tpu.vector_load %arg10[%get3A_3587] {strides = array<i32>} : memref<2048xf32, #tpu.memory_space<vmem>>, vector<16xf32>,
    %get3A_3589 = vector.shape_cast %get3A_3588 : vector<16xf32> to vector<16xf32>
    %sub3A_3590 = arith.subf %get3A_3586, %get3A_3589 : vector<16xf32>
    %jit3A_3591 = arith.constant 0.000000e+00 : f32
    %broadcast_in_dim3A_3592 = vector.broadcast %jit3A_3591 : f32 to vector<16xf32>
    %select_n3A_3593 = arith.select %ne3A_3570, %sub3A_3590, %broadcast_in_dim3A_3592 : vector<16xi1>, vector<16xf32>
    %add3A_3594 = arith.addf %add3A_3564, %select_n3A_3593 : vector<16xf32>
    %get3A_3595 = arith.constant 1920 : index
    %get3A_3596 = tpu.vector_load %arg7[%get3A_3595] {strides = array<i32>} : memref<2048xi32, #tpu.memory_space<vmem>>, vector<16xi32>,
    %get3A_3597 = vector.shape_cast %get3A_3596 : vector<16xi32> to vector<16xi32>
    %ne3A_3598 = arith.constant 0 : i32
    %ne3A_3599 = vector.broadcast %ne3A_3598 : i32 to vector<16xi32>
    %ne3A_3600 = arith.cmpi ne, %get3A_3597, %ne3A_3599 : vector<16xi32>
    %jit3A_3601 = arith.constant 1.000000e+00 : f32
    %jit3A_3602 = arith.constant 0.000000e+00 : f32
    %broadcast_in_dim3A_3603 = vector.broadcast %jit3A_3601 : f32 to vector<16xf32>
    %broadcast_in_dim3A_3604 = vector.broadcast %jit3A_3602 : f32 to vector<16xf32>
    %select_n3A_3605 = arith.select %ne3A_3600, %broadcast_in_dim3A_3603, %broadcast_in_dim3A_3604 : vector<16xi1>, vector<16xf32>
    %add3A_3606 = arith.addf %add3A_3576, %select_n3A_3605 : vector<16xf32>
    %get3A_3607 = arith.constant 1920 : index
    %get3A_3608 = tpu.vector_load %arg9[%get3A_3607] {strides = array<i32>} : memref<2048xf32, #tpu.memory_space<vmem>>, vector<16xf32>,
    %get3A_3609 = vector.shape_cast %get3A_3608 : vector<16xf32> to vector<16xf32>
    %jit3A_3610 = arith.constant 0.000000e+00 : f32
    %broadcast_in_dim3A_3611 = vector.broadcast %jit3A_3610 : f32 to vector<16xf32>
    %select_n3A_3612 = arith.select %ne3A_3600, %get3A_3609, %broadcast_in_dim3A_3611 : vector<16xi1>, vector<16xf32>
    %add3A_3613 = arith.addf %add3A_3583, %select_n3A_3612 : vector<16xf32>
    %get3A_3614 = arith.constant 1920 : index
    %get3A_3615 = tpu.vector_load %arg8[%get3A_3614] {strides = array<i32>} : memref<2048xf32, #tpu.memory_space<vmem>>, vector<16xf32>,
    %get3A_3616 = vector.shape_cast %get3A_3615 : vector<16xf32> to vector<16xf32>
    %get3A_3617 = arith.constant 1920 : index
    %get3A_3618 = tpu.vector_load %arg10[%get3A_3617] {strides = array<i32>} : memref<2048xf32, #tpu.memory_space<vmem>>, vector<16xf32>,
    %get3A_3619 = vector.shape_cast %get3A_3618 : vector<16xf32> to vector<16xf32>
    %sub3A_3620 = arith.subf %get3A_3616, %get3A_3619 : vector<16xf32>
    %jit3A_3621 = arith.constant 0.000000e+00 : f32
    %broadcast_in_dim3A_3622 = vector.broadcast %jit3A_3621 : f32 to vector<16xf32>
    %select_n3A_3623 = arith.select %ne3A_3600, %sub3A_3620, %broadcast_in_dim3A_3622 : vector<16xi1>, vector<16xf32>
    %add3A_3624 = arith.addf %add3A_3594, %select_n3A_3623 : vector<16xf32>
    %get3A_3625 = arith.constant 1936 : index
    %get3A_3626 = tpu.vector_load %arg7[%get3A_3625] {strides = array<i32>} : memref<2048xi32, #tpu.memory_space<vmem>>, vector<16xi32>,
    %get3A_3627 = vector.shape_cast %get3A_3626 : vector<16xi32> to vector<16xi32>
    %ne3A_3628 = arith.constant 0 : i32
    %ne3A_3629 = vector.broadcast %ne3A_3628 : i32 to vector<16xi32>
    %ne3A_3630 = arith.cmpi ne, %get3A_3627, %ne3A_3629 : vector<16xi32>
    %jit3A_3631 = arith.constant 1.000000e+00 : f32
    %jit3A_3632 = arith.constant 0.000000e+00 : f32
    %broadcast_in_dim3A_3633 = vector.broadcast %jit3A_3631 : f32 to vector<16xf32>
    %broadcast_in_dim3A_3634 = vector.broadcast %jit3A_3632 : f32 to vector<16xf32>
    %select_n3A_3635 = arith.select %ne3A_3630, %broadcast_in_dim3A_3633, %broadcast_in_dim3A_3634 : vector<16xi1>, vector<16xf32>
    %add3A_3636 = arith.addf %add3A_3606, %select_n3A_3635 : vector<16xf32>
    %get3A_3637 = arith.constant 1936 : index
    %get3A_3638 = tpu.vector_load %arg9[%get3A_3637] {strides = array<i32>} : memref<2048xf32, #tpu.memory_space<vmem>>, vector<16xf32>,
    %get3A_3639 = vector.shape_cast %get3A_3638 : vector<16xf32> to vector<16xf32>
    %jit3A_3640 = arith.constant 0.000000e+00 : f32
    %broadcast_in_dim3A_3641 = vector.broadcast %jit3A_3640 : f32 to vector<16xf32>
    %select_n3A_3642 = arith.select %ne3A_3630, %get3A_3639, %broadcast_in_dim3A_3641 : vector<16xi1>, vector<16xf32>
    %add3A_3643 = arith.addf %add3A_3613, %select_n3A_3642 : vector<16xf32>
    %get3A_3644 = arith.constant 1936 : index
    %get3A_3645 = tpu.vector_load %arg8[%get3A_3644] {strides = array<i32>} : memref<2048xf32, #tpu.memory_space<vmem>>, vector<16xf32>,
    %get3A_3646 = vector.shape_cast %get3A_3645 : vector<16xf32> to vector<16xf32>
    %get3A_3647 = arith.constant 1936 : index
    %get3A_3648 = tpu.vector_load %arg10[%get3A_3647] {strides = array<i32>} : memref<2048xf32, #tpu.memory_space<vmem>>, vector<16xf32>,
    %get3A_3649 = vector.shape_cast %get3A_3648 : vector<16xf32> to vector<16xf32>
    %sub3A_3650 = arith.subf %get3A_3646, %get3A_3649 : vector<16xf32>
    %jit3A_3651 = arith.constant 0.000000e+00 : f32
    %broadcast_in_dim3A_3652 = vector.broadcast %jit3A_3651 : f32 to vector<16xf32>
    %select_n3A_3653 = arith.select %ne3A_3630, %sub3A_3650, %broadcast_in_dim3A_3652 : vector<16xi1>, vector<16xf32>
    %add3A_3654 = arith.addf %add3A_3624, %select_n3A_3653 : vector<16xf32>
    %get3A_3655 = arith.constant 1952 : index
    %get3A_3656 = tpu.vector_load %arg7[%get3A_3655] {strides = array<i32>} : memref<2048xi32, #tpu.memory_space<vmem>>, vector<16xi32>,
    %get3A_3657 = vector.shape_cast %get3A_3656 : vector<16xi32> to vector<16xi32>
    %ne3A_3658 = arith.constant 0 : i32
    %ne3A_3659 = vector.broadcast %ne3A_3658 : i32 to vector<16xi32>
    %ne3A_3660 = arith.cmpi ne, %get3A_3657, %ne3A_3659 : vector<16xi32>
    %jit3A_3661 = arith.constant 1.000000e+00 : f32
    %jit3A_3662 = arith.constant 0.000000e+00 : f32
    %broadcast_in_dim3A_3663 = vector.broadcast %jit3A_3661 : f32 to vector<16xf32>
    %broadcast_in_dim3A_3664 = vector.broadcast %jit3A_3662 : f32 to vector<16xf32>
    %select_n3A_3665 = arith.select %ne3A_3660, %broadcast_in_dim3A_3663, %broadcast_in_dim3A_3664 : vector<16xi1>, vector<16xf32>
    %add3A_3666 = arith.addf %add3A_3636, %select_n3A_3665 : vector<16xf32>
    %get3A_3667 = arith.constant 1952 : index
    %get3A_3668 = tpu.vector_load %arg9[%get3A_3667] {strides = array<i32>} : memref<2048xf32, #tpu.memory_space<vmem>>, vector<16xf32>,
    %get3A_3669 = vector.shape_cast %get3A_3668 : vector<16xf32> to vector<16xf32>
    %jit3A_3670 = arith.constant 0.000000e+00 : f32
    %broadcast_in_dim3A_3671 = vector.broadcast %jit3A_3670 : f32 to vector<16xf32>
    %select_n3A_3672 = arith.select %ne3A_3660, %get3A_3669, %broadcast_in_dim3A_3671 : vector<16xi1>, vector<16xf32>
    %add3A_3673 = arith.addf %add3A_3643, %select_n3A_3672 : vector<16xf32>
    %get3A_3674 = arith.constant 1952 : index
    %get3A_3675 = tpu.vector_load %arg8[%get3A_3674] {strides = array<i32>} : memref<2048xf32, #tpu.memory_space<vmem>>, vector<16xf32>,
    %get3A_3676 = vector.shape_cast %get3A_3675 : vector<16xf32> to vector<16xf32>
    %get3A_3677 = arith.constant 1952 : index
    %get3A_3678 = tpu.vector_load %arg10[%get3A_3677] {strides = array<i32>} : memref<2048xf32, #tpu.memory_space<vmem>>, vector<16xf32>,
    %get3A_3679 = vector.shape_cast %get3A_3678 : vector<16xf32> to vector<16xf32>
    %sub3A_3680 = arith.subf %get3A_3676, %get3A_3679 : vector<16xf32>
    %jit3A_3681 = arith.constant 0.000000e+00 : f32
    %broadcast_in_dim3A_3682 = vector.broadcast %jit3A_3681 : f32 to vector<16xf32>
    %select_n3A_3683 = arith.select %ne3A_3660, %sub3A_3680, %broadcast_in_dim3A_3682 : vector<16xi1>, vector<16xf32>
    %add3A_3684 = arith.addf %add3A_3654, %select_n3A_3683 : vector<16xf32>
    %get3A_3685 = arith.constant 1968 : index
    %get3A_3686 = tpu.vector_load %arg7[%get3A_3685] {strides = array<i32>} : memref<2048xi32, #tpu.memory_space<vmem>>, vector<16xi32>,
    %get3A_3687 = vector.shape_cast %get3A_3686 : vector<16xi32> to vector<16xi32>
    %ne3A_3688 = arith.constant 0 : i32
    %ne3A_3689 = vector.broadcast %ne3A_3688 : i32 to vector<16xi32>
    %ne3A_3690 = arith.cmpi ne, %get3A_3687, %ne3A_3689 : vector<16xi32>
    %jit3A_3691 = arith.constant 1.000000e+00 : f32
    %jit3A_3692 = arith.constant 0.000000e+00 : f32
    %broadcast_in_dim3A_3693 = vector.broadcast %jit3A_3691 : f32 to vector<16xf32>
    %broadcast_in_dim3A_3694 = vector.broadcast %jit3A_3692 : f32 to vector<16xf32>
    %select_n3A_3695 = arith.select %ne3A_3690, %broadcast_in_dim3A_3693, %broadcast_in_dim3A_3694 : vector<16xi1>, vector<16xf32>
    %add3A_3696 = arith.addf %add3A_3666, %select_n3A_3695 : vector<16xf32>
    %get3A_3697 = arith.constant 1968 : index
    %get3A_3698 = tpu.vector_load %arg9[%get3A_3697] {strides = array<i32>} : memref<2048xf32, #tpu.memory_space<vmem>>, vector<16xf32>,
    %get3A_3699 = vector.shape_cast %get3A_3698 : vector<16xf32> to vector<16xf32>
    %jit3A_3700 = arith.constant 0.000000e+00 : f32
    %broadcast_in_dim3A_3701 = vector.broadcast %jit3A_3700 : f32 to vector<16xf32>
    %select_n3A_3702 = arith.select %ne3A_3690, %get3A_3699, %broadcast_in_dim3A_3701 : vector<16xi1>, vector<16xf32>
    %add3A_3703 = arith.addf %add3A_3673, %select_n3A_3702 : vector<16xf32>
    %get3A_3704 = arith.constant 1968 : index
    %get3A_3705 = tpu.vector_load %arg8[%get3A_3704] {strides = array<i32>} : memref<2048xf32, #tpu.memory_space<vmem>>, vector<16xf32>,
    %get3A_3706 = vector.shape_cast %get3A_3705 : vector<16xf32> to vector<16xf32>
    %get3A_3707 = arith.constant 1968 : index
    %get3A_3708 = tpu.vector_load %arg10[%get3A_3707] {strides = array<i32>} : memref<2048xf32, #tpu.memory_space<vmem>>, vector<16xf32>,
    %get3A_3709 = vector.shape_cast %get3A_3708 : vector<16xf32> to vector<16xf32>
    %sub3A_3710 = arith.subf %get3A_3706, %get3A_3709 : vector<16xf32>
    %jit3A_3711 = arith.constant 0.000000e+00 : f32
    %broadcast_in_dim3A_3712 = vector.broadcast %jit3A_3711 : f32 to vector<16xf32>
    %select_n3A_3713 = arith.select %ne3A_3690, %sub3A_3710, %broadcast_in_dim3A_3712 : vector<16xi1>, vector<16xf32>
    %add3A_3714 = arith.addf %add3A_3684, %select_n3A_3713 : vector<16xf32>
    %get3A_3715 = arith.constant 1984 : index
    %get3A_3716 = tpu.vector_load %arg7[%get3A_3715] {strides = array<i32>} : memref<2048xi32, #tpu.memory_space<vmem>>, vector<16xi32>,
    %get3A_3717 = vector.shape_cast %get3A_3716 : vector<16xi32> to vector<16xi32>
    %ne3A_3718 = arith.constant 0 : i32
    %ne3A_3719 = vector.broadcast %ne3A_3718 : i32 to vector<16xi32>
    %ne3A_3720 = arith.cmpi ne, %get3A_3717, %ne3A_3719 : vector<16xi32>
    %jit3A_3721 = arith.constant 1.000000e+00 : f32
    %jit3A_3722 = arith.constant 0.000000e+00 : f32
    %broadcast_in_dim3A_3723 = vector.broadcast %jit3A_3721 : f32 to vector<16xf32>
    %broadcast_in_dim3A_3724 = vector.broadcast %jit3A_3722 : f32 to vector<16xf32>
    %select_n3A_3725 = arith.select %ne3A_3720, %broadcast_in_dim3A_3723, %broadcast_in_dim3A_3724 : vector<16xi1>, vector<16xf32>
    %add3A_3726 = arith.addf %add3A_3696, %select_n3A_3725 : vector<16xf32>
    %get3A_3727 = arith.constant 1984 : index
    %get3A_3728 = tpu.vector_load %arg9[%get3A_3727] {strides = array<i32>} : memref<2048xf32, #tpu.memory_space<vmem>>, vector<16xf32>,
    %get3A_3729 = vector.shape_cast %get3A_3728 : vector<16xf32> to vector<16xf32>
    %jit3A_3730 = arith.constant 0.000000e+00 : f32
    %broadcast_in_dim3A_3731 = vector.broadcast %jit3A_3730 : f32 to vector<16xf32>
    %select_n3A_3732 = arith.select %ne3A_3720, %get3A_3729, %broadcast_in_dim3A_3731 : vector<16xi1>, vector<16xf32>
    %add3A_3733 = arith.addf %add3A_3703, %select_n3A_3732 : vector<16xf32>
    %get3A_3734 = arith.constant 1984 : index
    %get3A_3735 = tpu.vector_load %arg8[%get3A_3734] {strides = array<i32>} : memref<2048xf32, #tpu.memory_space<vmem>>, vector<16xf32>,
    %get3A_3736 = vector.shape_cast %get3A_3735 : vector<16xf32> to vector<16xf32>
    %get3A_3737 = arith.constant 1984 : index
    %get3A_3738 = tpu.vector_load %arg10[%get3A_3737] {strides = array<i32>} : memref<2048xf32, #tpu.memory_space<vmem>>, vector<16xf32>,
    %get3A_3739 = vector.shape_cast %get3A_3738 : vector<16xf32> to vector<16xf32>
    %sub3A_3740 = arith.subf %get3A_3736, %get3A_3739 : vector<16xf32>
    %jit3A_3741 = arith.constant 0.000000e+00 : f32
    %broadcast_in_dim3A_3742 = vector.broadcast %jit3A_3741 : f32 to vector<16xf32>
    %select_n3A_3743 = arith.select %ne3A_3720, %sub3A_3740, %broadcast_in_dim3A_3742 : vector<16xi1>, vector<16xf32>
    %add3A_3744 = arith.addf %add3A_3714, %select_n3A_3743 : vector<16xf32>
    %get3A_3745 = arith.constant 2000 : index
    %get3A_3746 = tpu.vector_load %arg7[%get3A_3745] {strides = array<i32>} : memref<2048xi32, #tpu.memory_space<vmem>>, vector<16xi32>,
    %get3A_3747 = vector.shape_cast %get3A_3746 : vector<16xi32> to vector<16xi32>
    %ne3A_3748 = arith.constant 0 : i32
    %ne3A_3749 = vector.broadcast %ne3A_3748 : i32 to vector<16xi32>
    %ne3A_3750 = arith.cmpi ne, %get3A_3747, %ne3A_3749 : vector<16xi32>
    %jit3A_3751 = arith.constant 1.000000e+00 : f32
    %jit3A_3752 = arith.constant 0.000000e+00 : f32
    %broadcast_in_dim3A_3753 = vector.broadcast %jit3A_3751 : f32 to vector<16xf32>
    %broadcast_in_dim3A_3754 = vector.broadcast %jit3A_3752 : f32 to vector<16xf32>
    %select_n3A_3755 = arith.select %ne3A_3750, %broadcast_in_dim3A_3753, %broadcast_in_dim3A_3754 : vector<16xi1>, vector<16xf32>
    %add3A_3756 = arith.addf %add3A_3726, %select_n3A_3755 : vector<16xf32>
    %get3A_3757 = arith.constant 2000 : index
    %get3A_3758 = tpu.vector_load %arg9[%get3A_3757] {strides = array<i32>} : memref<2048xf32, #tpu.memory_space<vmem>>, vector<16xf32>,
    %get3A_3759 = vector.shape_cast %get3A_3758 : vector<16xf32> to vector<16xf32>
    %jit3A_3760 = arith.constant 0.000000e+00 : f32
    %broadcast_in_dim3A_3761 = vector.broadcast %jit3A_3760 : f32 to vector<16xf32>
    %select_n3A_3762 = arith.select %ne3A_3750, %get3A_3759, %broadcast_in_dim3A_3761 : vector<16xi1>, vector<16xf32>
    %add3A_3763 = arith.addf %add3A_3733, %select_n3A_3762 : vector<16xf32>
    %get3A_3764 = arith.constant 2000 : index
    %get3A_3765 = tpu.vector_load %arg8[%get3A_3764] {strides = array<i32>} : memref<2048xf32, #tpu.memory_space<vmem>>, vector<16xf32>,
    %get3A_3766 = vector.shape_cast %get3A_3765 : vector<16xf32> to vector<16xf32>
    %get3A_3767 = arith.constant 2000 : index
    %get3A_3768 = tpu.vector_load %arg10[%get3A_3767] {strides = array<i32>} : memref<2048xf32, #tpu.memory_space<vmem>>, vector<16xf32>,
    %get3A_3769 = vector.shape_cast %get3A_3768 : vector<16xf32> to vector<16xf32>
    %sub3A_3770 = arith.subf %get3A_3766, %get3A_3769 : vector<16xf32>
    %jit3A_3771 = arith.constant 0.000000e+00 : f32
    %broadcast_in_dim3A_3772 = vector.broadcast %jit3A_3771 : f32 to vector<16xf32>
    %select_n3A_3773 = arith.select %ne3A_3750, %sub3A_3770, %broadcast_in_dim3A_3772 : vector<16xi1>, vector<16xf32>
    %add3A_3774 = arith.addf %add3A_3744, %select_n3A_3773 : vector<16xf32>
    %get3A_3775 = arith.constant 2016 : index
    %get3A_3776 = tpu.vector_load %arg7[%get3A_3775] {strides = array<i32>} : memref<2048xi32, #tpu.memory_space<vmem>>, vector<16xi32>,
    %get3A_3777 = vector.shape_cast %get3A_3776 : vector<16xi32> to vector<16xi32>
    %ne3A_3778 = arith.constant 0 : i32
    %ne3A_3779 = vector.broadcast %ne3A_3778 : i32 to vector<16xi32>
    %ne3A_3780 = arith.cmpi ne, %get3A_3777, %ne3A_3779 : vector<16xi32>
    %jit3A_3781 = arith.constant 1.000000e+00 : f32
    %jit3A_3782 = arith.constant 0.000000e+00 : f32
    %broadcast_in_dim3A_3783 = vector.broadcast %jit3A_3781 : f32 to vector<16xf32>
    %broadcast_in_dim3A_3784 = vector.broadcast %jit3A_3782 : f32 to vector<16xf32>
    %select_n3A_3785 = arith.select %ne3A_3780, %broadcast_in_dim3A_3783, %broadcast_in_dim3A_3784 : vector<16xi1>, vector<16xf32>
    %add3A_3786 = arith.addf %add3A_3756, %select_n3A_3785 : vector<16xf32>
    %get3A_3787 = arith.constant 2016 : index
    %get3A_3788 = tpu.vector_load %arg9[%get3A_3787] {strides = array<i32>} : memref<2048xf32, #tpu.memory_space<vmem>>, vector<16xf32>,
    %get3A_3789 = vector.shape_cast %get3A_3788 : vector<16xf32> to vector<16xf32>
    %jit3A_3790 = arith.constant 0.000000e+00 : f32
    %broadcast_in_dim3A_3791 = vector.broadcast %jit3A_3790 : f32 to vector<16xf32>
    %select_n3A_3792 = arith.select %ne3A_3780, %get3A_3789, %broadcast_in_dim3A_3791 : vector<16xi1>, vector<16xf32>
    %add3A_3793 = arith.addf %add3A_3763, %select_n3A_3792 : vector<16xf32>
    %get3A_3794 = arith.constant 2016 : index
    %get3A_3795 = tpu.vector_load %arg8[%get3A_3794] {strides = array<i32>} : memref<2048xf32, #tpu.memory_space<vmem>>, vector<16xf32>,
    %get3A_3796 = vector.shape_cast %get3A_3795 : vector<16xf32> to vector<16xf32>
    %get3A_3797 = arith.constant 2016 : index
    %get3A_3798 = tpu.vector_load %arg10[%get3A_3797] {strides = array<i32>} : memref<2048xf32, #tpu.memory_space<vmem>>, vector<16xf32>,
    %get3A_3799 = vector.shape_cast %get3A_3798 : vector<16xf32> to vector<16xf32>
    %sub3A_3800 = arith.subf %get3A_3796, %get3A_3799 : vector<16xf32>
    %jit3A_3801 = arith.constant 0.000000e+00 : f32
    %broadcast_in_dim3A_3802 = vector.broadcast %jit3A_3801 : f32 to vector<16xf32>
    %select_n3A_3803 = arith.select %ne3A_3780, %sub3A_3800, %broadcast_in_dim3A_3802 : vector<16xi1>, vector<16xf32>
    %add3A_3804 = arith.addf %add3A_3774, %select_n3A_3803 : vector<16xf32>
    %get3A_3805 = arith.constant 2032 : index
    %get3A_3806 = tpu.vector_load %arg7[%get3A_3805] {strides = array<i32>} : memref<2048xi32, #tpu.memory_space<vmem>>, vector<16xi32>,
    %get3A_3807 = vector.shape_cast %get3A_3806 : vector<16xi32> to vector<16xi32>
    %ne3A_3808 = arith.constant 0 : i32
    %ne3A_3809 = vector.broadcast %ne3A_3808 : i32 to vector<16xi32>
    %ne3A_3810 = arith.cmpi ne, %get3A_3807, %ne3A_3809 : vector<16xi32>
    %jit3A_3811 = arith.constant 1.000000e+00 : f32
    %jit3A_3812 = arith.constant 0.000000e+00 : f32
    %broadcast_in_dim3A_3813 = vector.broadcast %jit3A_3811 : f32 to vector<16xf32>
    %broadcast_in_dim3A_3814 = vector.broadcast %jit3A_3812 : f32 to vector<16xf32>
    %select_n3A_3815 = arith.select %ne3A_3810, %broadcast_in_dim3A_3813, %broadcast_in_dim3A_3814 : vector<16xi1>, vector<16xf32>
    %add3A_3816 = arith.addf %add3A_3786, %select_n3A_3815 : vector<16xf32>
    %get3A_3817 = arith.constant 2032 : index
    %get3A_3818 = tpu.vector_load %arg9[%get3A_3817] {strides = array<i32>} : memref<2048xf32, #tpu.memory_space<vmem>>, vector<16xf32>,
    %get3A_3819 = vector.shape_cast %get3A_3818 : vector<16xf32> to vector<16xf32>
    %jit3A_3820 = arith.constant 0.000000e+00 : f32
    %broadcast_in_dim3A_3821 = vector.broadcast %jit3A_3820 : f32 to vector<16xf32>
    %select_n3A_3822 = arith.select %ne3A_3810, %get3A_3819, %broadcast_in_dim3A_3821 : vector<16xi1>, vector<16xf32>
    %add3A_3823 = arith.addf %add3A_3793, %select_n3A_3822 : vector<16xf32>
    %get3A_3824 = arith.constant 2032 : index
    %get3A_3825 = tpu.vector_load %arg8[%get3A_3824] {strides = array<i32>} : memref<2048xf32, #tpu.memory_space<vmem>>, vector<16xf32>,
    %get3A_3826 = vector.shape_cast %get3A_3825 : vector<16xf32> to vector<16xf32>
    %get3A_3827 = arith.constant 2032 : index
    %get3A_3828 = tpu.vector_load %arg10[%get3A_3827] {strides = array<i32>} : memref<2048xf32, #tpu.memory_space<vmem>>, vector<16xf32>,
    %get3A_3829 = vector.shape_cast %get3A_3828 : vector<16xf32> to vector<16xf32>
    %sub3A_3830 = arith.subf %get3A_3826, %get3A_3829 : vector<16xf32>
    %jit3A_3831 = arith.constant 0.000000e+00 : f32
    %broadcast_in_dim3A_3832 = vector.broadcast %jit3A_3831 : f32 to vector<16xf32>
    %select_n3A_3833 = arith.select %ne3A_3810, %sub3A_3830, %broadcast_in_dim3A_3832 : vector<16xi1>, vector<16xf32>
    %add3A_3834 = arith.addf %add3A_3804, %select_n3A_3833 : vector<16xf32>
    %mul3A = arith.constant -1.3624258 : f32
    %mul3A_3835 = vector.broadcast %mul3A : f32 to vector<16xf32>
    %mul3A_3836 = arith.mulf %mul3A_3835, %add3A_3816 : vector<16xf32>
    %mul3A_3837 = arith.constant 0.899996876 : f32
    %mul3A_3838 = vector.broadcast %mul3A_3837 : f32 to vector<16xf32>
    %mul3A_3839 = arith.mulf %mul3A_3838, %add3A_3823 : vector<16xf32>
    %sub3A_3840 = arith.subf %mul3A_3836, %mul3A_3839 : vector<16xf32>
    %mul3A_3841 = arith.constant 3.12519524E-6 : f32
    %mul3A_3842 = vector.broadcast %mul3A_3841 : f32 to vector<16xf32>
    %mul3A_3843 = arith.mulf %mul3A_3842, %add3A_3834 : vector<16xf32>
    %sub3A_3844 = arith.subf %sub3A_3840, %mul3A_3843 : vector<16xf32>
    %iota3A = tpu.iota {dimensions = array<i32: 0>} : vector<16xi32>
    %xor3A = arith.constant 1 : i32
    %xor3A_3845 = vector.broadcast %xor3A : i32 to vector<16xi32>
    %xor3A_3846 = arith.xori %iota3A, %xor3A_3845 : vector<16xi32>
    %broadcast_in_dim3A_3847 = vector.shape_cast %xor3A_3846 : vector<16xi32> to vector<16x1xi32>
    %gather3A = vector.shape_cast %broadcast_in_dim3A_3847 : vector<16x1xi32> to vector<16xi32>
    %gather3A_3848 = tpu.dynamic_gather %sub3A_3844[%gather3A] in [0] : vector<16xf32>, vector<16xi32> -> vector<16xf32>
    %add3A_3849 = arith.addf %sub3A_3844, %gather3A_3848 : vector<16xf32>
    %xor3A_3850 = arith.constant 2 : i32
    %xor3A_3851 = vector.broadcast %xor3A_3850 : i32 to vector<16xi32>
    %xor3A_3852 = arith.xori %iota3A, %xor3A_3851 : vector<16xi32>
    %broadcast_in_dim3A_3853 = vector.shape_cast %xor3A_3852 : vector<16xi32> to vector<16x1xi32>
    %gather3A_3854 = vector.shape_cast %broadcast_in_dim3A_3853 : vector<16x1xi32> to vector<16xi32>
    %gather3A_3855 = tpu.dynamic_gather %add3A_3849[%gather3A_3854] in [0] : vector<16xf32>, vector<16xi32> -> vector<16xf32>
    %add3A_3856 = arith.addf %add3A_3849, %gather3A_3855 : vector<16xf32>
    %xor3A_3857 = arith.constant 4 : i32
    %xor3A_3858 = vector.broadcast %xor3A_3857 : i32 to vector<16xi32>
    %xor3A_3859 = arith.xori %iota3A, %xor3A_3858 : vector<16xi32>
    %broadcast_in_dim3A_3860 = vector.shape_cast %xor3A_3859 : vector<16xi32> to vector<16x1xi32>
    %gather3A_3861 = vector.shape_cast %broadcast_in_dim3A_3860 : vector<16x1xi32> to vector<16xi32>
    %gather3A_3862 = tpu.dynamic_gather %add3A_3856[%gather3A_3861] in [0] : vector<16xf32>, vector<16xi32> -> vector<16xf32>
    %add3A_3863 = arith.addf %add3A_3856, %gather3A_3862 : vector<16xf32>
    %xor3A_3864 = arith.constant 8 : i32
    %xor3A_3865 = vector.broadcast %xor3A_3864 : i32 to vector<16xi32>
    %xor3A_3866 = arith.xori %iota3A, %xor3A_3865 : vector<16xi32>
    %broadcast_in_dim3A_3867 = vector.shape_cast %xor3A_3866 : vector<16xi32> to vector<16x1xi32>
    %gather3A_3868 = vector.shape_cast %broadcast_in_dim3A_3867 : vector<16x1xi32> to vector<16xi32>
    %gather3A_3869 = tpu.dynamic_gather %add3A_3863[%gather3A_3868] in [0] : vector<16xf32>, vector<16xi32> -> vector<16xf32>
    %add3A_3870 = arith.addf %add3A_3863, %gather3A_3869 : vector<16xf32>
    %swap3A = arith.constant 0 : index
    %swap3A_3871 = tpu.vector_load %arg11[%swap3A] {strides = array<i32>} : memref<16xf32, #tpu.memory_space<vmem>>, vector<16xf32>,
    %swap3A_3872 = vector.shape_cast %swap3A_3871 : vector<16xf32> to vector<16xf32>
    %swap3A_3873 = vector.shape_cast %add3A_3870 : vector<16xf32> to vector<16xf32>
    tpu.vector_store %arg11[%swap3A], %swap3A_3873 {strides = array<i32>} : memref<16xf32, #tpu.memory_space<vmem>>, vector<16xf32>,
    %eq3A = arith.constant 0 : i32
    %eq3A_3874 = arith.cmpi eq, %arg0, %eq3A : i32
    %eq3A_3875 = arith.constant 0 : i32
    %eq3A_3876 = arith.cmpi eq, %arg1, %eq3A_3875 : i32
    %and3A = arith.andi %eq3A_3874, %eq3A_3876 : i1
    %convert_element_type3A = arith.extui %and3A : i1 to i32
    %cond3A = arith.constant 0 : i32
    %cond3A_3877 = arith.cmpi ne, %convert_element_type3A, %cond3A : i32
    scf.if %cond3A_3877 {
      "tpu.region"() ({
        %run_scoped3A = tpu.sem_alloc : memref<!tpu.dma_semaphore, #tpu.memory_space<semaphore_mem>>
        tpu.enqueue_dma source(%arg11 : memref<16xf32, #tpu.memory_space<vmem>>) target(%arg6 : memref<16xf32, #tpu.memory_space<hbm>>) target_semaphore(%run_scoped3A : memref<!tpu.dma_semaphore, #tpu.memory_space<semaphore_mem>>)
        tpu.wait_dma2 semaphore(%run_scoped3A : memref<!tpu.dma_semaphore, #tpu.memory_space<semaphore_mem>>) src(%arg11 : memref<16xf32, #tpu.memory_space<vmem>>) dst(%arg6 : memref<16xf32, #tpu.memory_space<hbm>>)
        tpu.yield
      }) : () -> ()
    } else {
    }
    return
  }
}

module attributes {stable_mosaic.version = 14 : i64} {
  func.func @body(%arg0: i32, %arg1: i32, %arg2: memref<64x1xi32, #tpu.memory_space<vmem>>, %arg3: memref<64x32000xf32, #tpu.memory_space<vmem>>, %arg4: memref<2048x1xf32, #tpu.memory_space<vmem>>, %arg5: memref<2048x1xf32, #tpu.memory_space<vmem>>, %arg6: memref<2048x1xf32, #tpu.memory_space<vmem>>) attributes {dimension_semantics = [#tpu.dimension_semantics<arbitrary>, #tpu.dimension_semantics<arbitrary>], iteration_bounds = array<i64: 32, 1>, scalar_prefetch = 0 : i64, scratch_operands = 0 : i64, tpu.core_type = #tpu.core_type<tc>, window_params = [{transform_indices = @transform_0, window_bounds = array<i64: 64, 1>}, {transform_indices = @transform_1, window_bounds = array<i64: 64, 32000>}, {pipeline_mode = #tpu.pipeline_mode<synchronous>, transform_indices = @transform_2, window_bounds = array<i64: 2048, 1>}, {pipeline_mode = #tpu.pipeline_mode<synchronous>, transform_indices = @transform_3, window_bounds = array<i64: 2048, 1>}, {pipeline_mode = #tpu.pipeline_mode<synchronous>, transform_indices = @transform_4, window_bounds = array<i64: 2048, 1>}]} {
    %get3A = arith.constant 0 : index
    %get3A_0 = arith.constant 0 : index
    %get3A_1 = vector.load %arg3[%get3A, %get3A_0] : memref<64x32000xf32, #tpu.memory_space<vmem>>, vector<64x32000xf32>
    %get3A_2 = arith.constant 0 : index
    %get3A_3 = arith.constant 0 : index
    %get3A_4 = vector.load %arg2[%get3A_2, %get3A_3] : memref<64x1xi32, #tpu.memory_space<vmem>>, vector<64x1xi32>
    %iota3A = tpu.iota {dimensions = array<i32: 1>} : vector<64x32000xi32>
    %mul3A = arith.constant 32000 : i32
    %mul3A_5 = arith.muli %arg1, %mul3A : i32
    %add3A = vector.broadcast %mul3A_5 : i32 to vector<64x32000xi32>
    %add3A_6 = arith.addi %iota3A, %add3A : vector<64x32000xi32>
    %reduce_sum3A = arith.constant dense<0.000000e+00> : vector<64xf32>
    %reduce_sum3A_7 = vector.multi_reduction <add>, %get3A_1, %reduce_sum3A [1] : vector<64x32000xf32> to vector<64xf32>
    %broadcast_in_dim3A = vector.shape_cast %reduce_sum3A_7 : vector<64xf32> to vector<64x1xf32>
    %eq3A = vector.broadcast %get3A_4 : vector<64x1xi32> to vector<64x32000xi32>
    %eq3A_8 = arith.cmpi eq, %add3A_6, %eq3A : vector<64x32000xi32>
    %jit3A = arith.constant 0.000000e+00 : f32
    %broadcast_in_dim3A_9 = vector.broadcast %jit3A : f32 to vector<64x32000xf32>
    %select_n3A = arith.select %eq3A_8, %get3A_1, %broadcast_in_dim3A_9 : vector<64x32000xi1>, vector<64x32000xf32>
    %reduce_sum3A_10 = arith.constant dense<0.000000e+00> : vector<64xf32>
    %reduce_sum3A_11 = vector.multi_reduction <add>, %select_n3A, %reduce_sum3A_10 [1] : vector<64x32000xf32> to vector<64xf32>
    %broadcast_in_dim3A_12 = vector.shape_cast %reduce_sum3A_11 : vector<64xf32> to vector<64x1xf32>
    %mul3A_13 = arith.constant 64 : i32
    %mul3A_14 = arith.muli %arg0, %mul3A_13 : i32
    %eq3A_15 = arith.constant 0 : i32
    %eq3A_16 = arith.cmpi eq, %arg1, %eq3A_15 : i32
    %convert_element_type3A = arith.extui %eq3A_16 : i1 to i32
    %cond3A = arith.constant 0 : i32
    %cond3A_17 = arith.cmpi ne, %convert_element_type3A, %cond3A : i32
    scf.if %cond3A_17 {
      %swap3A = arith.index_cast %mul3A_14 : i32 to index
      %swap3A_22 = arith.constant 0 : index
      %swap3A_23 = vector.load %arg4[%swap3A, %swap3A_22] : memref<2048x1xf32, #tpu.memory_space<vmem>>, vector<64x1xf32>
      tpu.vector_store %arg4[%swap3A, %swap3A_22], %broadcast_in_dim3A {strides = array<i32>} : memref<2048x1xf32, #tpu.memory_space<vmem>>, vector<64x1xf32>,
      %swap3A_24 = arith.index_cast %mul3A_14 : i32 to index
      %swap3A_25 = arith.constant 0 : index
      %swap3A_26 = vector.load %arg5[%swap3A_24, %swap3A_25] : memref<2048x1xf32, #tpu.memory_space<vmem>>, vector<64x1xf32>
      tpu.vector_store %arg5[%swap3A_24, %swap3A_25], %broadcast_in_dim3A_12 {strides = array<i32>} : memref<2048x1xf32, #tpu.memory_space<vmem>>, vector<64x1xf32>,
      %slice3A = vector.extract_strided_slice %get3A_1 {offsets = [0, 0], sizes = [64, 1], strides = [1, 1]} : vector<64x32000xf32> to vector<64x1xf32>
      %swap3A_27 = arith.index_cast %mul3A_14 : i32 to index
      %swap3A_28 = arith.constant 0 : index
      %swap3A_29 = vector.load %arg6[%swap3A_27, %swap3A_28] : memref<2048x1xf32, #tpu.memory_space<vmem>>, vector<64x1xf32>
      tpu.vector_store %arg6[%swap3A_27, %swap3A_28], %slice3A {strides = array<i32>} : memref<2048x1xf32, #tpu.memory_space<vmem>>, vector<64x1xf32>,
    } else {
    }
    %gt3A = arith.constant 0 : i32
    %gt3A_18 = arith.cmpi sgt, %arg1, %gt3A : i32
    %convert_element_type3A_19 = arith.extui %gt3A_18 : i1 to i32
    %cond3A_20 = arith.constant 0 : i32
    %cond3A_21 = arith.cmpi ne, %convert_element_type3A_19, %cond3A_20 : i32
    scf.if %cond3A_21 {
      %get3A_22 = arith.index_cast %mul3A_14 : i32 to index
      %get3A_23 = arith.constant 0 : index
      %get3A_24 = vector.load %arg4[%get3A_22, %get3A_23] : memref<2048x1xf32, #tpu.memory_space<vmem>>, vector<64x1xf32>
      %add3A_25 = arith.addf %get3A_24, %broadcast_in_dim3A : vector<64x1xf32>
      %swap3A = arith.index_cast %mul3A_14 : i32 to index
      %swap3A_26 = arith.constant 0 : index
      %swap3A_27 = vector.load %arg4[%swap3A, %swap3A_26] : memref<2048x1xf32, #tpu.memory_space<vmem>>, vector<64x1xf32>
      tpu.vector_store %arg4[%swap3A, %swap3A_26], %add3A_25 {strides = array<i32>} : memref<2048x1xf32, #tpu.memory_space<vmem>>, vector<64x1xf32>,
      %get3A_28 = arith.index_cast %mul3A_14 : i32 to index
      %get3A_29 = arith.constant 0 : index
      %get3A_30 = vector.load %arg5[%get3A_28, %get3A_29] : memref<2048x1xf32, #tpu.memory_space<vmem>>, vector<64x1xf32>
      %add3A_31 = arith.addf %get3A_30, %broadcast_in_dim3A_12 : vector<64x1xf32>
      %swap3A_32 = arith.index_cast %mul3A_14 : i32 to index
      %swap3A_33 = arith.constant 0 : index
      %swap3A_34 = vector.load %arg5[%swap3A_32, %swap3A_33] : memref<2048x1xf32, #tpu.memory_space<vmem>>, vector<64x1xf32>
      tpu.vector_store %arg5[%swap3A_32, %swap3A_33], %add3A_31 {strides = array<i32>} : memref<2048x1xf32, #tpu.memory_space<vmem>>, vector<64x1xf32>,
    } else {
    }
    return
  }
  func.func @transform_0(%arg0: i32, %arg1: i32) -> (i32, i32) {
    %c0_i32 = arith.constant 0 : i32
    %c0_i32_0 = arith.constant 0 : i32
    return %arg0, %c0_i32 : i32, i32
  }
  func.func @transform_1(%arg0: i32, %arg1: i32) -> (i32, i32) {
    %c0_i32 = arith.constant 0 : i32
    return %arg0, %arg1 : i32, i32
  }
  func.func @transform_2(%arg0: i32, %arg1: i32) -> (i32, i32) {
    %c0_i32 = arith.constant 0 : i32
    %c0_i32_0 = arith.constant 0 : i32
    %c0_i32_1 = arith.constant 0 : i32
    return %c0_i32, %c0_i32_0 : i32, i32
  }
  func.func @transform_3(%arg0: i32, %arg1: i32) -> (i32, i32) {
    %c0_i32 = arith.constant 0 : i32
    %c0_i32_0 = arith.constant 0 : i32
    %c0_i32_1 = arith.constant 0 : i32
    return %c0_i32, %c0_i32_0 : i32, i32
  }
  func.func @transform_4(%arg0: i32, %arg1: i32) -> (i32, i32) {
    %c0_i32 = arith.constant 0 : i32
    %c0_i32_0 = arith.constant 0 : i32
    %c0_i32_1 = arith.constant 0 : i32
    return %c0_i32, %c0_i32_0 : i32, i32
  }
}

</mosaic_0001>

<sc_bundles>
// kernel: kernel.4.cloned.1.call-start
scs
__scs_entry_jumppad:
0x0: {  	(pc) =	sbr.rel $0x88, $3  }
0x1: {  	(tag) =	ssettag $0x0;
	lr =	simm.s32 $0x1  }
0x2: {  	[smem:$0x3F9F] =	sst lr;
	_ =	strace $0xD0000000  }
0x3: {  	_ = 	snop  }
0x4: {  	_ = 	snop  }
0x5: {  	_ = 	snop  }
0x6: {  	_ = 	snop  }
0x7: {  	_ = 	snop  }
__scs_overlays_trampoline_lowered:
0x8: {  	[smem:$0x3FAE] =	sst s0  }
0x9: {  	[smem:$0x3FAF] =	sst s1  }
0xa: {  	[smem:$0x3FB0] =	sst s2  }
0xb: {  	[smem:$0x3FB1] =	sst s3  }
0xc: {  	[smem:$0x3FB2] =	sst s4  }
0xd: {  	[smem:$0x3FB3] =	sst s5  }
0xe: {  	[smem:$0x3FB4] =	sst s6  }
0xf: {  	[smem:$0x3FB5] =	sst s7  }
0x10: {  	[smem:$0x3FB6] =	sst s8  }
0x11: {  	[smem:$0x3FB7] =	sst s9;
	s0 =	simm.s32 @!p0 $0x0  }
0x12: {  	s1 =	sld [smem:$0x3F9D];
	s0 =	simm.s32 @p0 $0x1  }
0x13: {  	[smem:$0x3FB8] =	sst s0;
	s0 =	simm.s32 @!p1 $0x0  }
0x14: {  	s2 =	sld [smem:$0x3F9C];
	s0 =	simm.s32 @p1 $0x1  }
0x15: {  	[smem:$0x3FB9] =	sst s0;
	s0 =	simm.s32 @!p2 $0x0  }
0x16: {  	s3 =	sld [smem:$0x3FDB];
	s0 =	simm.s32 @p2 $0x1  }
0x17: {  	s4 =	simm.s32 $0x1BF5;
	[smem:$0x3FBB] =	sst s0  }
0x18: {  	s0 =	sld [smem:$0x3F9E];
	_ =	swait.ge [sflag:s4], $0x0  }
0x19: {  	s7 =	sld [smem:$0x3F9F]  }
0x1a: {  	s8 =	sadd.s32 $0xFFFFE003, lr  }
0x1b: {  	s9 =	sadd.s32 $0xFFFFFEF7, lr;
	s5 =	simm.s32 $0xFFFFFFFF;
	p2 =	slt.u32 s8, $0xFFFFF086  }
0x1c: {  	p1 =	slt.u32 s9, $0xF7A;
	s5 =	simm.s32 @!p2 $0x0  }
0x1d: {  	s5 =	simm.s32 @p1 $0x1;
	p0 =	seq.s32 s7, s2  }
0x1e: {  	s7 =	smul.u32 @!p0 $0xF7A, s2;
	p2 =	seq.s32 @!p0 s5, $0x0  }
0x1f: {  	s9 =	smul.u32 $0xF7A, s1;
	s8 =	simm.s32 @!p0 $0x1BF5;
	p2 =	por !p2, p0  }
0x20: {  	[sflag:s8] =	ssyncset.s32 @!p0 $0xFFFFF086;
	s6 =	sadd.s32 @!p0 s3, s7;
	s7 =	simm.s32 @!p0 $0x108  }
0x21: {  	s3 =	sadd.s32 s3, s9;
	s6 =	sadd.s32 @!p0 $0x88, s6;
	s7 =	simm.s32 @p2 $0x1082  }
0x22: {  	[simem:s7], [sflag:s8] =	dma.local @!p0 [hbm:s6], $0xF7A  }
0x23: {  	s9 =	sor.u32 $0xD0000000, s2;
	s6 =	simm.s32 $0x108;
	_ =	swait.ge @!p0 [sflag:s8], $0x0  }
0x24: {  	s3 =	sadd.s32 $0x88, s3;
	s6 =	simm.s32 @!p1 $0x1082;
	[sflag:s4] =	ssyncset.s32 $0xFFFFF086  }
0x25: {  	[simem:s6], [sflag:s4] =	dma.local [hbm:s3], $0xF7A  }
0x26: {  	[smem:$0x3F9F] =	sst s1;
	(tag) =	ssettag s2;
	_ =	strace s9  }
0x27: {  	s1 =	sld [smem:$0x3FAF]  }
0x28: {  	s2 =	sld [smem:$0x3FB0]  }
0x29: {  	s4 =	sld [smem:$0x3FB2]  }
0x2a: {  	p0 =	seq.s32 s5, $0x0;
	s5 =	sld [smem:$0x3FB3]  }
0x2b: {  	s6 =	sld [smem:$0x3FB4]  }
0x2c: {  	s7 =	sld [smem:$0x3FB5]  }
0x2d: {  	s3 =	simm.s32 $0x108;
	s8 =	sld [smem:$0x3FB6]  }
0x2e: {  	s3 =	simm.s32 @!p0 $0x1082;
	s9 =	sld [smem:$0x3FB7]  }
0x2f: {  	lr =	sadd.s32 s0, s3;
	s0 =	sld [smem:$0x3FAE]  }
0x30: {  	s3 =	sld [smem:$0x3FB1]  }
0x31: {  	[smem:$0x3FBA] =	sst s10  }
0x32: {  	s10 =	sld [smem:$0x3FB8];
	_ =	sdelay $0x3  }
0x33: {  	p0 =	seq.s32 s10, $0x1;
	s10 =	sld [smem:$0x3FBA];
	_ =	sdelay $0x3  }
0x34: {  	[smem:$0x3FBA] =	sst s10  }
0x35: {  	s10 =	sld [smem:$0x3FB9];
	_ =	sdelay $0x3  }
0x36: {  	p1 =	seq.s32 s10, $0x1;
	s10 =	sld [smem:$0x3FBA];
	_ =	sdelay $0x3  }
0x37: {  	[smem:$0x3FBA] =	sst s10  }
0x38: {  	s10 =	sld [smem:$0x3FBB]  }
0x39: {  	_ = 	snop;
	(pc) =	sbr.ind lr, $3  }
0x3a: {  	_ = 	snop  }
0x3b: {  	_ = 	snop  }
0x3c: {  	p2 =	seq.s32 s10, $0x1;
	s10 =	sld [smem:$0x3FBA]  }
0x3d: {  	_ =	shalt  }
0x3e: {  	_ =	shalt  }
0x3f: {  	_ =	shalt  }
0x40: {  	_ =	shalt  }
0x41: {  	_ =	shalt  }
0x42: {  	_ =	shalt  }
0x43: {  	_ =	shalt  }
0x44: {  	_ =	shalt  }
0x45: {  	_ =	shalt  }
0x46: {  	_ =	shalt  }
0x47: {  	_ =	shalt  }
0x48: {  	_ =	shalt  }
0x49: {  	_ =	shalt  }
0x4a: {  	_ =	shalt  }
0x4b: {  	_ =	shalt  }
0x4c: {  	_ =	shalt  }
0x4d: {  	_ =	shalt  }
0x4e: {  	_ =	shalt  }
0x4f: {  	_ =	shalt  }
0x50: {  	_ =	shalt  }
0x51: {  	_ =	shalt  }
0x52: {  	_ =	shalt  }
0x53: {  	_ =	shalt  }
0x54: {  	_ =	shalt  }
0x55: {  	_ =	shalt  }
0x56: {  	_ =	shalt  }
0x57: {  	_ =	shalt  }
0x58: {  	_ =	shalt  }
0x59: {  	_ =	shalt  }
0x5a: {  	_ =	shalt  }
0x5b: {  	_ =	shalt  }
0x5c: {  	_ =	shalt  }
0x5d: {  	_ =	shalt  }
0x5e: {  	_ =	shalt  }
0x5f: {  	_ =	shalt  }
0x60: {  	_ =	shalt  }
0x61: {  	_ =	shalt  }
0x62: {  	_ =	shalt  }
0x63: {  	_ =	shalt  }
0x64: {  	_ =	shalt  }
0x65: {  	_ =	shalt  }
0x66: {  	_ =	shalt  }
0x67: {  	_ =	shalt  }
0x68: {  	_ =	shalt  }
0x69: {  	_ =	shalt  }
0x6a: {  	_ =	shalt  }
0x6b: {  	_ =	shalt  }
0x6c: {  	_ =	shalt  }
0x6d: {  	_ =	shalt  }
0x6e: {  	_ =	shalt  }
0x6f: {  	_ =	shalt  }
0x70: {  	_ =	shalt  }
0x71: {  	_ =	shalt  }
0x72: {  	_ =	shalt  }
0x73: {  	_ =	shalt  }
0x74: {  	_ =	shalt  }
0x75: {  	_ =	shalt  }
0x76: {  	_ =	shalt  }
0x77: {  	_ =	shalt  }
0x78: {  	_ =	shalt  }
0x79: {  	_ =	shalt  }
0x7a: {  	_ =	shalt  }
0x7b: {  	_ =	shalt  }
0x7c: {  	_ =	shalt  }
0x7d: {  	_ =	shalt  }
0x7e: {  	_ =	shalt  }
0x7f: {  	_ =	shalt  }
0x80: {  	_ =	shalt  }
0x81: {  	_ =	shalt  }
0x82: {  	_ =	shalt  }
0x83: {  	_ =	shalt  }
0x84: {  	_ =	shalt  }
0x85: {  	_ =	shalt  }
0x86: {  	_ =	shalt  }
0x87: {  	_ =	shalt  }
.Lfunc_end0:
.L_simem_size_0:
called_computation_lowered:
.L_overlay_start_0:
0x88: {  	s2 =	sld [smem:$0x3FD9]  }
0x89: {  	s3 =	sld [smem:$0x3FFE];
	_ =	sdelay $0x1  }
0x8a: {  	s1 =	srdreg.scid  }
0x8b: {  	s0 =	sand.u32 $0x1, s1  }
0x8c: {  	s17 =	sshll.u32 s0, $0xA;
	s2 =	sadd.s32 s3, s2  }
0x8d: {  	s2 =	sadd.s32 s2, s17  }
0x8e: {  	[smem:$0x3FC6] =	sst s2  }
0x8f: {  	_ = 	snop  }
0x90: {  	s2 =	sld [smem:$0x3FC8]  }
0x91: {  	s18 =	sld [smem:$0x3FD0];
	(tm) =	ssettm $0x1  }
0x92: {  	s4 =	sld [smem:$0x3FFB];
	_ =	sdelay $0x3  }
0x93: {  	_ =	strace s4  }
0x94: {  	s4 =	sld [smem:$0x3FFC];
	_ =	sdelay $0x3  }
0x95: {  	_ =	strace s4  }
0x96: {  	s4 =	sld [smem:$0x3FFD];
	_ =	sdelay $0x3  }
0x97: {  	_ =	strace s4  }
0x98: {  	_ =	strace $0x8FFFFFFF  }
0x99: {  	s19 =	sld [smem:$0x3FDB];
	_ =	sdelay $0x1  }
0x9a: {  	s5 =	simm.s32 $_scs_section_size  }
0x9b: {  	s6 =	simm.s32 $_size__tile_overlayer_lowered;
	s7 =	simm.s32 $_tile_overlayer_lowered  }
0x9c: {  	s22 =	simm.s32 $0x1BFF;
	s21 =	sshll.u32 s7, $0x1;
	s4 =	sadd.s32 s5, s19  }
0x9d: {  	s8 =	simm.s32 $0x0;
	s20 =	sshll.u32 s6, $0x1;
	s6 =	sadd.s32 s21, s4  }
0x9e: {  	[timem:s8], [sflag:s22] =	dma.local [hbm:s6], s20  }
0x9f: {  	_ =	swait.ge [sflag:s22], s20  }
0xa0: {  	s5 =	ssub.s32 $0x0, s20;
	[sflag:s22] =	ssyncset.done $0x0  }
0xa1: {  	[sflag:s22] =	ssyncadd.s32 s5;
	_ =	sdelay $0x1  }
0xa2: {  	s23 =	simm.s32 $0x1B8B  }
0xa3: {  	_ =	swait.ge [sflag:s23], $0x1  }
0xa4: {  	[sflag:s23] =	ssyncset.done $0x0  }
0xa5: {  	s25 =	simm.s32 $0x1B8E;
	s24 =	sld [smem:$0x3FFE];
	[sflag:s23] =	ssyncadd.s32 $0xFFFFFFFF  }
0xa6: {  	s26 =	simm.s32 $execute0_lowered;
	[smem:$0x3FD2] =	sst s25  }
0xa7: {  	s6 =	sshll.u32 s26, $0x1;
	_ =	strace $0x80000046;
	[dreg:$0x1] =	wrdreg $0xFFFFFFFF  }
0xa8: {  	s28 =	simm.s32 $_size_execute0_lowered;
	s4 =	sadd.s32 s4, s6;
	[dreg:$0x0] =	wrdreg $0x0  }
0xa9: {  	s6 =	sshll.u32 s28, $0x1;
	[dreg:$0x2] =	wrdreg s4  }
0xaa: {  	[dreg:$0x3] =	wrdreg s6  }
0xab: {  	[dreg:$0x4] =	wrdreg $0xC0  }
0xac: {  	_ =	task [dreg:s8], $0x5FFFF  }
0xad: {  	[dreg:$0x1] =	wrdreg $0xFFFFFFFF  }
0xae: {  	[dreg:$0x0] =	wrdreg $0x60  }
0xaf: {  	[dreg:$0x2] =	wrdreg s2  }
0xb0: {  	[dreg:$0x3] =	wrdreg s24  }
0xb1: {  	[dreg:$0x4] =	wrdreg s18  }
0xb2: {  	[dreg:$0x5] =	wrdreg $0x9  }
0xb3: {  	_ =	task.clear_ibuf [dreg:s8], $0x6FFFF;
	_ =	strace $0x90000046  }
0xb4: {  	s29 =	simm.s32 $0x9;
	_ =	strace $0x80000048  }
0xb5: {  	_ =	swait.ge [sflag:s29], $0x1  }
0xb6: {  	[sflag:s29] =	ssyncadd.s32 $0xFFFFFFFF  }
0xb7: {  	_ =	strace $0x90000048  }
0xb8: {  	_ =	sfence  }
0xb9: {  	s30 =	sld [smem:$0x0];
	_ =	sdelay $0x2  }
0xba: {  	s31 =	sshll.u32 s1, $0xD;
	s1 =	sshrl.u32 s1, $0x2  }
0xbb: {  	s3 =	sand.u32 $0x4000, s31;
	s1 =	sadd.s32 s1, s30  }
0xbc: {  	s0 =	sor.u32 s3, s0;
	s1 =	sshll.u32 s1, $0x11  }
0xbd: {  	s0 =	sor.u32 s1, s0  }
0xbe: {  	s0 =	sadd.s32 $0x8F2B, s0  }
0xbf: {  	[sflag:s0] =	ssyncadd.remote.s32 $0x1  }
0xc0: {  	_ =	sfence.sel $0xFFFF  }
0xc1: {  	[dreg:$0x0] =	wrdreg $0xFFFFFFFF;
	(pc) =	sbr.abs _section_cstart, $3  }
0xc2: {  	[dreg:$0x1] =	wrdreg $0xFFFFFFFF  }
0xc3: {  	_ =	task.clear_ibuf [dreg:s8], $0x2FFFF;
	_ =	strace $0x9FFFFFFF  }
0xc4: {  	(tm) =	ssettm $0x7FFFFFFF  }
0xc5: {  	_ =	shalt  }
tec
execute0_lowered:
.L_overlay_start_1:
0x0: {  	(tag) =	ssettag $0x1  }
0x1: {  	v0 =	vimm.s32 $0xEFCDAB89;
	v1 =	vimm.s32 $0x67452301;
	v2 =	vimm.s32 $0xDCFE98BA  }
0x2: {  	v3 =	vimm.s32 $0x54761032;
	v4 =	vimm.s32 $0xBA98FEDC;
	v5 =	vimm.s32 $0xFEDCBA98  }
0x3: {  	v6 =	vimm.s32 $0x32107654;
	v7 =	vimm.s32 $0x76543210;
	v0 =	vunpack.c.l.s4.s8 v0  }
0x4: {  	v1 =	vunpack.c.l.s4.s8 v1;
	v2 =	vunpack.c.l.s4.s8 v2;
	v3 =	vunpack.c.l.s4.s8 v3  }
0x5: {  	v5 =	vunpack.c.l.s4.s8 v5;
	v4 =	vunpack.c.l.s4.s8 v4;
	v6 =	vunpack.c.l.s4.s8 v6  }
0x6: {  	s0 =	rddreg [dreg:$0x0];
	v7 =	vunpack.c.l.s4.s8 v7;
	v0 =	vunpack.c.0.s8.s32 v0;
	v1 =	vunpack.c.0.s8.s32 v1  }
0x7: {  	s1 =	rddreg [dreg:$0x1];
	s2 =	srdreg.scid;
	v2 =	vunpack.c.0.s8.s32 v2;
	v3 =	vunpack.c.0.s8.s32 v3;
	v5 =	vunpack.c.0.s8.s32 v5  }
0x8: {  	s3 =	rddreg [dreg:$0x2];
	s4 =	stileid.u32;
	s10 =	simm.s32 $0x1000;
	v4 =	vunpack.c.0.s8.s32 v4;
	v6 =	vunpack.c.0.s8.s32 v6;
	v0 =	vcombine.low v1, v0  }
0x9: {  	s11 =	simm.s32 $0x1800;
	s12 =	simm.s32 $0x1;
	s7 =	sand.u32 $0x1, s2;
	v7 =	vunpack.c.0.s8.s32 v7;
	v61 =	vcombine.low v3, v2  }
0xa: {  	s2 =	rddreg [dreg:$0x3];
	_ =	strace $0x80000047;
	s6 =	ssub.s32 $0x2, s7;
	v62 =	vand.u32 $0xF, v5;
	v63 =	vcombine.low v6, v4;
	[tilespmem:$0x1FFC0] =	vst v0  }
0xb: {  	s5 =	sadd.s32 $0x200, s1;
	s9 =	sor.u32 s4, s7;
	s8 =	sshrl.u32 s6, $0x1;
	[tilespmem:$0x1FFD0] =	vst v61;
	v0 =	vcombine.low v62, v7  }
0xc: {  	p0 =	sne.s32 s9, $0x0;
	s9 =	simm.s32 $0x800;
	s8 =	ssub.s32 s6, s8;
	[tilespmem:$0x1FFE0] =	vst v63  }
0xd: {  	v44 =	vimm.f32 $1.000000000e+00;
	s6 =	sadd.s32 $0x400, s1;
	s7 =	smax.u32 s8, $0x1;
	s8 =	simm.s32 $0x0;
	[tilespmem:$0x1FFF0] =	vst v0  }
.LBB2_1:
0xe: {  	[tilespmem:s8], [sflag:$0x1] =	stream.linear.gather [hbm4b:s0+s8], $0x800, $0x38;
	[tilespmem:$0x2080] =	vst v63  }
0xf: {  	_ = 	snop  }
0x10: {  	[tilespmem:s9], [sflag:$0x1] =	stream.linear.gather [hbm4b:s1+s8], $0x800, $0x38;
	[tilespmem:$0x2080] =	vst v63  }
0x11: {  	_ = 	snop  }
0x12: {  	[tilespmem:s10], [sflag:$0x1] =	stream.linear.gather [hbm4b:s5+s8], $0x800, $0x38;
	[tilespmem:$0x2080] =	vst v63  }
0x13: {  	_ = 	snop  }
0x14: {  	[tilespmem:s11], [sflag:$0x1] =	stream.linear.gather [hbm4b:s6+s8], $0x800, $0x38;
	[tilespmem:$0x2080] =	vst v63  }
0x15: {  	_ =	swait.ge [sflag:s12], $0x800  }
0x16: {  	[sflag:s12] =	ssyncset.done $0x0  }
0x17: {  	[sflag:s12] =	ssyncadd.s32 $0xFFFFF800  }
0x18: {  	_ =	swait.ge [sflag:s12], $0x800  }
0x19: {  	[sflag:s12] =	ssyncset.done $0x0  }
0x1a: {  	[sflag:s12] =	ssyncadd.s32 $0xFFFFF800  }
0x1b: {  	_ =	swait.ge [sflag:s12], $0x800  }
0x1c: {  	[sflag:s12] =	ssyncset.done $0x0  }
0x1d: {  	[sflag:s12] =	ssyncadd.s32 $0xFFFFF800  }
0x1e: {  	_ =	swait.ge [sflag:s12], $0x800  }
0x1f: {  	[sflag:s12] =	ssyncset.done $0x0  }
0x20: {  	[sflag:s12] =	ssyncadd.s32 $0xFFFFF800  }
0x21: {  	v62 =	vld [tilespmem:$0x10F0];
	_ =	sdelay $0x4  }
0x22: {  	[tilespmem:$0x1F540] =	vst v62;
	v62 =	vld [tilespmem:$0x8F0];
	_ =	sdelay $0x4  }
0x23: {  	[tilespmem:$0x1F500] =	vst v62;
	v62 =	vld [tilespmem:$0x100];
	_ =	sdelay $0x4  }
0x24: {  	[tilespmem:$0x1F530] =	vst v62;
	v62 =	vld [tilespmem:$0x1100];
	_ =	sdelay $0x4  }
0x25: {  	[tilespmem:$0x1F550] =	vst v62;
	v62 =	vld [tilespmem:$0x900];
	_ =	sdelay $0x4  }
0x26: {  	[tilespmem:$0x1F510] =	vst v62;
	v62 =	vld [tilespmem:$0x1900];
	_ =	sdelay $0x4  }
0x27: {  	[tilespmem:$0x1F520] =	vst v62;
	v62 =	vld [tilespmem:$0x110];
	_ =	sdelay $0x4  }
0x28: {  	[tilespmem:$0x1F560] =	vst v62;
	v62 =	vld [tilespmem:$0x1110];
	_ =	sdelay $0x4  }
0x29: {  	[tilespmem:$0x1F590] =	vst v62;
	v62 =	vld [tilespmem:$0x910];
	_ =	sdelay $0x4  }
0x2a: {  	[tilespmem:$0x1F570] =	vst v62;
	v62 =	vld [tilespmem:$0x1910];
	_ =	sdelay $0x4  }
0x2b: {  	[tilespmem:$0x1F580] =	vst v62;
	v62 =	vld [tilespmem:$0x120];
	_ =	sdelay $0x4  }
0x2c: {  	[tilespmem:$0x1F5A0] =	vst v62;
	v62 =	vld [tilespmem:$0x1120];
	_ =	sdelay $0x4  }
0x2d: {  	[tilespmem:$0x1F5D0] =	vst v62;
	v62 =	vld [tilespmem:$0x920];
	_ =	sdelay $0x4  }
0x2e: {  	[tilespmem:$0x1F5B0] =	vst v62;
	v62 =	vld [tilespmem:$0x1920];
	_ =	sdelay $0x4  }
0x2f: {  	[tilespmem:$0x1F5C0] =	vst v62;
	v62 =	vld [tilespmem:$0x130];
	_ =	sdelay $0x4  }
0x30: {  	[tilespmem:$0x1F5E0] =	vst v62;
	v62 =	vld [tilespmem:$0x1130];
	_ =	sdelay $0x4  }
0x31: {  	[tilespmem:$0x1F640] =	vst v62;
	v62 =	vld [tilespmem:$0x930];
	_ =	sdelay $0x4  }
0x32: {  	[tilespmem:$0x1F5F0] =	vst v62;
	v62 =	vld [tilespmem:$0x1930];
	_ =	sdelay $0x4  }
0x33: {  	[tilespmem:$0x1F600] =	vst v62;
	v62 =	vld [tilespmem:$0x140];
	_ =	sdelay $0x4  }
0x34: {  	[tilespmem:$0x1F630] =	vst v62;
	v62 =	vld [tilespmem:$0x1140];
	_ =	sdelay $0x4  }
0x35: {  	[tilespmem:$0x1F650] =	vst v62;
	v62 =	vld [tilespmem:$0x940];
	_ =	sdelay $0x4  }
0x36: {  	[tilespmem:$0x1F610] =	vst v62;
	v62 =	vld [tilespmem:$0x1940];
	_ =	sdelay $0x4  }
0x37: {  	[tilespmem:$0x1F620] =	vst v62;
	v62 =	vld [tilespmem:$0x150];
	_ =	sdelay $0x4  }
0x38: {  	[tilespmem:$0x1F660] =	vst v62;
	v62 =	vld [tilespmem:$0x1150];
	_ =	sdelay $0x4  }
0x39: {  	[tilespmem:$0x1F690] =	vst v62;
	v62 =	vld [tilespmem:$0x950];
	_ =	sdelay $0x4  }
0x3a: {  	[tilespmem:$0x1F670] =	vst v62;
	v62 =	vld [tilespmem:$0x1950];
	_ =	sdelay $0x4  }
0x3b: {  	[tilespmem:$0x1F680] =	vst v62;
	v62 =	vld [tilespmem:$0x160];
	_ =	sdelay $0x4  }
0x3c: {  	[tilespmem:$0x1F6A0] =	vst v62;
	v62 =	vld [tilespmem:$0x1160];
	_ =	sdelay $0x4  }
0x3d: {  	[tilespmem:$0x1F6D0] =	vst v62;
	v62 =	vld [tilespmem:$0x960];
	_ =	sdelay $0x4  }
0x3e: {  	[tilespmem:$0x1F6B0] =	vst v62;
	v62 =	vld [tilespmem:$0x1960];
	_ =	sdelay $0x4  }
0x3f: {  	[tilespmem:$0x1F6C0] =	vst v62;
	v62 =	vld [tilespmem:$0x170];
	_ =	sdelay $0x4  }
0x40: {  	[tilespmem:$0x1F6E0] =	vst v62;
	v62 =	vld [tilespmem:$0x1170];
	_ =	sdelay $0x4  }
0x41: {  	[tilespmem:$0x1F740] =	vst v62;
	v62 =	vld [tilespmem:$0x970];
	_ =	sdelay $0x4  }
0x42: {  	[tilespmem:$0x1F6F0] =	vst v62;
	v62 =	vld [tilespmem:$0x1970];
	_ =	sdelay $0x4  }
0x43: {  	[tilespmem:$0x1F700] =	vst v62;
	v62 =	vld [tilespmem:$0x180];
	_ =	sdelay $0x4  }
0x44: {  	[tilespmem:$0x1F730] =	vst v62;
	v62 =	vld [tilespmem:$0x1180];
	_ =	sdelay $0x4  }
0x45: {  	[tilespmem:$0x1F750] =	vst v62;
	v62 =	vld [tilespmem:$0x980];
	_ =	sdelay $0x4  }
0x46: {  	[tilespmem:$0x1F710] =	vst v62;
	v62 =	vld [tilespmem:$0x1980];
	_ =	sdelay $0x4  }
0x47: {  	[tilespmem:$0x1F720] =	vst v62;
	v62 =	vld [tilespmem:$0x190];
	_ =	sdelay $0x4  }
0x48: {  	[tilespmem:$0x1F760] =	vst v62;
	v62 =	vld [tilespmem:$0x1190];
	_ =	sdelay $0x4  }
0x49: {  	[tilespmem:$0x1F790] =	vst v62;
	v62 =	vld [tilespmem:$0x990];
	_ =	sdelay $0x4  }
0x4a: {  	[tilespmem:$0x1F770] =	vst v62;
	v62 =	vld [tilespmem:$0x1990];
	_ =	sdelay $0x4  }
0x4b: {  	[tilespmem:$0x1F780] =	vst v62;
	v62 =	vld [tilespmem:$0x1A0];
	_ =	sdelay $0x4  }
0x4c: {  	[tilespmem:$0x1F7A0] =	vst v62;
	v62 =	vld [tilespmem:$0x11A0];
	_ =	sdelay $0x4  }
0x4d: {  	[tilespmem:$0x1F7D0] =	vst v62;
	v62 =	vld [tilespmem:$0x9A0];
	_ =	sdelay $0x4  }
0x4e: {  	[tilespmem:$0x1F7B0] =	vst v62;
	v62 =	vld [tilespmem:$0x19A0];
	_ =	sdelay $0x4  }
0x4f: {  	[tilespmem:$0x1F7C0] =	vst v62;
	v62 =	vld [tilespmem:$0x1B0];
	_ =	sdelay $0x4  }
0x50: {  	[tilespmem:$0x1F7E0] =	vst v62;
	v62 =	vld [tilespmem:$0x11B0];
	_ =	sdelay $0x4  }
0x51: {  	[tilespmem:$0x1F840] =	vst v62;
	v62 =	vld [tilespmem:$0x9B0];
	_ =	sdelay $0x4  }
0x52: {  	[tilespmem:$0x1F7F0] =	vst v62;
	v62 =	vld [tilespmem:$0x19B0];
	_ =	sdelay $0x4  }
0x53: {  	[tilespmem:$0x1F800] =	vst v62;
	v62 =	vld [tilespmem:$0x1C0];
	_ =	sdelay $0x4  }
0x54: {  	[tilespmem:$0x1F830] =	vst v62;
	v62 =	vld [tilespmem:$0x11C0];
	_ =	sdelay $0x4  }
0x55: {  	[tilespmem:$0x1F850] =	vst v62;
	v62 =	vld [tilespmem:$0x9C0];
	_ =	sdelay $0x4  }
0x56: {  	[tilespmem:$0x1F810] =	vst v62;
	v62 =	vld [tilespmem:$0x19C0];
	_ =	sdelay $0x1  }
0x57: {  	v4 =	vld [tilespmem:$0x0]  }
0x58: {  	v7 =	vld [tilespmem:$0x1000]  }
0x59: {  	v2 =	vld [tilespmem:$0x800]  }
0x5a: {  	[tilespmem:$0x1F820] =	vst v62;
	v62 =	vld [tilespmem:$0x1D0]  }
0x5b: {  	v0 =	vld [tilespmem:$0x1800]  }
0x5c: {  	v1 =	vld [tilespmem:$0x10]  }
0x5d: {  	v11 =	vld [tilespmem:$0x1010]  }
0x5e: {  	v6 =	vld [tilespmem:$0x810]  }
0x5f: {  	[tilespmem:$0x1F860] =	vst v62;
	v62 =	vld [tilespmem:$0x11D0]  }
0x60: {  	v5 =	vld [tilespmem:$0x1810]  }
0x61: {  	v10 =	vld [tilespmem:$0x20]  }
0x62: {  	v13 =	vld [tilespmem:$0x1020]  }
0x63: {  	v9 =	vld [tilespmem:$0x820]  }
0x64: {  	[tilespmem:$0x1F890] =	vst v62;
	v62 =	vld [tilespmem:$0x9D0]  }
0x65: {  	v8 =	vld [tilespmem:$0x1820]  }
0x66: {  	v12 =	vld [tilespmem:$0x30]  }
0x67: {  	v19 =	vld [tilespmem:$0x1030]  }
0x68: {  	v17 =	vld [tilespmem:$0x830]  }
0x69: {  	[tilespmem:$0x1F870] =	vst v62;
	v62 =	vld [tilespmem:$0x19D0]  }
0x6a: {  	v15 =	vld [tilespmem:$0x1830]  }
0x6b: {  	v18 =	vld [tilespmem:$0x40]  }
0x6c: {  	v20 =	vld [tilespmem:$0x1040]  }
0x6d: {  	v16 =	vld [tilespmem:$0x840]  }
0x6e: {  	[tilespmem:$0x1F880] =	vst v62;
	v62 =	vld [tilespmem:$0x1E0]  }
0x6f: {  	v14 =	vld [tilespmem:$0x1840]  }
0x70: {  	v23 =	vld [tilespmem:$0x50]  }
0x71: {  	v24 =	vld [tilespmem:$0x1050]  }
0x72: {  	v22 =	vld [tilespmem:$0x850]  }
0x73: {  	[tilespmem:$0x1F8A0] =	vst v62;
	v62 =	vld [tilespmem:$0x11E0]  }
0x74: {  	v21 =	vld [tilespmem:$0x1850]  }
0x75: {  	v27 =	vld [tilespmem:$0x60]  }
0x76: {  	v29 =	vld [tilespmem:$0x1060]  }
0x77: {  	v26 =	vld [tilespmem:$0x860]  }
0x78: {  	[tilespmem:$0x1F8D0] =	vst v62;
	v62 =	vld [tilespmem:$0x9E0]  }
0x79: {  	v25 =	vld [tilespmem:$0x1860]  }
0x7a: {  	v28 =	vld [tilespmem:$0x70]  }
0x7b: {  	v35 =	vld [tilespmem:$0x1070]  }
0x7c: {  	v33 =	vld [tilespmem:$0x870]  }
0x7d: {  	[tilespmem:$0x1F8B0] =	vst v62;
	v62 =	vld [tilespmem:$0x19E0]  }
0x7e: {  	v31 =	vld [tilespmem:$0x1870]  }
0x7f: {  	v34 =	vld [tilespmem:$0x80]  }
0x80: {  	v36 =	vld [tilespmem:$0x1080]  }
0x81: {  	v32 =	vld [tilespmem:$0x880]  }
0x82: {  	[tilespmem:$0x1F8C0] =	vst v62;
	v62 =	vld [tilespmem:$0x1F0]  }
0x83: {  	v30 =	vld [tilespmem:$0x1880]  }
0x84: {  	v39 =	vld [tilespmem:$0x90]  }
0x85: {  	v40 =	vld [tilespmem:$0x1090]  }
0x86: {  	v38 =	vld [tilespmem:$0x890]  }
0x87: {  	[tilespmem:$0x1F8E0] =	vst v62;
	v62 =	vld [tilespmem:$0x11F0]  }
0x88: {  	v37 =	vld [tilespmem:$0x1890]  }
0x89: {  	v43 =	vld [tilespmem:$0xA0]  }
0x8a: {  	v45 =	vld [tilespmem:$0x10A0]  }
0x8b: {  	v42 =	vld [tilespmem:$0x8A0]  }
0x8c: {  	[tilespmem:$0x1F940] =	vst v62;
	v62 =	vld [tilespmem:$0x9F0]  }
0x8d: {  	v41 =	vld [tilespmem:$0x18A0]  }
0x8e: {  	v46 =	vld [tilespmem:$0xB0]  }
0x8f: {  	v51 =	vld [tilespmem:$0x10B0]  }
0x90: {  	v49 =	vld [tilespmem:$0x8B0]  }
0x91: {  	[tilespmem:$0x1F8F0] =	vst v62;
	v62 =	vld [tilespmem:$0x19F0]  }
0x92: {  	v47 =	vld [tilespmem:$0x18B0]  }
0x93: {  	v50 =	vld [tilespmem:$0xC0]  }
0x94: {  	v52 =	vld [tilespmem:$0x10C0]  }
0x95: {  	v59 =	vld [tilespmem:$0x8C0]  }
0x96: {  	[tilespmem:$0x1F900] =	vst v62;
	v62 =	vld [tilespmem:$0x200]  }
0x97: {  	v48 =	vld [tilespmem:$0x18C0]  }
0x98: {  	v55 =	vld [tilespmem:$0xD0]  }
0x99: {  	v56 =	vld [tilespmem:$0x10D0]  }
0x9a: {  	v54 =	vld [tilespmem:$0x8D0]  }
0x9b: {  	[tilespmem:$0x1F930] =	vst v62;
	v62 =	vld [tilespmem:$0x1200]  }
0x9c: {  	v53 =	vld [tilespmem:$0x18D0]  }
0x9d: {  	v3 =	vld [tilespmem:$0xE0]  }
0x9e: {  	v61 =	vld [tilespmem:$0x10E0]  }
0x9f: {  	v58 =	vld [tilespmem:$0x8E0]  }
0xa0: {  	[tilespmem:$0x1F950] =	vst v62;
	v62 =	vld [tilespmem:$0xA00]  }
0xa1: {  	v57 =	vld [tilespmem:$0x18E0]  }
0xa2: {  	v60 =	vld [tilespmem:$0xF0]  }
0xa3: {  	v63 =	vld [tilespmem:$0x18F0]  }
0xa4: {  	vm0 =	veq.s32 v4, $0x0;
	v4 =	vld [tilespmem:$0xA60]  }
0xa5: {  	[tilespmem:$0x1F910] =	vst v62;
	v62 =	vld [tilespmem:$0x1A00]  }
0xa6: {  	vm1 =	veq.s32 v1, $0x0;
	v1 =	vadd.f32 $0.0e+00, v7;
	v7 =	vld [tilespmem:$0x1270]  }
0xa7: {  	vm2 =	veq.s32 v10, $0x0;
	v10 =	vld [tilespmem:$0x280]  }
0xa8: {  	vm11 =	veq.s32 v12, $0x0;
	v12 =	vsub.f32 v17, v15;
	v17 =	vld [tilespmem:$0xA80]  }
0xa9: {  	v22 =	vsub.f32 v22, v21;
	v21 =	vld [tilespmem:$0xAA0]  }
0xaa: {  	[tilespmem:$0x1F920] =	vst v62;
	v62 =	vld [tilespmem:$0x210]  }
0xab: {  	v15 =	vld [tilespmem:$0x12B0]  }
0xac: {  	vm14 =	veq.s32 v27, $0x0;
	v38 =	vsub.f32 v38, v37;
	v37 =	vld [tilespmem:$0x1300]  }
0xad: {  	v27 =	vsel vm14, $0x0, v29;
	v29 =	vsub.f32 v33, v31;
	v33 =	vsub.f32 v32, v30;
	v30 =	vld [tilespmem:$0xAD0]  }
0xae: {  	v0 =	vsub.f32 v2, v0;
	v25 =	vsub.f32 v26, v25;
	vm15 =	veq.s32 v28, $0x0;
	v32 =	vld [tilespmem:$0x2E0]  }
0xaf: {  	vm6 =	veq.s32 v43, $0x0;
	v41 =	vsub.f32 v42, v41;
	v2 =	vsel vm0, $0x0, v44;
	[tilespmem:$0x1F960] =	vst v62;
	v62 =	vld [tilespmem:$0x1210]  }
0xb0: {  	v11 =	vsel vm1, $0x0, v11;
	v43 =	vsel vm6, $0x0, v45;
	v28 =	vsel vm14, $0x0, v25;
	v25 =	vld [tilespmem:$0x1AB0]  }
0xb1: {  	v1 =	vsel vm0, $0x0, v1;
	v45 =	vsel vm6, $0x0, v41;
	v41 =	vld [tilespmem:$0x310];
	[tilespmem:$0x1FAB0] =	vst v4;
	v4 =	vsel vm1, $0x0, v44  }
0xb2: {  	v1 =	vadd.f32 v11, v1;
	v11 =	vld [tilespmem:$0x290];
	v2 =	vadd.f32 v4, v2  }
0xb3: {  	v13 =	vsel vm2, $0x0, v13;
	v4 =	vsub.f32 v6, v5;
	v5 =	vsub.f32 v9, v8;
	v9 =	vld [tilespmem:$0xA70]  }
0xb4: {  	v1 =	vadd.f32 v13, v1;
	[tilespmem:$0x1F990] =	vst v62;
	v62 =	vld [tilespmem:$0xA10]  }
0xb5: {  	vm12 =	veq.s32 v18, $0x0;
	v18 =	vsel vm11, $0x0, v19;
	v8 =	vld [tilespmem:$0x1A70]  }
0xb6: {  	v1 =	vadd.f32 v18, v1;
	v18 =	vld [tilespmem:$0x1A90]  }
0xb7: {  	v0 =	vadd.f32 $0.0e+00, v0;
	v13 =	vsel vm2, $0x0, v5;
	v5 =	vsub.f32 v16, v14;
	v16 =	vld [tilespmem:$0x1A80]  }
0xb8: {  	v14 =	vld [tilespmem:$0xA90]  }
0xb9: {  	v0 =	vsel vm0, $0x0, v0;
	v4 =	vsel vm1, $0x0, v4;
	[tilespmem:$0x1F970] =	vst v62;
	v62 =	vld [tilespmem:$0x1A10]  }
0xba: {  	v20 =	vsel vm12, $0x0, v20;
	v0 =	vadd.f32 v4, v0;
	v4 =	vsel vm11, $0x0, v12;
	v12 =	vld [tilespmem:$0x1290]  }
0xbb: {  	vm13 =	veq.s32 v23, $0x0;
	v1 =	vadd.f32 v20, v1;
	v20 =	vld [tilespmem:$0x12C0]  }
0xbc: {  	v23 =	vsel vm13, $0x0, v24;
	[tilespmem:$0x1FAE0] =	vst v8;
	v8 =	vld [tilespmem:$0x1280]  }
0xbd: {  	v6 =	vsel vm2, $0x0, v44;
	v1 =	vadd.f32 v23, v1;
	v23 =	vld [tilespmem:$0x1AA0]  }
0xbe: {  	v2 =	vadd.f32 v6, v2;
	[tilespmem:$0x1F980] =	vst v62;
	v62 =	vld [tilespmem:$0x220]  }
0xbf: {  	v0 =	vadd.f32 v13, v0;
	v13 =	vsel vm11, $0x0, v44;
	vm11 =	veq.s32 v60, $0x0;
	v60 =	vld [tilespmem:$0x1F540]  }
0xc0: {  	v2 =	vadd.f32 v13, v2;
	v13 =	vld [tilespmem:$0x12A0]  }
0xc1: {  	[tilespmem:$0x1FAF0] =	vst v16;
	v16 =	vld [tilespmem:$0x2A0]  }
0xc2: {  	v0 =	vadd.f32 v4, v0;
	v4 =	vsel vm13, $0x0, v22;
	v22 =	vld [tilespmem:$0xAB0]  }
0xc3: {  	[tilespmem:$0x1F9A0] =	vst v62;
	v62 =	vld [tilespmem:$0x1220]  }
0xc4: {  	v19 =	vsel vm12, $0x0, v44;
	v1 =	vadd.f32 v27, v1;
	v27 =	vld [tilespmem:$0x12D0]  }
0xc5: {  	vm4 =	veq.s32 v34, $0x0;
	v34 =	vsel vm15, $0x0, v35;
	v2 =	vadd.f32 v19, v2;
	v19 =	vld [tilespmem:$0x2B0]  }
0xc6: {  	v5 =	vsel vm12, $0x0, v5;
	v1 =	vadd.f32 v34, v1;
	v34 =	vld [tilespmem:$0x1AC0]  }
0xc7: {  	v0 =	vadd.f32 v5, v0;
	v5 =	vsel vm4, $0x0, v33;
	v33 =	vld [tilespmem:$0x1AD0]  }
0xc8: {  	v24 =	vsel vm13, $0x0, v44;
	[tilespmem:$0x1F9D0] =	vst v62;
	v62 =	vld [tilespmem:$0xA20]  }
0xc9: {  	v2 =	vadd.f32 v24, v2;
	v24 =	vld [tilespmem:$0x2C0]  }
0xca: {  	v36 =	vsel vm4, $0x0, v36;
	v6 =	vld [tilespmem:$0x1F550]  }
0xcb: {  	v1 =	vadd.f32 v36, v1;
	v36 =	vld [tilespmem:$0xAE0]  }
0xcc: {  	v0 =	vadd.f32 v4, v0;
	v4 =	vsel vm15, $0x0, v29;
	v29 =	vld [tilespmem:$0x12F0]  }
0xcd: {  	v26 =	vsel vm14, $0x0, v44;
	[tilespmem:$0x1F9B0] =	vst v62;
	v62 =	vld [tilespmem:$0x1A20]  }
0xce: {  	vm5 =	veq.s32 v39, $0x0;
	v2 =	vadd.f32 v26, v2;
	v26 =	vld [tilespmem:$0x2D0]  }
0xcf: {  	v39 =	vsel vm5, $0x0, v40;
	v0 =	vadd.f32 v28, v0;
	v28 =	vld [tilespmem:$0x12E0]  }
0xd0: {  	v31 =	vsel vm15, $0x0, v44;
	v1 =	vadd.f32 v39, v1;
	v39 =	vld [tilespmem:$0x1AE0]  }
0xd1: {  	vm7 =	veq.s32 v46, $0x0;
	v46 =	vsub.f32 v49, v47;
	v2 =	vadd.f32 v31, v2;
	v31 =	vld [tilespmem:$0xAC0]  }
0xd2: {  	v49 =	vsub.f32 v59, v48;
	vm8 =	veq.s32 v50, $0x0;
	v35 =	vsel vm4, $0x0, v44;
	[tilespmem:$0x1F9C0] =	vst v62;
	v62 =	vld [tilespmem:$0x230]  }
0xd3: {  	v0 =	vadd.f32 v4, v0;
	v4 =	vsel vm5, $0x0, v38;
	v1 =	vadd.f32 v43, v1;
	v38 =	vld [tilespmem:$0xAF0]  }
0xd4: {  	v40 =	vsel vm5, $0x0, v44;
	v50 =	vsel vm7, $0x0, v51;
	v2 =	vadd.f32 v35, v2;
	v35 =	vld [tilespmem:$0x2F0]  }
0xd5: {  	v0 =	vadd.f32 v5, v0;
	v1 =	vadd.f32 v50, v1;
	v5 =	vsel vm8, $0x0, v49;
	v49 =	vld [tilespmem:$0x1F500]  }
0xd6: {  	v52 =	vsel vm8, $0x0, v52;
	v2 =	vadd.f32 v40, v2;
	v40 =	vld [tilespmem:$0x300]  }
0xd7: {  	vm9 =	veq.s32 v55, $0x0;
	v42 =	vsel vm6, $0x0, v44;
	v1 =	vadd.f32 v52, v1;
	[tilespmem:$0x1F9E0] =	vst v62;
	v62 =	vld [tilespmem:$0x1230]  }
0xd8: {  	v0 =	vadd.f32 v4, v0;
	v52 =	vld [tilespmem:$0x1B00];
	v2 =	vadd.f32 v42, v2;
	v42 =	vsel vm9, $0x0, v56  }
0xd9: {  	v1 =	vadd.f32 v42, v1;
	v42 =	vld [tilespmem:$0x1AF0]  }
0xda: {  	v0 =	vadd.f32 v45, v0;
	v45 =	vsub.f32 v58, v57;
	v57 =	vld [tilespmem:$0x1F510]  }
0xdb: {  	vm10 =	veq.s32 v3, $0x0;
	v47 =	vsel vm7, $0x0, v44;
	v58 =	vld [tilespmem:$0x1F520]  }
0xdc: {  	v59 =	vsub.f32 v54, v53;
	v2 =	vadd.f32 v47, v2;
	v47 =	vsel vm10, $0x0, v61;
	[tilespmem:$0x1FA40] =	vst v62;
	v62 =	vld [tilespmem:$0xA30]  }
0xdd: {  	v51 =	vsel vm8, $0x0, v44;
	v4 =	vsel vm7, $0x0, v46;
	v1 =	vadd.f32 v47, v1;
	v47 =	vld [tilespmem:$0xB00]  }
0xde: {  	v0 =	vadd.f32 v4, v0;
	v4 =	vsel vm9, $0x0, v59;
	v59 =	vld [tilespmem:$0x1F530];
	v2 =	vadd.f32 v51, v2  }
0xdf: {  	v43 =	vsel vm9, $0x0, v44;
	v51 =	vld [tilespmem:$0x320]  }
0xe0: {  	v2 =	vadd.f32 v43, v2;
	v43 =	vld [tilespmem:$0x1310]  }
0xe1: {  	v0 =	vadd.f32 v5, v0;
	[tilespmem:$0x1F9F0] =	vst v62;
	v62 =	vld [tilespmem:$0x1A30]  }
0xe2: {  	v46 =	vsel vm10, $0x0, v44;
	v5 =	vsub.f32 v57, v58;
	v57 =	vld [tilespmem:$0xB20]  }
0xe3: {  	v0 =	vadd.f32 v4, v0;
	v2 =	vadd.f32 v46, v2;
	v46 =	vld [tilespmem:$0xB10]  }
0xe4: {  	v48 =	vsel vm10, $0x0, v45;
	vm12 =	veq.s32 v59, $0x0;
	v59 =	vld [tilespmem:$0x1B10]  }
0xe5: {  	v61 =	vsel vm11, $0x0, v60;
	v0 =	vadd.f32 v48, v0;
	v48 =	vld [tilespmem:$0x1F560]  }
0xe6: {  	v1 =	vadd.f32 v61, v1;
	[tilespmem:$0x1FA00] =	vst v62;
	v62 =	vld [tilespmem:$0x240]  }
0xe7: {  	v45 =	vsel vm12, $0x0, v6;
	v53 =	vld [tilespmem:$0x1F590]  }
0xe8: {  	v1 =	vadd.f32 v45, v1;
	v45 =	vld [tilespmem:$0x1320]  }
0xe9: {  	[tilespmem:$0x1FB00] =	vst v57;
	v57 =	vld [tilespmem:$0xB30]  }
0xea: {  	v50 =	vsub.f32 v49, v63;
	v49 =	vld [tilespmem:$0x1F570]  }
0xeb: {  	v56 =	vsel vm11, $0x0, v44;
	[tilespmem:$0x1FA30] =	vst v62;
	v62 =	vld [tilespmem:$0x1240]  }
0xec: {  	v2 =	vadd.f32 v56, v2;
	v56 =	vld [tilespmem:$0x1F5A0]  }
0xed: {  	v4 =	vsel vm11, $0x0, v50;
	v63 =	vsel vm12, $0x0, v44;
	v50 =	vld [tilespmem:$0x1F580]  }
0xee: {  	v2 =	vadd.f32 v63, v2;
	v63 =	vld [tilespmem:$0x1B20]  }
0xef: {  	vm13 =	veq.s32 v48, $0x0;
	v6 =	vld [tilespmem:$0x1F5D0]  }
0xf0: {  	v55 =	vsel vm13, $0x0, v44;
	[tilespmem:$0x1FA50] =	vst v62;
	v62 =	vld [tilespmem:$0xA40]  }
0xf1: {  	v2 =	vadd.f32 v55, v2;
	[tilespmem:$0x1FB30] =	vst v57;
	v57 =	vld [tilespmem:$0xB40];
	vm14 =	veq.s32 v56, $0x0  }
0xf2: {  	v0 =	vadd.f32 v4, v0;
	v4 =	vsub.f32 v49, v50;
	v49 =	vld [tilespmem:$0x330];
	v61 =	vsel vm14, $0x0, v44  }
0xf3: {  	v54 =	vsel vm13, $0x0, v53;
	v2 =	vadd.f32 v61, v2;
	v61 =	vld [tilespmem:$0x1B30]  }
0xf4: {  	v1 =	vadd.f32 v54, v1;
	v58 =	vld [tilespmem:$0x1F5B0]  }
0xf5: {  	v48 =	vsel vm14, $0x0, v6;
	[tilespmem:$0x1FA10] =	vst v62;
	v62 =	vld [tilespmem:$0x1A40]  }
0xf6: {  	v1 =	vadd.f32 v48, v1;
	v48 =	vld [tilespmem:$0x1330]  }
0xf7: {  	v60 =	vld [tilespmem:$0x1F5C0]  }
0xf8: {  	v50 =	vld [tilespmem:$0x1F5E0]  }
0xf9: {  	v54 =	vld [tilespmem:$0x1F5F0]  }
0xfa: {  	[tilespmem:$0x1FA20] =	vst v62;
	v62 =	vld [tilespmem:$0x250]  }
0xfb: {  	v55 =	vld [tilespmem:$0x1F600]  }
0xfc: {  	v6 =	vld [tilespmem:$0x1F640]  }
0xfd: {  	v5 =	vsel vm12, $0x0, v5;
	vm15 =	veq.s32 v50, $0x0;
	v50 =	vld [tilespmem:$0x340]  }
0xfe: {  	v0 =	vadd.f32 v5, v0;
	[tilespmem:$0x1FB10] =	vst v63;
	v63 =	vld [tilespmem:$0x1F630]  }
0xff: {  	v4 =	vsel vm13, $0x0, v4;
	[tilespmem:$0x1FA60] =	vst v62;
	v62 =	vld [tilespmem:$0x1250]  }
0x100: {  	v0 =	vadd.f32 v4, v0;
	v4 =	vsub.f32 v54, v55;
	v55 =	vld [tilespmem:$0x1F650]  }
0x101: {  	v5 =	vsub.f32 v58, v60;
	v58 =	vld [tilespmem:$0x1F610]  }
0x102: {  	v56 =	vsel vm15, $0x0, v44;
	v60 =	vld [tilespmem:$0x1F620]  }
0x103: {  	v53 =	vsel vm14, $0x0, v5;
	v2 =	vadd.f32 v56, v2;
	v54 =	vld [tilespmem:$0x1340];
	vm4 =	veq.s32 v63, $0x0  }
0x104: {  	v0 =	vadd.f32 v53, v0;
	v53 =	vsel vm4, $0x0, v44;
	[tilespmem:$0x1FA90] =	vst v62;
	v62 =	vld [tilespmem:$0xA50]  }
0x105: {  	v2 =	vadd.f32 v53, v2;
	v53 =	vld [tilespmem:$0x350]  }
0x106: {  	v56 =	vsel vm4, $0x0, v55;
	v55 =	vld [tilespmem:$0x1350]  }
0x107: {  	v5 =	vsub.f32 v58, v60;
	v60 =	vld [tilespmem:$0x1B40]  }
0x108: {  	v58 =	vld [tilespmem:$0x1F660]  }
0x109: {  	[tilespmem:$0x1FA70] =	vst v62;
	v62 =	vld [tilespmem:$0x1A50]  }
0x10a: {  	[tilespmem:$0x1FB20] =	vst v49;
	v49 =	vsel vm15, $0x0, v6;
	v6 =	vld [tilespmem:$0x1F690]  }
0x10b: {  	[tilespmem:$0x1FB90] =	vst v53;
	v53 =	vld [tilespmem:$0x360]  }
0x10c: {  	[tilespmem:$0x1FB60] =	vst v60;
	v60 =	vld [tilespmem:$0xB50]  }
0x10d: {  	[tilespmem:$0x1FB40] =	vst v61;
	v61 =	vld [tilespmem:$0x1F670]  }
0x10e: {  	vm5 =	veq.s32 v58, $0x0;
	[tilespmem:$0x1FA80] =	vst v62;
	v62 =	vld [tilespmem:$0x260]  }
0x10f: {  	v1 =	vadd.f32 v49, v1;
	v49 =	vsel vm5, $0x0, v6;
	v6 =	vld [tilespmem:$0x1B50]  }
0x110: {  	v63 =	vld [tilespmem:$0x1F680]  }
0x111: {  	v1 =	vadd.f32 v56, v1;
	v56 =	vld [tilespmem:$0x1F6B0]  }
0x112: {  	[tilespmem:$0x1FB50] =	vst v57;
	v57 =	vld [tilespmem:$0x1F6C0]  }
0x113: {  	[tilespmem:$0x1FAA0] =	vst v62;
	v62 =	vld [tilespmem:$0x1260]  }
0x114: {  	v4 =	vsel vm15, $0x0, v4;
	[tilespmem:$0x1FB80] =	vst v54;
	v54 =	vld [tilespmem:$0x1F6A0]  }
0x115: {  	v0 =	vadd.f32 v4, v0;
	v4 =	vsub.f32 v61, v63;
	v61 =	vld [tilespmem:$0x1F6D0]  }
0x116: {  	[tilespmem:$0x1FB70] =	vst v50;
	v5 =	vsel vm4, $0x0, v5;
	v1 =	vadd.f32 v49, v1;
	v49 =	vld [tilespmem:$0x1F6E0]  }
0x117: {  	[tilespmem:$0x1FBC0] =	vst v55;
	v0 =	vadd.f32 v5, v0;
	v5 =	vsub.f32 v56, v57;
	v57 =	vld [tilespmem:$0x1360]  }
0x118: {  	v50 =	vsel vm5, $0x0, v44;
	[tilespmem:$0x1FAD0] =	vst v62;
	v62 =	vld [tilespmem:$0x1A60]  }
0x119: {  	[tilespmem:$0x1FBD0] =	vst v53;
	v2 =	vadd.f32 v50, v2;
	vm6 =	veq.s32 v54, $0x0;
	v54 =	vld [tilespmem:$0x1F6F0]  }
0x11a: {  	[tilespmem:$0x1FBA0] =	vst v60;
	v58 =	vsel vm6, $0x0, v44;
	v55 =	vld [tilespmem:$0x1F700]  }
0x11b: {  	[tilespmem:$0x1FBB0] =	vst v6;
	v2 =	vadd.f32 v58, v2;
	v58 =	vld [tilespmem:$0x1F710]  }
0x11c: {  	[tilespmem:$0x1FC00] =	vst v57;
	v60 =	vld [tilespmem:$0x1F720]  }
0x11d: {  	[tilespmem:$0x1FAC0] =	vst v62;
	v62 =	vld [tilespmem:$0x270]  }
0x11e: {  	v4 =	vsel vm5, $0x0, v4;
	v63 =	vsel vm6, $0x0, v61;
	v61 =	vld [tilespmem:$0xB60]  }
0x11f: {  	v0 =	vadd.f32 v4, v0;
	v1 =	vadd.f32 v63, v1;
	v63 =	vld [tilespmem:$0x1F730]  }
0x120: {  	v50 =	vsel vm6, $0x0, v5;
	v6 =	vld [tilespmem:$0x1F740]  }
0x121: {  	v0 =	vadd.f32 v50, v0;
	v50 =	vld [tilespmem:$0x1B60]  }
0x122: {  	v4 =	vsub.f32 v54, v55;
	v54 =	vld [tilespmem:$0x370]  }
0x123: {  	v55 =	vld [tilespmem:$0x1F750]  }
0x124: {  	v57 =	vld [tilespmem:$0x1370]  }
0x125: {  	v5 =	vsub.f32 v58, v60;
	v58 =	vld [tilespmem:$0x1F760]  }
0x126: {  	v60 =	vld [tilespmem:$0xB70]  }
0x127: {  	[tilespmem:$0x1FBE0] =	vst v61;
	v61 =	vld [tilespmem:$0x1F770]  }
0x128: {  	vm7 =	veq.s32 v49, $0x0;
	vm8 =	veq.s32 v63, $0x0;
	v63 =	vld [tilespmem:$0x1F780]  }
0x129: {  	v49 =	vsel vm7, $0x0, v6;
	v6 =	vld [tilespmem:$0x1F790]  }
0x12a: {  	[tilespmem:$0x1FC10] =	vst v54;
	v54 =	vld [tilespmem:$0x1F7A0]  }
0x12b: {  	v56 =	vsel vm7, $0x0, v44;
	[tilespmem:$0x1FC70] =	vst v57;
	v57 =	vld [tilespmem:$0x1F7C0]  }
0x12c: {  	v2 =	vadd.f32 v56, v2;
	[tilespmem:$0x1FC20] =	vst v60;
	v60 =	vld [tilespmem:$0x1380]  }
0x12d: {  	v1 =	vadd.f32 v49, v1;
	v53 =	vsel vm8, $0x0, v44;
	v56 =	vsel vm8, $0x0, v55;
	v55 =	vld [tilespmem:$0x380]  }
0x12e: {  	vm9 =	veq.s32 v58, $0x0;
	v2 =	vadd.f32 v53, v2;
	v53 =	vld [tilespmem:$0x1B70]  }
0x12f: {  	[tilespmem:$0x1FBF0] =	vst v50;
	v50 =	vsel vm9, $0x0, v44;
	v1 =	vadd.f32 v56, v1;
	v56 =	vld [tilespmem:$0x1F7B0]  }
0x130: {  	v4 =	vsel vm7, $0x0, v4;
	v2 =	vadd.f32 v50, v2;
	v50 =	vld [tilespmem:$0x1F7E0]  }
0x131: {  	v0 =	vadd.f32 v4, v0;
	v4 =	vsub.f32 v61, v63;
	v61 =	vld [tilespmem:$0x1F7D0]  }
0x132: {  	vm10 =	veq.s32 v54, $0x0;
	v54 =	vld [tilespmem:$0x1B80]  }
0x133: {  	[tilespmem:$0x1FC80] =	vst v60;
	v60 =	vld [tilespmem:$0x1F810]  }
0x134: {  	v49 =	vsel vm9, $0x0, v6;
	v6 =	vld [tilespmem:$0x1F830]  }
0x135: {  	v1 =	vadd.f32 v49, v1;
	v49 =	vld [tilespmem:$0xB80]  }
0x136: {  	[tilespmem:$0x1FC60] =	vst v55;
	v58 =	vsel vm10, $0x0, v44;
	v55 =	vld [tilespmem:$0x1F7F0]  }
0x137: {  	v5 =	vsel vm8, $0x0, v5;
	v2 =	vadd.f32 v58, v2;
	v58 =	vld [tilespmem:$0x390]  }
0x138: {  	v0 =	vadd.f32 v5, v0;
	v5 =	vsub.f32 v56, v57;
	v56 =	vld [tilespmem:$0x1F800]  }
0x139: {  	v63 =	vsel vm10, $0x0, v61;
	v61 =	vld [tilespmem:$0x1F820]  }
0x13a: {  	v4 =	vsel vm9, $0x0, v4;
	vm12 =	veq.s32 v6, $0x0;
	v6 =	vld [tilespmem:$0x3D0]  }
0x13b: {  	[tilespmem:$0x1FC30] =	vst v53;
	v0 =	vadd.f32 v4, v0;
	v1 =	vadd.f32 v63, v1;
	v63 =	vld [tilespmem:$0x1390]  }
0x13c: {  	v53 =	vsel vm10, $0x0, v5;
	[tilespmem:$0x1FC40] =	vst v49;
	v49 =	vld [tilespmem:$0x1F840]  }
0x13d: {  	v0 =	vadd.f32 v53, v0;
	v53 =	vld [tilespmem:$0xB90]  }
0x13e: {  	[tilespmem:$0x1FC90] =	vst v58;
	v58 =	vld [tilespmem:$0x3A0]  }
0x13f: {  	v4 =	vsub.f32 v55, v56;
	v55 =	vld [tilespmem:$0x1B90]  }
0x140: {  	v56 =	vld [tilespmem:$0x1F850]  }
0x141: {  	v5 =	vsub.f32 v60, v61;
	v60 =	vld [tilespmem:$0x1F860]  }
0x142: {  	v61 =	vld [tilespmem:$0x13A0]  }
0x143: {  	[tilespmem:$0x1FD80] =	vst v6;
	v6 =	vld [tilespmem:$0x410]  }
0x144: {  	vm11 =	veq.s32 v50, $0x0;
	[tilespmem:$0x1FCC0] =	vst v63;
	v63 =	vld [tilespmem:$0x1F870]  }
0x145: {  	v50 =	vsel vm11, $0x0, v49;
	v49 =	vld [tilespmem:$0x1F880]  }
0x146: {  	v1 =	vadd.f32 v50, v1;
	v50 =	vld [tilespmem:$0x1F890]  }
0x147: {  	[tilespmem:$0x1FCD0] =	vst v58;
	v58 =	vld [tilespmem:$0x1F8B0]  }
0x148: {  	v57 =	vsel vm11, $0x0, v44;
	[tilespmem:$0x1FCB0] =	vst v55;
	v55 =	vld [tilespmem:$0xBA0]  }
0x149: {  	v2 =	vadd.f32 v57, v2;
	v57 =	vsel vm12, $0x0, v56;
	v56 =	vld [tilespmem:$0x1F8A0]  }
0x14a: {  	v1 =	vadd.f32 v57, v1;
	v57 =	vld [tilespmem:$0x1BA0]  }
0x14b: {  	[tilespmem:$0x1FC50] =	vst v54;
	v54 =	vsel vm12, $0x0, v44;
	vm13 =	veq.s32 v60, $0x0;
	v60 =	vld [tilespmem:$0x1F8C0]  }
0x14c: {  	v2 =	vadd.f32 v54, v2;
	v4 =	vsel vm11, $0x0, v4;
	[tilespmem:$0x1FE60] =	vst v6;
	v6 =	vld [tilespmem:$0x1FB80]  }
0x14d: {  	v0 =	vadd.f32 v4, v0;
	v4 =	vsub.f32 v63, v49;
	v63 =	vld [tilespmem:$0x3B0]  }
0x14e: {  	v54 =	vsel vm13, $0x0, v44;
	v49 =	vld [tilespmem:$0x1F8D0]  }
0x14f: {  	[tilespmem:$0x1FCA0] =	vst v53;
	v53 =	vsel vm13, $0x0, v50;
	v2 =	vadd.f32 v54, v2;
	v54 =	vld [tilespmem:$0x1F8E0]  }
0x150: {  	v1 =	vadd.f32 v53, v1;
	v53 =	vld [tilespmem:$0x13B0]  }
0x151: {  	vm14 =	veq.s32 v56, $0x0;
	v56 =	vld [tilespmem:$0xBB0]  }
0x152: {  	v5 =	vsel vm12, $0x0, v5;
	[tilespmem:$0x1FCF0] =	vst v57;
	v57 =	vld [tilespmem:$0x1F8F0]  }
0x153: {  	v0 =	vadd.f32 v5, v0;
	[tilespmem:$0x1FD00] =	vst v61;
	v61 =	vsel vm14, $0x0, v44;
	v5 =	vsub.f32 v58, v60;
	v58 =	vld [tilespmem:$0x1F900]  }
0x154: {  	v2 =	vadd.f32 v61, v2;
	v61 =	vld [tilespmem:$0x1BB0]  }
0x155: {  	[tilespmem:$0x1FD10] =	vst v63;
	v63 =	vld [tilespmem:$0x1F910]  }
0x156: {  	v50 =	vsel vm14, $0x0, v49;
	v49 =	vld [tilespmem:$0x1F920]  }
0x157: {  	v1 =	vadd.f32 v50, v1;
	v50 =	vld [tilespmem:$0x3C0]  }
0x158: {  	vm15 =	veq.s32 v54, $0x0;
	v54 =	vld [tilespmem:$0x1F940]  }
0x159: {  	[tilespmem:$0x1FCE0] =	vst v55;
	v55 =	vsel vm14, $0x0, v5;
	vm14 =	veq.s32 v16, $0x0;
	v16 =	vld [tilespmem:$0xC30]  }
0x15a: {  	[tilespmem:$0x1FD60] =	vst v53;
	v53 =	vld [tilespmem:$0x1F930]  }
0x15b: {  	[tilespmem:$0x1FD20] =	vst v56;
	v60 =	vsel vm15, $0x0, v44;
	v56 =	vld [tilespmem:$0x13C0]  }
0x15c: {  	v4 =	vsel vm13, $0x0, v4;
	v2 =	vadd.f32 v60, v2;
	v60 =	vld [tilespmem:$0x1F950]  }
0x15d: {  	v0 =	vadd.f32 v4, v0;
	v4 =	vsub.f32 v57, v58;
	v58 =	vld [tilespmem:$0xBC0]  }
0x15e: {  	v5 =	vsub.f32 v63, v49;
	v63 =	vld [tilespmem:$0x1F960]  }
0x15f: {  	v49 =	vld [tilespmem:$0x1F970]  }
0x160: {  	v0 =	vadd.f32 v55, v0;
	[tilespmem:$0x1FD50] =	vst v50;
	v55 =	vsel vm15, $0x0, v54;
	v50 =	vld [tilespmem:$0x1F980]  }
0x161: {  	v4 =	vsel vm15, $0x0, v4;
	vm15 =	veq.s32 v19, $0x0;
	v19 =	vsub.f32 v22, v25;
	v22 =	vld [tilespmem:$0x440]  }
0x162: {  	v25 =	vld [tilespmem:$0x1440]  }
0x163: {  	vm4 =	veq.s32 v53, $0x0;
	v53 =	vld [tilespmem:$0x1F990]  }
0x164: {  	vm12 =	veq.s32 v10, $0x0;
	[tilespmem:$0x1FD70] =	vst v56;
	v56 =	vld [tilespmem:$0x13D0]  }
0x165: {  	v10 =	vsub.f32 v21, v23;
	v23 =	vsub.f32 v31, v34;
	v31 =	vsel vm15, $0x0, v15;
	v15 =	vld [tilespmem:$0x1460]  }
0x166: {  	[tilespmem:$0x1FD30] =	vst v61;
	v61 =	vsel vm4, $0x0, v60;
	v60 =	vld [tilespmem:$0xBD0]  }
0x167: {  	v1 =	vadd.f32 v55, v1;
	v57 =	vsel vm4, $0x0, v44;
	[tilespmem:$0x1FD40] =	vst v58;
	v58 =	vld [tilespmem:$0x1BC0]  }
0x168: {  	v2 =	vadd.f32 v57, v2;
	v57 =	vld [tilespmem:$0x1F9A0]  }
0x169: {  	v1 =	vadd.f32 v61, v1;
	v61 =	vld [tilespmem:$0x1F9B0]  }
0x16a: {  	vm5 =	veq.s32 v63, $0x0;
	v63 =	vld [tilespmem:$0x1F9C0]  }
0x16b: {  	v0 =	vadd.f32 v4, v0;
	v4 =	vsub.f32 v49, v50;
	v50 =	vld [tilespmem:$0x1BD0]  }
0x16c: {  	[tilespmem:$0x1FEE0] =	vst v22;
	v22 =	vld [tilespmem:$0x1470]  }
0x16d: {  	[tilespmem:$0x1FF00] =	vst v25;
	v25 =	vsub.f32 v46, v59;
	v59 =	vld [tilespmem:$0x14A0]  }
0x16e: {  	v55 =	vsel vm5, $0x0, v44;
	v54 =	vsel vm5, $0x0, v53;
	v53 =	vld [tilespmem:$0x1F9D0]  }
0x16f: {  	v2 =	vadd.f32 v55, v2;
	v55 =	vld [tilespmem:$0x3E0]  }
0x170: {  	[tilespmem:$0x1FDB0] =	vst v56;
	v56 =	vld [tilespmem:$0x1F9E0]  }
0x171: {  	[tilespmem:$0x1FF40] =	vst v15;
	v15 =	vld [tilespmem:$0x1FBD0]  }
0x172: {  	v5 =	vsel vm4, $0x0, v5;
	[tilespmem:$0x1FD90] =	vst v60;
	v60 =	vld [tilespmem:$0x13E0]  }
0x173: {  	v0 =	vadd.f32 v5, v0;
	v5 =	vsub.f32 v61, v63;
	v61 =	vld [tilespmem:$0x1F9F0]  }
0x174: {  	v63 =	vld [tilespmem:$0x1FA00]  }
0x175: {  	[tilespmem:$0x1FDA0] =	vst v50;
	v50 =	vld [tilespmem:$0xBE0]  }
0x176: {  	vm6 =	veq.s32 v57, $0x0;
	[tilespmem:$0x1FF60] =	vst v22;
	v22 =	vld [tilespmem:$0x1FC10]  }
0x177: {  	v1 =	vadd.f32 v54, v1;
	v54 =	vsel vm6, $0x0, v53;
	v53 =	vld [tilespmem:$0x1FA10]  }
0x178: {  	v4 =	vsel vm5, $0x0, v4;
	[tilespmem:$0x1FDC0] =	vst v55;
	v55 =	vld [tilespmem:$0x1BE0]  }
0x179: {  	v0 =	vadd.f32 v4, v0;
	v49 =	vsel vm6, $0x0, v44;
	vm7 =	veq.s32 v56, $0x0;
	v56 =	vld [tilespmem:$0x1FA30]  }
0x17a: {  	v2 =	vadd.f32 v49, v2;
	v57 =	vsel vm6, $0x0, v5;
	v1 =	vadd.f32 v54, v1;
	v54 =	vld [tilespmem:$0x1FA20]  }
0x17b: {  	v0 =	vadd.f32 v57, v0;
	v49 =	vsel vm7, $0x0, v44;
	v57 =	vld [tilespmem:$0x1FA40]  }
0x17c: {  	v2 =	vadd.f32 v49, v2;
	v49 =	vld [tilespmem:$0x13F0]  }
0x17d: {  	v4 =	vsub.f32 v61, v63;
	v61 =	vld [tilespmem:$0x3F0]  }
0x17e: {  	[tilespmem:$0x1FDD0] =	vst v50;
	v50 =	vld [tilespmem:$0x1FA50]  }
0x17f: {  	[tilespmem:$0x1FDE0] =	vst v55;
	v55 =	vld [tilespmem:$0x1FA60]  }
0x180: {  	vm8 =	veq.s32 v56, $0x0;
	v56 =	vld [tilespmem:$0x1BF0]  }
0x181: {  	v5 =	vsub.f32 v53, v54;
	v54 =	vld [tilespmem:$0xBF0]  }
0x182: {  	[tilespmem:$0x1FDF0] =	vst v60;
	v60 =	vsel vm7, $0x0, v57;
	v57 =	vld [tilespmem:$0x1FA70]  }
0x183: {  	v4 =	vsel vm7, $0x0, v4;
	vm7 =	veq.s32 v35, $0x0;
	v35 =	vld [tilespmem:$0x1490]  }
0x184: {  	v1 =	vadd.f32 v60, v1;
	v60 =	vld [tilespmem:$0x1FA80]  }
0x185: {  	[tilespmem:$0x1FE00] =	vst v61;
	v61 =	vld [tilespmem:$0x1FA90]  }
0x186: {  	v53 =	vsel vm8, $0x0, v50;
	v50 =	vld [tilespmem:$0x400]  }
0x187: {  	v63 =	vsel vm8, $0x0, v44;
	v5 =	vsel vm8, $0x0, v5;
	vm8 =	veq.s32 v40, $0x0;
	v40 =	vld [tilespmem:$0x1FB50]  }
0x188: {  	v1 =	vadd.f32 v53, v1;
	v53 =	vld [tilespmem:$0x1FAA0]  }
0x189: {  	vm9 =	veq.s32 v55, $0x0;
	v55 =	vld [tilespmem:$0x1FAB0]  }
0x18a: {  	[tilespmem:$0x1FE20] =	vst v56;
	v56 =	vld [tilespmem:$0x1FAC0]  }
0x18b: {  	vm4 =	veq.s32 v24, $0x0;
	v24 =	vsel vm8, $0x0, v37;
	v37 =	vld [tilespmem:$0x1C80]  }
0x18c: {  	[tilespmem:$0x1FE10] =	vst v54;
	v54 =	vld [tilespmem:$0x1400]  }
0x18d: {  	v2 =	vadd.f32 v63, v2;
	[tilespmem:$0x1FF80] =	vst v35;
	v35 =	vld [tilespmem:$0xCB0]  }
0x18e: {  	v0 =	vadd.f32 v4, v0;
	[tilespmem:$0x1FE40] =	vst v49;
	v49 =	vsel vm9, $0x0, v44;
	v4 =	vsub.f32 v57, v60;
	v60 =	vld [tilespmem:$0x1FAD0]  }
0x18f: {  	v2 =	vadd.f32 v49, v2;
	v49 =	vld [tilespmem:$0x1FAE0];
	v63 =	vsel vm9, $0x0, v61  }
0x190: {  	v1 =	vadd.f32 v63, v1;
	v63 =	vld [tilespmem:$0xC00]  }
0x191: {  	v4 =	vsel vm9, $0x0, v4;
	vm9 =	veq.s32 v41, $0x0;
	v41 =	vld [tilespmem:$0x1FB60]  }
0x192: {  	v0 =	vadd.f32 v5, v0;
	v5 =	vsub.f32 v55, v56;
	v55 =	vld [tilespmem:$0x1C00]  }
0x193: {  	v56 =	vld [tilespmem:$0x1FAF0]  }
0x194: {  	vm5 =	veq.s32 v26, $0x0;
	v26 =	vsel vm9, $0x0, v43;
	v43 =	vld [tilespmem:$0x1FB70]  }
0x195: {  	[tilespmem:$0x1FE50] =	vst v54;
	v54 =	vld [tilespmem:$0x1410]  }
0x196: {  	[tilespmem:$0x1FE30] =	vst v50;
	vm10 =	veq.s32 v53, $0x0;
	v50 =	vsub.f32 v9, v49;
	v9 =	vld [tilespmem:$0xC10]  }
0x197: {  	vm11 =	veq.s32 v62, $0x0;
	v0 =	vadd.f32 v4, v0;
	v61 =	vsel vm10, $0x0, v60;
	v60 =	vld [tilespmem:$0x1C20]  }
0x198: {  	v57 =	vsel vm10, $0x0, v44;
	v62 =	vsel vm10, $0x0, v5;
	vm10 =	veq.s32 v51, $0x0;
	v51 =	vld [tilespmem:$0x490]  }
0x199: {  	v0 =	vadd.f32 v62, v0;
	v62 =	vld [tilespmem:$0x1C10]  }
0x19a: {  	v2 =	vadd.f32 v57, v2;
	v1 =	vadd.f32 v61, v1;
	v61 =	vld [tilespmem:$0xC50]  }
0x19b: {  	vm6 =	veq.s32 v32, $0x0;
	v53 =	vsel vm11, $0x0, v44;
	v32 =	vsel vm10, $0x0, v45;
	v45 =	vld [tilespmem:$0xC90]  }
0x19c: {  	v2 =	vadd.f32 v53, v2;
	v53 =	vld [tilespmem:$0x1420]  }
0x19d: {  	v57 =	vsub.f32 v17, v56;
	v17 =	vsel vm11, $0x0, v7;
	v7 =	vld [tilespmem:$0x420]  }
0x19e: {  	v56 =	vsub.f32 v14, v18;
	v18 =	vld [tilespmem:$0x1C30]  }
0x19f: {  	v14 =	vsel vm14, $0x0, v13;
	v13 =	vld [tilespmem:$0x460]  }
0x1a0: {  	v49 =	vsel vm12, $0x0, v44;
	[tilespmem:$0x1FE80] =	vst v54;
	v54 =	vld [tilespmem:$0xC20]  }
0x1a1: {  	vm13 =	veq.s32 v11, $0x0;
	v11 =	vsel vm14, $0x0, v44;
	v2 =	vadd.f32 v49, v2;
	v49 =	vld [tilespmem:$0x1C40]  }
0x1a2: {  	v1 =	vadd.f32 v17, v1;
	v17 =	vsel vm14, $0x0, v10;
	vm14 =	veq.s32 v15, $0x0;
	v15 =	vld [tilespmem:$0x1FCE0]  }
0x1a3: {  	[tilespmem:$0x1FE70] =	vst v9;
	v9 =	vld [tilespmem:$0x430]  }
0x1a4: {  	v4 =	vsel vm11, $0x0, v50;
	v5 =	vsel vm12, $0x0, v57;
	v57 =	vsel vm13, $0x0, v12;
	v12 =	vld [tilespmem:$0x1430]  }
0x1a5: {  	v0 =	vadd.f32 v4, v0;
	v4 =	vsel vm13, $0x0, v56;
	v56 =	vld [tilespmem:$0xC40]  }
0x1a6: {  	v50 =	vsel vm12, $0x0, v8;
	vm12 =	veq.s32 v43, $0x0;
	v43 =	vld [tilespmem:$0x4A0]  }
0x1a7: {  	v1 =	vadd.f32 v50, v1;
	v50 =	vsel vm4, $0x0, v20;
	v20 =	vld [tilespmem:$0x470]  }
0x1a8: {  	v0 =	vadd.f32 v5, v0;
	v8 =	vsel vm12, $0x0, v6;
	v6 =	vld [tilespmem:$0x1FDC0]  }
0x1a9: {  	v3 =	vsel vm13, $0x0, v44;
	[tilespmem:$0x1FEA0] =	vst v53;
	v53 =	vld [tilespmem:$0x450]  }
0x1aa: {  	v0 =	vadd.f32 v4, v0;
	v4 =	vsel vm15, $0x0, v19;
	v19 =	vsub.f32 v47, v52;
	v47 =	vld [tilespmem:$0x1C70]  }
0x1ab: {  	v2 =	vadd.f32 v3, v2;
	v52 =	vld [tilespmem:$0x480]  }
0x1ac: {  	v1 =	vadd.f32 v57, v1;
	v57 =	vsub.f32 v30, v33;
	v30 =	vld [tilespmem:$0x1FB10]  }
0x1ad: {  	v33 =	vld [tilespmem:$0x1FB20]  }
0x1ae: {  	v2 =	vadd.f32 v11, v2;
	v11 =	vsub.f32 v36, v39;
	v36 =	vld [tilespmem:$0x1FB30]  }
0x1af: {  	v21 =	vsel vm15, $0x0, v44;
	vm15 =	veq.s32 v22, $0x0;
	v22 =	vld [tilespmem:$0x4F0]  }
0x1b0: {  	[tilespmem:$0x1FE90] =	vst v54;
	v54 =	vld [tilespmem:$0x1450]  }
0x1b1: {  	v1 =	vadd.f32 v14, v1;
	v14 =	vsel vm6, $0x0, v28;
	v28 =	vld [tilespmem:$0x1480]  }
0x1b2: {  	v0 =	vadd.f32 v17, v0;
	v17 =	vsub.f32 v38, v42;
	v42 =	vld [tilespmem:$0xC80]  }
0x1b3: {  	v2 =	vadd.f32 v21, v2;
	v21 =	vsel vm7, $0x0, v29;
	v29 =	vld [tilespmem:$0x1FB00]  }
0x1b4: {  	v38 =	vld [tilespmem:$0x1FB40]  }
0x1b5: {  	[tilespmem:$0x1FEC0] =	vst v16;
	v16 =	vsel vm6, $0x0, v11;
	v11 =	vld [tilespmem:$0x1FBB0]  }
0x1b6: {  	v49 =	vsub.f32 v56, v49;
	v56 =	vld [tilespmem:$0x1FEE0]  }
0x1b7: {  	[tilespmem:$0x1FF50] =	vst v20;
	v20 =	vld [tilespmem:$0x1FC00]  }
0x1b8: {  	[tilespmem:$0x1FF10] =	vst v53;
	v53 =	vld [tilespmem:$0x1C50]  }
0x1b9: {  	v0 =	vadd.f32 v4, v0;
	v4 =	vsel vm5, $0x0, v57;
	v57 =	vld [tilespmem:$0xC70]  }
0x1ba: {  	v34 =	vsel vm4, $0x0, v44;
	v1 =	vadd.f32 v31, v1;
	vm11 =	veq.s32 v33, $0x0;
	v33 =	vld [tilespmem:$0x4C0]  }
0x1bb: {  	v2 =	vadd.f32 v34, v2;
	[tilespmem:$0x1FF20] =	vst v54;
	v54 =	vld [tilespmem:$0xC60]  }
0x1bc: {  	v10 =	vsel vm5, $0x0, v44;
	v1 =	vadd.f32 v50, v1;
	v50 =	vld [tilespmem:$0x1C60]  }
0x1bd: {  	v2 =	vadd.f32 v10, v2;
	v10 =	vld [tilespmem:$0x1FBA0]  }
0x1be: {  	[tilespmem:$0x1FF70] =	vst v28;
	v28 =	vld [tilespmem:$0x1FC40]  }
0x1bf: {  	v5 =	vsel vm4, $0x0, v23;
	[tilespmem:$0x1FEB0] =	vst v9;
	v9 =	vsel vm5, $0x0, v27;
	v37 =	vsub.f32 v42, v37;
	v42 =	vld [tilespmem:$0xD70]  }
0x1c0: {  	[tilespmem:$0x1FEF0] =	vst v12;
	v12 =	vsel vm6, $0x0, v44;
	v0 =	vadd.f32 v5, v0;
	v1 =	vadd.f32 v9, v1;
	v9 =	vld [tilespmem:$0x1FB90]  }
0x1c1: {  	v2 =	vadd.f32 v12, v2;
	v12 =	vld [tilespmem:$0x1FBC0]  }
0x1c2: {  	v0 =	vadd.f32 v4, v0;
	v4 =	vsel vm7, $0x0, v17;
	v17 =	vld [tilespmem:$0x1FBE0]  }
0x1c3: {  	v57 =	vsub.f32 v57, v47;
	v47 =	vld [tilespmem:$0x1570]  }
0x1c4: {  	[tilespmem:$0x1FED0] =	vst v18;
	v18 =	vsel vm7, $0x0, v44;
	v0 =	vadd.f32 v16, v0;
	v16 =	vld [tilespmem:$0x14B0]  }
0x1c5: {  	v2 =	vadd.f32 v18, v2;
	v18 =	vld [tilespmem:$0x1FBF0]  }
0x1c6: {  	v1 =	vadd.f32 v14, v1;
	v54 =	vsub.f32 v54, v50;
	v50 =	vld [tilespmem:$0xD60]  }
0x1c7: {  	v0 =	vadd.f32 v4, v0;
	v4 =	vsel vm9, $0x0, v25;
	v25 =	vld [tilespmem:$0x1FC30]  }
0x1c8: {  	v23 =	vsel vm8, $0x0, v44;
	v1 =	vadd.f32 v21, v1;
	v21 =	vsel vm14, $0x0, v20;
	v20 =	vld [tilespmem:$0xCF0]  }
0x1c9: {  	v2 =	vadd.f32 v23, v2;
	vm13 =	veq.s32 v9, $0x0;
	v9 =	vld [tilespmem:$0x1FCA0]  }
0x1ca: {  	v27 =	vsel vm9, $0x0, v44;
	v1 =	vadd.f32 v24, v1;
	v24 =	vld [tilespmem:$0x1FC20]  }
0x1cb: {  	v5 =	vsel vm8, $0x0, v19;
	v2 =	vadd.f32 v27, v2;
	v27 =	vld [tilespmem:$0x14C0]  }
0x1cc: {  	v0 =	vadd.f32 v5, v0;
	v5 =	vsub.f32 v29, v30;
	v29 =	vld [tilespmem:$0x1FC50]  }
0x1cd: {  	v30 =	vld [tilespmem:$0x1FC60]  }
0x1ce: {  	[tilespmem:$0x1FFA0] =	vst v16;
	v16 =	vld [tilespmem:$0x1FCF0]  }
0x1cf: {  	v34 =	vsel vm10, $0x0, v5;
	v5 =	vsub.f32 v40, v41;
	v41 =	vld [tilespmem:$0x1C90]  }
0x1d0: {  	v31 =	vsel vm10, $0x0, v44;
	v0 =	vadd.f32 v4, v0;
	v4 =	vsub.f32 v36, v38;
	v38 =	vld [tilespmem:$0xCA0]  }
0x1d1: {  	v2 =	vadd.f32 v31, v2;
	v31 =	vld [tilespmem:$0x1CB0]  }
0x1d2: {  	v36 =	vld [tilespmem:$0x1FC70]  }
0x1d3: {  	vm10 =	veq.s32 v6, $0x0;
	v6 =	vld [tilespmem:$0x1FE60]  }
0x1d4: {  	v39 =	vsel vm11, $0x0, v44;
	v1 =	vadd.f32 v26, v1;
	v0 =	vadd.f32 v34, v0;
	v34 =	vld [tilespmem:$0x1CA0]  }
0x1d5: {  	v2 =	vadd.f32 v39, v2;
	v39 =	vld [tilespmem:$0x4B0]  }
0x1d6: {  	v1 =	vadd.f32 v32, v1;
	v32 =	vld [tilespmem:$0xCC0]  }
0x1d7: {  	v46 =	vsel vm11, $0x0, v48;
	v48 =	vsel vm12, $0x0, v44;
	[tilespmem:$0x1FFB0] =	vst v27;
	v27 =	vld [tilespmem:$0xCD0]  }
0x1d8: {  	v4 =	vsel vm11, $0x0, v4;
	v2 =	vadd.f32 v48, v2;
	v48 =	vld [tilespmem:$0x1FC80]  }
0x1d9: {  	v0 =	vadd.f32 v4, v0;
	v4 =	vsub.f32 v10, v11;
	v10 =	vld [tilespmem:$0x1FCB0]  }
0x1da: {  	v1 =	vadd.f32 v46, v1;
	v11 =	vld [tilespmem:$0x1FCC0]  }
0x1db: {  	v40 =	vsel vm15, $0x0, v36;
	v36 =	vld [tilespmem:$0x14E0]  }
0x1dc: {  	v14 =	vsel vm13, $0x0, v44;
	v1 =	vadd.f32 v8, v1;
	v8 =	vld [tilespmem:$0x1FC90]  }
0x1dd: {  	v5 =	vsel vm12, $0x0, v5;
	v2 =	vadd.f32 v14, v2;
	v14 =	vld [tilespmem:$0x1FCD0]  }
0x1de: {  	v0 =	vadd.f32 v5, v0;
	v5 =	vsub.f32 v17, v18;
	v18 =	vld [tilespmem:$0x1FD00]  }
0x1df: {  	[tilespmem:$0x1FF30] =	vst v13;
	v13 =	vsel vm13, $0x0, v12;
	v4 =	vsel vm13, $0x0, v4;
	vm13 =	veq.s32 v6, $0x0;
	v6 =	vld [tilespmem:$0x1D30]  }
0x1e0: {  	v23 =	vsel vm14, $0x0, v5;
	v5 =	vsub.f32 v28, v29;
	v28 =	vld [tilespmem:$0x1CC0]  }
0x1e1: {  	v29 =	vld [tilespmem:$0x4D0]  }
0x1e2: {  	v19 =	vsel vm14, $0x0, v44;
	v0 =	vadd.f32 v4, v0;
	v4 =	vsub.f32 v24, v25;
	v25 =	vld [tilespmem:$0x1CD0]  }
0x1e3: {  	vm4 =	veq.s32 v30, $0x0;
	v2 =	vadd.f32 v19, v2;
	v24 =	vld [tilespmem:$0x1FD10]  }
0x1e4: {  	[tilespmem:$0x1FF90] =	vst v59;
	v26 =	vsel vm15, $0x0, v44;
	v59 =	vsel vm4, $0x0, v48;
	v48 =	vld [tilespmem:$0x1FD30]  }
0x1e5: {  	v1 =	vadd.f32 v13, v1;
	v2 =	vadd.f32 v26, v2;
	v26 =	vld [tilespmem:$0x4E0]  }
0x1e6: {  	v0 =	vadd.f32 v23, v0;
	v23 =	vld [tilespmem:$0xCE0]  }
0x1e7: {  	v1 =	vadd.f32 v21, v1;
	v21 =	vld [tilespmem:$0x1CE0]  }
0x1e8: {  	v46 =	vsel vm4, $0x0, v44;
	v5 =	vsel vm4, $0x0, v5;
	vm4 =	veq.s32 v56, $0x0;
	v56 =	vld [tilespmem:$0x550]  }
0x1e9: {  	vm5 =	veq.s32 v8, $0x0;
	v8 =	vld [tilespmem:$0x1FD40]  }
0x1ea: {  	vm6 =	veq.s32 v14, $0x0;
	v14 =	vld [tilespmem:$0x1FD70]  }
0x1eb: {  	v1 =	vadd.f32 v40, v1;
	v40 =	vld [tilespmem:$0x14D0]  }
0x1ec: {  	v4 =	vsel vm15, $0x0, v4;
	v2 =	vadd.f32 v46, v2;
	v46 =	vld [tilespmem:$0x1FD20]  }
0x1ed: {  	v0 =	vadd.f32 v4, v0;
	v4 =	vsub.f32 v9, v10;
	v10 =	vld [tilespmem:$0x1FD50]  }
0x1ee: {  	v12 =	vsel vm5, $0x0, v11;
	v11 =	vld [tilespmem:$0x1FD60]  }
0x1ef: {  	v13 =	vsel vm5, $0x0, v44;
	v19 =	vsel vm6, $0x0, v18;
	v18 =	vld [tilespmem:$0x1FD80];
	v28 =	vsub.f32 v32, v28  }
0x1f0: {  	vm7 =	veq.s32 v24, $0x0;
	v24 =	vld [tilespmem:$0x1FD90];
	v1 =	vadd.f32 v59, v1;
	v0 =	vadd.f32 v5, v0  }
0x1f1: {  	v32 =	vld [tilespmem:$0x5B0];
	v2 =	vadd.f32 v13, v2;
	v5 =	vsub.f32 v15, v16;
	v4 =	vsel vm5, $0x0, v4  }
0x1f2: {  	v17 =	vsel vm6, $0x0, v44;
	v16 =	vld [tilespmem:$0xD00];
	v1 =	vadd.f32 v12, v1;
	v0 =	vadd.f32 v4, v0  }
0x1f3: {  	v59 =	vsel vm7, $0x0, v44;
	v2 =	vadd.f32 v17, v2;
	v9 =	vsub.f32 v8, v58;
	v8 =	vld [tilespmem:$0x1FDD0]  }
0x1f4: {  	v30 =	vsel vm6, $0x0, v5;
	v4 =	vsub.f32 v46, v48;
	vm8 =	veq.s32 v10, $0x0;
	v46 =	vld [tilespmem:$0x1FDA0]  }
0x1f5: {  	v12 =	vsel vm7, $0x0, v11;
	vm9 =	veq.s32 v18, $0x0;
	v48 =	vld [tilespmem:$0x1FDB0];
	v1 =	vadd.f32 v19, v1  }
0x1f6: {  	v11 =	vld [tilespmem:$0x1FDF0];
	v0 =	vadd.f32 v30, v0;
	v2 =	vadd.f32 v59, v2;
	v13 =	vsel vm8, $0x0, v44  }
0x1f7: {  	v5 =	vsel vm8, $0x0, v9;
	v9 =	vld [tilespmem:$0x1FDE0];
	v4 =	vsel vm7, $0x0, v4;
	v1 =	vadd.f32 v12, v1  }
0x1f8: {  	v15 =	vsel vm8, $0x0, v14;
	v0 =	vadd.f32 v4, v0;
	v2 =	vadd.f32 v13, v2;
	v13 =	vld [tilespmem:$0x1FE00]  }
0x1f9: {  	v3 =	vsel vm9, $0x0, v44;
	v1 =	vadd.f32 v15, v1;
	v4 =	vsub.f32 v24, v46;
	v46 =	vld [tilespmem:$0x1FE10]  }
0x1fa: {  	v59 =	vsel vm9, $0x0, v48;
	v2 =	vadd.f32 v3, v2;
	v48 =	vld [tilespmem:$0x1FE20]  }
0x1fb: {  	v58 =	vld [tilespmem:$0x14F0];
	v10 =	vsel vm10, $0x0, v44;
	v1 =	vadd.f32 v59, v1  }
0x1fc: {  	v12 =	vsel vm10, $0x0, v11;
	v2 =	vadd.f32 v10, v2;
	v10 =	vld [tilespmem:$0x1FE30]  }
0x1fd: {  	v0 =	vadd.f32 v5, v0;
	v1 =	vadd.f32 v12, v1;
	v12 =	vld [tilespmem:$0x1FE40]  }
0x1fe: {  	v17 =	vld [tilespmem:$0x1CF0];
	v5 =	vsub.f32 v8, v9;
	v4 =	vsel vm9, $0x0, v4  }
0x1ff: {  	v0 =	vadd.f32 v4, v0;
	vm11 =	veq.s32 v13, $0x0;
	v4 =	vsub.f32 v46, v48;
	v48 =	vld [tilespmem:$0x1FE50]  }
0x200: {  	v18 =	vld [tilespmem:$0x1510];
	v59 =	vsel vm11, $0x0, v44  }
0x201: {  	v19 =	vld [tilespmem:$0x500];
	v24 =	vsel vm10, $0x0, v5;
	v2 =	vadd.f32 v59, v2;
	vm12 =	veq.s32 v10, $0x0  }
0x202: {  	v30 =	vld [tilespmem:$0x1500];
	v0 =	vadd.f32 v24, v0;
	v46 =	vsel vm12, $0x0, v44;
	v24 =	vsel vm11, $0x0, v12  }
0x203: {  	v2 =	vadd.f32 v46, v2;
	v1 =	vadd.f32 v24, v1;
	v24 =	vld [tilespmem:$0x1FE80]  }
0x204: {  	v8 =	vld [tilespmem:$0x1FE70];
	v59 =	vsel vm12, $0x0, v48;
	v48 =	vsel vm13, $0x0, v44  }
0x205: {  	v2 =	vadd.f32 v48, v2;
	v48 =	vld [tilespmem:$0x1FEB0]  }
0x206: {  	v14 =	vld [tilespmem:$0x1D00]  }
0x207: {  	vm14 =	veq.s32 v7, $0x0;
	v9 =	vsub.f32 v63, v55;
	v1 =	vadd.f32 v59, v1;
	v59 =	vld [tilespmem:$0x1FE90]  }
0x208: {  	v7 =	vsel vm14, $0x0, v44;
	v4 =	vsel vm11, $0x0, v4;
	v46 =	vsel vm13, $0x0, v24;
	v24 =	vld [tilespmem:$0x1FEA0]  }
0x209: {  	vm8 =	veq.s32 v52, $0x0;
	v52 =	vld [tilespmem:$0x580];
	v0 =	vadd.f32 v4, v0;
	v5 =	vsel vm12, $0x0, v9  }
0x20a: {  	v15 =	vld [tilespmem:$0x510];
	v4 =	vsub.f32 v8, v62;
	v2 =	vadd.f32 v7, v2;
	vm15 =	veq.s32 v48, $0x0  }
0x20b: {  	v11 =	vld [tilespmem:$0x1D10];
	v0 =	vadd.f32 v5, v0;
	v1 =	vadd.f32 v46, v1;
	v48 =	vsel vm15, $0x0, v44  }
0x20c: {  	v4 =	vsel vm13, $0x0, v4;
	v60 =	vsub.f32 v59, v60;
	v2 =	vadd.f32 v48, v2;
	v48 =	vld [tilespmem:$0x1FF00]  }
0x20d: {  	v0 =	vadd.f32 v4, v0;
	v46 =	vsel vm14, $0x0, v24;
	v24 =	vld [tilespmem:$0x1FEC0]  }
0x20e: {  	v59 =	vsel vm14, $0x0, v60;
	v1 =	vadd.f32 v46, v1;
	v46 =	vld [tilespmem:$0x1FED0]  }
0x20f: {  	v0 =	vadd.f32 v59, v0;
	v59 =	vld [tilespmem:$0x1FEF0]  }
0x210: {  	v63 =	vld [tilespmem:$0x520]  }
0x211: {  	v55 =	vld [tilespmem:$0x1520]  }
0x212: {  	v14 =	vsub.f32 v16, v14;
	v16 =	vld [tilespmem:$0x5E0]  }
0x213: {  	v13 =	vld [tilespmem:$0xD10];
	v3 =	vsub.f32 v24, v46;
	v46 =	vsel vm4, $0x0, v44  }
0x214: {  	v24 =	vsel vm15, $0x0, v59;
	v59 =	vadd.f32 v46, v2;
	v2 =	vsel vm4, $0x0, v48;
	v48 =	vld [tilespmem:$0x1FF10]  }
0x215: {  	vm9 =	veq.s32 v51, $0x0;
	v51 =	vld [tilespmem:$0xD80]  }
0x216: {  	v10 =	vld [tilespmem:$0x530]  }
0x217: {  	v9 =	vld [tilespmem:$0x1D20]  }
0x218: {  	v62 =	vld [tilespmem:$0x1530];
	v1 =	vadd.f32 v24, v1;
	v3 =	vsel vm15, $0x0, v3  }
0x219: {  	v8 =	vld [tilespmem:$0xD30];
	v13 =	vsub.f32 v13, v11;
	v0 =	vadd.f32 v3, v0;
	vm5 =	veq.s32 v48, $0x0  }
0x21a: {  	v11 =	vld [tilespmem:$0xDE0];
	v46 =	vsel vm4, $0x0, v49;
	v2 =	vadd.f32 v2, v1;
	v1 =	vsel vm5, $0x0, v44  }
0x21b: {  	v0 =	vadd.f32 v46, v0;
	v46 =	vadd.f32 v1, v59;
	v59 =	vld [tilespmem:$0x1FF30]  }
0x21c: {  	v12 =	vld [tilespmem:$0xD20]  }
0x21d: {  	v5 =	vld [tilespmem:$0xD40]  }
0x21e: {  	v48 =	vsub.f32 v61, v53;
	v61 =	vld [tilespmem:$0x1FF20]  }
0x21f: {  	v4 =	vld [tilespmem:$0x1D40]  }
0x220: {  	vm6 =	veq.s32 v59, $0x0;
	v59 =	vld [tilespmem:$0x1FF40]  }
0x221: {  	vm11 =	veq.s32 v39, $0x0;
	v39 =	vld [tilespmem:$0x1D90]  }
0x222: {  	vm12 =	veq.s32 v33, $0x0;
	v33 =	vld [tilespmem:$0xDA0]  }
0x223: {  	v7 =	vld [tilespmem:$0x540];
	v53 =	vsel vm5, $0x0, v61  }
0x224: {  	v4 =	vsub.f32 v5, v4;
	v5 =	vld [tilespmem:$0x610];
	v2 =	vadd.f32 v53, v2  }
0x225: {  	v60 =	vld [tilespmem:$0x1540];
	v59 =	vsel vm6, $0x0, v59  }
0x226: {  	v2 =	vadd.f32 v59, v2;
	v59 =	vld [tilespmem:$0x1FF50]  }
0x227: {  	vm14 =	veq.s32 v26, $0x0;
	v26 =	vld [tilespmem:$0x5C0]  }
0x228: {  	v49 =	vld [tilespmem:$0xD50]  }
0x229: {  	v3 =	vld [tilespmem:$0x1D50]  }
0x22a: {  	v24 =	vld [tilespmem:$0x1550]  }
0x22b: {  	vm7 =	veq.s32 v59, $0x0;
	v59 =	vld [tilespmem:$0x1FF60]  }
0x22c: {  	vm4 =	veq.s32 v19, $0x0;
	v19 =	vld [tilespmem:$0xDD0];
	v48 =	vsel vm5, $0x0, v48  }
0x22d: {  	vm15 =	veq.s32 v22, $0x0;
	v22 =	vld [tilespmem:$0x1DC0];
	v48 =	vadd.f32 v48, v0;
	v1 =	vsel vm6, $0x0, v44  }
0x22e: {  	v3 =	vsub.f32 v49, v3;
	v49 =	vld [tilespmem:$0x1E20];
	v0 =	vsel vm6, $0x0, v54;
	v46 =	vadd.f32 v1, v46  }
0x22f: {  	v61 =	vld [tilespmem:$0x560];
	v48 =	vadd.f32 v0, v48;
	v0 =	vsel vm7, $0x0, v44  }
0x230: {  	v1 =	vld [tilespmem:$0x1D60];
	v46 =	vadd.f32 v0, v46;
	v0 =	vsel vm7, $0x0, v59;
	v59 =	vsel vm7, $0x0, v57  }
0x231: {  	v48 =	vadd.f32 v59, v48;
	v59 =	vld [tilespmem:$0x1FF70]  }
0x232: {  	v53 =	vld [tilespmem:$0x1560]  }
0x233: {  	v54 =	vld [tilespmem:$0x570];
	vm6 =	veq.s32 v63, $0x0  }
0x234: {  	v63 =	vsub.f32 v8, v6;
	v8 =	vld [tilespmem:$0x600];
	v2 =	vadd.f32 v0, v2;
	v0 =	vsel vm8, $0x0, v44  }
0x235: {  	v6 =	vld [tilespmem:$0x1600];
	v46 =	vadd.f32 v0, v46;
	v0 =	vsel vm8, $0x0, v37  }
0x236: {  	v1 =	vsub.f32 v50, v1;
	v50 =	vld [tilespmem:$0x630];
	v0 =	vadd.f32 v0, v48;
	v59 =	vsel vm8, $0x0, v59  }
0x237: {  	v57 =	vld [tilespmem:$0x1D70];
	v48 =	vsub.f32 v45, v41;
	v2 =	vadd.f32 v59, v2;
	v59 =	vsel vm9, $0x0, v44  }
0x238: {  	vm10 =	veq.s32 v43, $0x0;
	vm7 =	veq.s32 v10, $0x0;
	v45 =	vld [tilespmem:$0x1FF80];
	v46 =	vadd.f32 v59, v46  }
0x239: {  	v10 =	vld [tilespmem:$0x1DF0];
	v43 =	vsel vm9, $0x0, v48;
	v48 =	vsub.f32 v38, v34;
	v59 =	vsel vm10, $0x0, v44  }
0x23a: {  	v0 =	vadd.f32 v43, v0;
	v43 =	vadd.f32 v59, v46;
	v59 =	vld [tilespmem:$0x1FF90]  }
0x23b: {  	v37 =	vld [tilespmem:$0x1580]  }
0x23c: {  	v38 =	vld [tilespmem:$0xD90];
	v48 =	vsel vm10, $0x0, v48  }
0x23d: {  	v41 =	vsel vm9, $0x0, v45;
	v0 =	vadd.f32 v48, v0;
	v48 =	vld [tilespmem:$0x1FFA0]  }
0x23e: {  	v34 =	vld [tilespmem:$0x1590];
	v2 =	vadd.f32 v41, v2  }
0x23f: {  	vm8 =	veq.s32 v7, $0x0;
	v45 =	vld [tilespmem:$0x1D80];
	v46 =	vsel vm10, $0x0, v59  }
0x240: {  	v7 =	vld [tilespmem:$0xE00];
	v59 =	vsub.f32 v35, v31;
	v2 =	vadd.f32 v46, v2;
	v46 =	vsel vm11, $0x0, v44  }
0x241: {  	v41 =	vld [tilespmem:$0x590];
	v38 =	vsub.f32 v38, v39;
	v46 =	vadd.f32 v46, v43  }
0x242: {  	v39 =	vld [tilespmem:$0xE40];
	v43 =	vsel vm11, $0x0, v48;
	v48 =	vsel vm11, $0x0, v59;
	v59 =	vsel vm12, $0x0, v44  }
0x243: {  	v46 =	vadd.f32 v59, v46;
	v59 =	vld [tilespmem:$0x1FFB0]  }
0x244: {  	v45 =	vsub.f32 v51, v45;
	v51 =	vld [tilespmem:$0x1E30]  }
0x245: {  	v35 =	vld [tilespmem:$0x5A0]  }
0x246: {  	v31 =	vld [tilespmem:$0x15A0]  }
0x247: {  	v2 =	vadd.f32 v43, v2;
	v43 =	vld [tilespmem:$0x1DA0]  }
0x248: {  	v0 =	vadd.f32 v48, v0;
	v48 =	vsel vm12, $0x0, v59;
	v59 =	vsel vm12, $0x0, v28;
	v28 =	vld [tilespmem:$0x15B0]  }
0x249: {  	v2 =	vadd.f32 v48, v2;
	v48 =	vsub.f32 v27, v25;
	v25 =	vld [tilespmem:$0xDB0]  }
0x24a: {  	vm13 =	veq.s32 v29, $0x0;
	v27 =	vld [tilespmem:$0x1DB0]  }
0x24b: {  	v29 =	vsel vm13, $0x0, v44;
	v0 =	vadd.f32 v59, v0;
	v59 =	vsub.f32 v23, v21;
	v21 =	vld [tilespmem:$0x15C0]  }
0x24c: {  	v40 =	vsel vm13, $0x0, v40;
	v29 =	vadd.f32 v29, v46;
	v23 =	vld [tilespmem:$0xDC0];
	v46 =	vsel vm13, $0x0, v48  }
0x24d: {  	v2 =	vadd.f32 v40, v2;
	v40 =	vsel vm14, $0x0, v44;
	vm13 =	veq.s32 v41, $0x0;
	v41 =	vld [tilespmem:$0x1E40]  }
0x24e: {  	v29 =	vadd.f32 v40, v29;
	v40 =	vsel vm14, $0x0, v59;
	v59 =	vsub.f32 v20, v17;
	v20 =	vld [tilespmem:$0x5D0]  }
0x24f: {  	v17 =	vld [tilespmem:$0x15D0]  }
0x250: {  	v36 =	vsel vm14, $0x0, v36;
	v48 =	vsel vm15, $0x0, v44;
	vm14 =	veq.s32 v35, $0x0;
	v35 =	vld [tilespmem:$0x650]  }
0x251: {  	v2 =	vadd.f32 v36, v2;
	v36 =	vadd.f32 v48, v29;
	v29 =	vld [tilespmem:$0x1DD0]  }
0x252: {  	v48 =	vsel vm15, $0x0, v58;
	v58 =	vsel vm15, $0x0, v59;
	vm15 =	veq.s32 v32, $0x0;
	v32 =	vld [tilespmem:$0x1E50]  }
0x253: {  	v25 =	vsub.f32 v25, v27;
	v27 =	vld [tilespmem:$0x660]  }
0x254: {  	v30 =	vsel vm4, $0x0, v30;
	v0 =	vadd.f32 v46, v0;
	v22 =	vsub.f32 v23, v22;
	v23 =	vld [tilespmem:$0x1E60]  }
0x255: {  	vm5 =	veq.s32 v15, $0x0;
	v2 =	vadd.f32 v48, v2;
	v48 =	vsel vm4, $0x0, v14;
	v14 =	vld [tilespmem:$0x15E0]  }
0x256: {  	v0 =	vadd.f32 v40, v0;
	v59 =	vsel vm4, $0x0, v44;
	vm4 =	veq.s32 v26, $0x0;
	v26 =	vld [tilespmem:$0xE60]  }
0x257: {  	v15 =	vsel vm5, $0x0, v44;
	v36 =	vadd.f32 v59, v36;
	v59 =	vsel vm5, $0x0, v13;
	v13 =	vld [tilespmem:$0x5F0]  }
0x258: {  	v18 =	vsel vm5, $0x0, v18;
	v0 =	vadd.f32 v58, v0;
	vm5 =	veq.s32 v20, $0x0;
	v20 =	vld [tilespmem:$0x1670]  }
0x259: {  	v2 =	vadd.f32 v30, v2;
	v58 =	vadd.f32 v15, v36;
	v15 =	vld [tilespmem:$0x1DE0]  }
0x25a: {  	v0 =	vadd.f32 v48, v0;
	v48 =	vsub.f32 v12, v9;
	v9 =	vld [tilespmem:$0x15F0]  }
0x25b: {  	vm9 =	veq.s32 v56, $0x0;
	v12 =	vld [tilespmem:$0xDF0]  }
0x25c: {  	v46 =	vsel vm6, $0x0, v44;
	v2 =	vadd.f32 v18, v2;
	v19 =	vsub.f32 v19, v29;
	v29 =	vld [tilespmem:$0xE70]  }
0x25d: {  	v18 =	vadd.f32 v46, v58;
	v46 =	vsel vm7, $0x0, v62;
	v62 =	vsel vm9, $0x0, v24;
	v24 =	vld [tilespmem:$0x620]  }
0x25e: {  	v55 =	vsel vm6, $0x0, v55;
	v58 =	vsel vm6, $0x0, v48;
	vm6 =	veq.s32 v16, $0x0;
	v16 =	vld [tilespmem:$0x680]  }
0x25f: {  	v0 =	vadd.f32 v59, v0;
	v23 =	vsub.f32 v26, v23;
	v26 =	vld [tilespmem:$0x16E0]  }
0x260: {  	v59 =	vsel vm7, $0x0, v44;
	v48 =	vsel vm7, $0x0, v63;
	vm7 =	veq.s32 v13, $0x0;
	v13 =	vld [tilespmem:$0x1E80]  }
0x261: {  	v30 =	vadd.f32 v59, v18;
	v18 =	vld [tilespmem:$0x1E00]  }
0x262: {  	v2 =	vadd.f32 v55, v2;
	v55 =	vsel vm8, $0x0, v44;
	v59 =	vsel vm8, $0x0, v4;
	v4 =	vld [tilespmem:$0x1610]  }
0x263: {  	v0 =	vadd.f32 v58, v0;
	v58 =	vsel vm8, $0x0, v60;
	vm8 =	veq.s32 v8, $0x0;
	v8 =	vld [tilespmem:$0xE90]  }
0x264: {  	v3 =	vsel vm9, $0x0, v3;
	v60 =	vsel vm9, $0x0, v44;
	vm9 =	veq.s32 v5, $0x0;
	v5 =	vld [tilespmem:$0x16A0]  }
0x265: {  	v42 =	vsub.f32 v42, v57;
	v2 =	vadd.f32 v46, v2;
	v46 =	vld [tilespmem:$0x1E10]  }
0x266: {  	vm10 =	veq.s32 v61, $0x0;
	vm11 =	veq.s32 v54, $0x0;
	v11 =	vsub.f32 v11, v15;
	v15 =	vld [tilespmem:$0x1680]  }
0x267: {  	v53 =	vsel vm10, $0x0, v53;
	v47 =	vsel vm11, $0x0, v47;
	v10 =	vsub.f32 v12, v10;
	v12 =	vld [tilespmem:$0x690]  }
0x268: {  	v42 =	vsel vm11, $0x0, v42;
	v33 =	vsub.f32 v33, v43;
	v0 =	vadd.f32 v48, v0;
	v48 =	vld [tilespmem:$0xE30]  }
0x269: {  	v30 =	vadd.f32 v55, v30;
	v55 =	vsel vm11, $0x0, v44;
	vm11 =	veq.s32 v50, $0x0;
	v50 =	vld [tilespmem:$0x1ED0]  }
0x26a: {  	v1 =	vsel vm10, $0x0, v1;
	v31 =	vsel vm14, $0x0, v31;
	v36 =	vadd.f32 v58, v2;
	v2 =	vld [tilespmem:$0xE10]  }
0x26b: {  	v33 =	vsel vm14, $0x0, v33;
	v63 =	vsel vm10, $0x0, v44;
	vm10 =	veq.s32 v24, $0x0;
	v24 =	vld [tilespmem:$0xEC0]  }
0x26c: {  	v21 =	vsel vm4, $0x0, v21;
	v22 =	vsel vm4, $0x0, v22;
	v40 =	vadd.f32 v59, v0;
	v0 =	vld [tilespmem:$0x1620]  }
0x26d: {  	v30 =	vadd.f32 v60, v30;
	v59 =	vsel vm14, $0x0, v44;
	vm14 =	veq.s32 v27, $0x0;
	v27 =	vld [tilespmem:$0x17C0]  }
0x26e: {  	v36 =	vadd.f32 v62, v36;
	v62 =	vsel vm4, $0x0, v44;
	v7 =	vsub.f32 v7, v18;
	v18 =	vld [tilespmem:$0x1E90]  }
0x26f: {  	vm4 =	veq.s32 v16, $0x0;
	v16 =	vld [tilespmem:$0xEF0];
	v3 =	vadd.f32 v3, v40;
	v30 =	vadd.f32 v63, v30  }
0x270: {  	v40 =	vld [tilespmem:$0xE20];
	v36 =	vadd.f32 v53, v36  }
0x271: {  	vm12 =	veq.s32 v52, $0x0;
	v3 =	vadd.f32 v1, v3;
	v30 =	vadd.f32 v55, v30;
	v1 =	vld [tilespmem:$0x1630]  }
0x272: {  	v56 =	vsel vm12, $0x0, v44;
	v37 =	vsel vm12, $0x0, v37;
	v36 =	vadd.f32 v47, v36;
	v47 =	vld [tilespmem:$0x640]  }
0x273: {  	v45 =	vsel vm12, $0x0, v45;
	v34 =	vsel vm13, $0x0, v34;
	v57 =	vadd.f32 v56, v30;
	v30 =	vld [tilespmem:$0x1640]  }
0x274: {  	v58 =	vsel vm13, $0x0, v44;
	v3 =	vadd.f32 v42, v3;
	v42 =	vld [tilespmem:$0x1650];
	v36 =	vadd.f32 v37, v36  }
0x275: {  	v38 =	vsel vm13, $0x0, v38;
	v8 =	vsub.f32 v8, v18;
	v18 =	vld [tilespmem:$0xF00];
	v37 =	vadd.f32 v58, v57  }
0x276: {  	v28 =	vsel vm15, $0x0, v28;
	v58 =	vsub.f32 v40, v49;
	v49 =	vld [tilespmem:$0xED0];
	v34 =	vadd.f32 v34, v36  }
0x277: {  	v17 =	vsel vm5, $0x0, v17;
	v3 =	vadd.f32 v45, v3;
	v36 =	vadd.f32 v59, v37;
	v37 =	vld [tilespmem:$0xE50]  }
0x278: {  	v60 =	vsel vm15, $0x0, v44;
	vm12 =	veq.s32 v47, $0x0;
	v31 =	vadd.f32 v31, v34;
	v34 =	vld [tilespmem:$0x1660]  }
0x279: {  	v2 =	vsub.f32 v2, v46;
	v3 =	vadd.f32 v38, v3;
	v46 =	vsel vm12, $0x0, v30;
	v30 =	vld [tilespmem:$0xF60]  }
0x27a: {  	v19 =	vsel vm5, $0x0, v19;
	v61 =	vadd.f32 v60, v36;
	v60 =	vsel vm10, $0x0, v58;
	v58 =	vld [tilespmem:$0x6F0]  }
0x27b: {  	v3 =	vadd.f32 v33, v3;
	v33 =	vsel vm5, $0x0, v44;
	vm5 =	veq.s32 v12, $0x0;
	v12 =	vld [tilespmem:$0x1700]  }
0x27c: {  	v25 =	vsel vm15, $0x0, v25;
	v14 =	vsel vm6, $0x0, v14;
	v28 =	vadd.f32 v28, v31;
	v31 =	vld [tilespmem:$0x670]  }
0x27d: {  	v9 =	vsel vm7, $0x0, v9;
	vm13 =	veq.s32 v35, $0x0;
	v3 =	vadd.f32 v25, v3;
	v25 =	vld [tilespmem:$0x1E70]  }
0x27e: {  	v63 =	vadd.f32 v62, v61;
	v62 =	vsub.f32 v48, v51;
	v51 =	vsel vm13, $0x0, v42;
	v42 =	vld [tilespmem:$0x1F20]  }
0x27f: {  	v6 =	vsel vm8, $0x0, v6;
	v11 =	vsel vm6, $0x0, v11;
	v21 =	vadd.f32 v21, v28;
	v28 =	vld [tilespmem:$0x6C0]  }
0x280: {  	v10 =	vsel vm7, $0x0, v10;
	v4 =	vsel vm9, $0x0, v4;
	v32 =	vsub.f32 v37, v32;
	v37 =	vld [tilespmem:$0x720]  }
0x281: {  	v23 =	vsel vm14, $0x0, v23;
	v15 =	vsel vm4, $0x0, v15;
	v3 =	vadd.f32 v22, v3;
	v22 =	vld [tilespmem:$0x16B0]  }
0x282: {  	v53 =	vsel vm8, $0x0, v44;
	v7 =	vsel vm8, $0x0, v7;
	v36 =	vadd.f32 v33, v63;
	v33 =	vld [tilespmem:$0x16D0]  }
0x283: {  	v55 =	vsel vm9, $0x0, v44;
	v0 =	vsel vm10, $0x0, v0;
	v17 =	vadd.f32 v17, v21;
	v21 =	vld [tilespmem:$0xE80]  }
0x284: {  	v2 =	vsel vm9, $0x0, v2;
	v45 =	vsel vm7, $0x0, v44;
	v3 =	vadd.f32 v19, v3;
	v19 =	vld [tilespmem:$0x1EB0]  }
0x285: {  	v57 =	vsel vm10, $0x0, v44;
	v38 =	vsel vm6, $0x0, v44;
	vm15 =	veq.s32 v31, $0x0;
	v31 =	vld [tilespmem:$0x1F60]  }
0x286: {  	v1 =	vsel vm11, $0x0, v1;
	v43 =	vadd.f32 v38, v36;
	v14 =	vadd.f32 v14, v17;
	v17 =	vld [tilespmem:$0x1690]  }
0x287: {  	v40 =	vsel vm12, $0x0, v44;
	v8 =	vsel vm5, $0x0, v8;
	v3 =	vadd.f32 v11, v3;
	v11 =	vld [tilespmem:$0x6A0]  }
0x288: {  	v61 =	vsel vm11, $0x0, v44;
	v48 =	vsel vm13, $0x0, v44;
	v52 =	vadd.f32 v45, v43;
	v45 =	vld [tilespmem:$0x1EC0]  }
0x289: {  	v63 =	vsel vm11, $0x0, v62;
	v62 =	vsel vm5, $0x0, v44;
	v43 =	vsub.f32 v39, v41;
	v39 =	vld [tilespmem:$0xF20]  }
0x28a: {  	v32 =	vsel vm13, $0x0, v32;
	vm11 =	veq.s32 v58, $0x0;
	v9 =	vadd.f32 v9, v14;
	v14 =	vld [tilespmem:$0xEA0]  }
0x28b: {  	v58 =	vsel vm11, $0x0, v44;
	v25 =	vsub.f32 v29, v25;
	v3 =	vadd.f32 v10, v3;
	v10 =	vld [tilespmem:$0x6B0]  }
0x28c: {  	v20 =	vsel vm15, $0x0, v20;
	vm8 =	veq.s32 v28, $0x0;
	v54 =	vadd.f32 v53, v52;
	v52 =	vld [tilespmem:$0x6E0]  }
0x28d: {  	v25 =	vsel vm15, $0x0, v25;
	v47 =	vsel vm12, $0x0, v43;
	v13 =	vsub.f32 v21, v13;
	v43 =	vld [tilespmem:$0x730]  }
0x28e: {  	v53 =	vsel vm14, $0x0, v44;
	v6 =	vadd.f32 v6, v9;
	v9 =	vld [tilespmem:$0x1EA0];
	v3 =	vadd.f32 v7, v3  }
0x28f: {  	v56 =	vadd.f32 v55, v54;
	v54 =	vld [tilespmem:$0xEE0];
	v55 =	vsel vm14, $0x0, v34;
	v13 =	vsel vm4, $0x0, v13  }
0x290: {  	v7 =	vsub.f32 v49, v50;
	v49 =	vld [tilespmem:$0x1F30];
	vm14 =	veq.s32 v37, $0x0;
	v4 =	vadd.f32 v4, v6  }
0x291: {  	v37 =	vld [tilespmem:$0xF70];
	vm6 =	veq.s32 v11, $0x0;
	v41 =	vsub.f32 v24, v45;
	v35 =	vsub.f32 v39, v42  }
0x292: {  	v6 =	vld [tilespmem:$0xEB0];
	v2 =	vadd.f32 v2, v3;
	v59 =	vadd.f32 v57, v56;
	v57 =	vsel vm15, $0x0, v44  }
0x293: {  	v11 =	vld [tilespmem:$0x710];
	v5 =	vsel vm6, $0x0, v5;
	v0 =	vadd.f32 v0, v4;
	vm7 =	veq.s32 v10, $0x0  }
0x294: {  	v39 =	vld [tilespmem:$0x1F70];
	v45 =	vsel vm8, $0x0, v41;
	vm10 =	veq.s32 v52, $0x0;
	v10 =	vsub.f32 v30, v31  }
0x295: {  	v4 =	vld [tilespmem:$0x16C0];
	vm15 =	veq.s32 v43, $0x0;
	v2 =	vadd.f32 v60, v2;
	v3 =	vadd.f32 v61, v59  }
0x296: {  	v41 =	vld [tilespmem:$0x780];
	v59 =	vsel vm4, $0x0, v44;
	v9 =	vsub.f32 v14, v9;
	v34 =	vsel vm7, $0x0, v44  }
0x297: {  	v60 =	vld [tilespmem:$0x1EF0];
	v38 =	vsel vm7, $0x0, v22;
	v52 =	vsel vm10, $0x0, v44;
	v0 =	vadd.f32 v1, v0  }
0x298: {  	v61 =	vld [tilespmem:$0x700];
	v2 =	vadd.f32 v63, v2;
	v1 =	vadd.f32 v40, v3;
	v63 =	vsel vm5, $0x0, v17  }
0x299: {  	v56 =	vld [tilespmem:$0x1EE0];
	v9 =	vsel vm6, $0x0, v9;
	v6 =	vsub.f32 v6, v19;
	vm13 =	veq.s32 v11, $0x0  }
0x29a: {  	v3 =	vld [tilespmem:$0x6D0];
	v40 =	vsel vm8, $0x0, v44;
	v0 =	vadd.f32 v46, v0;
	v29 =	vsel vm13, $0x0, v44  }
0x29b: {  	v24 =	vld [tilespmem:$0x1FB0];
	v2 =	vadd.f32 v47, v2;
	v1 =	vadd.f32 v48, v1;
	v6 =	vsel vm7, $0x0, v6  }
0x29c: {  	v14 =	vld [tilespmem:$0x1710];
	v4 =	vsel vm8, $0x0, v4;
	vm8 =	veq.s32 v41, $0x0;
	v0 =	vadd.f32 v51, v0  }
0x29d: {  	v22 =	vld [tilespmem:$0xFB0];
	v16 =	vsub.f32 v16, v60;
	vm12 =	veq.s32 v61, $0x0;
	v2 =	vadd.f32 v32, v2  }
0x29e: {  	v46 =	vld [tilespmem:$0x1730];
	v1 =	vadd.f32 v53, v1;
	v53 =	vsub.f32 v54, v56;
	v56 =	vsel vm10, $0x0, v26  }
0x29f: {  	v51 =	vld [tilespmem:$0x740];
	v12 =	vsel vm12, $0x0, v12;
	v0 =	vadd.f32 v55, v0;
	vm9 =	veq.s32 v3, $0x0  }
0x2a0: {  	v16 =	vsel vm11, $0x0, v16;
	v2 =	vadd.f32 v23, v2;
	v1 =	vadd.f32 v57, v1;
	v23 =	vld [tilespmem:$0x16F0]  }
0x2a1: {  	v47 =	vsel vm9, $0x0, v44;
	v50 =	vsel vm9, $0x0, v33;
	v33 =	vld [tilespmem:$0x770];
	v0 =	vadd.f32 v20, v0  }
0x2a2: {  	v7 =	vsel vm9, $0x0, v7;
	v2 =	vadd.f32 v25, v2;
	v1 =	vadd.f32 v59, v1;
	v59 =	vld [tilespmem:$0x750]  }
0x2a3: {  	v60 =	vld [tilespmem:$0x1750];
	v3 =	vsel vm15, $0x0, v46;
	v25 =	vsel vm6, $0x0, v44;
	v0 =	vadd.f32 v15, v0  }
0x2a4: {  	vm4 =	veq.s32 v51, $0x0;
	v2 =	vadd.f32 v13, v2;
	v1 =	vadd.f32 v62, v1;
	v13 =	vld [tilespmem:$0x1F00]  }
0x2a5: {  	v61 =	vld [tilespmem:$0xF50];
	v62 =	vsel vm12, $0x0, v44;
	v0 =	vadd.f32 v63, v0;
	v23 =	vsel vm11, $0x0, v23  }
0x2a6: {  	v63 =	vld [tilespmem:$0x1F50];
	vm7 =	veq.s32 v33, $0x0;
	v2 =	vadd.f32 v8, v2;
	v1 =	vadd.f32 v25, v1  }
0x2a7: {  	v32 =	vld [tilespmem:$0x1F10];
	v25 =	vsel vm10, $0x0, v53;
	v0 =	vadd.f32 v5, v0;
	vm5 =	veq.s32 v59, $0x0  }
0x2a8: {  	v8 =	vld [tilespmem:$0xF10];
	v2 =	vadd.f32 v9, v2;
	v1 =	vadd.f32 v34, v1;
	v34 =	vsel vm14, $0x0, v44  }
0x2a9: {  	v48 =	vld [tilespmem:$0xF30];
	v53 =	vsel vm5, $0x0, v60;
	v0 =	vadd.f32 v38, v0;
	v13 =	vsub.f32 v18, v13  }
0x2aa: {  	v54 =	vld [tilespmem:$0x1740];
	v38 =	vsel vm14, $0x0, v35;
	v2 =	vadd.f32 v6, v2;
	v1 =	vadd.f32 v40, v1  }
0x2ab: {  	v5 =	vld [tilespmem:$0x1720];
	v40 =	vsel vm15, $0x0, v44;
	v18 =	vsub.f32 v61, v63;
	v6 =	vsub.f32 v37, v39  }
0x2ac: {  	v36 =	vld [tilespmem:$0x1770];
	v61 =	vsel vm7, $0x0, v44;
	v39 =	vsub.f32 v22, v24;
	v0 =	vadd.f32 v4, v0  }
0x2ad: {  	v55 =	vld [tilespmem:$0xF40];
	v13 =	vsel vm12, $0x0, v13;
	v8 =	vsub.f32 v8, v32;
	v2 =	vadd.f32 v45, v2  }
0x2ae: {  	v57 =	vld [tilespmem:$0x1F40];
	v32 =	vsel vm13, $0x0, v14;
	v1 =	vadd.f32 v47, v1;
	v0 =	vadd.f32 v50, v0  }
0x2af: {  	v28 =	vld [tilespmem:$0x1760];
	v4 =	vsub.f32 v48, v49;
	v48 =	vsel vm4, $0x0, v54;
	v2 =	vadd.f32 v7, v2  }
0x2b0: {  	v43 =	vld [tilespmem:$0xF80];
	v5 =	vsel vm14, $0x0, v5;
	v1 =	vadd.f32 v52, v1;
	v0 =	vadd.f32 v56, v0  }
0x2b1: {  	v46 =	vld [tilespmem:$0x1F80];
	v45 =	vsel vm4, $0x0, v44;
	v54 =	vsel vm5, $0x0, v18;
	v2 =	vadd.f32 v25, v2  }
0x2b2: {  	v47 =	vld [tilespmem:$0x790];
	v18 =	vsel vm7, $0x0, v36;
	v1 =	vadd.f32 v58, v1;
	v0 =	vadd.f32 v23, v0  }
0x2b3: {  	v49 =	vld [tilespmem:$0x1790];
	v6 =	vsel vm7, $0x0, v6;
	v7 =	vsub.f32 v55, v57;
	v2 =	vadd.f32 v16, v2  }
0x2b4: {  	v8 =	vsel vm13, $0x0, v8;
	v55 =	vld [tilespmem:$0x7A0];
	v1 =	vadd.f32 v62, v1;
	v0 =	vadd.f32 v12, v0  }
0x2b5: {  	v4 =	vsel vm15, $0x0, v4;
	v50 =	vsel vm5, $0x0, v44;
	v57 =	vld [tilespmem:$0x17A0];
	v2 =	vadd.f32 v13, v2  }
0x2b6: {  	v25 =	vld [tilespmem:$0x760];
	v7 =	vsel vm4, $0x0, v7;
	v1 =	vadd.f32 v29, v1;
	v0 =	vadd.f32 v32, v0  }
0x2b7: {  	v42 =	vld [tilespmem:$0x1780];
	v23 =	vsel vm8, $0x0, v44;
	vm9 =	veq.s32 v47, $0x0;
	v2 =	vadd.f32 v8, v2  }
0x2b8: {  	v30 =	vld [tilespmem:$0x1FC0];
	v31 =	vsel vm9, $0x0, v49;
	v1 =	vadd.f32 v34, v1;
	v0 =	vadd.f32 v5, v0  }
0x2b9: {  	v51 =	vld [tilespmem:$0xF90];
	vm10 =	veq.s32 v55, $0x0;
	v13 =	vsub.f32 v43, v46;
	v2 =	vadd.f32 v38, v2  }
0x2ba: {  	v47 =	vld [tilespmem:$0x7F0];
	v33 =	vsel vm10, $0x0, v44;
	v1 =	vadd.f32 v40, v1;
	v0 =	vadd.f32 v3, v0  }
0x2bb: {  	v60 =	vld [tilespmem:$0x1FA0];
	v36 =	vsel vm10, $0x0, v57;
	vm6 =	veq.s32 v25, $0x0;
	v2 =	vadd.f32 v4, v2  }
0x2bc: {  	v62 =	vld [tilespmem:$0x7B0];
	v56 =	vsel vm6, $0x0, v44;
	v1 =	vadd.f32 v45, v1;
	v0 =	vadd.f32 v48, v0  }
0x2bd: {  	v63 =	vld [tilespmem:$0x17B0];
	v59 =	vsel vm6, $0x0, v28;
	v10 =	vsel vm6, $0x0, v10;
	v2 =	vadd.f32 v7, v2  }
0x2be: {  	v52 =	vld [tilespmem:$0x1F90];
	v26 =	vsel vm8, $0x0, v13;
	v1 =	vadd.f32 v50, v1;
	v0 =	vadd.f32 v53, v0  }
0x2bf: {  	v58 =	vld [tilespmem:$0xFA0];
	v28 =	vsel vm9, $0x0, v44;
	vm15 =	veq.s32 v47, $0x0;
	v2 =	vadd.f32 v54, v2  }
0x2c0: {  	v25 =	vld [tilespmem:$0x7C0];
	v5 =	vsel vm8, $0x0, v42;
	v1 =	vadd.f32 v56, v1;
	v0 =	vadd.f32 v59, v0  }
0x2c1: {  	v35 =	vld [tilespmem:$0xFD0];
	vm11 =	veq.s32 v62, $0x0;
	v57 =	vsel vm15, $0x0, v44;
	v2 =	vadd.f32 v10, v2  }
0x2c2: {  	v32 =	vld [tilespmem:$0x7D0];
	v38 =	vsel vm11, $0x0, v44;
	v1 =	vadd.f32 v61, v1;
	v0 =	vadd.f32 v18, v0  }
0x2c3: {  	v37 =	vld [tilespmem:$0x1FD0];
	v9 =	vsel vm11, $0x0, v63;
	v4 =	vsub.f32 v51, v52;
	v2 =	vadd.f32 v6, v2  }
0x2c4: {  	v29 =	vld [tilespmem:$0xFC0];
	v42 =	vsel vm11, $0x0, v39;
	v1 =	vadd.f32 v23, v1;
	v0 =	vadd.f32 v5, v0  }
0x2c5: {  	v43 =	vld [tilespmem:$0xFE0];
	vm12 =	veq.s32 v25, $0x0;
	v7 =	vsub.f32 v58, v60;
	v2 =	vadd.f32 v26, v2  }
0x2c6: {  	v34 =	vld [tilespmem:$0x17D0];
	v4 =	vsel vm9, $0x0, v4;
	v1 =	vadd.f32 v28, v1;
	v0 =	vadd.f32 v31, v0  }
0x2c7: {  	v46 =	vld [tilespmem:$0x1FE0];
	vm13 =	veq.s32 v32, $0x0;
	v45 =	vsel vm12, $0x0, v44;
	v2 =	vadd.f32 v4, v2  }
0x2c8: {  	v40 =	vld [tilespmem:$0x7E0];
	v7 =	vsel vm10, $0x0, v7;
	v1 =	vadd.f32 v33, v1;
	v0 =	vadd.f32 v36, v0  }
0x2c9: {  	v41 =	vld [tilespmem:$0x17E0];
	v3 =	vsel vm12, $0x0, v27;
	v5 =	vsub.f32 v29, v30;
	v2 =	vadd.f32 v7, v2  }
0x2ca: {  	v52 =	vld [tilespmem:$0x1FF0];
	v49 =	vsel vm13, $0x0, v44;
	v1 =	vadd.f32 v38, v1;
	v0 =	vadd.f32 v9, v0  }
0x2cb: {  	v48 =	vld [tilespmem:$0x17F0];
	v51 =	vsel vm13, $0x0, v34;
	v4 =	vsub.f32 v35, v37;
	v2 =	vadd.f32 v42, v2  }
0x2cc: {  	v50 =	vld [tilespmem:$0xFF0];
	v5 =	vsel vm12, $0x0, v5;
	v1 =	vadd.f32 v45, v1;
	v0 =	vadd.f32 v3, v0  }
0x2cd: {  	vm14 =	veq.s32 v40, $0x0;
	v6 =	vsub.f32 v43, v46;
	v2 =	vadd.f32 v5, v2  }
0x2ce: {  	v4 =	vsel vm13, $0x0, v4;
	v1 =	vadd.f32 v49, v1;
	v0 =	vadd.f32 v51, v0  }
0x2cf: {  	v53 =	vsel vm14, $0x0, v44;
	v54 =	vsel vm14, $0x0, v41;
	v2 =	vadd.f32 v4, v2  }
0x2d0: {  	v55 =	vsel vm14, $0x0, v6;
	v1 =	vadd.f32 v53, v1;
	v0 =	vadd.f32 v54, v0  }
0x2d1: {  	v58 =	vsel vm15, $0x0, v48;
	v56 =	vsub.f32 v50, v52;
	v2 =	vadd.f32 v55, v2  }
0x2d2: {  	v1 =	vadd.f32 v57, v1;
	v0 =	vadd.f32 v58, v0  }
0x2d3: {  	v3 =	vsel vm15, $0x0, v56  }
0x2d4: {  	v2 =	vadd.f32 v3, v2;
	v1 =	vmul.f32 $-1.362425800e+00, v1;
	v0 =	vmul.f32 $-8.999968760e-01, v0  }
0x2d5: {  	v60 =	vld [tilespmem:$0x1FFC0]  }
0x2d6: {  	v59 =	vmul.f32 $-3.125195240e-06, v2;
	v0 =	vadd.f32 v0, v1;
	_ =	sdelay $0x1  }
0x2d7: {  	v0 =	vadd.f32 v59, v0  }
0x2d8: {  	v61 =	vld [tilespmem:$0x1FFD0]  }
0x2d9: {  	v1 =	vperm.xlane v0, v60;
	_ =	sdelay $0x1  }
0x2da: {  	v0 =	vadd.f32 v0, v1  }
0x2db: {  	v62 =	vld [tilespmem:$0x1FFE0]  }
0x2dc: {  	v1 =	vperm.xlane v0, v61;
	_ =	sdelay $0x1  }
0x2dd: {  	v0 =	vadd.f32 v0, v1  }
0x2de: {  	v63 =	vld [tilespmem:$0x1FFF0]  }
0x2df: {  	v1 =	vperm.xlane v0, v62;
	_ =	sdelay $0x1  }
0x2e0: {  	v0 =	vadd.f32 v0, v1;
	_ =	sdelay $0x1  }
0x2e1: {  	v1 =	vperm.xlane v0, v63;
	_ =	sdelay $0x1  }
0x2e2: {  	v0 =	vadd.f32 v0, v1  }
0x2e3: {  	s7 =	sadd.s32 $0xFFFFFFFF, s7  }
0x2e4: {  	s13 =	simm.s32 @!p0 $0x0;
	s14 =	simm.s32 @!p0 $0x2000;
	p1 =	sne.s32 s7, $0x0;
	[tilespmem:$0x2000] =	vst v0  }
0x2e5: {  	[hbm4b:s3+s13] =	stream.linear.scatter @!p0 [tilespmem:s14], [sflag:$0x2], $0x80, $0x38;
	[tilespmem:$0x2080] =	vst v63  }
.Ltmp0:
0x2e6: {  	_ = 	snop;
	(pc) =	sbr.rel @p1 .LBB2_1-.Ltmp0, $4  }
0x2e7: {  	s13 =	simm.s32 @!p0 $0x2  }
0x2e8: {  	_ =	swait.ge @!p0 [sflag:s13], $0x80  }
0x2e9: {  	[sflag:s13] =	ssyncset.done @!p0 $0x0  }
0x2ea: {  	[sflag:s13] =	ssyncadd.s32 @!p0 $0xFFFFFF80  }
0x2eb: {  	_ =	sfence.sel $0x180000  }
0x2ec: {  	[bflag:$0x0] =	sbarrier.arrive $0xFFFF  }
0x2ed: {  	p0 =	sne.s32 s4, $0x0;
	_ =	strace $0x90000047  }
0x2ee: {  	s0 =	sadd.s32 @!p0 $0x100000, s2;
	[bflag:$0x2] =	sbarrier.arrive $0xFFFF  }
0x2ef: {  	[sflag:s0] =	ssyncadd.tile.s32 @!p0 $0x1;
	_ =	shalt  }
.Lfunc_end2:
_tile_overlayer_lowered:
.L_overlay_start_2:
0x2f0: {  	(tag) =	ssettag $0x2  }
0x2f1: {  	s0 =	rddreg [dreg:$0x0];
	s2 =	stileid.u32  }
0x2f2: {  	s1 =	rddreg [dreg:$0x1];
	p0 =	sne.s32 s2, $0x0  }
0x2f3: {  	s3 =	rddreg [dreg:$0x2];
	[bflag:$0x3] =	sbarrier.arrive $0xFFFF;
	s2 =	simm.s32 @!p0 $0x1C02  }
0x2f4: {  	[timem:s3], [sflag:s2] =	dma.local @!p0 [hbm:s0], s1  }
0x2f5: {  	s0 =	simm.s32 @!p0 $0x2  }
0x2f6: {  	_ =	swait.ge @!p0 [sflag:s0], s1  }
0x2f7: {  	s1 =	ssub.s32 @!p0 $0x0, s1;
	[sflag:s0] =	ssyncset.done @!p0 $0x0  }
0x2f8: {  	[sflag:s0] =	ssyncadd.s32 @!p0 s1  }
0x2f9: {  	[bflag:$0x3] =	sbarrier.arrive $0xFFFF  }
0x2fa: {  	_ =	shalt  }

</sc_bundles>
